<compile_context>
chip_gen: v7x
topology: tpu7x:2x2x1
jax: 0.10.2.dev20260603
libtpu: 0.0.44.dev20260713+nightly
codegen_flags: <defaults>
</compile_context>

<pallas_src>
import functools

import jax
import jax.numpy as jnp
from jax import lax
from jax.experimental import pallas as pl
from jax.experimental.pallas import tpu as pltpu
from jax.experimental.pallas import tpu_sc as plsc

N_NODES = 50000
N_EDGES = 800000
N_GRAPHS = 64
NODE_DIM = 2
HIDDEN = 64
OUT_DIM = 64

NC, NS = 2, 16
NW = NC * NS
CH = 128
NPAD = 51200
EPAD = 819200
ECH = EPAD // CH
RPT = NPAD // NS
W1T = 16
W2T = 32
TPC = ECH // NW
TPT = ECH // NS
IB1 = 40
IB2 = 40
CH2 = 64
ECH2 = EPAD // CH2
TPT2 = ECH2 // NS
RING = 8
BR = NPAD // 16

_mesh = plsc.VectorSubcoreMesh(core_axis_name="c", subcore_axis_name="s")


def _stream_block(table_hbm, src_hbm, dst_hbm, sidx_v, didx_v, bufs, acc_sh,
                  semg, sems, chunk0, nblk, ib):
    ring = len(bufs)
    nin = ib // ring

    def outer(b, carry):
        r0 = chunk0 + b * ib
        pltpu.sync_copy(src_hbm.at[pl.ds(r0, ib)], sidx_v)
        pltpu.sync_copy(dst_hbm.at[pl.ds(r0, ib)], didx_v)

        def inner(kk, carry2):
            base = kk * ring
            for r in range(ring):
                @pl.when(kk > 0)
                def _(r=r):
                    pltpu.make_async_copy(
                        bufs[r], acc_sh.at[didx_v.at[base + r]],
                        sems.at[r]).wait()
                pltpu.async_copy(table_hbm.at[sidx_v.at[base + r]], bufs[r],
                                 semg.at[r])
            for r in range(ring):
                pltpu.make_async_copy(table_hbm.at[sidx_v.at[base + r]],
                                      bufs[r], semg.at[r]).wait()
                pltpu.async_copy(bufs[r], acc_sh.at[didx_v.at[base + r]],
                                 sems.at[r], add=True)
            return carry2

        lax.fori_loop(0, nin, inner, 0)
        for r in range(ring):
            pltpu.make_async_copy(bufs[r], acc_sh.at[didx_v.at[r]],
                                  sems.at[r]).wait()
        return carry

    lax.fori_loop(0, nblk, outer, 0)


@functools.partial(
    pl.kernel,
    out_type=(
        jax.ShapeDtypeStruct((NPAD, W1T), jnp.float32),
        jax.ShapeDtypeStruct((NPAD, W1T), jnp.float32),
        jax.ShapeDtypeStruct((NPAD, W1T), jnp.float32),
        jax.ShapeDtypeStruct((NC * NPAD, W1T), jnp.float32),
    ),
    mesh=_mesh,
    compiler_params=pltpu.CompilerParams(use_tc_tiling_on_sc=False),
    scratch_types=[
        pltpu.VMEM((IB1, CH), jnp.int32),
        pltpu.VMEM((IB1, CH), jnp.int32),
        pltpu.VMEM((CH, W1T), jnp.float32),
        [pltpu.VMEM((CH, W1T), jnp.float32) for _ in range(4)],
        pltpu.VMEM((RPT // 4, W1T), jnp.float32),
        pltpu.VMEM((RPT // 4, W1T), jnp.float32),
        pltpu.VMEM_SHARED((NPAD, W1T), jnp.float32),
        pltpu.SemaphoreType.DMA((4,)),
        pltpu.SemaphoreType.DMA((4,)),
    ],
)
def _agg1x_pass(src_hbm, dst_hbm, xrow_hbm, ones_hbm, zeros_hbm,
                y1a_out, y1b_out, deg_out, s1_out,
                sidx_v, didx_v, ones_v, bufs, blk_v, xrow_v,
                acc_sh, semg, sems):
    c = lax.axis_index("c")
    s = lax.axis_index("s")
    pltpu.sync_copy(zeros_hbm, acc_sh.at[pl.ds(s * RPT, RPT)])
    pltpu.sync_copy(ones_hbm, ones_v)
    plsc.subcore_barrier()

    chunk0 = s * TPT

    def outer_deg(b, carry):
        pltpu.sync_copy(dst_hbm.at[pl.ds(chunk0 + b * IB1, IB1)], didx_v)

        def fire(j, carry2):
            pltpu.async_copy(ones_v, acc_sh.at[didx_v.at[j]], sems.at[0],
                             add=True)
            return carry2

        lax.fori_loop(0, IB1, fire, 0)

        def drain(j, carry2):
            pltpu.make_async_copy(ones_v, acc_sh.at[didx_v.at[0]],
                                  sems.at[0]).wait()
            return carry2

        lax.fori_loop(0, IB1, drain, 0)
        return carry

    lax.fori_loop(0, TPT // IB1, outer_deg, 0)
    plsc.subcore_barrier()

    @pl.when(c == 0)
    def _():
        pltpu.sync_copy(acc_sh.at[pl.ds(s * RPT, RPT)],
                        deg_out.at[pl.ds(s * RPT, RPT)])

    srpt = RPT // 4

    def sub(q, carry):
        off = s * RPT + q * srpt
        pltpu.sync_copy(acc_sh.at[pl.ds(off, srpt)], blk_v)
        pltpu.sync_copy(xrow_hbm.at[pl.ds(off, srpt)], xrow_v)

        def row(n, carry2):
            deg = blk_v[n, :] + 1.0
            bits = lax.bitcast_convert_type(deg, jnp.int32)
            y = lax.bitcast_convert_type(
                0x5F3759DF - lax.shift_right_logical(bits, 1), jnp.float32)
            h = 0.5 * deg
            y = y * (1.5 - h * y * y)
            y = y * (1.5 - h * y * y)
            blk_v[n, :] = y * xrow_v[n, :]
            return carry2

        lax.fori_loop(0, srpt, row, 0)

        @pl.when(c == 0)
        def _():
            pltpu.sync_copy(blk_v, y1a_out.at[pl.ds(off, srpt)])

        @pl.when(c == 1)
        def _():
            pltpu.sync_copy(blk_v, y1b_out.at[pl.ds(off, srpt)])

        return carry

    lax.fori_loop(0, 4, sub, 0)

    pltpu.sync_copy(zeros_hbm, acc_sh.at[pl.ds(s * RPT, RPT)])
    plsc.subcore_barrier()

    chunk0h = (c * NS + s) * TPC

    @pl.when(c == 0)
    def _():
        _stream_block(y1a_out, src_hbm, dst_hbm, sidx_v, didx_v, bufs, acc_sh,
                      semg, sems, chunk0h, TPC // IB1, IB1)

    @pl.when(c == 1)
    def _():
        _stream_block(y1b_out, src_hbm, dst_hbm, sidx_v, didx_v, bufs, acc_sh,
                      semg, sems, chunk0h, TPC // IB1, IB1)

    plsc.subcore_barrier()
    pltpu.sync_copy(acc_sh.at[pl.ds(s * RPT, RPT)],
                    s1_out.at[pl.ds(c * NPAD + s * RPT, RPT)])


@functools.partial(
    pl.kernel,
    out_type=jax.ShapeDtypeStruct((NC * NPAD, W2T), jnp.float32),
    mesh=_mesh,
    compiler_params=pltpu.CompilerParams(use_tc_tiling_on_sc=False),
    scratch_types=[
        pltpu.VMEM((IB2, CH2), jnp.int32),
        pltpu.VMEM((IB2, CH2), jnp.int32),
        [pltpu.VMEM((CH2, W2T), jnp.float32) for _ in range(RING)],
        pltpu.VMEM_SHARED((NPAD, W2T), jnp.float32),
        pltpu.SemaphoreType.DMA((RING,)),
        pltpu.SemaphoreType.DMA((RING,)),
    ],
)
def _agg2_pass(src_hbm, dst_hbm, y2a_hbm, y2b_hbm, zeros_hbm, out_hbm,
               sidx_v, didx_v, bufs, acc_sh, semg, sems):
    c = lax.axis_index("c")
    s = lax.axis_index("s")
    pltpu.sync_copy(zeros_hbm, acc_sh.at[pl.ds(s * RPT, RPT)])
    plsc.subcore_barrier()
    chunk0 = s * TPT2

    @pl.when(c == 0)
    def _():
        _stream_block(y2a_hbm, src_hbm, dst_hbm, sidx_v, didx_v, bufs, acc_sh,
                      semg, sems, chunk0, TPT2 // IB2, IB2)

    @pl.when(c == 1)
    def _():
        _stream_block(y2b_hbm, src_hbm, dst_hbm, sidx_v, didx_v, bufs, acc_sh,
                      semg, sems, chunk0, TPT2 // IB2, IB2)

    plsc.subcore_barrier()
    pltpu.sync_copy(acc_sh.at[pl.ds(s * RPT, RPT)],
                    out_hbm.at[pl.ds(c * NPAD + s * RPT, RPT)])


def _h1_body(s1p_ref, y1_ref, deg_ref, W1_ref, b1_ref, y2a_ref, y2b_ref):
    i = pl.program_id(0)
    row = i * BR + lax.broadcasted_iota(jnp.int32, (BR, 1), 0)
    dinv = lax.rsqrt(deg_ref[:, 0:1] + 1.0)
    dinv = dinv * (row < N_NODES).astype(jnp.float32)
    s1 = s1p_ref[0, :, 0:NODE_DIM] + s1p_ref[1, :, 0:NODE_DIM]
    agg1 = dinv * (s1 + y1_ref[:, 0:NODE_DIM])
    h1 = (agg1[:, 0:1] * W1_ref[0:1, :] + agg1[:, 1:2] * W1_ref[1:2, :]
          + b1_ref[...])
    h1 = jnp.maximum(h1, 0.0)
    y2 = dinv * h1
    y2a_ref[...] = y2[:, :W2T]
    y2b_ref[...] = y2[:, W2T:]


def _h1_call(s1p, y1, degr, W1, b1):
    return pl.pallas_call(
        _h1_body,
        grid=(NPAD // BR,),
        in_specs=[
            pl.BlockSpec((NC, BR, W1T), lambda i: (0, i, 0)),
            pl.BlockSpec((BR, W1T), lambda i: (i, 0)),
            pl.BlockSpec((BR, W1T), lambda i: (i, 0)),
            pl.BlockSpec((NODE_DIM, HIDDEN), lambda i: (0, 0)),
            pl.BlockSpec((1, HIDDEN), lambda i: (0, 0)),
        ],
        out_specs=[
            pl.BlockSpec((BR, W2T), lambda i: (i, 0)),
            pl.BlockSpec((BR, W2T), lambda i: (i, 0)),
        ],
        out_shape=[
            jax.ShapeDtypeStruct((NPAD, W2T), jnp.float32),
            jax.ShapeDtypeStruct((NPAD, W2T), jnp.float32),
        ],
    )(s1p, y1, degr, W1, b1)


def _h2pool_body(s2p_ref, y2a_ref, y2b_ref, deg_ref, batch_ref,
                 W2_ref, b2_ref, Wout_ref, bout_ref, out_ref,
                 pooled_acc, cnt_acc):
    i = pl.program_id(0)
    row = i * BR + lax.broadcasted_iota(jnp.int32, (BR, 1), 0)
    dinv = lax.rsqrt(deg_ref[:, 0:1] + 1.0)
    dinv = dinv * (row < N_NODES).astype(jnp.float32)

    @pl.when(i == 0)
    def _():
        pooled_acc[...] = jnp.zeros_like(pooled_acc)
        cnt_acc[...] = jnp.zeros_like(cnt_acc)

    s2 = jnp.concatenate([s2p_ref[0], s2p_ref[1]], axis=1)
    y2 = jnp.concatenate([y2a_ref[...], y2b_ref[...]], axis=1)
    agg2 = dinv * (s2 + y2)
    h2 = jnp.dot(agg2, W2_ref[...], preferred_element_type=jnp.float32)
    h2 = jnp.maximum(h2 + b2_ref[...], 0.0)
    g = lax.broadcasted_iota(jnp.int32, (1, N_GRAPHS), 1)
    onehot = (batch_ref[...] == g).astype(jnp.float32)
    pooled_acc[...] += lax.dot_general(
        onehot, h2, (((0,), (0,)), ((), ())),
        preferred_element_type=jnp.float32)
    cnt_acc[...] += lax.dot_general(
        onehot, jnp.ones((BR, 1), jnp.float32), (((0,), (0,)), ((), ())),
        preferred_element_type=jnp.float32)

    @pl.when(i == pl.num_programs(0) - 1)
    def _():
        cnt = cnt_acc[...]
        mean = pooled_acc[...] / jnp.maximum(cnt, 1.0)
        out = jnp.dot(mean, Wout_ref[...], preferred_element_type=jnp.float32)
        out_ref[...] = (out + bout_ref[...]) * (cnt > 0.0).astype(jnp.float32)


def _h2pool_call(s2p, y2a, y2b, degr, batchp, W2, b2, Wout, bout):
    return pl.pallas_call(
        _h2pool_body,
        grid=(NPAD // BR,),
        in_specs=[
            pl.BlockSpec((NC, BR, W2T), lambda i: (0, i, 0)),
            pl.BlockSpec((BR, W2T), lambda i: (i, 0)),
            pl.BlockSpec((BR, W2T), lambda i: (i, 0)),
            pl.BlockSpec((BR, W1T), lambda i: (i, 0)),
            pl.BlockSpec((BR, 1), lambda i: (i, 0)),
            pl.BlockSpec((HIDDEN, HIDDEN), lambda i: (0, 0)),
            pl.BlockSpec((1, HIDDEN), lambda i: (0, 0)),
            pl.BlockSpec((HIDDEN, OUT_DIM), lambda i: (0, 0)),
            pl.BlockSpec((1, OUT_DIM), lambda i: (0, 0)),
        ],
        out_specs=pl.BlockSpec((N_GRAPHS, OUT_DIM), lambda i: (0, 0)),
        out_shape=jax.ShapeDtypeStruct((N_GRAPHS, OUT_DIM), jnp.float32),
        scratch_shapes=[
            pltpu.VMEM((N_GRAPHS, HIDDEN), jnp.float32),
            pltpu.VMEM((N_GRAPHS, 1), jnp.float32),
        ],
    )(s2p, y2a, y2b, degr, batchp, W2, b2, Wout, bout)


def kernel(x, edge_index, batch, W1, b1, W2, b2, Wout, bout):
    f32 = jnp.float32
    epad = jnp.full((EPAD - N_EDGES,), N_NODES, jnp.int32)
    src = jnp.concatenate([edge_index[0], epad]).reshape(ECH, CH)
    dst = jnp.concatenate([edge_index[1], epad]).reshape(ECH, CH)
    xrow = jnp.zeros((NPAD, W1T), f32).at[:N_NODES, :NODE_DIM].set(x)
    batchp = jnp.concatenate(
        [batch, jnp.full((NPAD - N_NODES,), N_GRAPHS, jnp.int32)]
    ).reshape(NPAD, 1)
    ones16 = jnp.ones((CH, W1T), f32)
    zeros16 = jnp.zeros((RPT, W1T), f32)
    zeros32 = jnp.zeros((RPT, W2T), f32)

    y1a, _, degr, s1p = _agg1x_pass(src, dst, xrow, ones16, zeros16)
    s1p = s1p.reshape(NC, NPAD, W1T)
    y2a, y2b = _h1_call(s1p, y1a, degr, W1, b1.reshape(1, HIDDEN))
    src64 = src.reshape(ECH2, CH2)
    dst64 = dst.reshape(ECH2, CH2)
    s2p = _agg2_pass(src64, dst64, y2a, y2b, zeros32).reshape(NC, NPAD, W2T)
    return _h2pool_call(s2p, y2a, y2b, degr, batchp, W2,
                        b2.reshape(1, HIDDEN), Wout, bout.reshape(1, OUT_DIM))

# --- scband reference (transcript-rebuilt; emitter-appended) ---
"""Pipeline reference for scband-brick-placement-gnn-66683662238536 (READ-ONLY COPY).

The authoritative reference and input builder live on the scoring server;
editing this copy changes nothing except your own understanding.
"""

import jax, jax.numpy as jnp
import numpy as np

N_NODES = 50000
N_EDGES = 800000
N_GRAPHS = 64
NODE_DIM = 2
HIDDEN = 64
OUT_DIM = 64


def setup_inputs(seed: int = 0) -> dict:
    key = jax.random.key(seed)
    ks = jax.random.split(key, 10)
    x = jax.random.normal(ks[0], (N_NODES, NODE_DIM), dtype=jnp.float32)
    edge_index = jax.random.randint(ks[1], (2, N_EDGES), 0, N_NODES, dtype=jnp.int32)
    batch = jnp.sort(jax.random.randint(ks[2], (N_NODES,), 0, N_GRAPHS, dtype=jnp.int32))
    # GCNConv / Linear parameters (glorot-ish init)
    W1 = jax.random.normal(ks[3], (NODE_DIM, HIDDEN), dtype=jnp.float32) * (1.0 / np.sqrt(NODE_DIM))
    b1 = jnp.zeros((HIDDEN,), dtype=jnp.float32)
    W2 = jax.random.normal(ks[4], (HIDDEN, HIDDEN), dtype=jnp.float32) * (1.0 / np.sqrt(HIDDEN))
    b2 = jnp.zeros((HIDDEN,), dtype=jnp.float32)
    Wout = jax.random.normal(ks[5], (HIDDEN, OUT_DIM), dtype=jnp.float32) * (1.0 / np.sqrt(HIDDEN))
    bout = jnp.zeros((OUT_DIM,), dtype=jnp.float32)
    return {"x": x, "edge_index": edge_index, "batch": batch,
            "W1": W1, "b1": b1, "W2": W2, "b2": b2, "Wout": Wout, "bout": bout}


def _gcn_conv(x, edge_index, W, b):
    # PyG GCNConv: add self-loops, symmetric normalization D^-1/2 (A+I) D^-1/2, then XW + b
    n = x.shape[0]
    loop = jnp.arange(n, dtype=edge_index.dtype)
    src = jnp.concatenate([edge_index[0], loop])
    dst = jnp.concatenate([edge_index[1], loop])
    deg = jnp.zeros((n,), dtype=jnp.float32).at[dst].add(1.0)
    dinv = jax.lax.rsqrt(jnp.maximum(deg, 1.0))
    h = x @ W
    norm = dinv[src] * dinv[dst]
    msg = h[src] * norm[:, None]
    out = jax.ops.segment_sum(msg, dst, num_segments=n)
    return out + b


def _global_mean_pool(node_emb, batch, num_graphs):
    sums = jax.ops.segment_sum(node_emb, batch, num_segments=num_graphs)
    counts = jax.ops.segment_sum(jnp.ones((node_emb.shape[0], 1), dtype=jnp.float32), batch, num_segments=num_graphs)
    return sums / jnp.maximum(counts, 1.0)


def reference(x, edge_index, batch, W1, b1, W2, b2, Wout, bout):
    h = jax.nn.relu(_gcn_conv(x, edge_index, W1, b1))
    h = jax.nn.relu(_gcn_conv(h, edge_index, W2, b2))
    node_emb = h @ Wout + bout
    return _global_mean_pool(node_emb, batch, N_GRAPHS)

if __name__ == "__main__":
    import jax
    _d = setup_inputs()
    print(jax.jit(kernel)(*tuple(_d.values())))

</pallas_src>

<mosaic_0001>
#map = affine_map<(d0, d1) -> (0, 0)>
module attributes {stable_mosaic.version = 14 : i64} {
  func.func @_agg1x_pass(%arg0: i32, %arg1: i32, %arg2: memref<6400x128xi32, #tpu.memory_space<hbm>>, %arg3: memref<6400x128xi32, #tpu.memory_space<hbm>>, %arg4: memref<51200x16xf32, #tpu.memory_space<hbm>>, %arg5: memref<128x16xf32, #tpu.memory_space<hbm>>, %arg6: memref<3200x16xf32, #tpu.memory_space<hbm>>, %arg7: memref<51200x16xf32, #tpu.memory_space<hbm>>, %arg8: memref<51200x16xf32, #tpu.memory_space<hbm>>, %arg9: memref<51200x16xf32, #tpu.memory_space<hbm>>, %arg10: memref<102400x16xf32, #tpu.memory_space<hbm>>, %arg11: memref<40x128xi32, #tpu.memory_space<vmem>>, %arg12: memref<40x128xi32, #tpu.memory_space<vmem>>, %arg13: memref<128x16xf32, #tpu.memory_space<vmem>>, %arg14: memref<128x16xf32, #tpu.memory_space<vmem>>, %arg15: memref<128x16xf32, #tpu.memory_space<vmem>>, %arg16: memref<128x16xf32, #tpu.memory_space<vmem>>, %arg17: memref<128x16xf32, #tpu.memory_space<vmem>>, %arg18: memref<800x16xf32, #tpu.memory_space<vmem>>, %arg19: memref<800x16xf32, #tpu.memory_space<vmem>>, %arg20: memref<51200x16xf32, #tpu.memory_space<vmem_shared>>, %arg21: memref<4x!tpu.dma_semaphore, #tpu.memory_space<semaphore_mem>>, %arg22: memref<4x!tpu.dma_semaphore, #tpu.memory_space<semaphore_mem>>) attributes {dimension_semantics = [#tpu.dimension_semantics<core_parallel>, #tpu.dimension_semantics<subcore_parallel>], iteration_bounds = array<i64: 2, 16>, scalar_prefetch = 0 : i64, scratch_operands = 12 : i64, tpu.core_type = #tpu.core_type<sc_vector_subcore>, window_params = [{transform_indices = #map}, {transform_indices = #map}, {transform_indices = #map}, {transform_indices = #map}, {transform_indices = #map}, {transform_indices = #map}, {transform_indices = #map}, {transform_indices = #map}, {transform_indices = #map}]} {
    %mul3A = arith.constant 3200 : i32
    %mul3A_0 = arith.muli %arg1, %mul3A : i32
    "tpu.region"() ({
      %run_scoped3A = tpu.sem_alloc : memref<!tpu.dma_semaphore, #tpu.memory_space<semaphore_mem>>
      %dma_start3A = arith.constant 0 : i32
      %dma_start3A_42 = tpu.memref_slice %arg20[%mul3A_0, %dma_start3A] : memref<51200x16xf32, #tpu.memory_space<vmem_shared>> -> memref<3200x16xf32, #tpu.memory_space<vmem_shared>>
      tpu.enqueue_dma source(%arg6 : memref<3200x16xf32, #tpu.memory_space<hbm>>) target(%dma_start3A_42 : memref<3200x16xf32, #tpu.memory_space<vmem_shared>>) target_semaphore(%run_scoped3A : memref<!tpu.dma_semaphore, #tpu.memory_space<semaphore_mem>>)
      %dma_wait3A = arith.constant 0 : i32
      %dma_wait3A_43 = tpu.memref_slice %arg20[%mul3A_0, %dma_wait3A] : memref<51200x16xf32, #tpu.memory_space<vmem_shared>> -> memref<3200x16xf32, #tpu.memory_space<vmem_shared>>
      tpu.wait_dma2 semaphore(%run_scoped3A : memref<!tpu.dma_semaphore, #tpu.memory_space<semaphore_mem>>) src(%arg6 : memref<3200x16xf32, #tpu.memory_space<hbm>>) dst(%dma_wait3A_43 : memref<3200x16xf32, #tpu.memory_space<vmem_shared>>)
      tpu.yield
    }) : () -> ()
    "tpu.region"() ({
      %run_scoped3A = tpu.sem_alloc : memref<!tpu.dma_semaphore, #tpu.memory_space<semaphore_mem>>
      tpu.enqueue_dma source(%arg5 : memref<128x16xf32, #tpu.memory_space<hbm>>) target(%arg13 : memref<128x16xf32, #tpu.memory_space<vmem>>) target_semaphore(%run_scoped3A : memref<!tpu.dma_semaphore, #tpu.memory_space<semaphore_mem>>)
      tpu.wait_dma2 semaphore(%run_scoped3A : memref<!tpu.dma_semaphore, #tpu.memory_space<semaphore_mem>>) src(%arg5 : memref<128x16xf32, #tpu.memory_space<hbm>>) dst(%arg13 : memref<128x16xf32, #tpu.memory_space<vmem>>)
      tpu.yield
    }) : () -> ()
    %barrier3A = arith.constant 0 : index
    tpu.barrier barrier_id(%barrier3A)
    %mul3A_1 = arith.constant 400 : i32
    %mul3A_2 = arith.muli %arg1, %mul3A_1 : i32
    %scan3A = arith.constant 0 : i32
    %scan3A_3 = arith.constant 0 : i32
    %scan3A_4 = arith.constant 10 : i32
    %scan3A_5 = arith.addi %scan3A_3, %scan3A_4 : i32
    %scan3A_6 = arith.constant 1 : i32
    scf.for %scan3A_42 = %scan3A_3 to %scan3A_5 step %scan3A_6  : i32 {
      %mul3A_43 = arith.constant 40 : i32
      %mul3A_44 = arith.muli %scan3A_42, %mul3A_43 : i32
      %add3A_45 = arith.addi %mul3A_2, %mul3A_44 : i32
      "tpu.region"() ({
        %run_scoped3A = tpu.sem_alloc : memref<!tpu.dma_semaphore, #tpu.memory_space<semaphore_mem>>
        %dma_start3A = arith.constant 0 : i32
        %dma_start3A_58 = tpu.memref_slice %arg3[%add3A_45, %dma_start3A] : memref<6400x128xi32, #tpu.memory_space<hbm>> -> memref<40x128xi32, #tpu.memory_space<hbm>>
        %dma_start3A_59 = arith.constant 0 : i32
        %dma_start3A_60 = tpu.memref_slice %arg3[%add3A_45, %dma_start3A_59] : memref<6400x128xi32, #tpu.memory_space<hbm>> -> memref<40x128xi32, #tpu.memory_space<hbm>>
        tpu.enqueue_dma source(%dma_start3A_60 : memref<40x128xi32, #tpu.memory_space<hbm>>) target(%arg12 : memref<40x128xi32, #tpu.memory_space<vmem>>) target_semaphore(%run_scoped3A : memref<!tpu.dma_semaphore, #tpu.memory_space<semaphore_mem>>)
        %dma_wait3A = arith.constant 0 : i32
        %dma_wait3A_61 = tpu.memref_slice %arg3[%add3A_45, %dma_wait3A] : memref<6400x128xi32, #tpu.memory_space<hbm>> -> memref<40x128xi32, #tpu.memory_space<hbm>>
        %dma_wait3A_62 = arith.constant 0 : i32
        %dma_wait3A_63 = tpu.memref_slice %arg3[%add3A_45, %dma_wait3A_62] : memref<6400x128xi32, #tpu.memory_space<hbm>> -> memref<40x128xi32, #tpu.memory_space<hbm>>
        tpu.wait_dma2 semaphore(%run_scoped3A : memref<!tpu.dma_semaphore, #tpu.memory_space<semaphore_mem>>) src(%dma_wait3A_63 : memref<40x128xi32, #tpu.memory_space<hbm>>) dst(%arg12 : memref<40x128xi32, #tpu.memory_space<vmem>>)
        tpu.yield
      }) : () -> ()
      %scan3A_46 = arith.constant 0 : i32
      %scan3A_47 = arith.constant 0 : i32
      %scan3A_48 = arith.constant 40 : i32
      %scan3A_49 = arith.addi %scan3A_47, %scan3A_48 : i32
      %scan3A_50 = arith.constant 1 : i32
      scf.for %scan3A_58 = %scan3A_47 to %scan3A_49 step %scan3A_50  : i32 {
        %dma_start3A = arith.constant 0 : i32
        %dma_start3A_59 = arith.constant 0 : i32
        %dma_start3A_60 = tpu.memref_slice %arg12[%scan3A_58, %dma_start3A_59] : memref<40x128xi32, #tpu.memory_space<vmem>> -> memref<1x128xi32, #tpu.memory_space<vmem>>
        %dma_start3A_61 = tpu.memref_squeeze %dma_start3A_60 : memref<1x128xi32, #tpu.memory_space<vmem>> -> memref<128xi32, #tpu.memory_space<vmem>>
        %dma_start3A_62 = arith.constant 0 : i32
        %dma_start3A_63 = arith.constant 0 : i32
        %dma_start3A_64 = tpu.memref_slice %arg20[%dma_start3A_62, %dma_start3A_63] : memref<51200x16xf32, #tpu.memory_space<vmem_shared>> -> memref<51200x16xf32, #tpu.memory_space<vmem_shared>>
        %dma_start3A_65 = tpu.memref_slice %arg22[%dma_start3A] : memref<4x!tpu.dma_semaphore, #tpu.memory_space<semaphore_mem>> -> memref<1x!tpu.dma_semaphore, #tpu.memory_space<semaphore_mem>>
        %dma_start3A_66 = tpu.memref_squeeze %dma_start3A_65 : memref<1x!tpu.dma_semaphore, #tpu.memory_space<semaphore_mem>> -> memref<!tpu.dma_semaphore, #tpu.memory_space<semaphore_mem>>
        tpu.enqueue_indirect_dma source(%arg13 : memref<128x16xf32, #tpu.memory_space<vmem>>) target(%dma_start3A_64 : memref<51200x16xf32, #tpu.memory_space<vmem_shared>>) offsets(%dma_start3A_61 : memref<128xi32, #tpu.memory_space<vmem>>) semaphore(%dma_start3A_66 : memref<!tpu.dma_semaphore, #tpu.memory_space<semaphore_mem>>) {add = true}
      }
      %scan3A_51 = arith.constant 40 : i32
      %scan3A_52 = arith.constant 0 : i32
      %scan3A_53 = arith.constant 0 : i32
      %scan3A_54 = arith.constant 40 : i32
      %scan3A_55 = arith.addi %scan3A_53, %scan3A_54 : i32
      %scan3A_56 = arith.constant 1 : i32
      scf.for %scan3A_58 = %scan3A_53 to %scan3A_55 step %scan3A_56  : i32 {
        %dma_wait3A = arith.constant 0 : i32
        %dma_wait3A_59 = arith.constant 0 : i32
        %dma_wait3A_60 = arith.constant 0 : i32
        %dma_wait3A_61 = tpu.memref_slice %arg12[%dma_wait3A, %dma_wait3A_60] : memref<40x128xi32, #tpu.memory_space<vmem>> -> memref<1x128xi32, #tpu.memory_space<vmem>>
        %dma_wait3A_62 = tpu.memref_squeeze %dma_wait3A_61 : memref<1x128xi32, #tpu.memory_space<vmem>> -> memref<128xi32, #tpu.memory_space<vmem>>
        %dma_wait3A_63 = arith.constant 0 : i32
        %dma_wait3A_64 = arith.constant 0 : i32
        %dma_wait3A_65 = tpu.memref_slice %arg20[%dma_wait3A_63, %dma_wait3A_64] : memref<51200x16xf32, #tpu.memory_space<vmem_shared>> -> memref<51200x16xf32, #tpu.memory_space<vmem_shared>>
        %dma_wait3A_66 = tpu.memref_slice %arg22[%dma_wait3A_59] : memref<4x!tpu.dma_semaphore, #tpu.memory_space<semaphore_mem>> -> memref<1x!tpu.dma_semaphore, #tpu.memory_space<semaphore_mem>>
        %dma_wait3A_67 = tpu.memref_squeeze %dma_wait3A_66 : memref<1x!tpu.dma_semaphore, #tpu.memory_space<semaphore_mem>> -> memref<!tpu.dma_semaphore, #tpu.memory_space<semaphore_mem>>
        tpu.wait_indirect_dma semaphore(%dma_wait3A_67 : memref<!tpu.dma_semaphore, #tpu.memory_space<semaphore_mem>>) src(%arg13 : memref<128x16xf32, #tpu.memory_space<vmem>>) dst(%dma_wait3A_65 : memref<51200x16xf32, #tpu.memory_space<vmem_shared>>)
      }
      %scan3A_57 = arith.constant 40 : i32
    }
    %scan3A_7 = arith.constant 10 : i32
    %barrier3A_8 = arith.constant 0 : index
    tpu.barrier barrier_id(%barrier3A_8)
    %eq3A = arith.constant 0 : i32
    %eq3A_9 = arith.cmpi eq, %arg0, %eq3A : i32
    %convert_element_type3A = arith.extui %eq3A_9 : i1 to i32
    %cond3A = arith.constant 0 : i32
    %cond3A_10 = arith.cmpi ne, %convert_element_type3A, %cond3A : i32
    scf.if %cond3A_10 {
      %mul3A_42 = arith.constant 3200 : i32
      %mul3A_43 = arith.muli %arg1, %mul3A_42 : i32
      %mul3A_44 = arith.constant 3200 : i32
      %mul3A_45 = arith.muli %arg1, %mul3A_44 : i32
      "tpu.region"() ({
        %run_scoped3A = tpu.sem_alloc : memref<!tpu.dma_semaphore, #tpu.memory_space<semaphore_mem>>
        %dma_start3A = arith.constant 0 : i32
        %dma_start3A_46 = tpu.memref_slice %arg9[%mul3A_45, %dma_start3A] : memref<51200x16xf32, #tpu.memory_space<hbm>> -> memref<3200x16xf32, #tpu.memory_space<hbm>>
        %dma_start3A_47 = arith.constant 0 : i32
        %dma_start3A_48 = tpu.memref_slice %arg20[%mul3A_43, %dma_start3A_47] : memref<51200x16xf32, #tpu.memory_space<vmem_shared>> -> memref<3200x16xf32, #tpu.memory_space<vmem_shared>>
        tpu.enqueue_dma source(%dma_start3A_48 : memref<3200x16xf32, #tpu.memory_space<vmem_shared>>) target(%dma_start3A_46 : memref<3200x16xf32, #tpu.memory_space<hbm>>) target_semaphore(%run_scoped3A : memref<!tpu.dma_semaphore, #tpu.memory_space<semaphore_mem>>)
        %dma_wait3A = arith.constant 0 : i32
        %dma_wait3A_49 = tpu.memref_slice %arg9[%mul3A_45, %dma_wait3A] : memref<51200x16xf32, #tpu.memory_space<hbm>> -> memref<3200x16xf32, #tpu.memory_space<hbm>>
        %dma_wait3A_50 = arith.constant 0 : i32
        %dma_wait3A_51 = tpu.memref_slice %arg20[%mul3A_43, %dma_wait3A_50] : memref<51200x16xf32, #tpu.memory_space<vmem_shared>> -> memref<3200x16xf32, #tpu.memory_space<vmem_shared>>
        tpu.wait_dma2 semaphore(%run_scoped3A : memref<!tpu.dma_semaphore, #tpu.memory_space<semaphore_mem>>) src(%dma_wait3A_51 : memref<3200x16xf32, #tpu.memory_space<vmem_shared>>) dst(%dma_wait3A_49 : memref<3200x16xf32, #tpu.memory_space<hbm>>)
        tpu.yield
      }) : () -> ()
    } else {
    }
    %scan3A_11 = arith.constant 0 : i32
    %scan3A_12 = arith.constant 0 : i32
    %scan3A_13 = arith.constant 4 : i32
    %scan3A_14 = arith.addi %scan3A_12, %scan3A_13 : i32
    %scan3A_15 = arith.constant 1 : i32
    scf.for %scan3A_42 = %scan3A_12 to %scan3A_14 step %scan3A_15  : i32 {
      %mul3A_43 = arith.constant 3200 : i32
      %mul3A_44 = arith.muli %arg1, %mul3A_43 : i32
      %mul3A_45 = arith.constant 800 : i32
      %mul3A_46 = arith.muli %scan3A_42, %mul3A_45 : i32
      %add3A_47 = arith.addi %mul3A_44, %mul3A_46 : i32
      "tpu.region"() ({
        %run_scoped3A = tpu.sem_alloc : memref<!tpu.dma_semaphore, #tpu.memory_space<semaphore_mem>>
        %dma_start3A = arith.constant 0 : i32
        %dma_start3A_64 = tpu.memref_slice %arg20[%add3A_47, %dma_start3A] : memref<51200x16xf32, #tpu.memory_space<vmem_shared>> -> memref<800x16xf32, #tpu.memory_space<vmem_shared>>
        %dma_start3A_65 = arith.constant 0 : i32
        %dma_start3A_66 = tpu.memref_slice %arg20[%add3A_47, %dma_start3A_65] : memref<51200x16xf32, #tpu.memory_space<vmem_shared>> -> memref<800x16xf32, #tpu.memory_space<vmem_shared>>
        tpu.enqueue_dma source(%dma_start3A_66 : memref<800x16xf32, #tpu.memory_space<vmem_shared>>) target(%arg18 : memref<800x16xf32, #tpu.memory_space<vmem>>) target_semaphore(%run_scoped3A : memref<!tpu.dma_semaphore, #tpu.memory_space<semaphore_mem>>)
        %dma_wait3A = arith.constant 0 : i32
        %dma_wait3A_67 = tpu.memref_slice %arg20[%add3A_47, %dma_wait3A] : memref<51200x16xf32, #tpu.memory_space<vmem_shared>> -> memref<800x16xf32, #tpu.memory_space<vmem_shared>>
        %dma_wait3A_68 = arith.constant 0 : i32
        %dma_wait3A_69 = tpu.memref_slice %arg20[%add3A_47, %dma_wait3A_68] : memref<51200x16xf32, #tpu.memory_space<vmem_shared>> -> memref<800x16xf32, #tpu.memory_space<vmem_shared>>
        tpu.wait_dma2 semaphore(%run_scoped3A : memref<!tpu.dma_semaphore, #tpu.memory_space<semaphore_mem>>) src(%dma_wait3A_69 : memref<800x16xf32, #tpu.memory_space<vmem_shared>>) dst(%arg18 : memref<800x16xf32, #tpu.memory_space<vmem>>)
        tpu.yield
      }) : () -> ()
      "tpu.region"() ({
        %run_scoped3A = tpu.sem_alloc : memref<!tpu.dma_semaphore, #tpu.memory_space<semaphore_mem>>
        %dma_start3A = arith.constant 0 : i32
        %dma_start3A_64 = tpu.memref_slice %arg4[%add3A_47, %dma_start3A] : memref<51200x16xf32, #tpu.memory_space<hbm>> -> memref<800x16xf32, #tpu.memory_space<hbm>>
        %dma_start3A_65 = arith.constant 0 : i32
        %dma_start3A_66 = tpu.memref_slice %arg4[%add3A_47, %dma_start3A_65] : memref<51200x16xf32, #tpu.memory_space<hbm>> -> memref<800x16xf32, #tpu.memory_space<hbm>>
        tpu.enqueue_dma source(%dma_start3A_66 : memref<800x16xf32, #tpu.memory_space<hbm>>) target(%arg19 : memref<800x16xf32, #tpu.memory_space<vmem>>) target_semaphore(%run_scoped3A : memref<!tpu.dma_semaphore, #tpu.memory_space<semaphore_mem>>)
        %dma_wait3A = arith.constant 0 : i32
        %dma_wait3A_67 = tpu.memref_slice %arg4[%add3A_47, %dma_wait3A] : memref<51200x16xf32, #tpu.memory_space<hbm>> -> memref<800x16xf32, #tpu.memory_space<hbm>>
        %dma_wait3A_68 = arith.constant 0 : i32
        %dma_wait3A_69 = tpu.memref_slice %arg4[%add3A_47, %dma_wait3A_68] : memref<51200x16xf32, #tpu.memory_space<hbm>> -> memref<800x16xf32, #tpu.memory_space<hbm>>
        tpu.wait_dma2 semaphore(%run_scoped3A : memref<!tpu.dma_semaphore, #tpu.memory_space<semaphore_mem>>) src(%dma_wait3A_69 : memref<800x16xf32, #tpu.memory_space<hbm>>) dst(%arg19 : memref<800x16xf32, #tpu.memory_space<vmem>>)
        tpu.yield
      }) : () -> ()
      %scan3A_48 = arith.constant 0 : i32
      %scan3A_49 = arith.constant 0 : i32
      %scan3A_50 = arith.constant 800 : i32
      %scan3A_51 = arith.addi %scan3A_49, %scan3A_50 : i32
      %scan3A_52 = arith.constant 1 : i32
      scf.for %scan3A_64 = %scan3A_49 to %scan3A_51 step %scan3A_52  : i32 {
        %get3A = arith.index_cast %scan3A_64 : i32 to index
        %get3A_65 = arith.constant 0 : index
        %get3A_66 = tpu.vector_load %arg18[%get3A, %get3A_65] {strides = array<i32>} : memref<800x16xf32, #tpu.memory_space<vmem>>, vector<1x16xf32>,
        %get3A_67 = vector.shape_cast %get3A_66 : vector<1x16xf32> to vector<16xf32>
        %add3A_68 = arith.constant 1.000000e+00 : f32
        %add3A_69 = vector.broadcast %add3A_68 : f32 to vector<16xf32>
        %add3A_70 = arith.addf %get3A_67, %add3A_69 : vector<16xf32>
        %bitcast_convert_type3A = tpu.bitcast %add3A_70 : vector<16xf32> -> vector<16xi32>
        %shift_right_logical3A = arith.constant 1 : i32
        %shift_right_logical3A_71 = vector.broadcast %shift_right_logical3A : i32 to vector<16xi32>
        %shift_right_logical3A_72 = arith.shrui %bitcast_convert_type3A, %shift_right_logical3A_71 : vector<16xi32>
        %sub3A = arith.constant 1597463007 : i32
        %sub3A_73 = vector.broadcast %sub3A : i32 to vector<16xi32>
        %sub3A_74 = arith.subi %sub3A_73, %shift_right_logical3A_72 : vector<16xi32>
        %bitcast_convert_type3A_75 = tpu.bitcast %sub3A_74 : vector<16xi32> -> vector<16xf32>
        %mul3A_76 = arith.constant 5.000000e-01 : f32
        %mul3A_77 = vector.broadcast %mul3A_76 : f32 to vector<16xf32>
        %mul3A_78 = arith.mulf %mul3A_77, %add3A_70 : vector<16xf32>
        %mul3A_79 = arith.mulf %mul3A_78, %bitcast_convert_type3A_75 : vector<16xf32>
        %mul3A_80 = arith.mulf %mul3A_79, %bitcast_convert_type3A_75 : vector<16xf32>
        %sub3A_81 = arith.constant 1.500000e+00 : f32
        %sub3A_82 = vector.broadcast %sub3A_81 : f32 to vector<16xf32>
        %sub3A_83 = arith.subf %sub3A_82, %mul3A_80 : vector<16xf32>
        %mul3A_84 = arith.mulf %bitcast_convert_type3A_75, %sub3A_83 : vector<16xf32>
        %mul3A_85 = arith.mulf %mul3A_78, %mul3A_84 : vector<16xf32>
        %mul3A_86 = arith.mulf %mul3A_85, %mul3A_84 : vector<16xf32>
        %sub3A_87 = arith.constant 1.500000e+00 : f32
        %sub3A_88 = vector.broadcast %sub3A_87 : f32 to vector<16xf32>
        %sub3A_89 = arith.subf %sub3A_88, %mul3A_86 : vector<16xf32>
        %mul3A_90 = arith.mulf %mul3A_84, %sub3A_89 : vector<16xf32>
        %get3A_91 = arith.index_cast %scan3A_64 : i32 to index
        %get3A_92 = arith.constant 0 : index
        %get3A_93 = tpu.vector_load %arg19[%get3A_91, %get3A_92] {strides = array<i32>} : memref<800x16xf32, #tpu.memory_space<vmem>>, vector<1x16xf32>,
        %get3A_94 = vector.shape_cast %get3A_93 : vector<1x16xf32> to vector<16xf32>
        %mul3A_95 = arith.mulf %mul3A_90, %get3A_94 : vector<16xf32>
        %swap3A = arith.index_cast %scan3A_64 : i32 to index
        %swap3A_96 = arith.constant 0 : index
        %swap3A_97 = tpu.vector_load %arg18[%swap3A, %swap3A_96] {strides = array<i32>} : memref<800x16xf32, #tpu.memory_space<vmem>>, vector<1x16xf32>,
        %swap3A_98 = vector.shape_cast %swap3A_97 : vector<1x16xf32> to vector<16xf32>
        %swap3A_99 = vector.shape_cast %mul3A_95 : vector<16xf32> to vector<1x16xf32>
        tpu.vector_store %arg18[%swap3A, %swap3A_96], %swap3A_99 {strides = array<i32>} : memref<800x16xf32, #tpu.memory_space<vmem>>, vector<1x16xf32>,
      }
      %scan3A_53 = arith.constant 800 : i32
      %eq3A_54 = arith.constant 0 : i32
      %eq3A_55 = arith.cmpi eq, %arg0, %eq3A_54 : i32
      %convert_element_type3A_56 = arith.extui %eq3A_55 : i1 to i32
      %cond3A_57 = arith.constant 0 : i32
      %cond3A_58 = arith.cmpi ne, %convert_element_type3A_56, %cond3A_57 : i32
      scf.if %cond3A_58 {
        "tpu.region"() ({
          %run_scoped3A = tpu.sem_alloc : memref<!tpu.dma_semaphore, #tpu.memory_space<semaphore_mem>>
          %dma_start3A = arith.constant 0 : i32
          %dma_start3A_64 = tpu.memref_slice %arg7[%add3A_47, %dma_start3A] : memref<51200x16xf32, #tpu.memory_space<hbm>> -> memref<800x16xf32, #tpu.memory_space<hbm>>
          %dma_start3A_65 = arith.constant 0 : i32
          %dma_start3A_66 = tpu.memref_slice %arg7[%add3A_47, %dma_start3A_65] : memref<51200x16xf32, #tpu.memory_space<hbm>> -> memref<800x16xf32, #tpu.memory_space<hbm>>
          tpu.enqueue_dma source(%arg18 : memref<800x16xf32, #tpu.memory_space<vmem>>) target(%dma_start3A_66 : memref<800x16xf32, #tpu.memory_space<hbm>>) target_semaphore(%run_scoped3A : memref<!tpu.dma_semaphore, #tpu.memory_space<semaphore_mem>>)
          %dma_wait3A = arith.constant 0 : i32
          %dma_wait3A_67 = tpu.memref_slice %arg7[%add3A_47, %dma_wait3A] : memref<51200x16xf32, #tpu.memory_space<hbm>> -> memref<800x16xf32, #tpu.memory_space<hbm>>
          %dma_wait3A_68 = arith.constant 0 : i32
          %dma_wait3A_69 = tpu.memref_slice %arg7[%add3A_47, %dma_wait3A_68] : memref<51200x16xf32, #tpu.memory_space<hbm>> -> memref<800x16xf32, #tpu.memory_space<hbm>>
          tpu.wait_dma2 semaphore(%run_scoped3A : memref<!tpu.dma_semaphore, #tpu.memory_space<semaphore_mem>>) src(%arg18 : memref<800x16xf32, #tpu.memory_space<vmem>>) dst(%dma_wait3A_69 : memref<800x16xf32, #tpu.memory_space<hbm>>)
          tpu.yield
        }) : () -> ()
      } else {
      }
      %eq3A_59 = arith.constant 1 : i32
      %eq3A_60 = arith.cmpi eq, %arg0, %eq3A_59 : i32
      %convert_element_type3A_61 = arith.extui %eq3A_60 : i1 to i32
      %cond3A_62 = arith.constant 0 : i32
      %cond3A_63 = arith.cmpi ne, %convert_element_type3A_61, %cond3A_62 : i32
      scf.if %cond3A_63 {
        "tpu.region"() ({
          %run_scoped3A = tpu.sem_alloc : memref<!tpu.dma_semaphore, #tpu.memory_space<semaphore_mem>>
          %dma_start3A = arith.constant 0 : i32
          %dma_start3A_64 = tpu.memref_slice %arg8[%add3A_47, %dma_start3A] : memref<51200x16xf32, #tpu.memory_space<hbm>> -> memref<800x16xf32, #tpu.memory_space<hbm>>
          %dma_start3A_65 = arith.constant 0 : i32
          %dma_start3A_66 = tpu.memref_slice %arg8[%add3A_47, %dma_start3A_65] : memref<51200x16xf32, #tpu.memory_space<hbm>> -> memref<800x16xf32, #tpu.memory_space<hbm>>
          tpu.enqueue_dma source(%arg18 : memref<800x16xf32, #tpu.memory_space<vmem>>) target(%dma_start3A_66 : memref<800x16xf32, #tpu.memory_space<hbm>>) target_semaphore(%run_scoped3A : memref<!tpu.dma_semaphore, #tpu.memory_space<semaphore_mem>>)
          %dma_wait3A = arith.constant 0 : i32
          %dma_wait3A_67 = tpu.memref_slice %arg8[%add3A_47, %dma_wait3A] : memref<51200x16xf32, #tpu.memory_space<hbm>> -> memref<800x16xf32, #tpu.memory_space<hbm>>
          %dma_wait3A_68 = arith.constant 0 : i32
          %dma_wait3A_69 = tpu.memref_slice %arg8[%add3A_47, %dma_wait3A_68] : memref<51200x16xf32, #tpu.memory_space<hbm>> -> memref<800x16xf32, #tpu.memory_space<hbm>>
          tpu.wait_dma2 semaphore(%run_scoped3A : memref<!tpu.dma_semaphore, #tpu.memory_space<semaphore_mem>>) src(%arg18 : memref<800x16xf32, #tpu.memory_space<vmem>>) dst(%dma_wait3A_69 : memref<800x16xf32, #tpu.memory_space<hbm>>)
          tpu.yield
        }) : () -> ()
      } else {
      }
    }
    %scan3A_16 = arith.constant 4 : i32
    %mul3A_17 = arith.constant 3200 : i32
    %mul3A_18 = arith.muli %arg1, %mul3A_17 : i32
    "tpu.region"() ({
      %run_scoped3A = tpu.sem_alloc : memref<!tpu.dma_semaphore, #tpu.memory_space<semaphore_mem>>
      %dma_start3A = arith.constant 0 : i32
      %dma_start3A_42 = tpu.memref_slice %arg20[%mul3A_18, %dma_start3A] : memref<51200x16xf32, #tpu.memory_space<vmem_shared>> -> memref<3200x16xf32, #tpu.memory_space<vmem_shared>>
      tpu.enqueue_dma source(%arg6 : memref<3200x16xf32, #tpu.memory_space<hbm>>) target(%dma_start3A_42 : memref<3200x16xf32, #tpu.memory_space<vmem_shared>>) target_semaphore(%run_scoped3A : memref<!tpu.dma_semaphore, #tpu.memory_space<semaphore_mem>>)
      %dma_wait3A = arith.constant 0 : i32
      %dma_wait3A_43 = tpu.memref_slice %arg20[%mul3A_18, %dma_wait3A] : memref<51200x16xf32, #tpu.memory_space<vmem_shared>> -> memref<3200x16xf32, #tpu.memory_space<vmem_shared>>
      tpu.wait_dma2 semaphore(%run_scoped3A : memref<!tpu.dma_semaphore, #tpu.memory_space<semaphore_mem>>) src(%arg6 : memref<3200x16xf32, #tpu.memory_space<hbm>>) dst(%dma_wait3A_43 : memref<3200x16xf32, #tpu.memory_space<vmem_shared>>)
      tpu.yield
    }) : () -> ()
    %barrier3A_19 = arith.constant 0 : index
    tpu.barrier barrier_id(%barrier3A_19)
    %mul3A_20 = arith.constant 16 : i32
    %mul3A_21 = arith.muli %arg0, %mul3A_20 : i32
    %add3A = arith.addi %mul3A_21, %arg1 : i32
    %mul3A_22 = arith.constant 200 : i32
    %mul3A_23 = arith.muli %add3A, %mul3A_22 : i32
    %eq3A_24 = arith.constant 0 : i32
    %eq3A_25 = arith.cmpi eq, %arg0, %eq3A_24 : i32
    %convert_element_type3A_26 = arith.extui %eq3A_25 : i1 to i32
    %cond3A_27 = arith.constant 0 : i32
    %cond3A_28 = arith.cmpi ne, %convert_element_type3A_26, %cond3A_27 : i32
    scf.if %cond3A_28 {
      %scan3A_42 = arith.constant 0 : i32
      %scan3A_43 = arith.constant 0 : i32
      %scan3A_44 = arith.constant 5 : i32
      %scan3A_45 = arith.addi %scan3A_43, %scan3A_44 : i32
      %scan3A_46 = arith.constant 1 : i32
      scf.for %scan3A_48 = %scan3A_43 to %scan3A_45 step %scan3A_46  : i32 {
        %mul3A_49 = arith.constant 40 : i32
        %mul3A_50 = arith.muli %scan3A_48, %mul3A_49 : i32
        %add3A_51 = arith.addi %mul3A_23, %mul3A_50 : i32
        "tpu.region"() ({
          %run_scoped3A = tpu.sem_alloc : memref<!tpu.dma_semaphore, #tpu.memory_space<semaphore_mem>>
          %dma_start3A = arith.constant 0 : i32
          %dma_start3A_97 = tpu.memref_slice %arg2[%add3A_51, %dma_start3A] : memref<6400x128xi32, #tpu.memory_space<hbm>> -> memref<40x128xi32, #tpu.memory_space<hbm>>
          %dma_start3A_98 = arith.constant 0 : i32
          %dma_start3A_99 = tpu.memref_slice %arg2[%add3A_51, %dma_start3A_98] : memref<6400x128xi32, #tpu.memory_space<hbm>> -> memref<40x128xi32, #tpu.memory_space<hbm>>
          tpu.enqueue_dma source(%dma_start3A_99 : memref<40x128xi32, #tpu.memory_space<hbm>>) target(%arg11 : memref<40x128xi32, #tpu.memory_space<vmem>>) target_semaphore(%run_scoped3A : memref<!tpu.dma_semaphore, #tpu.memory_space<semaphore_mem>>)
          %dma_wait3A_100 = arith.constant 0 : i32
          %dma_wait3A_101 = tpu.memref_slice %arg2[%add3A_51, %dma_wait3A_100] : memref<6400x128xi32, #tpu.memory_space<hbm>> -> memref<40x128xi32, #tpu.memory_space<hbm>>
          %dma_wait3A_102 = arith.constant 0 : i32
          %dma_wait3A_103 = tpu.memref_slice %arg2[%add3A_51, %dma_wait3A_102] : memref<6400x128xi32, #tpu.memory_space<hbm>> -> memref<40x128xi32, #tpu.memory_space<hbm>>
          tpu.wait_dma2 semaphore(%run_scoped3A : memref<!tpu.dma_semaphore, #tpu.memory_space<semaphore_mem>>) src(%dma_wait3A_103 : memref<40x128xi32, #tpu.memory_space<hbm>>) dst(%arg11 : memref<40x128xi32, #tpu.memory_space<vmem>>)
          tpu.yield
        }) : () -> ()
        "tpu.region"() ({
          %run_scoped3A = tpu.sem_alloc : memref<!tpu.dma_semaphore, #tpu.memory_space<semaphore_mem>>
          %dma_start3A = arith.constant 0 : i32
          %dma_start3A_97 = tpu.memref_slice %arg3[%add3A_51, %dma_start3A] : memref<6400x128xi32, #tpu.memory_space<hbm>> -> memref<40x128xi32, #tpu.memory_space<hbm>>
          %dma_start3A_98 = arith.constant 0 : i32
          %dma_start3A_99 = tpu.memref_slice %arg3[%add3A_51, %dma_start3A_98] : memref<6400x128xi32, #tpu.memory_space<hbm>> -> memref<40x128xi32, #tpu.memory_space<hbm>>
          tpu.enqueue_dma source(%dma_start3A_99 : memref<40x128xi32, #tpu.memory_space<hbm>>) target(%arg12 : memref<40x128xi32, #tpu.memory_space<vmem>>) target_semaphore(%run_scoped3A : memref<!tpu.dma_semaphore, #tpu.memory_space<semaphore_mem>>)
          %dma_wait3A_100 = arith.constant 0 : i32
          %dma_wait3A_101 = tpu.memref_slice %arg3[%add3A_51, %dma_wait3A_100] : memref<6400x128xi32, #tpu.memory_space<hbm>> -> memref<40x128xi32, #tpu.memory_space<hbm>>
          %dma_wait3A_102 = arith.constant 0 : i32
          %dma_wait3A_103 = tpu.memref_slice %arg3[%add3A_51, %dma_wait3A_102] : memref<6400x128xi32, #tpu.memory_space<hbm>> -> memref<40x128xi32, #tpu.memory_space<hbm>>
          tpu.wait_dma2 semaphore(%run_scoped3A : memref<!tpu.dma_semaphore, #tpu.memory_space<semaphore_mem>>) src(%dma_wait3A_103 : memref<40x128xi32, #tpu.memory_space<hbm>>) dst(%arg12 : memref<40x128xi32, #tpu.memory_space<vmem>>)
          tpu.yield
        }) : () -> ()
        %scan3A_52 = arith.constant 0 : i32
        %scan3A_53 = arith.constant 0 : i32
        %scan3A_54 = arith.constant 10 : i32
        %scan3A_55 = arith.addi %scan3A_53, %scan3A_54 : i32
        %scan3A_56 = arith.constant 1 : i32
        scf.for %scan3A_97 = %scan3A_53 to %scan3A_55 step %scan3A_56  : i32 {
          %mul3A_98 = arith.constant 4 : i32
          %mul3A_99 = arith.muli %scan3A_97, %mul3A_98 : i32
          %gt3A = arith.constant 0 : i32
          %gt3A_100 = arith.cmpi sgt, %scan3A_97, %gt3A : i32
          %convert_element_type3A_101 = arith.extui %gt3A_100 : i1 to i32
          %cond3A_102 = arith.constant 0 : i32
          %cond3A_103 = arith.cmpi ne, %convert_element_type3A_101, %cond3A_102 : i32
          scf.if %cond3A_103 {
            %add3A_250 = arith.constant 0 : i32
            %add3A_251 = arith.addi %mul3A_99, %add3A_250 : i32
            %dma_wait3A_252 = arith.constant 0 : i32
            %dma_wait3A_253 = arith.constant 0 : i32
            %dma_wait3A_254 = tpu.memref_slice %arg12[%add3A_251, %dma_wait3A_253] : memref<40x128xi32, #tpu.memory_space<vmem>> -> memref<1x128xi32, #tpu.memory_space<vmem>>
            %dma_wait3A_255 = tpu.memref_squeeze %dma_wait3A_254 : memref<1x128xi32, #tpu.memory_space<vmem>> -> memref<128xi32, #tpu.memory_space<vmem>>
            %dma_wait3A_256 = arith.constant 0 : i32
            %dma_wait3A_257 = arith.constant 0 : i32
            %dma_wait3A_258 = tpu.memref_slice %arg20[%dma_wait3A_256, %dma_wait3A_257] : memref<51200x16xf32, #tpu.memory_space<vmem_shared>> -> memref<51200x16xf32, #tpu.memory_space<vmem_shared>>
            %dma_wait3A_259 = tpu.memref_slice %arg22[%dma_wait3A_252] : memref<4x!tpu.dma_semaphore, #tpu.memory_space<semaphore_mem>> -> memref<1x!tpu.dma_semaphore, #tpu.memory_space<semaphore_mem>>
            %dma_wait3A_260 = tpu.memref_squeeze %dma_wait3A_259 : memref<1x!tpu.dma_semaphore, #tpu.memory_space<semaphore_mem>> -> memref<!tpu.dma_semaphore, #tpu.memory_space<semaphore_mem>>
            tpu.wait_indirect_dma semaphore(%dma_wait3A_260 : memref<!tpu.dma_semaphore, #tpu.memory_space<semaphore_mem>>) src(%arg14 : memref<128x16xf32, #tpu.memory_space<vmem>>) dst(%dma_wait3A_258 : memref<51200x16xf32, #tpu.memory_space<vmem_shared>>)
          } else {
          }
          %add3A_104 = arith.constant 0 : i32
          %add3A_105 = arith.addi %mul3A_99, %add3A_104 : i32
          %dma_start3A = arith.constant 0 : i32
          %dma_start3A_106 = arith.constant 0 : i32
          %dma_start3A_107 = tpu.memref_slice %arg11[%add3A_105, %dma_start3A_106] : memref<40x128xi32, #tpu.memory_space<vmem>> -> memref<1x128xi32, #tpu.memory_space<vmem>>
          %dma_start3A_108 = tpu.memref_squeeze %dma_start3A_107 : memref<1x128xi32, #tpu.memory_space<vmem>> -> memref<128xi32, #tpu.memory_space<vmem>>
          %dma_start3A_109 = arith.constant 0 : i32
          %dma_start3A_110 = arith.constant 0 : i32
          %dma_start3A_111 = tpu.memref_slice %arg7[%dma_start3A_109, %dma_start3A_110] : memref<51200x16xf32, #tpu.memory_space<hbm>> -> memref<51200x16xf32, #tpu.memory_space<hbm>>
          %dma_start3A_112 = tpu.memref_slice %arg21[%dma_start3A] : memref<4x!tpu.dma_semaphore, #tpu.memory_space<semaphore_mem>> -> memref<1x!tpu.dma_semaphore, #tpu.memory_space<semaphore_mem>>
          %dma_start3A_113 = tpu.memref_squeeze %dma_start3A_112 : memref<1x!tpu.dma_semaphore, #tpu.memory_space<semaphore_mem>> -> memref<!tpu.dma_semaphore, #tpu.memory_space<semaphore_mem>>
          tpu.enqueue_indirect_dma source(%dma_start3A_111 : memref<51200x16xf32, #tpu.memory_space<hbm>>) target(%arg14 : memref<128x16xf32, #tpu.memory_space<vmem>>) offsets(%dma_start3A_108 : memref<128xi32, #tpu.memory_space<vmem>>) semaphore(%dma_start3A_113 : memref<!tpu.dma_semaphore, #tpu.memory_space<semaphore_mem>>)
          %gt3A_114 = arith.constant 0 : i32
          %gt3A_115 = arith.cmpi sgt, %scan3A_97, %gt3A_114 : i32
          %convert_element_type3A_116 = arith.extui %gt3A_115 : i1 to i32
          %cond3A_117 = arith.constant 0 : i32
          %cond3A_118 = arith.cmpi ne, %convert_element_type3A_116, %cond3A_117 : i32
          scf.if %cond3A_118 {
            %add3A_250 = arith.constant 1 : i32
            %add3A_251 = arith.addi %mul3A_99, %add3A_250 : i32
            %dma_wait3A_252 = arith.constant 1 : i32
            %dma_wait3A_253 = arith.constant 0 : i32
            %dma_wait3A_254 = tpu.memref_slice %arg12[%add3A_251, %dma_wait3A_253] : memref<40x128xi32, #tpu.memory_space<vmem>> -> memref<1x128xi32, #tpu.memory_space<vmem>>
            %dma_wait3A_255 = tpu.memref_squeeze %dma_wait3A_254 : memref<1x128xi32, #tpu.memory_space<vmem>> -> memref<128xi32, #tpu.memory_space<vmem>>
            %dma_wait3A_256 = arith.constant 0 : i32
            %dma_wait3A_257 = arith.constant 0 : i32
            %dma_wait3A_258 = tpu.memref_slice %arg20[%dma_wait3A_256, %dma_wait3A_257] : memref<51200x16xf32, #tpu.memory_space<vmem_shared>> -> memref<51200x16xf32, #tpu.memory_space<vmem_shared>>
            %dma_wait3A_259 = tpu.memref_slice %arg22[%dma_wait3A_252] : memref<4x!tpu.dma_semaphore, #tpu.memory_space<semaphore_mem>> -> memref<1x!tpu.dma_semaphore, #tpu.memory_space<semaphore_mem>>
            %dma_wait3A_260 = tpu.memref_squeeze %dma_wait3A_259 : memref<1x!tpu.dma_semaphore, #tpu.memory_space<semaphore_mem>> -> memref<!tpu.dma_semaphore, #tpu.memory_space<semaphore_mem>>
            tpu.wait_indirect_dma semaphore(%dma_wait3A_260 : memref<!tpu.dma_semaphore, #tpu.memory_space<semaphore_mem>>) src(%arg15 : memref<128x16xf32, #tpu.memory_space<vmem>>) dst(%dma_wait3A_258 : memref<51200x16xf32, #tpu.memory_space<vmem_shared>>)
          } else {
          }
          %add3A_119 = arith.constant 1 : i32
          %add3A_120 = arith.addi %mul3A_99, %add3A_119 : i32
          %dma_start3A_121 = arith.constant 1 : i32
          %dma_start3A_122 = arith.constant 0 : i32
          %dma_start3A_123 = tpu.memref_slice %arg11[%add3A_120, %dma_start3A_122] : memref<40x128xi32, #tpu.memory_space<vmem>> -> memref<1x128xi32, #tpu.memory_space<vmem>>
          %dma_start3A_124 = tpu.memref_squeeze %dma_start3A_123 : memref<1x128xi32, #tpu.memory_space<vmem>> -> memref<128xi32, #tpu.memory_space<vmem>>
          %dma_start3A_125 = arith.constant 0 : i32
          %dma_start3A_126 = arith.constant 0 : i32
          %dma_start3A_127 = tpu.memref_slice %arg7[%dma_start3A_125, %dma_start3A_126] : memref<51200x16xf32, #tpu.memory_space<hbm>> -> memref<51200x16xf32, #tpu.memory_space<hbm>>
          %dma_start3A_128 = tpu.memref_slice %arg21[%dma_start3A_121] : memref<4x!tpu.dma_semaphore, #tpu.memory_space<semaphore_mem>> -> memref<1x!tpu.dma_semaphore, #tpu.memory_space<semaphore_mem>>
          %dma_start3A_129 = tpu.memref_squeeze %dma_start3A_128 : memref<1x!tpu.dma_semaphore, #tpu.memory_space<semaphore_mem>> -> memref<!tpu.dma_semaphore, #tpu.memory_space<semaphore_mem>>
          tpu.enqueue_indirect_dma source(%dma_start3A_127 : memref<51200x16xf32, #tpu.memory_space<hbm>>) target(%arg15 : memref<128x16xf32, #tpu.memory_space<vmem>>) offsets(%dma_start3A_124 : memref<128xi32, #tpu.memory_space<vmem>>) semaphore(%dma_start3A_129 : memref<!tpu.dma_semaphore, #tpu.memory_space<semaphore_mem>>)
          %gt3A_130 = arith.constant 0 : i32
          %gt3A_131 = arith.cmpi sgt, %scan3A_97, %gt3A_130 : i32
          %convert_element_type3A_132 = arith.extui %gt3A_131 : i1 to i32
          %cond3A_133 = arith.constant 0 : i32
          %cond3A_134 = arith.cmpi ne, %convert_element_type3A_132, %cond3A_133 : i32
          scf.if %cond3A_134 {
            %add3A_250 = arith.constant 2 : i32
            %add3A_251 = arith.addi %mul3A_99, %add3A_250 : i32
            %dma_wait3A_252 = arith.constant 2 : i32
            %dma_wait3A_253 = arith.constant 0 : i32
            %dma_wait3A_254 = tpu.memref_slice %arg12[%add3A_251, %dma_wait3A_253] : memref<40x128xi32, #tpu.memory_space<vmem>> -> memref<1x128xi32, #tpu.memory_space<vmem>>
            %dma_wait3A_255 = tpu.memref_squeeze %dma_wait3A_254 : memref<1x128xi32, #tpu.memory_space<vmem>> -> memref<128xi32, #tpu.memory_space<vmem>>
            %dma_wait3A_256 = arith.constant 0 : i32
            %dma_wait3A_257 = arith.constant 0 : i32
            %dma_wait3A_258 = tpu.memref_slice %arg20[%dma_wait3A_256, %dma_wait3A_257] : memref<51200x16xf32, #tpu.memory_space<vmem_shared>> -> memref<51200x16xf32, #tpu.memory_space<vmem_shared>>
            %dma_wait3A_259 = tpu.memref_slice %arg22[%dma_wait3A_252] : memref<4x!tpu.dma_semaphore, #tpu.memory_space<semaphore_mem>> -> memref<1x!tpu.dma_semaphore, #tpu.memory_space<semaphore_mem>>
            %dma_wait3A_260 = tpu.memref_squeeze %dma_wait3A_259 : memref<1x!tpu.dma_semaphore, #tpu.memory_space<semaphore_mem>> -> memref<!tpu.dma_semaphore, #tpu.memory_space<semaphore_mem>>
            tpu.wait_indirect_dma semaphore(%dma_wait3A_260 : memref<!tpu.dma_semaphore, #tpu.memory_space<semaphore_mem>>) src(%arg16 : memref<128x16xf32, #tpu.memory_space<vmem>>) dst(%dma_wait3A_258 : memref<51200x16xf32, #tpu.memory_space<vmem_shared>>)
          } else {
          }
          %add3A_135 = arith.constant 2 : i32
          %add3A_136 = arith.addi %mul3A_99, %add3A_135 : i32
          %dma_start3A_137 = arith.constant 2 : i32
          %dma_start3A_138 = arith.constant 0 : i32
          %dma_start3A_139 = tpu.memref_slice %arg11[%add3A_136, %dma_start3A_138] : memref<40x128xi32, #tpu.memory_space<vmem>> -> memref<1x128xi32, #tpu.memory_space<vmem>>
          %dma_start3A_140 = tpu.memref_squeeze %dma_start3A_139 : memref<1x128xi32, #tpu.memory_space<vmem>> -> memref<128xi32, #tpu.memory_space<vmem>>
          %dma_start3A_141 = arith.constant 0 : i32
          %dma_start3A_142 = arith.constant 0 : i32
          %dma_start3A_143 = tpu.memref_slice %arg7[%dma_start3A_141, %dma_start3A_142] : memref<51200x16xf32, #tpu.memory_space<hbm>> -> memref<51200x16xf32, #tpu.memory_space<hbm>>
          %dma_start3A_144 = tpu.memref_slice %arg21[%dma_start3A_137] : memref<4x!tpu.dma_semaphore, #tpu.memory_space<semaphore_mem>> -> memref<1x!tpu.dma_semaphore, #tpu.memory_space<semaphore_mem>>
          %dma_start3A_145 = tpu.memref_squeeze %dma_start3A_144 : memref<1x!tpu.dma_semaphore, #tpu.memory_space<semaphore_mem>> -> memref<!tpu.dma_semaphore, #tpu.memory_space<semaphore_mem>>
          tpu.enqueue_indirect_dma source(%dma_start3A_143 : memref<51200x16xf32, #tpu.memory_space<hbm>>) target(%arg16 : memref<128x16xf32, #tpu.memory_space<vmem>>) offsets(%dma_start3A_140 : memref<128xi32, #tpu.memory_space<vmem>>) semaphore(%dma_start3A_145 : memref<!tpu.dma_semaphore, #tpu.memory_space<semaphore_mem>>)
          %gt3A_146 = arith.constant 0 : i32
          %gt3A_147 = arith.cmpi sgt, %scan3A_97, %gt3A_146 : i32
          %convert_element_type3A_148 = arith.extui %gt3A_147 : i1 to i32
          %cond3A_149 = arith.constant 0 : i32
          %cond3A_150 = arith.cmpi ne, %convert_element_type3A_148, %cond3A_149 : i32
          scf.if %cond3A_150 {
            %add3A_250 = arith.constant 3 : i32
            %add3A_251 = arith.addi %mul3A_99, %add3A_250 : i32
            %dma_wait3A_252 = arith.constant 3 : i32
            %dma_wait3A_253 = arith.constant 0 : i32
            %dma_wait3A_254 = tpu.memref_slice %arg12[%add3A_251, %dma_wait3A_253] : memref<40x128xi32, #tpu.memory_space<vmem>> -> memref<1x128xi32, #tpu.memory_space<vmem>>
            %dma_wait3A_255 = tpu.memref_squeeze %dma_wait3A_254 : memref<1x128xi32, #tpu.memory_space<vmem>> -> memref<128xi32, #tpu.memory_space<vmem>>
            %dma_wait3A_256 = arith.constant 0 : i32
            %dma_wait3A_257 = arith.constant 0 : i32
            %dma_wait3A_258 = tpu.memref_slice %arg20[%dma_wait3A_256, %dma_wait3A_257] : memref<51200x16xf32, #tpu.memory_space<vmem_shared>> -> memref<51200x16xf32, #tpu.memory_space<vmem_shared>>
            %dma_wait3A_259 = tpu.memref_slice %arg22[%dma_wait3A_252] : memref<4x!tpu.dma_semaphore, #tpu.memory_space<semaphore_mem>> -> memref<1x!tpu.dma_semaphore, #tpu.memory_space<semaphore_mem>>
            %dma_wait3A_260 = tpu.memref_squeeze %dma_wait3A_259 : memref<1x!tpu.dma_semaphore, #tpu.memory_space<semaphore_mem>> -> memref<!tpu.dma_semaphore, #tpu.memory_space<semaphore_mem>>
            tpu.wait_indirect_dma semaphore(%dma_wait3A_260 : memref<!tpu.dma_semaphore, #tpu.memory_space<semaphore_mem>>) src(%arg17 : memref<128x16xf32, #tpu.memory_space<vmem>>) dst(%dma_wait3A_258 : memref<51200x16xf32, #tpu.memory_space<vmem_shared>>)
          } else {
          }
          %add3A_151 = arith.constant 3 : i32
          %add3A_152 = arith.addi %mul3A_99, %add3A_151 : i32
          %dma_start3A_153 = arith.constant 3 : i32
          %dma_start3A_154 = arith.constant 0 : i32
          %dma_start3A_155 = tpu.memref_slice %arg11[%add3A_152, %dma_start3A_154] : memref<40x128xi32, #tpu.memory_space<vmem>> -> memref<1x128xi32, #tpu.memory_space<vmem>>
          %dma_start3A_156 = tpu.memref_squeeze %dma_start3A_155 : memref<1x128xi32, #tpu.memory_space<vmem>> -> memref<128xi32, #tpu.memory_space<vmem>>
          %dma_start3A_157 = arith.constant 0 : i32
          %dma_start3A_158 = arith.constant 0 : i32
          %dma_start3A_159 = tpu.memref_slice %arg7[%dma_start3A_157, %dma_start3A_158] : memref<51200x16xf32, #tpu.memory_space<hbm>> -> memref<51200x16xf32, #tpu.memory_space<hbm>>
          %dma_start3A_160 = tpu.memref_slice %arg21[%dma_start3A_153] : memref<4x!tpu.dma_semaphore, #tpu.memory_space<semaphore_mem>> -> memref<1x!tpu.dma_semaphore, #tpu.memory_space<semaphore_mem>>
          %dma_start3A_161 = tpu.memref_squeeze %dma_start3A_160 : memref<1x!tpu.dma_semaphore, #tpu.memory_space<semaphore_mem>> -> memref<!tpu.dma_semaphore, #tpu.memory_space<semaphore_mem>>
          tpu.enqueue_indirect_dma source(%dma_start3A_159 : memref<51200x16xf32, #tpu.memory_space<hbm>>) target(%arg17 : memref<128x16xf32, #tpu.memory_space<vmem>>) offsets(%dma_start3A_156 : memref<128xi32, #tpu.memory_space<vmem>>) semaphore(%dma_start3A_161 : memref<!tpu.dma_semaphore, #tpu.memory_space<semaphore_mem>>)
          %add3A_162 = arith.constant 0 : i32
          %add3A_163 = arith.addi %mul3A_99, %add3A_162 : i32
          %dma_wait3A_164 = arith.constant 0 : i32
          %dma_wait3A_165 = arith.constant 0 : i32
          %dma_wait3A_166 = tpu.memref_slice %arg11[%add3A_163, %dma_wait3A_165] : memref<40x128xi32, #tpu.memory_space<vmem>> -> memref<1x128xi32, #tpu.memory_space<vmem>>
          %dma_wait3A_167 = tpu.memref_squeeze %dma_wait3A_166 : memref<1x128xi32, #tpu.memory_space<vmem>> -> memref<128xi32, #tpu.memory_space<vmem>>
          %dma_wait3A_168 = arith.constant 0 : i32
          %dma_wait3A_169 = arith.constant 0 : i32
          %dma_wait3A_170 = tpu.memref_slice %arg7[%dma_wait3A_168, %dma_wait3A_169] : memref<51200x16xf32, #tpu.memory_space<hbm>> -> memref<51200x16xf32, #tpu.memory_space<hbm>>
          %dma_wait3A_171 = tpu.memref_slice %arg21[%dma_wait3A_164] : memref<4x!tpu.dma_semaphore, #tpu.memory_space<semaphore_mem>> -> memref<1x!tpu.dma_semaphore, #tpu.memory_space<semaphore_mem>>
          %dma_wait3A_172 = tpu.memref_squeeze %dma_wait3A_171 : memref<1x!tpu.dma_semaphore, #tpu.memory_space<semaphore_mem>> -> memref<!tpu.dma_semaphore, #tpu.memory_space<semaphore_mem>>
          tpu.wait_indirect_dma semaphore(%dma_wait3A_172 : memref<!tpu.dma_semaphore, #tpu.memory_space<semaphore_mem>>) src(%dma_wait3A_170 : memref<51200x16xf32, #tpu.memory_space<hbm>>) dst(%arg14 : memref<128x16xf32, #tpu.memory_space<vmem>>)
          %add3A_173 = arith.constant 0 : i32
          %add3A_174 = arith.addi %mul3A_99, %add3A_173 : i32
          %dma_start3A_175 = arith.constant 0 : i32
          %dma_start3A_176 = arith.constant 0 : i32
          %dma_start3A_177 = tpu.memref_slice %arg12[%add3A_174, %dma_start3A_176] : memref<40x128xi32, #tpu.memory_space<vmem>> -> memref<1x128xi32, #tpu.memory_space<vmem>>
          %dma_start3A_178 = tpu.memref_squeeze %dma_start3A_177 : memref<1x128xi32, #tpu.memory_space<vmem>> -> memref<128xi32, #tpu.memory_space<vmem>>
          %dma_start3A_179 = arith.constant 0 : i32
          %dma_start3A_180 = arith.constant 0 : i32
          %dma_start3A_181 = tpu.memref_slice %arg20[%dma_start3A_179, %dma_start3A_180] : memref<51200x16xf32, #tpu.memory_space<vmem_shared>> -> memref<51200x16xf32, #tpu.memory_space<vmem_shared>>
          %dma_start3A_182 = tpu.memref_slice %arg22[%dma_start3A_175] : memref<4x!tpu.dma_semaphore, #tpu.memory_space<semaphore_mem>> -> memref<1x!tpu.dma_semaphore, #tpu.memory_space<semaphore_mem>>
          %dma_start3A_183 = tpu.memref_squeeze %dma_start3A_182 : memref<1x!tpu.dma_semaphore, #tpu.memory_space<semaphore_mem>> -> memref<!tpu.dma_semaphore, #tpu.memory_space<semaphore_mem>>
          tpu.enqueue_indirect_dma source(%arg14 : memref<128x16xf32, #tpu.memory_space<vmem>>) target(%dma_start3A_181 : memref<51200x16xf32, #tpu.memory_space<vmem_shared>>) offsets(%dma_start3A_178 : memref<128xi32, #tpu.memory_space<vmem>>) semaphore(%dma_start3A_183 : memref<!tpu.dma_semaphore, #tpu.memory_space<semaphore_mem>>) {add = true}
          %add3A_184 = arith.constant 1 : i32
          %add3A_185 = arith.addi %mul3A_99, %add3A_184 : i32
          %dma_wait3A_186 = arith.constant 1 : i32
          %dma_wait3A_187 = arith.constant 0 : i32
          %dma_wait3A_188 = tpu.memref_slice %arg11[%add3A_185, %dma_wait3A_187] : memref<40x128xi32, #tpu.memory_space<vmem>> -> memref<1x128xi32, #tpu.memory_space<vmem>>
          %dma_wait3A_189 = tpu.memref_squeeze %dma_wait3A_188 : memref<1x128xi32, #tpu.memory_space<vmem>> -> memref<128xi32, #tpu.memory_space<vmem>>
          %dma_wait3A_190 = arith.constant 0 : i32
          %dma_wait3A_191 = arith.constant 0 : i32
          %dma_wait3A_192 = tpu.memref_slice %arg7[%dma_wait3A_190, %dma_wait3A_191] : memref<51200x16xf32, #tpu.memory_space<hbm>> -> memref<51200x16xf32, #tpu.memory_space<hbm>>
          %dma_wait3A_193 = tpu.memref_slice %arg21[%dma_wait3A_186] : memref<4x!tpu.dma_semaphore, #tpu.memory_space<semaphore_mem>> -> memref<1x!tpu.dma_semaphore, #tpu.memory_space<semaphore_mem>>
          %dma_wait3A_194 = tpu.memref_squeeze %dma_wait3A_193 : memref<1x!tpu.dma_semaphore, #tpu.memory_space<semaphore_mem>> -> memref<!tpu.dma_semaphore, #tpu.memory_space<semaphore_mem>>
          tpu.wait_indirect_dma semaphore(%dma_wait3A_194 : memref<!tpu.dma_semaphore, #tpu.memory_space<semaphore_mem>>) src(%dma_wait3A_192 : memref<51200x16xf32, #tpu.memory_space<hbm>>) dst(%arg15 : memref<128x16xf32, #tpu.memory_space<vmem>>)
          %add3A_195 = arith.constant 1 : i32
          %add3A_196 = arith.addi %mul3A_99, %add3A_195 : i32
          %dma_start3A_197 = arith.constant 1 : i32
          %dma_start3A_198 = arith.constant 0 : i32
          %dma_start3A_199 = tpu.memref_slice %arg12[%add3A_196, %dma_start3A_198] : memref<40x128xi32, #tpu.memory_space<vmem>> -> memref<1x128xi32, #tpu.memory_space<vmem>>
          %dma_start3A_200 = tpu.memref_squeeze %dma_start3A_199 : memref<1x128xi32, #tpu.memory_space<vmem>> -> memref<128xi32, #tpu.memory_space<vmem>>
          %dma_start3A_201 = arith.constant 0 : i32
          %dma_start3A_202 = arith.constant 0 : i32
          %dma_start3A_203 = tpu.memref_slice %arg20[%dma_start3A_201, %dma_start3A_202] : memref<51200x16xf32, #tpu.memory_space<vmem_shared>> -> memref<51200x16xf32, #tpu.memory_space<vmem_shared>>
          %dma_start3A_204 = tpu.memref_slice %arg22[%dma_start3A_197] : memref<4x!tpu.dma_semaphore, #tpu.memory_space<semaphore_mem>> -> memref<1x!tpu.dma_semaphore, #tpu.memory_space<semaphore_mem>>
          %dma_start3A_205 = tpu.memref_squeeze %dma_start3A_204 : memref<1x!tpu.dma_semaphore, #tpu.memory_space<semaphore_mem>> -> memref<!tpu.dma_semaphore, #tpu.memory_space<semaphore_mem>>
          tpu.enqueue_indirect_dma source(%arg15 : memref<128x16xf32, #tpu.memory_space<vmem>>) target(%dma_start3A_203 : memref<51200x16xf32, #tpu.memory_space<vmem_shared>>) offsets(%dma_start3A_200 : memref<128xi32, #tpu.memory_space<vmem>>) semaphore(%dma_start3A_205 : memref<!tpu.dma_semaphore, #tpu.memory_space<semaphore_mem>>) {add = true}
          %add3A_206 = arith.constant 2 : i32
          %add3A_207 = arith.addi %mul3A_99, %add3A_206 : i32
          %dma_wait3A_208 = arith.constant 2 : i32
          %dma_wait3A_209 = arith.constant 0 : i32
          %dma_wait3A_210 = tpu.memref_slice %arg11[%add3A_207, %dma_wait3A_209] : memref<40x128xi32, #tpu.memory_space<vmem>> -> memref<1x128xi32, #tpu.memory_space<vmem>>
          %dma_wait3A_211 = tpu.memref_squeeze %dma_wait3A_210 : memref<1x128xi32, #tpu.memory_space<vmem>> -> memref<128xi32, #tpu.memory_space<vmem>>
          %dma_wait3A_212 = arith.constant 0 : i32
          %dma_wait3A_213 = arith.constant 0 : i32
          %dma_wait3A_214 = tpu.memref_slice %arg7[%dma_wait3A_212, %dma_wait3A_213] : memref<51200x16xf32, #tpu.memory_space<hbm>> -> memref<51200x16xf32, #tpu.memory_space<hbm>>
          %dma_wait3A_215 = tpu.memref_slice %arg21[%dma_wait3A_208] : memref<4x!tpu.dma_semaphore, #tpu.memory_space<semaphore_mem>> -> memref<1x!tpu.dma_semaphore, #tpu.memory_space<semaphore_mem>>
          %dma_wait3A_216 = tpu.memref_squeeze %dma_wait3A_215 : memref<1x!tpu.dma_semaphore, #tpu.memory_space<semaphore_mem>> -> memref<!tpu.dma_semaphore, #tpu.memory_space<semaphore_mem>>
          tpu.wait_indirect_dma semaphore(%dma_wait3A_216 : memref<!tpu.dma_semaphore, #tpu.memory_space<semaphore_mem>>) src(%dma_wait3A_214 : memref<51200x16xf32, #tpu.memory_space<hbm>>) dst(%arg16 : memref<128x16xf32, #tpu.memory_space<vmem>>)
          %add3A_217 = arith.constant 2 : i32
          %add3A_218 = arith.addi %mul3A_99, %add3A_217 : i32
          %dma_start3A_219 = arith.constant 2 : i32
          %dma_start3A_220 = arith.constant 0 : i32
          %dma_start3A_221 = tpu.memref_slice %arg12[%add3A_218, %dma_start3A_220] : memref<40x128xi32, #tpu.memory_space<vmem>> -> memref<1x128xi32, #tpu.memory_space<vmem>>
          %dma_start3A_222 = tpu.memref_squeeze %dma_start3A_221 : memref<1x128xi32, #tpu.memory_space<vmem>> -> memref<128xi32, #tpu.memory_space<vmem>>
          %dma_start3A_223 = arith.constant 0 : i32
          %dma_start3A_224 = arith.constant 0 : i32
          %dma_start3A_225 = tpu.memref_slice %arg20[%dma_start3A_223, %dma_start3A_224] : memref<51200x16xf32, #tpu.memory_space<vmem_shared>> -> memref<51200x16xf32, #tpu.memory_space<vmem_shared>>
          %dma_start3A_226 = tpu.memref_slice %arg22[%dma_start3A_219] : memref<4x!tpu.dma_semaphore, #tpu.memory_space<semaphore_mem>> -> memref<1x!tpu.dma_semaphore, #tpu.memory_space<semaphore_mem>>
          %dma_start3A_227 = tpu.memref_squeeze %dma_start3A_226 : memref<1x!tpu.dma_semaphore, #tpu.memory_space<semaphore_mem>> -> memref<!tpu.dma_semaphore, #tpu.memory_space<semaphore_mem>>
          tpu.enqueue_indirect_dma source(%arg16 : memref<128x16xf32, #tpu.memory_space<vmem>>) target(%dma_start3A_225 : memref<51200x16xf32, #tpu.memory_space<vmem_shared>>) offsets(%dma_start3A_222 : memref<128xi32, #tpu.memory_space<vmem>>) semaphore(%dma_start3A_227 : memref<!tpu.dma_semaphore, #tpu.memory_space<semaphore_mem>>) {add = true}
          %add3A_228 = arith.constant 3 : i32
          %add3A_229 = arith.addi %mul3A_99, %add3A_228 : i32
          %dma_wait3A_230 = arith.constant 3 : i32
          %dma_wait3A_231 = arith.constant 0 : i32
          %dma_wait3A_232 = tpu.memref_slice %arg11[%add3A_229, %dma_wait3A_231] : memref<40x128xi32, #tpu.memory_space<vmem>> -> memref<1x128xi32, #tpu.memory_space<vmem>>
          %dma_wait3A_233 = tpu.memref_squeeze %dma_wait3A_232 : memref<1x128xi32, #tpu.memory_space<vmem>> -> memref<128xi32, #tpu.memory_space<vmem>>
          %dma_wait3A_234 = arith.constant 0 : i32
          %dma_wait3A_235 = arith.constant 0 : i32
          %dma_wait3A_236 = tpu.memref_slice %arg7[%dma_wait3A_234, %dma_wait3A_235] : memref<51200x16xf32, #tpu.memory_space<hbm>> -> memref<51200x16xf32, #tpu.memory_space<hbm>>
          %dma_wait3A_237 = tpu.memref_slice %arg21[%dma_wait3A_230] : memref<4x!tpu.dma_semaphore, #tpu.memory_space<semaphore_mem>> -> memref<1x!tpu.dma_semaphore, #tpu.memory_space<semaphore_mem>>
          %dma_wait3A_238 = tpu.memref_squeeze %dma_wait3A_237 : memref<1x!tpu.dma_semaphore, #tpu.memory_space<semaphore_mem>> -> memref<!tpu.dma_semaphore, #tpu.memory_space<semaphore_mem>>
          tpu.wait_indirect_dma semaphore(%dma_wait3A_238 : memref<!tpu.dma_semaphore, #tpu.memory_space<semaphore_mem>>) src(%dma_wait3A_236 : memref<51200x16xf32, #tpu.memory_space<hbm>>) dst(%arg17 : memref<128x16xf32, #tpu.memory_space<vmem>>)
          %add3A_239 = arith.constant 3 : i32
          %add3A_240 = arith.addi %mul3A_99, %add3A_239 : i32
          %dma_start3A_241 = arith.constant 3 : i32
          %dma_start3A_242 = arith.constant 0 : i32
          %dma_start3A_243 = tpu.memref_slice %arg12[%add3A_240, %dma_start3A_242] : memref<40x128xi32, #tpu.memory_space<vmem>> -> memref<1x128xi32, #tpu.memory_space<vmem>>
          %dma_start3A_244 = tpu.memref_squeeze %dma_start3A_243 : memref<1x128xi32, #tpu.memory_space<vmem>> -> memref<128xi32, #tpu.memory_space<vmem>>
          %dma_start3A_245 = arith.constant 0 : i32
          %dma_start3A_246 = arith.constant 0 : i32
          %dma_start3A_247 = tpu.memref_slice %arg20[%dma_start3A_245, %dma_start3A_246] : memref<51200x16xf32, #tpu.memory_space<vmem_shared>> -> memref<51200x16xf32, #tpu.memory_space<vmem_shared>>
          %dma_start3A_248 = tpu.memref_slice %arg22[%dma_start3A_241] : memref<4x!tpu.dma_semaphore, #tpu.memory_space<semaphore_mem>> -> memref<1x!tpu.dma_semaphore, #tpu.memory_space<semaphore_mem>>
          %dma_start3A_249 = tpu.memref_squeeze %dma_start3A_248 : memref<1x!tpu.dma_semaphore, #tpu.memory_space<semaphore_mem>> -> memref<!tpu.dma_semaphore, #tpu.memory_space<semaphore_mem>>
          tpu.enqueue_indirect_dma source(%arg17 : memref<128x16xf32, #tpu.memory_space<vmem>>) target(%dma_start3A_247 : memref<51200x16xf32, #tpu.memory_space<vmem_shared>>) offsets(%dma_start3A_244 : memref<128xi32, #tpu.memory_space<vmem>>) semaphore(%dma_start3A_249 : memref<!tpu.dma_semaphore, #tpu.memory_space<semaphore_mem>>) {add = true}
        }
        %scan3A_57 = arith.constant 10 : i32
        %dma_wait3A = arith.constant 0 : i32
        %dma_wait3A_58 = arith.constant 0 : i32
        %dma_wait3A_59 = arith.constant 0 : i32
        %dma_wait3A_60 = tpu.memref_slice %arg12[%dma_wait3A, %dma_wait3A_59] : memref<40x128xi32, #tpu.memory_space<vmem>> -> memref<1x128xi32, #tpu.memory_space<vmem>>
        %dma_wait3A_61 = tpu.memref_squeeze %dma_wait3A_60 : memref<1x128xi32, #tpu.memory_space<vmem>> -> memref<128xi32, #tpu.memory_space<vmem>>
        %dma_wait3A_62 = arith.constant 0 : i32
        %dma_wait3A_63 = arith.constant 0 : i32
        %dma_wait3A_64 = tpu.memref_slice %arg20[%dma_wait3A_62, %dma_wait3A_63] : memref<51200x16xf32, #tpu.memory_space<vmem_shared>> -> memref<51200x16xf32, #tpu.memory_space<vmem_shared>>
        %dma_wait3A_65 = tpu.memref_slice %arg22[%dma_wait3A_58] : memref<4x!tpu.dma_semaphore, #tpu.memory_space<semaphore_mem>> -> memref<1x!tpu.dma_semaphore, #tpu.memory_space<semaphore_mem>>
        %dma_wait3A_66 = tpu.memref_squeeze %dma_wait3A_65 : memref<1x!tpu.dma_semaphore, #tpu.memory_space<semaphore_mem>> -> memref<!tpu.dma_semaphore, #tpu.memory_space<semaphore_mem>>
        tpu.wait_indirect_dma semaphore(%dma_wait3A_66 : memref<!tpu.dma_semaphore, #tpu.memory_space<semaphore_mem>>) src(%arg14 : memref<128x16xf32, #tpu.memory_space<vmem>>) dst(%dma_wait3A_64 : memref<51200x16xf32, #tpu.memory_space<vmem_shared>>)
        %dma_wait3A_67 = arith.constant 1 : i32
        %dma_wait3A_68 = arith.constant 1 : i32
        %dma_wait3A_69 = arith.constant 0 : i32
        %dma_wait3A_70 = tpu.memref_slice %arg12[%dma_wait3A_67, %dma_wait3A_69] : memref<40x128xi32, #tpu.memory_space<vmem>> -> memref<1x128xi32, #tpu.memory_space<vmem>>
        %dma_wait3A_71 = tpu.memref_squeeze %dma_wait3A_70 : memref<1x128xi32, #tpu.memory_space<vmem>> -> memref<128xi32, #tpu.memory_space<vmem>>
        %dma_wait3A_72 = arith.constant 0 : i32
        %dma_wait3A_73 = arith.constant 0 : i32
        %dma_wait3A_74 = tpu.memref_slice %arg20[%dma_wait3A_72, %dma_wait3A_73] : memref<51200x16xf32, #tpu.memory_space<vmem_shared>> -> memref<51200x16xf32, #tpu.memory_space<vmem_shared>>
        %dma_wait3A_75 = tpu.memref_slice %arg22[%dma_wait3A_68] : memref<4x!tpu.dma_semaphore, #tpu.memory_space<semaphore_mem>> -> memref<1x!tpu.dma_semaphore, #tpu.memory_space<semaphore_mem>>
        %dma_wait3A_76 = tpu.memref_squeeze %dma_wait3A_75 : memref<1x!tpu.dma_semaphore, #tpu.memory_space<semaphore_mem>> -> memref<!tpu.dma_semaphore, #tpu.memory_space<semaphore_mem>>
        tpu.wait_indirect_dma semaphore(%dma_wait3A_76 : memref<!tpu.dma_semaphore, #tpu.memory_space<semaphore_mem>>) src(%arg15 : memref<128x16xf32, #tpu.memory_space<vmem>>) dst(%dma_wait3A_74 : memref<51200x16xf32, #tpu.memory_space<vmem_shared>>)
        %dma_wait3A_77 = arith.constant 2 : i32
        %dma_wait3A_78 = arith.constant 2 : i32
        %dma_wait3A_79 = arith.constant 0 : i32
        %dma_wait3A_80 = tpu.memref_slice %arg12[%dma_wait3A_77, %dma_wait3A_79] : memref<40x128xi32, #tpu.memory_space<vmem>> -> memref<1x128xi32, #tpu.memory_space<vmem>>
        %dma_wait3A_81 = tpu.memref_squeeze %dma_wait3A_80 : memref<1x128xi32, #tpu.memory_space<vmem>> -> memref<128xi32, #tpu.memory_space<vmem>>
        %dma_wait3A_82 = arith.constant 0 : i32
        %dma_wait3A_83 = arith.constant 0 : i32
        %dma_wait3A_84 = tpu.memref_slice %arg20[%dma_wait3A_82, %dma_wait3A_83] : memref<51200x16xf32, #tpu.memory_space<vmem_shared>> -> memref<51200x16xf32, #tpu.memory_space<vmem_shared>>
        %dma_wait3A_85 = tpu.memref_slice %arg22[%dma_wait3A_78] : memref<4x!tpu.dma_semaphore, #tpu.memory_space<semaphore_mem>> -> memref<1x!tpu.dma_semaphore, #tpu.memory_space<semaphore_mem>>
        %dma_wait3A_86 = tpu.memref_squeeze %dma_wait3A_85 : memref<1x!tpu.dma_semaphore, #tpu.memory_space<semaphore_mem>> -> memref<!tpu.dma_semaphore, #tpu.memory_space<semaphore_mem>>
        tpu.wait_indirect_dma semaphore(%dma_wait3A_86 : memref<!tpu.dma_semaphore, #tpu.memory_space<semaphore_mem>>) src(%arg16 : memref<128x16xf32, #tpu.memory_space<vmem>>) dst(%dma_wait3A_84 : memref<51200x16xf32, #tpu.memory_space<vmem_shared>>)
        %dma_wait3A_87 = arith.constant 3 : i32
        %dma_wait3A_88 = arith.constant 3 : i32
        %dma_wait3A_89 = arith.constant 0 : i32
        %dma_wait3A_90 = tpu.memref_slice %arg12[%dma_wait3A_87, %dma_wait3A_89] : memref<40x128xi32, #tpu.memory_space<vmem>> -> memref<1x128xi32, #tpu.memory_space<vmem>>
        %dma_wait3A_91 = tpu.memref_squeeze %dma_wait3A_90 : memref<1x128xi32, #tpu.memory_space<vmem>> -> memref<128xi32, #tpu.memory_space<vmem>>
        %dma_wait3A_92 = arith.constant 0 : i32
        %dma_wait3A_93 = arith.constant 0 : i32
        %dma_wait3A_94 = tpu.memref_slice %arg20[%dma_wait3A_92, %dma_wait3A_93] : memref<51200x16xf32, #tpu.memory_space<vmem_shared>> -> memref<51200x16xf32, #tpu.memory_space<vmem_shared>>
        %dma_wait3A_95 = tpu.memref_slice %arg22[%dma_wait3A_88] : memref<4x!tpu.dma_semaphore, #tpu.memory_space<semaphore_mem>> -> memref<1x!tpu.dma_semaphore, #tpu.memory_space<semaphore_mem>>
        %dma_wait3A_96 = tpu.memref_squeeze %dma_wait3A_95 : memref<1x!tpu.dma_semaphore, #tpu.memory_space<semaphore_mem>> -> memref<!tpu.dma_semaphore, #tpu.memory_space<semaphore_mem>>
        tpu.wait_indirect_dma semaphore(%dma_wait3A_96 : memref<!tpu.dma_semaphore, #tpu.memory_space<semaphore_mem>>) src(%arg17 : memref<128x16xf32, #tpu.memory_space<vmem>>) dst(%dma_wait3A_94 : memref<51200x16xf32, #tpu.memory_space<vmem_shared>>)
      }
      %scan3A_47 = arith.constant 5 : i32
    } else {
    }
    %eq3A_29 = arith.constant 1 : i32
    %eq3A_30 = arith.cmpi eq, %arg0, %eq3A_29 : i32
    %convert_element_type3A_31 = arith.extui %eq3A_30 : i1 to i32
    %cond3A_32 = arith.constant 0 : i32
    %cond3A_33 = arith.cmpi ne, %convert_element_type3A_31, %cond3A_32 : i32
    scf.if %cond3A_33 {
      %scan3A_42 = arith.constant 0 : i32
      %scan3A_43 = arith.constant 0 : i32
      %scan3A_44 = arith.constant 5 : i32
      %scan3A_45 = arith.addi %scan3A_43, %scan3A_44 : i32
      %scan3A_46 = arith.constant 1 : i32
      scf.for %scan3A_48 = %scan3A_43 to %scan3A_45 step %scan3A_46  : i32 {
        %mul3A_49 = arith.constant 40 : i32
        %mul3A_50 = arith.muli %scan3A_48, %mul3A_49 : i32
        %add3A_51 = arith.addi %mul3A_23, %mul3A_50 : i32
        "tpu.region"() ({
          %run_scoped3A = tpu.sem_alloc : memref<!tpu.dma_semaphore, #tpu.memory_space<semaphore_mem>>
          %dma_start3A = arith.constant 0 : i32
          %dma_start3A_97 = tpu.memref_slice %arg2[%add3A_51, %dma_start3A] : memref<6400x128xi32, #tpu.memory_space<hbm>> -> memref<40x128xi32, #tpu.memory_space<hbm>>
          %dma_start3A_98 = arith.constant 0 : i32
          %dma_start3A_99 = tpu.memref_slice %arg2[%add3A_51, %dma_start3A_98] : memref<6400x128xi32, #tpu.memory_space<hbm>> -> memref<40x128xi32, #tpu.memory_space<hbm>>
          tpu.enqueue_dma source(%dma_start3A_99 : memref<40x128xi32, #tpu.memory_space<hbm>>) target(%arg11 : memref<40x128xi32, #tpu.memory_space<vmem>>) target_semaphore(%run_scoped3A : memref<!tpu.dma_semaphore, #tpu.memory_space<semaphore_mem>>)
          %dma_wait3A_100 = arith.constant 0 : i32
          %dma_wait3A_101 = tpu.memref_slice %arg2[%add3A_51, %dma_wait3A_100] : memref<6400x128xi32, #tpu.memory_space<hbm>> -> memref<40x128xi32, #tpu.memory_space<hbm>>
          %dma_wait3A_102 = arith.constant 0 : i32
          %dma_wait3A_103 = tpu.memref_slice %arg2[%add3A_51, %dma_wait3A_102] : memref<6400x128xi32, #tpu.memory_space<hbm>> -> memref<40x128xi32, #tpu.memory_space<hbm>>
          tpu.wait_dma2 semaphore(%run_scoped3A : memref<!tpu.dma_semaphore, #tpu.memory_space<semaphore_mem>>) src(%dma_wait3A_103 : memref<40x128xi32, #tpu.memory_space<hbm>>) dst(%arg11 : memref<40x128xi32, #tpu.memory_space<vmem>>)
          tpu.yield
        }) : () -> ()
        "tpu.region"() ({
          %run_scoped3A = tpu.sem_alloc : memref<!tpu.dma_semaphore, #tpu.memory_space<semaphore_mem>>
          %dma_start3A = arith.constant 0 : i32
          %dma_start3A_97 = tpu.memref_slice %arg3[%add3A_51, %dma_start3A] : memref<6400x128xi32, #tpu.memory_space<hbm>> -> memref<40x128xi32, #tpu.memory_space<hbm>>
          %dma_start3A_98 = arith.constant 0 : i32
          %dma_start3A_99 = tpu.memref_slice %arg3[%add3A_51, %dma_start3A_98] : memref<6400x128xi32, #tpu.memory_space<hbm>> -> memref<40x128xi32, #tpu.memory_space<hbm>>
          tpu.enqueue_dma source(%dma_start3A_99 : memref<40x128xi32, #tpu.memory_space<hbm>>) target(%arg12 : memref<40x128xi32, #tpu.memory_space<vmem>>) target_semaphore(%run_scoped3A : memref<!tpu.dma_semaphore, #tpu.memory_space<semaphore_mem>>)
          %dma_wait3A_100 = arith.constant 0 : i32
          %dma_wait3A_101 = tpu.memref_slice %arg3[%add3A_51, %dma_wait3A_100] : memref<6400x128xi32, #tpu.memory_space<hbm>> -> memref<40x128xi32, #tpu.memory_space<hbm>>
          %dma_wait3A_102 = arith.constant 0 : i32
          %dma_wait3A_103 = tpu.memref_slice %arg3[%add3A_51, %dma_wait3A_102] : memref<6400x128xi32, #tpu.memory_space<hbm>> -> memref<40x128xi32, #tpu.memory_space<hbm>>
          tpu.wait_dma2 semaphore(%run_scoped3A : memref<!tpu.dma_semaphore, #tpu.memory_space<semaphore_mem>>) src(%dma_wait3A_103 : memref<40x128xi32, #tpu.memory_space<hbm>>) dst(%arg12 : memref<40x128xi32, #tpu.memory_space<vmem>>)
          tpu.yield
        }) : () -> ()
        %scan3A_52 = arith.constant 0 : i32
        %scan3A_53 = arith.constant 0 : i32
        %scan3A_54 = arith.constant 10 : i32
        %scan3A_55 = arith.addi %scan3A_53, %scan3A_54 : i32
        %scan3A_56 = arith.constant 1 : i32
        scf.for %scan3A_97 = %scan3A_53 to %scan3A_55 step %scan3A_56  : i32 {
          %mul3A_98 = arith.constant 4 : i32
          %mul3A_99 = arith.muli %scan3A_97, %mul3A_98 : i32
          %gt3A = arith.constant 0 : i32
          %gt3A_100 = arith.cmpi sgt, %scan3A_97, %gt3A : i32
          %convert_element_type3A_101 = arith.extui %gt3A_100 : i1 to i32
          %cond3A_102 = arith.constant 0 : i32
          %cond3A_103 = arith.cmpi ne, %convert_element_type3A_101, %cond3A_102 : i32
          scf.if %cond3A_103 {
            %add3A_250 = arith.constant 0 : i32
            %add3A_251 = arith.addi %mul3A_99, %add3A_250 : i32
            %dma_wait3A_252 = arith.constant 0 : i32
            %dma_wait3A_253 = arith.constant 0 : i32
            %dma_wait3A_254 = tpu.memref_slice %arg12[%add3A_251, %dma_wait3A_253] : memref<40x128xi32, #tpu.memory_space<vmem>> -> memref<1x128xi32, #tpu.memory_space<vmem>>
            %dma_wait3A_255 = tpu.memref_squeeze %dma_wait3A_254 : memref<1x128xi32, #tpu.memory_space<vmem>> -> memref<128xi32, #tpu.memory_space<vmem>>
            %dma_wait3A_256 = arith.constant 0 : i32
            %dma_wait3A_257 = arith.constant 0 : i32
            %dma_wait3A_258 = tpu.memref_slice %arg20[%dma_wait3A_256, %dma_wait3A_257] : memref<51200x16xf32, #tpu.memory_space<vmem_shared>> -> memref<51200x16xf32, #tpu.memory_space<vmem_shared>>
            %dma_wait3A_259 = tpu.memref_slice %arg22[%dma_wait3A_252] : memref<4x!tpu.dma_semaphore, #tpu.memory_space<semaphore_mem>> -> memref<1x!tpu.dma_semaphore, #tpu.memory_space<semaphore_mem>>
            %dma_wait3A_260 = tpu.memref_squeeze %dma_wait3A_259 : memref<1x!tpu.dma_semaphore, #tpu.memory_space<semaphore_mem>> -> memref<!tpu.dma_semaphore, #tpu.memory_space<semaphore_mem>>
            tpu.wait_indirect_dma semaphore(%dma_wait3A_260 : memref<!tpu.dma_semaphore, #tpu.memory_space<semaphore_mem>>) src(%arg14 : memref<128x16xf32, #tpu.memory_space<vmem>>) dst(%dma_wait3A_258 : memref<51200x16xf32, #tpu.memory_space<vmem_shared>>)
          } else {
          }
          %add3A_104 = arith.constant 0 : i32
          %add3A_105 = arith.addi %mul3A_99, %add3A_104 : i32
          %dma_start3A = arith.constant 0 : i32
          %dma_start3A_106 = arith.constant 0 : i32
          %dma_start3A_107 = tpu.memref_slice %arg11[%add3A_105, %dma_start3A_106] : memref<40x128xi32, #tpu.memory_space<vmem>> -> memref<1x128xi32, #tpu.memory_space<vmem>>
          %dma_start3A_108 = tpu.memref_squeeze %dma_start3A_107 : memref<1x128xi32, #tpu.memory_space<vmem>> -> memref<128xi32, #tpu.memory_space<vmem>>
          %dma_start3A_109 = arith.constant 0 : i32
          %dma_start3A_110 = arith.constant 0 : i32
          %dma_start3A_111 = tpu.memref_slice %arg8[%dma_start3A_109, %dma_start3A_110] : memref<51200x16xf32, #tpu.memory_space<hbm>> -> memref<51200x16xf32, #tpu.memory_space<hbm>>
          %dma_start3A_112 = tpu.memref_slice %arg21[%dma_start3A] : memref<4x!tpu.dma_semaphore, #tpu.memory_space<semaphore_mem>> -> memref<1x!tpu.dma_semaphore, #tpu.memory_space<semaphore_mem>>
          %dma_start3A_113 = tpu.memref_squeeze %dma_start3A_112 : memref<1x!tpu.dma_semaphore, #tpu.memory_space<semaphore_mem>> -> memref<!tpu.dma_semaphore, #tpu.memory_space<semaphore_mem>>
          tpu.enqueue_indirect_dma source(%dma_start3A_111 : memref<51200x16xf32, #tpu.memory_space<hbm>>) target(%arg14 : memref<128x16xf32, #tpu.memory_space<vmem>>) offsets(%dma_start3A_108 : memref<128xi32, #tpu.memory_space<vmem>>) semaphore(%dma_start3A_113 : memref<!tpu.dma_semaphore, #tpu.memory_space<semaphore_mem>>)
          %gt3A_114 = arith.constant 0 : i32
          %gt3A_115 = arith.cmpi sgt, %scan3A_97, %gt3A_114 : i32
          %convert_element_type3A_116 = arith.extui %gt3A_115 : i1 to i32
          %cond3A_117 = arith.constant 0 : i32
          %cond3A_118 = arith.cmpi ne, %convert_element_type3A_116, %cond3A_117 : i32
          scf.if %cond3A_118 {
            %add3A_250 = arith.constant 1 : i32
            %add3A_251 = arith.addi %mul3A_99, %add3A_250 : i32
            %dma_wait3A_252 = arith.constant 1 : i32
            %dma_wait3A_253 = arith.constant 0 : i32
            %dma_wait3A_254 = tpu.memref_slice %arg12[%add3A_251, %dma_wait3A_253] : memref<40x128xi32, #tpu.memory_space<vmem>> -> memref<1x128xi32, #tpu.memory_space<vmem>>
            %dma_wait3A_255 = tpu.memref_squeeze %dma_wait3A_254 : memref<1x128xi32, #tpu.memory_space<vmem>> -> memref<128xi32, #tpu.memory_space<vmem>>
            %dma_wait3A_256 = arith.constant 0 : i32
            %dma_wait3A_257 = arith.constant 0 : i32
            %dma_wait3A_258 = tpu.memref_slice %arg20[%dma_wait3A_256, %dma_wait3A_257] : memref<51200x16xf32, #tpu.memory_space<vmem_shared>> -> memref<51200x16xf32, #tpu.memory_space<vmem_shared>>
            %dma_wait3A_259 = tpu.memref_slice %arg22[%dma_wait3A_252] : memref<4x!tpu.dma_semaphore, #tpu.memory_space<semaphore_mem>> -> memref<1x!tpu.dma_semaphore, #tpu.memory_space<semaphore_mem>>
            %dma_wait3A_260 = tpu.memref_squeeze %dma_wait3A_259 : memref<1x!tpu.dma_semaphore, #tpu.memory_space<semaphore_mem>> -> memref<!tpu.dma_semaphore, #tpu.memory_space<semaphore_mem>>
            tpu.wait_indirect_dma semaphore(%dma_wait3A_260 : memref<!tpu.dma_semaphore, #tpu.memory_space<semaphore_mem>>) src(%arg15 : memref<128x16xf32, #tpu.memory_space<vmem>>) dst(%dma_wait3A_258 : memref<51200x16xf32, #tpu.memory_space<vmem_shared>>)
          } else {
          }
          %add3A_119 = arith.constant 1 : i32
          %add3A_120 = arith.addi %mul3A_99, %add3A_119 : i32
          %dma_start3A_121 = arith.constant 1 : i32
          %dma_start3A_122 = arith.constant 0 : i32
          %dma_start3A_123 = tpu.memref_slice %arg11[%add3A_120, %dma_start3A_122] : memref<40x128xi32, #tpu.memory_space<vmem>> -> memref<1x128xi32, #tpu.memory_space<vmem>>
          %dma_start3A_124 = tpu.memref_squeeze %dma_start3A_123 : memref<1x128xi32, #tpu.memory_space<vmem>> -> memref<128xi32, #tpu.memory_space<vmem>>
          %dma_start3A_125 = arith.constant 0 : i32
          %dma_start3A_126 = arith.constant 0 : i32
          %dma_start3A_127 = tpu.memref_slice %arg8[%dma_start3A_125, %dma_start3A_126] : memref<51200x16xf32, #tpu.memory_space<hbm>> -> memref<51200x16xf32, #tpu.memory_space<hbm>>
          %dma_start3A_128 = tpu.memref_slice %arg21[%dma_start3A_121] : memref<4x!tpu.dma_semaphore, #tpu.memory_space<semaphore_mem>> -> memref<1x!tpu.dma_semaphore, #tpu.memory_space<semaphore_mem>>
          %dma_start3A_129 = tpu.memref_squeeze %dma_start3A_128 : memref<1x!tpu.dma_semaphore, #tpu.memory_space<semaphore_mem>> -> memref<!tpu.dma_semaphore, #tpu.memory_space<semaphore_mem>>
          tpu.enqueue_indirect_dma source(%dma_start3A_127 : memref<51200x16xf32, #tpu.memory_space<hbm>>) target(%arg15 : memref<128x16xf32, #tpu.memory_space<vmem>>) offsets(%dma_start3A_124 : memref<128xi32, #tpu.memory_space<vmem>>) semaphore(%dma_start3A_129 : memref<!tpu.dma_semaphore, #tpu.memory_space<semaphore_mem>>)
          %gt3A_130 = arith.constant 0 : i32
          %gt3A_131 = arith.cmpi sgt, %scan3A_97, %gt3A_130 : i32
          %convert_element_type3A_132 = arith.extui %gt3A_131 : i1 to i32
          %cond3A_133 = arith.constant 0 : i32
          %cond3A_134 = arith.cmpi ne, %convert_element_type3A_132, %cond3A_133 : i32
          scf.if %cond3A_134 {
            %add3A_250 = arith.constant 2 : i32
            %add3A_251 = arith.addi %mul3A_99, %add3A_250 : i32
            %dma_wait3A_252 = arith.constant 2 : i32
            %dma_wait3A_253 = arith.constant 0 : i32
            %dma_wait3A_254 = tpu.memref_slice %arg12[%add3A_251, %dma_wait3A_253] : memref<40x128xi32, #tpu.memory_space<vmem>> -> memref<1x128xi32, #tpu.memory_space<vmem>>
            %dma_wait3A_255 = tpu.memref_squeeze %dma_wait3A_254 : memref<1x128xi32, #tpu.memory_space<vmem>> -> memref<128xi32, #tpu.memory_space<vmem>>
            %dma_wait3A_256 = arith.constant 0 : i32
            %dma_wait3A_257 = arith.constant 0 : i32
            %dma_wait3A_258 = tpu.memref_slice %arg20[%dma_wait3A_256, %dma_wait3A_257] : memref<51200x16xf32, #tpu.memory_space<vmem_shared>> -> memref<51200x16xf32, #tpu.memory_space<vmem_shared>>
            %dma_wait3A_259 = tpu.memref_slice %arg22[%dma_wait3A_252] : memref<4x!tpu.dma_semaphore, #tpu.memory_space<semaphore_mem>> -> memref<1x!tpu.dma_semaphore, #tpu.memory_space<semaphore_mem>>
            %dma_wait3A_260 = tpu.memref_squeeze %dma_wait3A_259 : memref<1x!tpu.dma_semaphore, #tpu.memory_space<semaphore_mem>> -> memref<!tpu.dma_semaphore, #tpu.memory_space<semaphore_mem>>
            tpu.wait_indirect_dma semaphore(%dma_wait3A_260 : memref<!tpu.dma_semaphore, #tpu.memory_space<semaphore_mem>>) src(%arg16 : memref<128x16xf32, #tpu.memory_space<vmem>>) dst(%dma_wait3A_258 : memref<51200x16xf32, #tpu.memory_space<vmem_shared>>)
          } else {
          }
          %add3A_135 = arith.constant 2 : i32
          %add3A_136 = arith.addi %mul3A_99, %add3A_135 : i32
          %dma_start3A_137 = arith.constant 2 : i32
          %dma_start3A_138 = arith.constant 0 : i32
          %dma_start3A_139 = tpu.memref_slice %arg11[%add3A_136, %dma_start3A_138] : memref<40x128xi32, #tpu.memory_space<vmem>> -> memref<1x128xi32, #tpu.memory_space<vmem>>
          %dma_start3A_140 = tpu.memref_squeeze %dma_start3A_139 : memref<1x128xi32, #tpu.memory_space<vmem>> -> memref<128xi32, #tpu.memory_space<vmem>>
          %dma_start3A_141 = arith.constant 0 : i32
          %dma_start3A_142 = arith.constant 0 : i32
          %dma_start3A_143 = tpu.memref_slice %arg8[%dma_start3A_141, %dma_start3A_142] : memref<51200x16xf32, #tpu.memory_space<hbm>> -> memref<51200x16xf32, #tpu.memory_space<hbm>>
          %dma_start3A_144 = tpu.memref_slice %arg21[%dma_start3A_137] : memref<4x!tpu.dma_semaphore, #tpu.memory_space<semaphore_mem>> -> memref<1x!tpu.dma_semaphore, #tpu.memory_space<semaphore_mem>>
          %dma_start3A_145 = tpu.memref_squeeze %dma_start3A_144 : memref<1x!tpu.dma_semaphore, #tpu.memory_space<semaphore_mem>> -> memref<!tpu.dma_semaphore, #tpu.memory_space<semaphore_mem>>
          tpu.enqueue_indirect_dma source(%dma_start3A_143 : memref<51200x16xf32, #tpu.memory_space<hbm>>) target(%arg16 : memref<128x16xf32, #tpu.memory_space<vmem>>) offsets(%dma_start3A_140 : memref<128xi32, #tpu.memory_space<vmem>>) semaphore(%dma_start3A_145 : memref<!tpu.dma_semaphore, #tpu.memory_space<semaphore_mem>>)
          %gt3A_146 = arith.constant 0 : i32
          %gt3A_147 = arith.cmpi sgt, %scan3A_97, %gt3A_146 : i32
          %convert_element_type3A_148 = arith.extui %gt3A_147 : i1 to i32
          %cond3A_149 = arith.constant 0 : i32
          %cond3A_150 = arith.cmpi ne, %convert_element_type3A_148, %cond3A_149 : i32
          scf.if %cond3A_150 {
            %add3A_250 = arith.constant 3 : i32
            %add3A_251 = arith.addi %mul3A_99, %add3A_250 : i32
            %dma_wait3A_252 = arith.constant 3 : i32
            %dma_wait3A_253 = arith.constant 0 : i32
            %dma_wait3A_254 = tpu.memref_slice %arg12[%add3A_251, %dma_wait3A_253] : memref<40x128xi32, #tpu.memory_space<vmem>> -> memref<1x128xi32, #tpu.memory_space<vmem>>
            %dma_wait3A_255 = tpu.memref_squeeze %dma_wait3A_254 : memref<1x128xi32, #tpu.memory_space<vmem>> -> memref<128xi32, #tpu.memory_space<vmem>>
            %dma_wait3A_256 = arith.constant 0 : i32
            %dma_wait3A_257 = arith.constant 0 : i32
            %dma_wait3A_258 = tpu.memref_slice %arg20[%dma_wait3A_256, %dma_wait3A_257] : memref<51200x16xf32, #tpu.memory_space<vmem_shared>> -> memref<51200x16xf32, #tpu.memory_space<vmem_shared>>
            %dma_wait3A_259 = tpu.memref_slice %arg22[%dma_wait3A_252] : memref<4x!tpu.dma_semaphore, #tpu.memory_space<semaphore_mem>> -> memref<1x!tpu.dma_semaphore, #tpu.memory_space<semaphore_mem>>
            %dma_wait3A_260 = tpu.memref_squeeze %dma_wait3A_259 : memref<1x!tpu.dma_semaphore, #tpu.memory_space<semaphore_mem>> -> memref<!tpu.dma_semaphore, #tpu.memory_space<semaphore_mem>>
            tpu.wait_indirect_dma semaphore(%dma_wait3A_260 : memref<!tpu.dma_semaphore, #tpu.memory_space<semaphore_mem>>) src(%arg17 : memref<128x16xf32, #tpu.memory_space<vmem>>) dst(%dma_wait3A_258 : memref<51200x16xf32, #tpu.memory_space<vmem_shared>>)
          } else {
          }
          %add3A_151 = arith.constant 3 : i32
          %add3A_152 = arith.addi %mul3A_99, %add3A_151 : i32
          %dma_start3A_153 = arith.constant 3 : i32
          %dma_start3A_154 = arith.constant 0 : i32
          %dma_start3A_155 = tpu.memref_slice %arg11[%add3A_152, %dma_start3A_154] : memref<40x128xi32, #tpu.memory_space<vmem>> -> memref<1x128xi32, #tpu.memory_space<vmem>>
          %dma_start3A_156 = tpu.memref_squeeze %dma_start3A_155 : memref<1x128xi32, #tpu.memory_space<vmem>> -> memref<128xi32, #tpu.memory_space<vmem>>
          %dma_start3A_157 = arith.constant 0 : i32
          %dma_start3A_158 = arith.constant 0 : i32
          %dma_start3A_159 = tpu.memref_slice %arg8[%dma_start3A_157, %dma_start3A_158] : memref<51200x16xf32, #tpu.memory_space<hbm>> -> memref<51200x16xf32, #tpu.memory_space<hbm>>
          %dma_start3A_160 = tpu.memref_slice %arg21[%dma_start3A_153] : memref<4x!tpu.dma_semaphore, #tpu.memory_space<semaphore_mem>> -> memref<1x!tpu.dma_semaphore, #tpu.memory_space<semaphore_mem>>
          %dma_start3A_161 = tpu.memref_squeeze %dma_start3A_160 : memref<1x!tpu.dma_semaphore, #tpu.memory_space<semaphore_mem>> -> memref<!tpu.dma_semaphore, #tpu.memory_space<semaphore_mem>>
          tpu.enqueue_indirect_dma source(%dma_start3A_159 : memref<51200x16xf32, #tpu.memory_space<hbm>>) target(%arg17 : memref<128x16xf32, #tpu.memory_space<vmem>>) offsets(%dma_start3A_156 : memref<128xi32, #tpu.memory_space<vmem>>) semaphore(%dma_start3A_161 : memref<!tpu.dma_semaphore, #tpu.memory_space<semaphore_mem>>)
          %add3A_162 = arith.constant 0 : i32
          %add3A_163 = arith.addi %mul3A_99, %add3A_162 : i32
          %dma_wait3A_164 = arith.constant 0 : i32
          %dma_wait3A_165 = arith.constant 0 : i32
          %dma_wait3A_166 = tpu.memref_slice %arg11[%add3A_163, %dma_wait3A_165] : memref<40x128xi32, #tpu.memory_space<vmem>> -> memref<1x128xi32, #tpu.memory_space<vmem>>
          %dma_wait3A_167 = tpu.memref_squeeze %dma_wait3A_166 : memref<1x128xi32, #tpu.memory_space<vmem>> -> memref<128xi32, #tpu.memory_space<vmem>>
          %dma_wait3A_168 = arith.constant 0 : i32
          %dma_wait3A_169 = arith.constant 0 : i32
          %dma_wait3A_170 = tpu.memref_slice %arg8[%dma_wait3A_168, %dma_wait3A_169] : memref<51200x16xf32, #tpu.memory_space<hbm>> -> memref<51200x16xf32, #tpu.memory_space<hbm>>
          %dma_wait3A_171 = tpu.memref_slice %arg21[%dma_wait3A_164] : memref<4x!tpu.dma_semaphore, #tpu.memory_space<semaphore_mem>> -> memref<1x!tpu.dma_semaphore, #tpu.memory_space<semaphore_mem>>
          %dma_wait3A_172 = tpu.memref_squeeze %dma_wait3A_171 : memref<1x!tpu.dma_semaphore, #tpu.memory_space<semaphore_mem>> -> memref<!tpu.dma_semaphore, #tpu.memory_space<semaphore_mem>>
          tpu.wait_indirect_dma semaphore(%dma_wait3A_172 : memref<!tpu.dma_semaphore, #tpu.memory_space<semaphore_mem>>) src(%dma_wait3A_170 : memref<51200x16xf32, #tpu.memory_space<hbm>>) dst(%arg14 : memref<128x16xf32, #tpu.memory_space<vmem>>)
          %add3A_173 = arith.constant 0 : i32
          %add3A_174 = arith.addi %mul3A_99, %add3A_173 : i32
          %dma_start3A_175 = arith.constant 0 : i32
          %dma_start3A_176 = arith.constant 0 : i32
          %dma_start3A_177 = tpu.memref_slice %arg12[%add3A_174, %dma_start3A_176] : memref<40x128xi32, #tpu.memory_space<vmem>> -> memref<1x128xi32, #tpu.memory_space<vmem>>
          %dma_start3A_178 = tpu.memref_squeeze %dma_start3A_177 : memref<1x128xi32, #tpu.memory_space<vmem>> -> memref<128xi32, #tpu.memory_space<vmem>>
          %dma_start3A_179 = arith.constant 0 : i32
          %dma_start3A_180 = arith.constant 0 : i32
          %dma_start3A_181 = tpu.memref_slice %arg20[%dma_start3A_179, %dma_start3A_180] : memref<51200x16xf32, #tpu.memory_space<vmem_shared>> -> memref<51200x16xf32, #tpu.memory_space<vmem_shared>>
          %dma_start3A_182 = tpu.memref_slice %arg22[%dma_start3A_175] : memref<4x!tpu.dma_semaphore, #tpu.memory_space<semaphore_mem>> -> memref<1x!tpu.dma_semaphore, #tpu.memory_space<semaphore_mem>>
          %dma_start3A_183 = tpu.memref_squeeze %dma_start3A_182 : memref<1x!tpu.dma_semaphore, #tpu.memory_space<semaphore_mem>> -> memref<!tpu.dma_semaphore, #tpu.memory_space<semaphore_mem>>
          tpu.enqueue_indirect_dma source(%arg14 : memref<128x16xf32, #tpu.memory_space<vmem>>) target(%dma_start3A_181 : memref<51200x16xf32, #tpu.memory_space<vmem_shared>>) offsets(%dma_start3A_178 : memref<128xi32, #tpu.memory_space<vmem>>) semaphore(%dma_start3A_183 : memref<!tpu.dma_semaphore, #tpu.memory_space<semaphore_mem>>) {add = true}
          %add3A_184 = arith.constant 1 : i32
          %add3A_185 = arith.addi %mul3A_99, %add3A_184 : i32
          %dma_wait3A_186 = arith.constant 1 : i32
          %dma_wait3A_187 = arith.constant 0 : i32
          %dma_wait3A_188 = tpu.memref_slice %arg11[%add3A_185, %dma_wait3A_187] : memref<40x128xi32, #tpu.memory_space<vmem>> -> memref<1x128xi32, #tpu.memory_space<vmem>>
          %dma_wait3A_189 = tpu.memref_squeeze %dma_wait3A_188 : memref<1x128xi32, #tpu.memory_space<vmem>> -> memref<128xi32, #tpu.memory_space<vmem>>
          %dma_wait3A_190 = arith.constant 0 : i32
          %dma_wait3A_191 = arith.constant 0 : i32
          %dma_wait3A_192 = tpu.memref_slice %arg8[%dma_wait3A_190, %dma_wait3A_191] : memref<51200x16xf32, #tpu.memory_space<hbm>> -> memref<51200x16xf32, #tpu.memory_space<hbm>>
          %dma_wait3A_193 = tpu.memref_slice %arg21[%dma_wait3A_186] : memref<4x!tpu.dma_semaphore, #tpu.memory_space<semaphore_mem>> -> memref<1x!tpu.dma_semaphore, #tpu.memory_space<semaphore_mem>>
          %dma_wait3A_194 = tpu.memref_squeeze %dma_wait3A_193 : memref<1x!tpu.dma_semaphore, #tpu.memory_space<semaphore_mem>> -> memref<!tpu.dma_semaphore, #tpu.memory_space<semaphore_mem>>
          tpu.wait_indirect_dma semaphore(%dma_wait3A_194 : memref<!tpu.dma_semaphore, #tpu.memory_space<semaphore_mem>>) src(%dma_wait3A_192 : memref<51200x16xf32, #tpu.memory_space<hbm>>) dst(%arg15 : memref<128x16xf32, #tpu.memory_space<vmem>>)
          %add3A_195 = arith.constant 1 : i32
          %add3A_196 = arith.addi %mul3A_99, %add3A_195 : i32
          %dma_start3A_197 = arith.constant 1 : i32
          %dma_start3A_198 = arith.constant 0 : i32
          %dma_start3A_199 = tpu.memref_slice %arg12[%add3A_196, %dma_start3A_198] : memref<40x128xi32, #tpu.memory_space<vmem>> -> memref<1x128xi32, #tpu.memory_space<vmem>>
          %dma_start3A_200 = tpu.memref_squeeze %dma_start3A_199 : memref<1x128xi32, #tpu.memory_space<vmem>> -> memref<128xi32, #tpu.memory_space<vmem>>
          %dma_start3A_201 = arith.constant 0 : i32
          %dma_start3A_202 = arith.constant 0 : i32
          %dma_start3A_203 = tpu.memref_slice %arg20[%dma_start3A_201, %dma_start3A_202] : memref<51200x16xf32, #tpu.memory_space<vmem_shared>> -> memref<51200x16xf32, #tpu.memory_space<vmem_shared>>
          %dma_start3A_204 = tpu.memref_slice %arg22[%dma_start3A_197] : memref<4x!tpu.dma_semaphore, #tpu.memory_space<semaphore_mem>> -> memref<1x!tpu.dma_semaphore, #tpu.memory_space<semaphore_mem>>
          %dma_start3A_205 = tpu.memref_squeeze %dma_start3A_204 : memref<1x!tpu.dma_semaphore, #tpu.memory_space<semaphore_mem>> -> memref<!tpu.dma_semaphore, #tpu.memory_space<semaphore_mem>>
          tpu.enqueue_indirect_dma source(%arg15 : memref<128x16xf32, #tpu.memory_space<vmem>>) target(%dma_start3A_203 : memref<51200x16xf32, #tpu.memory_space<vmem_shared>>) offsets(%dma_start3A_200 : memref<128xi32, #tpu.memory_space<vmem>>) semaphore(%dma_start3A_205 : memref<!tpu.dma_semaphore, #tpu.memory_space<semaphore_mem>>) {add = true}
          %add3A_206 = arith.constant 2 : i32
          %add3A_207 = arith.addi %mul3A_99, %add3A_206 : i32
          %dma_wait3A_208 = arith.constant 2 : i32
          %dma_wait3A_209 = arith.constant 0 : i32
          %dma_wait3A_210 = tpu.memref_slice %arg11[%add3A_207, %dma_wait3A_209] : memref<40x128xi32, #tpu.memory_space<vmem>> -> memref<1x128xi32, #tpu.memory_space<vmem>>
          %dma_wait3A_211 = tpu.memref_squeeze %dma_wait3A_210 : memref<1x128xi32, #tpu.memory_space<vmem>> -> memref<128xi32, #tpu.memory_space<vmem>>
          %dma_wait3A_212 = arith.constant 0 : i32
          %dma_wait3A_213 = arith.constant 0 : i32
          %dma_wait3A_214 = tpu.memref_slice %arg8[%dma_wait3A_212, %dma_wait3A_213] : memref<51200x16xf32, #tpu.memory_space<hbm>> -> memref<51200x16xf32, #tpu.memory_space<hbm>>
          %dma_wait3A_215 = tpu.memref_slice %arg21[%dma_wait3A_208] : memref<4x!tpu.dma_semaphore, #tpu.memory_space<semaphore_mem>> -> memref<1x!tpu.dma_semaphore, #tpu.memory_space<semaphore_mem>>
          %dma_wait3A_216 = tpu.memref_squeeze %dma_wait3A_215 : memref<1x!tpu.dma_semaphore, #tpu.memory_space<semaphore_mem>> -> memref<!tpu.dma_semaphore, #tpu.memory_space<semaphore_mem>>
          tpu.wait_indirect_dma semaphore(%dma_wait3A_216 : memref<!tpu.dma_semaphore, #tpu.memory_space<semaphore_mem>>) src(%dma_wait3A_214 : memref<51200x16xf32, #tpu.memory_space<hbm>>) dst(%arg16 : memref<128x16xf32, #tpu.memory_space<vmem>>)
          %add3A_217 = arith.constant 2 : i32
          %add3A_218 = arith.addi %mul3A_99, %add3A_217 : i32
          %dma_start3A_219 = arith.constant 2 : i32
          %dma_start3A_220 = arith.constant 0 : i32
          %dma_start3A_221 = tpu.memref_slice %arg12[%add3A_218, %dma_start3A_220] : memref<40x128xi32, #tpu.memory_space<vmem>> -> memref<1x128xi32, #tpu.memory_space<vmem>>
          %dma_start3A_222 = tpu.memref_squeeze %dma_start3A_221 : memref<1x128xi32, #tpu.memory_space<vmem>> -> memref<128xi32, #tpu.memory_space<vmem>>
          %dma_start3A_223 = arith.constant 0 : i32
          %dma_start3A_224 = arith.constant 0 : i32
          %dma_start3A_225 = tpu.memref_slice %arg20[%dma_start3A_223, %dma_start3A_224] : memref<51200x16xf32, #tpu.memory_space<vmem_shared>> -> memref<51200x16xf32, #tpu.memory_space<vmem_shared>>
          %dma_start3A_226 = tpu.memref_slice %arg22[%dma_start3A_219] : memref<4x!tpu.dma_semaphore, #tpu.memory_space<semaphore_mem>> -> memref<1x!tpu.dma_semaphore, #tpu.memory_space<semaphore_mem>>
          %dma_start3A_227 = tpu.memref_squeeze %dma_start3A_226 : memref<1x!tpu.dma_semaphore, #tpu.memory_space<semaphore_mem>> -> memref<!tpu.dma_semaphore, #tpu.memory_space<semaphore_mem>>
          tpu.enqueue_indirect_dma source(%arg16 : memref<128x16xf32, #tpu.memory_space<vmem>>) target(%dma_start3A_225 : memref<51200x16xf32, #tpu.memory_space<vmem_shared>>) offsets(%dma_start3A_222 : memref<128xi32, #tpu.memory_space<vmem>>) semaphore(%dma_start3A_227 : memref<!tpu.dma_semaphore, #tpu.memory_space<semaphore_mem>>) {add = true}
          %add3A_228 = arith.constant 3 : i32
          %add3A_229 = arith.addi %mul3A_99, %add3A_228 : i32
          %dma_wait3A_230 = arith.constant 3 : i32
          %dma_wait3A_231 = arith.constant 0 : i32
          %dma_wait3A_232 = tpu.memref_slice %arg11[%add3A_229, %dma_wait3A_231] : memref<40x128xi32, #tpu.memory_space<vmem>> -> memref<1x128xi32, #tpu.memory_space<vmem>>
          %dma_wait3A_233 = tpu.memref_squeeze %dma_wait3A_232 : memref<1x128xi32, #tpu.memory_space<vmem>> -> memref<128xi32, #tpu.memory_space<vmem>>
          %dma_wait3A_234 = arith.constant 0 : i32
          %dma_wait3A_235 = arith.constant 0 : i32
          %dma_wait3A_236 = tpu.memref_slice %arg8[%dma_wait3A_234, %dma_wait3A_235] : memref<51200x16xf32, #tpu.memory_space<hbm>> -> memref<51200x16xf32, #tpu.memory_space<hbm>>
          %dma_wait3A_237 = tpu.memref_slice %arg21[%dma_wait3A_230] : memref<4x!tpu.dma_semaphore, #tpu.memory_space<semaphore_mem>> -> memref<1x!tpu.dma_semaphore, #tpu.memory_space<semaphore_mem>>
          %dma_wait3A_238 = tpu.memref_squeeze %dma_wait3A_237 : memref<1x!tpu.dma_semaphore, #tpu.memory_space<semaphore_mem>> -> memref<!tpu.dma_semaphore, #tpu.memory_space<semaphore_mem>>
          tpu.wait_indirect_dma semaphore(%dma_wait3A_238 : memref<!tpu.dma_semaphore, #tpu.memory_space<semaphore_mem>>) src(%dma_wait3A_236 : memref<51200x16xf32, #tpu.memory_space<hbm>>) dst(%arg17 : memref<128x16xf32, #tpu.memory_space<vmem>>)
          %add3A_239 = arith.constant 3 : i32
          %add3A_240 = arith.addi %mul3A_99, %add3A_239 : i32
          %dma_start3A_241 = arith.constant 3 : i32
          %dma_start3A_242 = arith.constant 0 : i32
          %dma_start3A_243 = tpu.memref_slice %arg12[%add3A_240, %dma_start3A_242] : memref<40x128xi32, #tpu.memory_space<vmem>> -> memref<1x128xi32, #tpu.memory_space<vmem>>
          %dma_start3A_244 = tpu.memref_squeeze %dma_start3A_243 : memref<1x128xi32, #tpu.memory_space<vmem>> -> memref<128xi32, #tpu.memory_space<vmem>>
          %dma_start3A_245 = arith.constant 0 : i32
          %dma_start3A_246 = arith.constant 0 : i32
          %dma_start3A_247 = tpu.memref_slice %arg20[%dma_start3A_245, %dma_start3A_246] : memref<51200x16xf32, #tpu.memory_space<vmem_shared>> -> memref<51200x16xf32, #tpu.memory_space<vmem_shared>>
          %dma_start3A_248 = tpu.memref_slice %arg22[%dma_start3A_241] : memref<4x!tpu.dma_semaphore, #tpu.memory_space<semaphore_mem>> -> memref<1x!tpu.dma_semaphore, #tpu.memory_space<semaphore_mem>>
          %dma_start3A_249 = tpu.memref_squeeze %dma_start3A_248 : memref<1x!tpu.dma_semaphore, #tpu.memory_space<semaphore_mem>> -> memref<!tpu.dma_semaphore, #tpu.memory_space<semaphore_mem>>
          tpu.enqueue_indirect_dma source(%arg17 : memref<128x16xf32, #tpu.memory_space<vmem>>) target(%dma_start3A_247 : memref<51200x16xf32, #tpu.memory_space<vmem_shared>>) offsets(%dma_start3A_244 : memref<128xi32, #tpu.memory_space<vmem>>) semaphore(%dma_start3A_249 : memref<!tpu.dma_semaphore, #tpu.memory_space<semaphore_mem>>) {add = true}
        }
        %scan3A_57 = arith.constant 10 : i32
        %dma_wait3A = arith.constant 0 : i32
        %dma_wait3A_58 = arith.constant 0 : i32
        %dma_wait3A_59 = arith.constant 0 : i32
        %dma_wait3A_60 = tpu.memref_slice %arg12[%dma_wait3A, %dma_wait3A_59] : memref<40x128xi32, #tpu.memory_space<vmem>> -> memref<1x128xi32, #tpu.memory_space<vmem>>
        %dma_wait3A_61 = tpu.memref_squeeze %dma_wait3A_60 : memref<1x128xi32, #tpu.memory_space<vmem>> -> memref<128xi32, #tpu.memory_space<vmem>>
        %dma_wait3A_62 = arith.constant 0 : i32
        %dma_wait3A_63 = arith.constant 0 : i32
        %dma_wait3A_64 = tpu.memref_slice %arg20[%dma_wait3A_62, %dma_wait3A_63] : memref<51200x16xf32, #tpu.memory_space<vmem_shared>> -> memref<51200x16xf32, #tpu.memory_space<vmem_shared>>
        %dma_wait3A_65 = tpu.memref_slice %arg22[%dma_wait3A_58] : memref<4x!tpu.dma_semaphore, #tpu.memory_space<semaphore_mem>> -> memref<1x!tpu.dma_semaphore, #tpu.memory_space<semaphore_mem>>
        %dma_wait3A_66 = tpu.memref_squeeze %dma_wait3A_65 : memref<1x!tpu.dma_semaphore, #tpu.memory_space<semaphore_mem>> -> memref<!tpu.dma_semaphore, #tpu.memory_space<semaphore_mem>>
        tpu.wait_indirect_dma semaphore(%dma_wait3A_66 : memref<!tpu.dma_semaphore, #tpu.memory_space<semaphore_mem>>) src(%arg14 : memref<128x16xf32, #tpu.memory_space<vmem>>) dst(%dma_wait3A_64 : memref<51200x16xf32, #tpu.memory_space<vmem_shared>>)
        %dma_wait3A_67 = arith.constant 1 : i32
        %dma_wait3A_68 = arith.constant 1 : i32
        %dma_wait3A_69 = arith.constant 0 : i32
        %dma_wait3A_70 = tpu.memref_slice %arg12[%dma_wait3A_67, %dma_wait3A_69] : memref<40x128xi32, #tpu.memory_space<vmem>> -> memref<1x128xi32, #tpu.memory_space<vmem>>
        %dma_wait3A_71 = tpu.memref_squeeze %dma_wait3A_70 : memref<1x128xi32, #tpu.memory_space<vmem>> -> memref<128xi32, #tpu.memory_space<vmem>>
        %dma_wait3A_72 = arith.constant 0 : i32
        %dma_wait3A_73 = arith.constant 0 : i32
        %dma_wait3A_74 = tpu.memref_slice %arg20[%dma_wait3A_72, %dma_wait3A_73] : memref<51200x16xf32, #tpu.memory_space<vmem_shared>> -> memref<51200x16xf32, #tpu.memory_space<vmem_shared>>
        %dma_wait3A_75 = tpu.memref_slice %arg22[%dma_wait3A_68] : memref<4x!tpu.dma_semaphore, #tpu.memory_space<semaphore_mem>> -> memref<1x!tpu.dma_semaphore, #tpu.memory_space<semaphore_mem>>
        %dma_wait3A_76 = tpu.memref_squeeze %dma_wait3A_75 : memref<1x!tpu.dma_semaphore, #tpu.memory_space<semaphore_mem>> -> memref<!tpu.dma_semaphore, #tpu.memory_space<semaphore_mem>>
        tpu.wait_indirect_dma semaphore(%dma_wait3A_76 : memref<!tpu.dma_semaphore, #tpu.memory_space<semaphore_mem>>) src(%arg15 : memref<128x16xf32, #tpu.memory_space<vmem>>) dst(%dma_wait3A_74 : memref<51200x16xf32, #tpu.memory_space<vmem_shared>>)
        %dma_wait3A_77 = arith.constant 2 : i32
        %dma_wait3A_78 = arith.constant 2 : i32
        %dma_wait3A_79 = arith.constant 0 : i32
        %dma_wait3A_80 = tpu.memref_slice %arg12[%dma_wait3A_77, %dma_wait3A_79] : memref<40x128xi32, #tpu.memory_space<vmem>> -> memref<1x128xi32, #tpu.memory_space<vmem>>
        %dma_wait3A_81 = tpu.memref_squeeze %dma_wait3A_80 : memref<1x128xi32, #tpu.memory_space<vmem>> -> memref<128xi32, #tpu.memory_space<vmem>>
        %dma_wait3A_82 = arith.constant 0 : i32
        %dma_wait3A_83 = arith.constant 0 : i32
        %dma_wait3A_84 = tpu.memref_slice %arg20[%dma_wait3A_82, %dma_wait3A_83] : memref<51200x16xf32, #tpu.memory_space<vmem_shared>> -> memref<51200x16xf32, #tpu.memory_space<vmem_shared>>
        %dma_wait3A_85 = tpu.memref_slice %arg22[%dma_wait3A_78] : memref<4x!tpu.dma_semaphore, #tpu.memory_space<semaphore_mem>> -> memref<1x!tpu.dma_semaphore, #tpu.memory_space<semaphore_mem>>
        %dma_wait3A_86 = tpu.memref_squeeze %dma_wait3A_85 : memref<1x!tpu.dma_semaphore, #tpu.memory_space<semaphore_mem>> -> memref<!tpu.dma_semaphore, #tpu.memory_space<semaphore_mem>>
        tpu.wait_indirect_dma semaphore(%dma_wait3A_86 : memref<!tpu.dma_semaphore, #tpu.memory_space<semaphore_mem>>) src(%arg16 : memref<128x16xf32, #tpu.memory_space<vmem>>) dst(%dma_wait3A_84 : memref<51200x16xf32, #tpu.memory_space<vmem_shared>>)
        %dma_wait3A_87 = arith.constant 3 : i32
        %dma_wait3A_88 = arith.constant 3 : i32
        %dma_wait3A_89 = arith.constant 0 : i32
        %dma_wait3A_90 = tpu.memref_slice %arg12[%dma_wait3A_87, %dma_wait3A_89] : memref<40x128xi32, #tpu.memory_space<vmem>> -> memref<1x128xi32, #tpu.memory_space<vmem>>
        %dma_wait3A_91 = tpu.memref_squeeze %dma_wait3A_90 : memref<1x128xi32, #tpu.memory_space<vmem>> -> memref<128xi32, #tpu.memory_space<vmem>>
        %dma_wait3A_92 = arith.constant 0 : i32
        %dma_wait3A_93 = arith.constant 0 : i32
        %dma_wait3A_94 = tpu.memref_slice %arg20[%dma_wait3A_92, %dma_wait3A_93] : memref<51200x16xf32, #tpu.memory_space<vmem_shared>> -> memref<51200x16xf32, #tpu.memory_space<vmem_shared>>
        %dma_wait3A_95 = tpu.memref_slice %arg22[%dma_wait3A_88] : memref<4x!tpu.dma_semaphore, #tpu.memory_space<semaphore_mem>> -> memref<1x!tpu.dma_semaphore, #tpu.memory_space<semaphore_mem>>
        %dma_wait3A_96 = tpu.memref_squeeze %dma_wait3A_95 : memref<1x!tpu.dma_semaphore, #tpu.memory_space<semaphore_mem>> -> memref<!tpu.dma_semaphore, #tpu.memory_space<semaphore_mem>>
        tpu.wait_indirect_dma semaphore(%dma_wait3A_96 : memref<!tpu.dma_semaphore, #tpu.memory_space<semaphore_mem>>) src(%arg17 : memref<128x16xf32, #tpu.memory_space<vmem>>) dst(%dma_wait3A_94 : memref<51200x16xf32, #tpu.memory_space<vmem_shared>>)
      }
      %scan3A_47 = arith.constant 5 : i32
    } else {
    }
    %barrier3A_34 = arith.constant 0 : index
    tpu.barrier barrier_id(%barrier3A_34)
    %mul3A_35 = arith.constant 3200 : i32
    %mul3A_36 = arith.muli %arg1, %mul3A_35 : i32
    %mul3A_37 = arith.constant 51200 : i32
    %mul3A_38 = arith.muli %arg0, %mul3A_37 : i32
    %mul3A_39 = arith.constant 3200 : i32
    %mul3A_40 = arith.muli %arg1, %mul3A_39 : i32
    %add3A_41 = arith.addi %mul3A_38, %mul3A_40 : i32
    "tpu.region"() ({
      %run_scoped3A = tpu.sem_alloc : memref<!tpu.dma_semaphore, #tpu.memory_space<semaphore_mem>>
      %dma_start3A = arith.constant 0 : i32
      %dma_start3A_42 = tpu.memref_slice %arg10[%add3A_41, %dma_start3A] : memref<102400x16xf32, #tpu.memory_space<hbm>> -> memref<3200x16xf32, #tpu.memory_space<hbm>>
      %dma_start3A_43 = arith.constant 0 : i32
      %dma_start3A_44 = tpu.memref_slice %arg20[%mul3A_36, %dma_start3A_43] : memref<51200x16xf32, #tpu.memory_space<vmem_shared>> -> memref<3200x16xf32, #tpu.memory_space<vmem_shared>>
      tpu.enqueue_dma source(%dma_start3A_44 : memref<3200x16xf32, #tpu.memory_space<vmem_shared>>) target(%dma_start3A_42 : memref<3200x16xf32, #tpu.memory_space<hbm>>) target_semaphore(%run_scoped3A : memref<!tpu.dma_semaphore, #tpu.memory_space<semaphore_mem>>)
      %dma_wait3A = arith.constant 0 : i32
      %dma_wait3A_45 = tpu.memref_slice %arg10[%add3A_41, %dma_wait3A] : memref<102400x16xf32, #tpu.memory_space<hbm>> -> memref<3200x16xf32, #tpu.memory_space<hbm>>
      %dma_wait3A_46 = arith.constant 0 : i32
      %dma_wait3A_47 = tpu.memref_slice %arg20[%mul3A_36, %dma_wait3A_46] : memref<51200x16xf32, #tpu.memory_space<vmem_shared>> -> memref<3200x16xf32, #tpu.memory_space<vmem_shared>>
      tpu.wait_dma2 semaphore(%run_scoped3A : memref<!tpu.dma_semaphore, #tpu.memory_space<semaphore_mem>>) src(%dma_wait3A_47 : memref<3200x16xf32, #tpu.memory_space<vmem_shared>>) dst(%dma_wait3A_45 : memref<3200x16xf32, #tpu.memory_space<hbm>>)
      tpu.yield
    }) : () -> ()
    return
  }
}

#map = affine_map<(d0, d1) -> (0, 0)>
module attributes {stable_mosaic.version = 14 : i64} {
  func.func @_agg2_pass(%arg0: i32, %arg1: i32, %arg2: memref<12800x64xi32, #tpu.memory_space<hbm>>, %arg3: memref<12800x64xi32, #tpu.memory_space<hbm>>, %arg4: memref<51200x32xf32, #tpu.memory_space<hbm>>, %arg5: memref<51200x32xf32, #tpu.memory_space<hbm>>, %arg6: memref<3200x32xf32, #tpu.memory_space<hbm>>, %arg7: memref<102400x32xf32, #tpu.memory_space<hbm>>, %arg8: memref<40x64xi32, #tpu.memory_space<vmem>>, %arg9: memref<40x64xi32, #tpu.memory_space<vmem>>, %arg10: memref<64x32xf32, #tpu.memory_space<vmem>>, %arg11: memref<64x32xf32, #tpu.memory_space<vmem>>, %arg12: memref<64x32xf32, #tpu.memory_space<vmem>>, %arg13: memref<64x32xf32, #tpu.memory_space<vmem>>, %arg14: memref<64x32xf32, #tpu.memory_space<vmem>>, %arg15: memref<64x32xf32, #tpu.memory_space<vmem>>, %arg16: memref<64x32xf32, #tpu.memory_space<vmem>>, %arg17: memref<64x32xf32, #tpu.memory_space<vmem>>, %arg18: memref<51200x32xf32, #tpu.memory_space<vmem_shared>>, %arg19: memref<8x!tpu.dma_semaphore, #tpu.memory_space<semaphore_mem>>, %arg20: memref<8x!tpu.dma_semaphore, #tpu.memory_space<semaphore_mem>>) attributes {dimension_semantics = [#tpu.dimension_semantics<core_parallel>, #tpu.dimension_semantics<subcore_parallel>], iteration_bounds = array<i64: 2, 16>, scalar_prefetch = 0 : i64, scratch_operands = 13 : i64, tpu.core_type = #tpu.core_type<sc_vector_subcore>, window_params = [{transform_indices = #map}, {transform_indices = #map}, {transform_indices = #map}, {transform_indices = #map}, {transform_indices = #map}, {transform_indices = #map}]} {
    %mul3A = arith.constant 3200 : i32
    %mul3A_0 = arith.muli %arg1, %mul3A : i32
    "tpu.region"() ({
      %run_scoped3A = tpu.sem_alloc : memref<!tpu.dma_semaphore, #tpu.memory_space<semaphore_mem>>
      %dma_start3A = arith.constant 0 : i32
      %dma_start3A_17 = tpu.memref_slice %arg18[%mul3A_0, %dma_start3A] : memref<51200x32xf32, #tpu.memory_space<vmem_shared>> -> memref<3200x32xf32, #tpu.memory_space<vmem_shared>>
      tpu.enqueue_dma source(%arg6 : memref<3200x32xf32, #tpu.memory_space<hbm>>) target(%dma_start3A_17 : memref<3200x32xf32, #tpu.memory_space<vmem_shared>>) target_semaphore(%run_scoped3A : memref<!tpu.dma_semaphore, #tpu.memory_space<semaphore_mem>>)
      %dma_wait3A = arith.constant 0 : i32
      %dma_wait3A_18 = tpu.memref_slice %arg18[%mul3A_0, %dma_wait3A] : memref<51200x32xf32, #tpu.memory_space<vmem_shared>> -> memref<3200x32xf32, #tpu.memory_space<vmem_shared>>
      tpu.wait_dma2 semaphore(%run_scoped3A : memref<!tpu.dma_semaphore, #tpu.memory_space<semaphore_mem>>) src(%arg6 : memref<3200x32xf32, #tpu.memory_space<hbm>>) dst(%dma_wait3A_18 : memref<3200x32xf32, #tpu.memory_space<vmem_shared>>)
      tpu.yield
    }) : () -> ()
    %barrier3A = arith.constant 0 : index
    tpu.barrier barrier_id(%barrier3A)
    %mul3A_1 = arith.constant 800 : i32
    %mul3A_2 = arith.muli %arg1, %mul3A_1 : i32
    %eq3A = arith.constant 0 : i32
    %eq3A_3 = arith.cmpi eq, %arg0, %eq3A : i32
    %convert_element_type3A = arith.extui %eq3A_3 : i1 to i32
    %cond3A = arith.constant 0 : i32
    %cond3A_4 = arith.cmpi ne, %convert_element_type3A, %cond3A : i32
    scf.if %cond3A_4 {
      %scan3A = arith.constant 0 : i32
      %scan3A_17 = arith.constant 0 : i32
      %scan3A_18 = arith.constant 20 : i32
      %scan3A_19 = arith.addi %scan3A_17, %scan3A_18 : i32
      %scan3A_20 = arith.constant 1 : i32
      scf.for %scan3A_22 = %scan3A_17 to %scan3A_19 step %scan3A_20  : i32 {
        %mul3A_23 = arith.constant 40 : i32
        %mul3A_24 = arith.muli %scan3A_22, %mul3A_23 : i32
        %add3A_25 = arith.addi %mul3A_2, %mul3A_24 : i32
        "tpu.region"() ({
          %run_scoped3A = tpu.sem_alloc : memref<!tpu.dma_semaphore, #tpu.memory_space<semaphore_mem>>
          %dma_start3A = arith.constant 0 : i32
          %dma_start3A_111 = tpu.memref_slice %arg2[%add3A_25, %dma_start3A] : memref<12800x64xi32, #tpu.memory_space<hbm>> -> memref<40x64xi32, #tpu.memory_space<hbm>>
          %dma_start3A_112 = arith.constant 0 : i32
          %dma_start3A_113 = tpu.memref_slice %arg2[%add3A_25, %dma_start3A_112] : memref<12800x64xi32, #tpu.memory_space<hbm>> -> memref<40x64xi32, #tpu.memory_space<hbm>>
          tpu.enqueue_dma source(%dma_start3A_113 : memref<40x64xi32, #tpu.memory_space<hbm>>) target(%arg8 : memref<40x64xi32, #tpu.memory_space<vmem>>) target_semaphore(%run_scoped3A : memref<!tpu.dma_semaphore, #tpu.memory_space<semaphore_mem>>)
          %dma_wait3A_114 = arith.constant 0 : i32
          %dma_wait3A_115 = tpu.memref_slice %arg2[%add3A_25, %dma_wait3A_114] : memref<12800x64xi32, #tpu.memory_space<hbm>> -> memref<40x64xi32, #tpu.memory_space<hbm>>
          %dma_wait3A_116 = arith.constant 0 : i32
          %dma_wait3A_117 = tpu.memref_slice %arg2[%add3A_25, %dma_wait3A_116] : memref<12800x64xi32, #tpu.memory_space<hbm>> -> memref<40x64xi32, #tpu.memory_space<hbm>>
          tpu.wait_dma2 semaphore(%run_scoped3A : memref<!tpu.dma_semaphore, #tpu.memory_space<semaphore_mem>>) src(%dma_wait3A_117 : memref<40x64xi32, #tpu.memory_space<hbm>>) dst(%arg8 : memref<40x64xi32, #tpu.memory_space<vmem>>)
          tpu.yield
        }) : () -> ()
        "tpu.region"() ({
          %run_scoped3A = tpu.sem_alloc : memref<!tpu.dma_semaphore, #tpu.memory_space<semaphore_mem>>
          %dma_start3A = arith.constant 0 : i32
          %dma_start3A_111 = tpu.memref_slice %arg3[%add3A_25, %dma_start3A] : memref<12800x64xi32, #tpu.memory_space<hbm>> -> memref<40x64xi32, #tpu.memory_space<hbm>>
          %dma_start3A_112 = arith.constant 0 : i32
          %dma_start3A_113 = tpu.memref_slice %arg3[%add3A_25, %dma_start3A_112] : memref<12800x64xi32, #tpu.memory_space<hbm>> -> memref<40x64xi32, #tpu.memory_space<hbm>>
          tpu.enqueue_dma source(%dma_start3A_113 : memref<40x64xi32, #tpu.memory_space<hbm>>) target(%arg9 : memref<40x64xi32, #tpu.memory_space<vmem>>) target_semaphore(%run_scoped3A : memref<!tpu.dma_semaphore, #tpu.memory_space<semaphore_mem>>)
          %dma_wait3A_114 = arith.constant 0 : i32
          %dma_wait3A_115 = tpu.memref_slice %arg3[%add3A_25, %dma_wait3A_114] : memref<12800x64xi32, #tpu.memory_space<hbm>> -> memref<40x64xi32, #tpu.memory_space<hbm>>
          %dma_wait3A_116 = arith.constant 0 : i32
          %dma_wait3A_117 = tpu.memref_slice %arg3[%add3A_25, %dma_wait3A_116] : memref<12800x64xi32, #tpu.memory_space<hbm>> -> memref<40x64xi32, #tpu.memory_space<hbm>>
          tpu.wait_dma2 semaphore(%run_scoped3A : memref<!tpu.dma_semaphore, #tpu.memory_space<semaphore_mem>>) src(%dma_wait3A_117 : memref<40x64xi32, #tpu.memory_space<hbm>>) dst(%arg9 : memref<40x64xi32, #tpu.memory_space<vmem>>)
          tpu.yield
        }) : () -> ()
        %scan3A_26 = arith.constant 0 : i32
        %scan3A_27 = arith.constant 0 : i32
        %scan3A_28 = arith.constant 5 : i32
        %scan3A_29 = arith.addi %scan3A_27, %scan3A_28 : i32
        %scan3A_30 = arith.constant 1 : i32
        scf.for %scan3A_111 = %scan3A_27 to %scan3A_29 step %scan3A_30  : i32 {
          %mul3A_112 = arith.constant 8 : i32
          %mul3A_113 = arith.muli %scan3A_111, %mul3A_112 : i32
          %gt3A = arith.constant 0 : i32
          %gt3A_114 = arith.cmpi sgt, %scan3A_111, %gt3A : i32
          %convert_element_type3A_115 = arith.extui %gt3A_114 : i1 to i32
          %cond3A_116 = arith.constant 0 : i32
          %cond3A_117 = arith.cmpi ne, %convert_element_type3A_115, %cond3A_116 : i32
          scf.if %cond3A_117 {
            %add3A_416 = arith.constant 0 : i32
            %add3A_417 = arith.addi %mul3A_113, %add3A_416 : i32
            %dma_wait3A_418 = arith.constant 0 : i32
            %dma_wait3A_419 = arith.constant 0 : i32
            %dma_wait3A_420 = tpu.memref_slice %arg9[%add3A_417, %dma_wait3A_419] : memref<40x64xi32, #tpu.memory_space<vmem>> -> memref<1x64xi32, #tpu.memory_space<vmem>>
            %dma_wait3A_421 = tpu.memref_squeeze %dma_wait3A_420 : memref<1x64xi32, #tpu.memory_space<vmem>> -> memref<64xi32, #tpu.memory_space<vmem>>
            %dma_wait3A_422 = arith.constant 0 : i32
            %dma_wait3A_423 = arith.constant 0 : i32
            %dma_wait3A_424 = tpu.memref_slice %arg18[%dma_wait3A_422, %dma_wait3A_423] : memref<51200x32xf32, #tpu.memory_space<vmem_shared>> -> memref<51200x32xf32, #tpu.memory_space<vmem_shared>>
            %dma_wait3A_425 = tpu.memref_slice %arg20[%dma_wait3A_418] : memref<8x!tpu.dma_semaphore, #tpu.memory_space<semaphore_mem>> -> memref<1x!tpu.dma_semaphore, #tpu.memory_space<semaphore_mem>>
            %dma_wait3A_426 = tpu.memref_squeeze %dma_wait3A_425 : memref<1x!tpu.dma_semaphore, #tpu.memory_space<semaphore_mem>> -> memref<!tpu.dma_semaphore, #tpu.memory_space<semaphore_mem>>
            tpu.wait_indirect_dma semaphore(%dma_wait3A_426 : memref<!tpu.dma_semaphore, #tpu.memory_space<semaphore_mem>>) src(%arg10 : memref<64x32xf32, #tpu.memory_space<vmem>>) dst(%dma_wait3A_424 : memref<51200x32xf32, #tpu.memory_space<vmem_shared>>)
          } else {
          }
          %add3A_118 = arith.constant 0 : i32
          %add3A_119 = arith.addi %mul3A_113, %add3A_118 : i32
          %dma_start3A = arith.constant 0 : i32
          %dma_start3A_120 = arith.constant 0 : i32
          %dma_start3A_121 = tpu.memref_slice %arg8[%add3A_119, %dma_start3A_120] : memref<40x64xi32, #tpu.memory_space<vmem>> -> memref<1x64xi32, #tpu.memory_space<vmem>>
          %dma_start3A_122 = tpu.memref_squeeze %dma_start3A_121 : memref<1x64xi32, #tpu.memory_space<vmem>> -> memref<64xi32, #tpu.memory_space<vmem>>
          %dma_start3A_123 = arith.constant 0 : i32
          %dma_start3A_124 = arith.constant 0 : i32
          %dma_start3A_125 = tpu.memref_slice %arg4[%dma_start3A_123, %dma_start3A_124] : memref<51200x32xf32, #tpu.memory_space<hbm>> -> memref<51200x32xf32, #tpu.memory_space<hbm>>
          %dma_start3A_126 = tpu.memref_slice %arg19[%dma_start3A] : memref<8x!tpu.dma_semaphore, #tpu.memory_space<semaphore_mem>> -> memref<1x!tpu.dma_semaphore, #tpu.memory_space<semaphore_mem>>
          %dma_start3A_127 = tpu.memref_squeeze %dma_start3A_126 : memref<1x!tpu.dma_semaphore, #tpu.memory_space<semaphore_mem>> -> memref<!tpu.dma_semaphore, #tpu.memory_space<semaphore_mem>>
          tpu.enqueue_indirect_dma source(%dma_start3A_125 : memref<51200x32xf32, #tpu.memory_space<hbm>>) target(%arg10 : memref<64x32xf32, #tpu.memory_space<vmem>>) offsets(%dma_start3A_122 : memref<64xi32, #tpu.memory_space<vmem>>) semaphore(%dma_start3A_127 : memref<!tpu.dma_semaphore, #tpu.memory_space<semaphore_mem>>)
          %gt3A_128 = arith.constant 0 : i32
          %gt3A_129 = arith.cmpi sgt, %scan3A_111, %gt3A_128 : i32
          %convert_element_type3A_130 = arith.extui %gt3A_129 : i1 to i32
          %cond3A_131 = arith.constant 0 : i32
          %cond3A_132 = arith.cmpi ne, %convert_element_type3A_130, %cond3A_131 : i32
          scf.if %cond3A_132 {
            %add3A_416 = arith.constant 1 : i32
            %add3A_417 = arith.addi %mul3A_113, %add3A_416 : i32
            %dma_wait3A_418 = arith.constant 1 : i32
            %dma_wait3A_419 = arith.constant 0 : i32
            %dma_wait3A_420 = tpu.memref_slice %arg9[%add3A_417, %dma_wait3A_419] : memref<40x64xi32, #tpu.memory_space<vmem>> -> memref<1x64xi32, #tpu.memory_space<vmem>>
            %dma_wait3A_421 = tpu.memref_squeeze %dma_wait3A_420 : memref<1x64xi32, #tpu.memory_space<vmem>> -> memref<64xi32, #tpu.memory_space<vmem>>
            %dma_wait3A_422 = arith.constant 0 : i32
            %dma_wait3A_423 = arith.constant 0 : i32
            %dma_wait3A_424 = tpu.memref_slice %arg18[%dma_wait3A_422, %dma_wait3A_423] : memref<51200x32xf32, #tpu.memory_space<vmem_shared>> -> memref<51200x32xf32, #tpu.memory_space<vmem_shared>>
            %dma_wait3A_425 = tpu.memref_slice %arg20[%dma_wait3A_418] : memref<8x!tpu.dma_semaphore, #tpu.memory_space<semaphore_mem>> -> memref<1x!tpu.dma_semaphore, #tpu.memory_space<semaphore_mem>>
            %dma_wait3A_426 = tpu.memref_squeeze %dma_wait3A_425 : memref<1x!tpu.dma_semaphore, #tpu.memory_space<semaphore_mem>> -> memref<!tpu.dma_semaphore, #tpu.memory_space<semaphore_mem>>
            tpu.wait_indirect_dma semaphore(%dma_wait3A_426 : memref<!tpu.dma_semaphore, #tpu.memory_space<semaphore_mem>>) src(%arg11 : memref<64x32xf32, #tpu.memory_space<vmem>>) dst(%dma_wait3A_424 : memref<51200x32xf32, #tpu.memory_space<vmem_shared>>)
          } else {
          }
          %add3A_133 = arith.constant 1 : i32
          %add3A_134 = arith.addi %mul3A_113, %add3A_133 : i32
          %dma_start3A_135 = arith.constant 1 : i32
          %dma_start3A_136 = arith.constant 0 : i32
          %dma_start3A_137 = tpu.memref_slice %arg8[%add3A_134, %dma_start3A_136] : memref<40x64xi32, #tpu.memory_space<vmem>> -> memref<1x64xi32, #tpu.memory_space<vmem>>
          %dma_start3A_138 = tpu.memref_squeeze %dma_start3A_137 : memref<1x64xi32, #tpu.memory_space<vmem>> -> memref<64xi32, #tpu.memory_space<vmem>>
          %dma_start3A_139 = arith.constant 0 : i32
          %dma_start3A_140 = arith.constant 0 : i32
          %dma_start3A_141 = tpu.memref_slice %arg4[%dma_start3A_139, %dma_start3A_140] : memref<51200x32xf32, #tpu.memory_space<hbm>> -> memref<51200x32xf32, #tpu.memory_space<hbm>>
          %dma_start3A_142 = tpu.memref_slice %arg19[%dma_start3A_135] : memref<8x!tpu.dma_semaphore, #tpu.memory_space<semaphore_mem>> -> memref<1x!tpu.dma_semaphore, #tpu.memory_space<semaphore_mem>>
          %dma_start3A_143 = tpu.memref_squeeze %dma_start3A_142 : memref<1x!tpu.dma_semaphore, #tpu.memory_space<semaphore_mem>> -> memref<!tpu.dma_semaphore, #tpu.memory_space<semaphore_mem>>
          tpu.enqueue_indirect_dma source(%dma_start3A_141 : memref<51200x32xf32, #tpu.memory_space<hbm>>) target(%arg11 : memref<64x32xf32, #tpu.memory_space<vmem>>) offsets(%dma_start3A_138 : memref<64xi32, #tpu.memory_space<vmem>>) semaphore(%dma_start3A_143 : memref<!tpu.dma_semaphore, #tpu.memory_space<semaphore_mem>>)
          %gt3A_144 = arith.constant 0 : i32
          %gt3A_145 = arith.cmpi sgt, %scan3A_111, %gt3A_144 : i32
          %convert_element_type3A_146 = arith.extui %gt3A_145 : i1 to i32
          %cond3A_147 = arith.constant 0 : i32
          %cond3A_148 = arith.cmpi ne, %convert_element_type3A_146, %cond3A_147 : i32
          scf.if %cond3A_148 {
            %add3A_416 = arith.constant 2 : i32
            %add3A_417 = arith.addi %mul3A_113, %add3A_416 : i32
            %dma_wait3A_418 = arith.constant 2 : i32
            %dma_wait3A_419 = arith.constant 0 : i32
            %dma_wait3A_420 = tpu.memref_slice %arg9[%add3A_417, %dma_wait3A_419] : memref<40x64xi32, #tpu.memory_space<vmem>> -> memref<1x64xi32, #tpu.memory_space<vmem>>
            %dma_wait3A_421 = tpu.memref_squeeze %dma_wait3A_420 : memref<1x64xi32, #tpu.memory_space<vmem>> -> memref<64xi32, #tpu.memory_space<vmem>>
            %dma_wait3A_422 = arith.constant 0 : i32
            %dma_wait3A_423 = arith.constant 0 : i32
            %dma_wait3A_424 = tpu.memref_slice %arg18[%dma_wait3A_422, %dma_wait3A_423] : memref<51200x32xf32, #tpu.memory_space<vmem_shared>> -> memref<51200x32xf32, #tpu.memory_space<vmem_shared>>
            %dma_wait3A_425 = tpu.memref_slice %arg20[%dma_wait3A_418] : memref<8x!tpu.dma_semaphore, #tpu.memory_space<semaphore_mem>> -> memref<1x!tpu.dma_semaphore, #tpu.memory_space<semaphore_mem>>
            %dma_wait3A_426 = tpu.memref_squeeze %dma_wait3A_425 : memref<1x!tpu.dma_semaphore, #tpu.memory_space<semaphore_mem>> -> memref<!tpu.dma_semaphore, #tpu.memory_space<semaphore_mem>>
            tpu.wait_indirect_dma semaphore(%dma_wait3A_426 : memref<!tpu.dma_semaphore, #tpu.memory_space<semaphore_mem>>) src(%arg12 : memref<64x32xf32, #tpu.memory_space<vmem>>) dst(%dma_wait3A_424 : memref<51200x32xf32, #tpu.memory_space<vmem_shared>>)
          } else {
          }
          %add3A_149 = arith.constant 2 : i32
          %add3A_150 = arith.addi %mul3A_113, %add3A_149 : i32
          %dma_start3A_151 = arith.constant 2 : i32
          %dma_start3A_152 = arith.constant 0 : i32
          %dma_start3A_153 = tpu.memref_slice %arg8[%add3A_150, %dma_start3A_152] : memref<40x64xi32, #tpu.memory_space<vmem>> -> memref<1x64xi32, #tpu.memory_space<vmem>>
          %dma_start3A_154 = tpu.memref_squeeze %dma_start3A_153 : memref<1x64xi32, #tpu.memory_space<vmem>> -> memref<64xi32, #tpu.memory_space<vmem>>
          %dma_start3A_155 = arith.constant 0 : i32
          %dma_start3A_156 = arith.constant 0 : i32
          %dma_start3A_157 = tpu.memref_slice %arg4[%dma_start3A_155, %dma_start3A_156] : memref<51200x32xf32, #tpu.memory_space<hbm>> -> memref<51200x32xf32, #tpu.memory_space<hbm>>
          %dma_start3A_158 = tpu.memref_slice %arg19[%dma_start3A_151] : memref<8x!tpu.dma_semaphore, #tpu.memory_space<semaphore_mem>> -> memref<1x!tpu.dma_semaphore, #tpu.memory_space<semaphore_mem>>
          %dma_start3A_159 = tpu.memref_squeeze %dma_start3A_158 : memref<1x!tpu.dma_semaphore, #tpu.memory_space<semaphore_mem>> -> memref<!tpu.dma_semaphore, #tpu.memory_space<semaphore_mem>>
          tpu.enqueue_indirect_dma source(%dma_start3A_157 : memref<51200x32xf32, #tpu.memory_space<hbm>>) target(%arg12 : memref<64x32xf32, #tpu.memory_space<vmem>>) offsets(%dma_start3A_154 : memref<64xi32, #tpu.memory_space<vmem>>) semaphore(%dma_start3A_159 : memref<!tpu.dma_semaphore, #tpu.memory_space<semaphore_mem>>)
          %gt3A_160 = arith.constant 0 : i32
          %gt3A_161 = arith.cmpi sgt, %scan3A_111, %gt3A_160 : i32
          %convert_element_type3A_162 = arith.extui %gt3A_161 : i1 to i32
          %cond3A_163 = arith.constant 0 : i32
          %cond3A_164 = arith.cmpi ne, %convert_element_type3A_162, %cond3A_163 : i32
          scf.if %cond3A_164 {
            %add3A_416 = arith.constant 3 : i32
            %add3A_417 = arith.addi %mul3A_113, %add3A_416 : i32
            %dma_wait3A_418 = arith.constant 3 : i32
            %dma_wait3A_419 = arith.constant 0 : i32
            %dma_wait3A_420 = tpu.memref_slice %arg9[%add3A_417, %dma_wait3A_419] : memref<40x64xi32, #tpu.memory_space<vmem>> -> memref<1x64xi32, #tpu.memory_space<vmem>>
            %dma_wait3A_421 = tpu.memref_squeeze %dma_wait3A_420 : memref<1x64xi32, #tpu.memory_space<vmem>> -> memref<64xi32, #tpu.memory_space<vmem>>
            %dma_wait3A_422 = arith.constant 0 : i32
            %dma_wait3A_423 = arith.constant 0 : i32
            %dma_wait3A_424 = tpu.memref_slice %arg18[%dma_wait3A_422, %dma_wait3A_423] : memref<51200x32xf32, #tpu.memory_space<vmem_shared>> -> memref<51200x32xf32, #tpu.memory_space<vmem_shared>>
            %dma_wait3A_425 = tpu.memref_slice %arg20[%dma_wait3A_418] : memref<8x!tpu.dma_semaphore, #tpu.memory_space<semaphore_mem>> -> memref<1x!tpu.dma_semaphore, #tpu.memory_space<semaphore_mem>>
            %dma_wait3A_426 = tpu.memref_squeeze %dma_wait3A_425 : memref<1x!tpu.dma_semaphore, #tpu.memory_space<semaphore_mem>> -> memref<!tpu.dma_semaphore, #tpu.memory_space<semaphore_mem>>
            tpu.wait_indirect_dma semaphore(%dma_wait3A_426 : memref<!tpu.dma_semaphore, #tpu.memory_space<semaphore_mem>>) src(%arg13 : memref<64x32xf32, #tpu.memory_space<vmem>>) dst(%dma_wait3A_424 : memref<51200x32xf32, #tpu.memory_space<vmem_shared>>)
          } else {
          }
          %add3A_165 = arith.constant 3 : i32
          %add3A_166 = arith.addi %mul3A_113, %add3A_165 : i32
          %dma_start3A_167 = arith.constant 3 : i32
          %dma_start3A_168 = arith.constant 0 : i32
          %dma_start3A_169 = tpu.memref_slice %arg8[%add3A_166, %dma_start3A_168] : memref<40x64xi32, #tpu.memory_space<vmem>> -> memref<1x64xi32, #tpu.memory_space<vmem>>
          %dma_start3A_170 = tpu.memref_squeeze %dma_start3A_169 : memref<1x64xi32, #tpu.memory_space<vmem>> -> memref<64xi32, #tpu.memory_space<vmem>>
          %dma_start3A_171 = arith.constant 0 : i32
          %dma_start3A_172 = arith.constant 0 : i32
          %dma_start3A_173 = tpu.memref_slice %arg4[%dma_start3A_171, %dma_start3A_172] : memref<51200x32xf32, #tpu.memory_space<hbm>> -> memref<51200x32xf32, #tpu.memory_space<hbm>>
          %dma_start3A_174 = tpu.memref_slice %arg19[%dma_start3A_167] : memref<8x!tpu.dma_semaphore, #tpu.memory_space<semaphore_mem>> -> memref<1x!tpu.dma_semaphore, #tpu.memory_space<semaphore_mem>>
          %dma_start3A_175 = tpu.memref_squeeze %dma_start3A_174 : memref<1x!tpu.dma_semaphore, #tpu.memory_space<semaphore_mem>> -> memref<!tpu.dma_semaphore, #tpu.memory_space<semaphore_mem>>
          tpu.enqueue_indirect_dma source(%dma_start3A_173 : memref<51200x32xf32, #tpu.memory_space<hbm>>) target(%arg13 : memref<64x32xf32, #tpu.memory_space<vmem>>) offsets(%dma_start3A_170 : memref<64xi32, #tpu.memory_space<vmem>>) semaphore(%dma_start3A_175 : memref<!tpu.dma_semaphore, #tpu.memory_space<semaphore_mem>>)
          %gt3A_176 = arith.constant 0 : i32
          %gt3A_177 = arith.cmpi sgt, %scan3A_111, %gt3A_176 : i32
          %convert_element_type3A_178 = arith.extui %gt3A_177 : i1 to i32
          %cond3A_179 = arith.constant 0 : i32
          %cond3A_180 = arith.cmpi ne, %convert_element_type3A_178, %cond3A_179 : i32
          scf.if %cond3A_180 {
            %add3A_416 = arith.constant 4 : i32
            %add3A_417 = arith.addi %mul3A_113, %add3A_416 : i32
            %dma_wait3A_418 = arith.constant 4 : i32
            %dma_wait3A_419 = arith.constant 0 : i32
            %dma_wait3A_420 = tpu.memref_slice %arg9[%add3A_417, %dma_wait3A_419] : memref<40x64xi32, #tpu.memory_space<vmem>> -> memref<1x64xi32, #tpu.memory_space<vmem>>
            %dma_wait3A_421 = tpu.memref_squeeze %dma_wait3A_420 : memref<1x64xi32, #tpu.memory_space<vmem>> -> memref<64xi32, #tpu.memory_space<vmem>>
            %dma_wait3A_422 = arith.constant 0 : i32
            %dma_wait3A_423 = arith.constant 0 : i32
            %dma_wait3A_424 = tpu.memref_slice %arg18[%dma_wait3A_422, %dma_wait3A_423] : memref<51200x32xf32, #tpu.memory_space<vmem_shared>> -> memref<51200x32xf32, #tpu.memory_space<vmem_shared>>
            %dma_wait3A_425 = tpu.memref_slice %arg20[%dma_wait3A_418] : memref<8x!tpu.dma_semaphore, #tpu.memory_space<semaphore_mem>> -> memref<1x!tpu.dma_semaphore, #tpu.memory_space<semaphore_mem>>
            %dma_wait3A_426 = tpu.memref_squeeze %dma_wait3A_425 : memref<1x!tpu.dma_semaphore, #tpu.memory_space<semaphore_mem>> -> memref<!tpu.dma_semaphore, #tpu.memory_space<semaphore_mem>>
            tpu.wait_indirect_dma semaphore(%dma_wait3A_426 : memref<!tpu.dma_semaphore, #tpu.memory_space<semaphore_mem>>) src(%arg14 : memref<64x32xf32, #tpu.memory_space<vmem>>) dst(%dma_wait3A_424 : memref<51200x32xf32, #tpu.memory_space<vmem_shared>>)
          } else {
          }
          %add3A_181 = arith.constant 4 : i32
          %add3A_182 = arith.addi %mul3A_113, %add3A_181 : i32
          %dma_start3A_183 = arith.constant 4 : i32
          %dma_start3A_184 = arith.constant 0 : i32
          %dma_start3A_185 = tpu.memref_slice %arg8[%add3A_182, %dma_start3A_184] : memref<40x64xi32, #tpu.memory_space<vmem>> -> memref<1x64xi32, #tpu.memory_space<vmem>>
          %dma_start3A_186 = tpu.memref_squeeze %dma_start3A_185 : memref<1x64xi32, #tpu.memory_space<vmem>> -> memref<64xi32, #tpu.memory_space<vmem>>
          %dma_start3A_187 = arith.constant 0 : i32
          %dma_start3A_188 = arith.constant 0 : i32
          %dma_start3A_189 = tpu.memref_slice %arg4[%dma_start3A_187, %dma_start3A_188] : memref<51200x32xf32, #tpu.memory_space<hbm>> -> memref<51200x32xf32, #tpu.memory_space<hbm>>
          %dma_start3A_190 = tpu.memref_slice %arg19[%dma_start3A_183] : memref<8x!tpu.dma_semaphore, #tpu.memory_space<semaphore_mem>> -> memref<1x!tpu.dma_semaphore, #tpu.memory_space<semaphore_mem>>
          %dma_start3A_191 = tpu.memref_squeeze %dma_start3A_190 : memref<1x!tpu.dma_semaphore, #tpu.memory_space<semaphore_mem>> -> memref<!tpu.dma_semaphore, #tpu.memory_space<semaphore_mem>>
          tpu.enqueue_indirect_dma source(%dma_start3A_189 : memref<51200x32xf32, #tpu.memory_space<hbm>>) target(%arg14 : memref<64x32xf32, #tpu.memory_space<vmem>>) offsets(%dma_start3A_186 : memref<64xi32, #tpu.memory_space<vmem>>) semaphore(%dma_start3A_191 : memref<!tpu.dma_semaphore, #tpu.memory_space<semaphore_mem>>)
          %gt3A_192 = arith.constant 0 : i32
          %gt3A_193 = arith.cmpi sgt, %scan3A_111, %gt3A_192 : i32
          %convert_element_type3A_194 = arith.extui %gt3A_193 : i1 to i32
          %cond3A_195 = arith.constant 0 : i32
          %cond3A_196 = arith.cmpi ne, %convert_element_type3A_194, %cond3A_195 : i32
          scf.if %cond3A_196 {
            %add3A_416 = arith.constant 5 : i32
            %add3A_417 = arith.addi %mul3A_113, %add3A_416 : i32
            %dma_wait3A_418 = arith.constant 5 : i32
            %dma_wait3A_419 = arith.constant 0 : i32
            %dma_wait3A_420 = tpu.memref_slice %arg9[%add3A_417, %dma_wait3A_419] : memref<40x64xi32, #tpu.memory_space<vmem>> -> memref<1x64xi32, #tpu.memory_space<vmem>>
            %dma_wait3A_421 = tpu.memref_squeeze %dma_wait3A_420 : memref<1x64xi32, #tpu.memory_space<vmem>> -> memref<64xi32, #tpu.memory_space<vmem>>
            %dma_wait3A_422 = arith.constant 0 : i32
            %dma_wait3A_423 = arith.constant 0 : i32
            %dma_wait3A_424 = tpu.memref_slice %arg18[%dma_wait3A_422, %dma_wait3A_423] : memref<51200x32xf32, #tpu.memory_space<vmem_shared>> -> memref<51200x32xf32, #tpu.memory_space<vmem_shared>>
            %dma_wait3A_425 = tpu.memref_slice %arg20[%dma_wait3A_418] : memref<8x!tpu.dma_semaphore, #tpu.memory_space<semaphore_mem>> -> memref<1x!tpu.dma_semaphore, #tpu.memory_space<semaphore_mem>>
            %dma_wait3A_426 = tpu.memref_squeeze %dma_wait3A_425 : memref<1x!tpu.dma_semaphore, #tpu.memory_space<semaphore_mem>> -> memref<!tpu.dma_semaphore, #tpu.memory_space<semaphore_mem>>
            tpu.wait_indirect_dma semaphore(%dma_wait3A_426 : memref<!tpu.dma_semaphore, #tpu.memory_space<semaphore_mem>>) src(%arg15 : memref<64x32xf32, #tpu.memory_space<vmem>>) dst(%dma_wait3A_424 : memref<51200x32xf32, #tpu.memory_space<vmem_shared>>)
          } else {
          }
          %add3A_197 = arith.constant 5 : i32
          %add3A_198 = arith.addi %mul3A_113, %add3A_197 : i32
          %dma_start3A_199 = arith.constant 5 : i32
          %dma_start3A_200 = arith.constant 0 : i32
          %dma_start3A_201 = tpu.memref_slice %arg8[%add3A_198, %dma_start3A_200] : memref<40x64xi32, #tpu.memory_space<vmem>> -> memref<1x64xi32, #tpu.memory_space<vmem>>
          %dma_start3A_202 = tpu.memref_squeeze %dma_start3A_201 : memref<1x64xi32, #tpu.memory_space<vmem>> -> memref<64xi32, #tpu.memory_space<vmem>>
          %dma_start3A_203 = arith.constant 0 : i32
          %dma_start3A_204 = arith.constant 0 : i32
          %dma_start3A_205 = tpu.memref_slice %arg4[%dma_start3A_203, %dma_start3A_204] : memref<51200x32xf32, #tpu.memory_space<hbm>> -> memref<51200x32xf32, #tpu.memory_space<hbm>>
          %dma_start3A_206 = tpu.memref_slice %arg19[%dma_start3A_199] : memref<8x!tpu.dma_semaphore, #tpu.memory_space<semaphore_mem>> -> memref<1x!tpu.dma_semaphore, #tpu.memory_space<semaphore_mem>>
          %dma_start3A_207 = tpu.memref_squeeze %dma_start3A_206 : memref<1x!tpu.dma_semaphore, #tpu.memory_space<semaphore_mem>> -> memref<!tpu.dma_semaphore, #tpu.memory_space<semaphore_mem>>
          tpu.enqueue_indirect_dma source(%dma_start3A_205 : memref<51200x32xf32, #tpu.memory_space<hbm>>) target(%arg15 : memref<64x32xf32, #tpu.memory_space<vmem>>) offsets(%dma_start3A_202 : memref<64xi32, #tpu.memory_space<vmem>>) semaphore(%dma_start3A_207 : memref<!tpu.dma_semaphore, #tpu.memory_space<semaphore_mem>>)
          %gt3A_208 = arith.constant 0 : i32
          %gt3A_209 = arith.cmpi sgt, %scan3A_111, %gt3A_208 : i32
          %convert_element_type3A_210 = arith.extui %gt3A_209 : i1 to i32
          %cond3A_211 = arith.constant 0 : i32
          %cond3A_212 = arith.cmpi ne, %convert_element_type3A_210, %cond3A_211 : i32
          scf.if %cond3A_212 {
            %add3A_416 = arith.constant 6 : i32
            %add3A_417 = arith.addi %mul3A_113, %add3A_416 : i32
            %dma_wait3A_418 = arith.constant 6 : i32
            %dma_wait3A_419 = arith.constant 0 : i32
            %dma_wait3A_420 = tpu.memref_slice %arg9[%add3A_417, %dma_wait3A_419] : memref<40x64xi32, #tpu.memory_space<vmem>> -> memref<1x64xi32, #tpu.memory_space<vmem>>
            %dma_wait3A_421 = tpu.memref_squeeze %dma_wait3A_420 : memref<1x64xi32, #tpu.memory_space<vmem>> -> memref<64xi32, #tpu.memory_space<vmem>>
            %dma_wait3A_422 = arith.constant 0 : i32
            %dma_wait3A_423 = arith.constant 0 : i32
            %dma_wait3A_424 = tpu.memref_slice %arg18[%dma_wait3A_422, %dma_wait3A_423] : memref<51200x32xf32, #tpu.memory_space<vmem_shared>> -> memref<51200x32xf32, #tpu.memory_space<vmem_shared>>
            %dma_wait3A_425 = tpu.memref_slice %arg20[%dma_wait3A_418] : memref<8x!tpu.dma_semaphore, #tpu.memory_space<semaphore_mem>> -> memref<1x!tpu.dma_semaphore, #tpu.memory_space<semaphore_mem>>
            %dma_wait3A_426 = tpu.memref_squeeze %dma_wait3A_425 : memref<1x!tpu.dma_semaphore, #tpu.memory_space<semaphore_mem>> -> memref<!tpu.dma_semaphore, #tpu.memory_space<semaphore_mem>>
            tpu.wait_indirect_dma semaphore(%dma_wait3A_426 : memref<!tpu.dma_semaphore, #tpu.memory_space<semaphore_mem>>) src(%arg16 : memref<64x32xf32, #tpu.memory_space<vmem>>) dst(%dma_wait3A_424 : memref<51200x32xf32, #tpu.memory_space<vmem_shared>>)
          } else {
          }
          %add3A_213 = arith.constant 6 : i32
          %add3A_214 = arith.addi %mul3A_113, %add3A_213 : i32
          %dma_start3A_215 = arith.constant 6 : i32
          %dma_start3A_216 = arith.constant 0 : i32
          %dma_start3A_217 = tpu.memref_slice %arg8[%add3A_214, %dma_start3A_216] : memref<40x64xi32, #tpu.memory_space<vmem>> -> memref<1x64xi32, #tpu.memory_space<vmem>>
          %dma_start3A_218 = tpu.memref_squeeze %dma_start3A_217 : memref<1x64xi32, #tpu.memory_space<vmem>> -> memref<64xi32, #tpu.memory_space<vmem>>
          %dma_start3A_219 = arith.constant 0 : i32
          %dma_start3A_220 = arith.constant 0 : i32
          %dma_start3A_221 = tpu.memref_slice %arg4[%dma_start3A_219, %dma_start3A_220] : memref<51200x32xf32, #tpu.memory_space<hbm>> -> memref<51200x32xf32, #tpu.memory_space<hbm>>
          %dma_start3A_222 = tpu.memref_slice %arg19[%dma_start3A_215] : memref<8x!tpu.dma_semaphore, #tpu.memory_space<semaphore_mem>> -> memref<1x!tpu.dma_semaphore, #tpu.memory_space<semaphore_mem>>
          %dma_start3A_223 = tpu.memref_squeeze %dma_start3A_222 : memref<1x!tpu.dma_semaphore, #tpu.memory_space<semaphore_mem>> -> memref<!tpu.dma_semaphore, #tpu.memory_space<semaphore_mem>>
          tpu.enqueue_indirect_dma source(%dma_start3A_221 : memref<51200x32xf32, #tpu.memory_space<hbm>>) target(%arg16 : memref<64x32xf32, #tpu.memory_space<vmem>>) offsets(%dma_start3A_218 : memref<64xi32, #tpu.memory_space<vmem>>) semaphore(%dma_start3A_223 : memref<!tpu.dma_semaphore, #tpu.memory_space<semaphore_mem>>)
          %gt3A_224 = arith.constant 0 : i32
          %gt3A_225 = arith.cmpi sgt, %scan3A_111, %gt3A_224 : i32
          %convert_element_type3A_226 = arith.extui %gt3A_225 : i1 to i32
          %cond3A_227 = arith.constant 0 : i32
          %cond3A_228 = arith.cmpi ne, %convert_element_type3A_226, %cond3A_227 : i32
          scf.if %cond3A_228 {
            %add3A_416 = arith.constant 7 : i32
            %add3A_417 = arith.addi %mul3A_113, %add3A_416 : i32
            %dma_wait3A_418 = arith.constant 7 : i32
            %dma_wait3A_419 = arith.constant 0 : i32
            %dma_wait3A_420 = tpu.memref_slice %arg9[%add3A_417, %dma_wait3A_419] : memref<40x64xi32, #tpu.memory_space<vmem>> -> memref<1x64xi32, #tpu.memory_space<vmem>>
            %dma_wait3A_421 = tpu.memref_squeeze %dma_wait3A_420 : memref<1x64xi32, #tpu.memory_space<vmem>> -> memref<64xi32, #tpu.memory_space<vmem>>
            %dma_wait3A_422 = arith.constant 0 : i32
            %dma_wait3A_423 = arith.constant 0 : i32
            %dma_wait3A_424 = tpu.memref_slice %arg18[%dma_wait3A_422, %dma_wait3A_423] : memref<51200x32xf32, #tpu.memory_space<vmem_shared>> -> memref<51200x32xf32, #tpu.memory_space<vmem_shared>>
            %dma_wait3A_425 = tpu.memref_slice %arg20[%dma_wait3A_418] : memref<8x!tpu.dma_semaphore, #tpu.memory_space<semaphore_mem>> -> memref<1x!tpu.dma_semaphore, #tpu.memory_space<semaphore_mem>>
            %dma_wait3A_426 = tpu.memref_squeeze %dma_wait3A_425 : memref<1x!tpu.dma_semaphore, #tpu.memory_space<semaphore_mem>> -> memref<!tpu.dma_semaphore, #tpu.memory_space<semaphore_mem>>
            tpu.wait_indirect_dma semaphore(%dma_wait3A_426 : memref<!tpu.dma_semaphore, #tpu.memory_space<semaphore_mem>>) src(%arg17 : memref<64x32xf32, #tpu.memory_space<vmem>>) dst(%dma_wait3A_424 : memref<51200x32xf32, #tpu.memory_space<vmem_shared>>)
          } else {
          }
          %add3A_229 = arith.constant 7 : i32
          %add3A_230 = arith.addi %mul3A_113, %add3A_229 : i32
          %dma_start3A_231 = arith.constant 7 : i32
          %dma_start3A_232 = arith.constant 0 : i32
          %dma_start3A_233 = tpu.memref_slice %arg8[%add3A_230, %dma_start3A_232] : memref<40x64xi32, #tpu.memory_space<vmem>> -> memref<1x64xi32, #tpu.memory_space<vmem>>
          %dma_start3A_234 = tpu.memref_squeeze %dma_start3A_233 : memref<1x64xi32, #tpu.memory_space<vmem>> -> memref<64xi32, #tpu.memory_space<vmem>>
          %dma_start3A_235 = arith.constant 0 : i32
          %dma_start3A_236 = arith.constant 0 : i32
          %dma_start3A_237 = tpu.memref_slice %arg4[%dma_start3A_235, %dma_start3A_236] : memref<51200x32xf32, #tpu.memory_space<hbm>> -> memref<51200x32xf32, #tpu.memory_space<hbm>>
          %dma_start3A_238 = tpu.memref_slice %arg19[%dma_start3A_231] : memref<8x!tpu.dma_semaphore, #tpu.memory_space<semaphore_mem>> -> memref<1x!tpu.dma_semaphore, #tpu.memory_space<semaphore_mem>>
          %dma_start3A_239 = tpu.memref_squeeze %dma_start3A_238 : memref<1x!tpu.dma_semaphore, #tpu.memory_space<semaphore_mem>> -> memref<!tpu.dma_semaphore, #tpu.memory_space<semaphore_mem>>
          tpu.enqueue_indirect_dma source(%dma_start3A_237 : memref<51200x32xf32, #tpu.memory_space<hbm>>) target(%arg17 : memref<64x32xf32, #tpu.memory_space<vmem>>) offsets(%dma_start3A_234 : memref<64xi32, #tpu.memory_space<vmem>>) semaphore(%dma_start3A_239 : memref<!tpu.dma_semaphore, #tpu.memory_space<semaphore_mem>>)
          %add3A_240 = arith.constant 0 : i32
          %add3A_241 = arith.addi %mul3A_113, %add3A_240 : i32
          %dma_wait3A_242 = arith.constant 0 : i32
          %dma_wait3A_243 = arith.constant 0 : i32
          %dma_wait3A_244 = tpu.memref_slice %arg8[%add3A_241, %dma_wait3A_243] : memref<40x64xi32, #tpu.memory_space<vmem>> -> memref<1x64xi32, #tpu.memory_space<vmem>>
          %dma_wait3A_245 = tpu.memref_squeeze %dma_wait3A_244 : memref<1x64xi32, #tpu.memory_space<vmem>> -> memref<64xi32, #tpu.memory_space<vmem>>
          %dma_wait3A_246 = arith.constant 0 : i32
          %dma_wait3A_247 = arith.constant 0 : i32
          %dma_wait3A_248 = tpu.memref_slice %arg4[%dma_wait3A_246, %dma_wait3A_247] : memref<51200x32xf32, #tpu.memory_space<hbm>> -> memref<51200x32xf32, #tpu.memory_space<hbm>>
          %dma_wait3A_249 = tpu.memref_slice %arg19[%dma_wait3A_242] : memref<8x!tpu.dma_semaphore, #tpu.memory_space<semaphore_mem>> -> memref<1x!tpu.dma_semaphore, #tpu.memory_space<semaphore_mem>>
          %dma_wait3A_250 = tpu.memref_squeeze %dma_wait3A_249 : memref<1x!tpu.dma_semaphore, #tpu.memory_space<semaphore_mem>> -> memref<!tpu.dma_semaphore, #tpu.memory_space<semaphore_mem>>
          tpu.wait_indirect_dma semaphore(%dma_wait3A_250 : memref<!tpu.dma_semaphore, #tpu.memory_space<semaphore_mem>>) src(%dma_wait3A_248 : memref<51200x32xf32, #tpu.memory_space<hbm>>) dst(%arg10 : memref<64x32xf32, #tpu.memory_space<vmem>>)
          %add3A_251 = arith.constant 0 : i32
          %add3A_252 = arith.addi %mul3A_113, %add3A_251 : i32
          %dma_start3A_253 = arith.constant 0 : i32
          %dma_start3A_254 = arith.constant 0 : i32
          %dma_start3A_255 = tpu.memref_slice %arg9[%add3A_252, %dma_start3A_254] : memref<40x64xi32, #tpu.memory_space<vmem>> -> memref<1x64xi32, #tpu.memory_space<vmem>>
          %dma_start3A_256 = tpu.memref_squeeze %dma_start3A_255 : memref<1x64xi32, #tpu.memory_space<vmem>> -> memref<64xi32, #tpu.memory_space<vmem>>
          %dma_start3A_257 = arith.constant 0 : i32
          %dma_start3A_258 = arith.constant 0 : i32
          %dma_start3A_259 = tpu.memref_slice %arg18[%dma_start3A_257, %dma_start3A_258] : memref<51200x32xf32, #tpu.memory_space<vmem_shared>> -> memref<51200x32xf32, #tpu.memory_space<vmem_shared>>
          %dma_start3A_260 = tpu.memref_slice %arg20[%dma_start3A_253] : memref<8x!tpu.dma_semaphore, #tpu.memory_space<semaphore_mem>> -> memref<1x!tpu.dma_semaphore, #tpu.memory_space<semaphore_mem>>
          %dma_start3A_261 = tpu.memref_squeeze %dma_start3A_260 : memref<1x!tpu.dma_semaphore, #tpu.memory_space<semaphore_mem>> -> memref<!tpu.dma_semaphore, #tpu.memory_space<semaphore_mem>>
          tpu.enqueue_indirect_dma source(%arg10 : memref<64x32xf32, #tpu.memory_space<vmem>>) target(%dma_start3A_259 : memref<51200x32xf32, #tpu.memory_space<vmem_shared>>) offsets(%dma_start3A_256 : memref<64xi32, #tpu.memory_space<vmem>>) semaphore(%dma_start3A_261 : memref<!tpu.dma_semaphore, #tpu.memory_space<semaphore_mem>>) {add = true}
          %add3A_262 = arith.constant 1 : i32
          %add3A_263 = arith.addi %mul3A_113, %add3A_262 : i32
          %dma_wait3A_264 = arith.constant 1 : i32
          %dma_wait3A_265 = arith.constant 0 : i32
          %dma_wait3A_266 = tpu.memref_slice %arg8[%add3A_263, %dma_wait3A_265] : memref<40x64xi32, #tpu.memory_space<vmem>> -> memref<1x64xi32, #tpu.memory_space<vmem>>
          %dma_wait3A_267 = tpu.memref_squeeze %dma_wait3A_266 : memref<1x64xi32, #tpu.memory_space<vmem>> -> memref<64xi32, #tpu.memory_space<vmem>>
          %dma_wait3A_268 = arith.constant 0 : i32
          %dma_wait3A_269 = arith.constant 0 : i32
          %dma_wait3A_270 = tpu.memref_slice %arg4[%dma_wait3A_268, %dma_wait3A_269] : memref<51200x32xf32, #tpu.memory_space<hbm>> -> memref<51200x32xf32, #tpu.memory_space<hbm>>
          %dma_wait3A_271 = tpu.memref_slice %arg19[%dma_wait3A_264] : memref<8x!tpu.dma_semaphore, #tpu.memory_space<semaphore_mem>> -> memref<1x!tpu.dma_semaphore, #tpu.memory_space<semaphore_mem>>
          %dma_wait3A_272 = tpu.memref_squeeze %dma_wait3A_271 : memref<1x!tpu.dma_semaphore, #tpu.memory_space<semaphore_mem>> -> memref<!tpu.dma_semaphore, #tpu.memory_space<semaphore_mem>>
          tpu.wait_indirect_dma semaphore(%dma_wait3A_272 : memref<!tpu.dma_semaphore, #tpu.memory_space<semaphore_mem>>) src(%dma_wait3A_270 : memref<51200x32xf32, #tpu.memory_space<hbm>>) dst(%arg11 : memref<64x32xf32, #tpu.memory_space<vmem>>)
          %add3A_273 = arith.constant 1 : i32
          %add3A_274 = arith.addi %mul3A_113, %add3A_273 : i32
          %dma_start3A_275 = arith.constant 1 : i32
          %dma_start3A_276 = arith.constant 0 : i32
          %dma_start3A_277 = tpu.memref_slice %arg9[%add3A_274, %dma_start3A_276] : memref<40x64xi32, #tpu.memory_space<vmem>> -> memref<1x64xi32, #tpu.memory_space<vmem>>
          %dma_start3A_278 = tpu.memref_squeeze %dma_start3A_277 : memref<1x64xi32, #tpu.memory_space<vmem>> -> memref<64xi32, #tpu.memory_space<vmem>>
          %dma_start3A_279 = arith.constant 0 : i32
          %dma_start3A_280 = arith.constant 0 : i32
          %dma_start3A_281 = tpu.memref_slice %arg18[%dma_start3A_279, %dma_start3A_280] : memref<51200x32xf32, #tpu.memory_space<vmem_shared>> -> memref<51200x32xf32, #tpu.memory_space<vmem_shared>>
          %dma_start3A_282 = tpu.memref_slice %arg20[%dma_start3A_275] : memref<8x!tpu.dma_semaphore, #tpu.memory_space<semaphore_mem>> -> memref<1x!tpu.dma_semaphore, #tpu.memory_space<semaphore_mem>>
          %dma_start3A_283 = tpu.memref_squeeze %dma_start3A_282 : memref<1x!tpu.dma_semaphore, #tpu.memory_space<semaphore_mem>> -> memref<!tpu.dma_semaphore, #tpu.memory_space<semaphore_mem>>
          tpu.enqueue_indirect_dma source(%arg11 : memref<64x32xf32, #tpu.memory_space<vmem>>) target(%dma_start3A_281 : memref<51200x32xf32, #tpu.memory_space<vmem_shared>>) offsets(%dma_start3A_278 : memref<64xi32, #tpu.memory_space<vmem>>) semaphore(%dma_start3A_283 : memref<!tpu.dma_semaphore, #tpu.memory_space<semaphore_mem>>) {add = true}
          %add3A_284 = arith.constant 2 : i32
          %add3A_285 = arith.addi %mul3A_113, %add3A_284 : i32
          %dma_wait3A_286 = arith.constant 2 : i32
          %dma_wait3A_287 = arith.constant 0 : i32
          %dma_wait3A_288 = tpu.memref_slice %arg8[%add3A_285, %dma_wait3A_287] : memref<40x64xi32, #tpu.memory_space<vmem>> -> memref<1x64xi32, #tpu.memory_space<vmem>>
          %dma_wait3A_289 = tpu.memref_squeeze %dma_wait3A_288 : memref<1x64xi32, #tpu.memory_space<vmem>> -> memref<64xi32, #tpu.memory_space<vmem>>
          %dma_wait3A_290 = arith.constant 0 : i32
          %dma_wait3A_291 = arith.constant 0 : i32
          %dma_wait3A_292 = tpu.memref_slice %arg4[%dma_wait3A_290, %dma_wait3A_291] : memref<51200x32xf32, #tpu.memory_space<hbm>> -> memref<51200x32xf32, #tpu.memory_space<hbm>>
          %dma_wait3A_293 = tpu.memref_slice %arg19[%dma_wait3A_286] : memref<8x!tpu.dma_semaphore, #tpu.memory_space<semaphore_mem>> -> memref<1x!tpu.dma_semaphore, #tpu.memory_space<semaphore_mem>>
          %dma_wait3A_294 = tpu.memref_squeeze %dma_wait3A_293 : memref<1x!tpu.dma_semaphore, #tpu.memory_space<semaphore_mem>> -> memref<!tpu.dma_semaphore, #tpu.memory_space<semaphore_mem>>
          tpu.wait_indirect_dma semaphore(%dma_wait3A_294 : memref<!tpu.dma_semaphore, #tpu.memory_space<semaphore_mem>>) src(%dma_wait3A_292 : memref<51200x32xf32, #tpu.memory_space<hbm>>) dst(%arg12 : memref<64x32xf32, #tpu.memory_space<vmem>>)
          %add3A_295 = arith.constant 2 : i32
          %add3A_296 = arith.addi %mul3A_113, %add3A_295 : i32
          %dma_start3A_297 = arith.constant 2 : i32
          %dma_start3A_298 = arith.constant 0 : i32
          %dma_start3A_299 = tpu.memref_slice %arg9[%add3A_296, %dma_start3A_298] : memref<40x64xi32, #tpu.memory_space<vmem>> -> memref<1x64xi32, #tpu.memory_space<vmem>>
          %dma_start3A_300 = tpu.memref_squeeze %dma_start3A_299 : memref<1x64xi32, #tpu.memory_space<vmem>> -> memref<64xi32, #tpu.memory_space<vmem>>
          %dma_start3A_301 = arith.constant 0 : i32
          %dma_start3A_302 = arith.constant 0 : i32
          %dma_start3A_303 = tpu.memref_slice %arg18[%dma_start3A_301, %dma_start3A_302] : memref<51200x32xf32, #tpu.memory_space<vmem_shared>> -> memref<51200x32xf32, #tpu.memory_space<vmem_shared>>
          %dma_start3A_304 = tpu.memref_slice %arg20[%dma_start3A_297] : memref<8x!tpu.dma_semaphore, #tpu.memory_space<semaphore_mem>> -> memref<1x!tpu.dma_semaphore, #tpu.memory_space<semaphore_mem>>
          %dma_start3A_305 = tpu.memref_squeeze %dma_start3A_304 : memref<1x!tpu.dma_semaphore, #tpu.memory_space<semaphore_mem>> -> memref<!tpu.dma_semaphore, #tpu.memory_space<semaphore_mem>>
          tpu.enqueue_indirect_dma source(%arg12 : memref<64x32xf32, #tpu.memory_space<vmem>>) target(%dma_start3A_303 : memref<51200x32xf32, #tpu.memory_space<vmem_shared>>) offsets(%dma_start3A_300 : memref<64xi32, #tpu.memory_space<vmem>>) semaphore(%dma_start3A_305 : memref<!tpu.dma_semaphore, #tpu.memory_space<semaphore_mem>>) {add = true}
          %add3A_306 = arith.constant 3 : i32
          %add3A_307 = arith.addi %mul3A_113, %add3A_306 : i32
          %dma_wait3A_308 = arith.constant 3 : i32
          %dma_wait3A_309 = arith.constant 0 : i32
          %dma_wait3A_310 = tpu.memref_slice %arg8[%add3A_307, %dma_wait3A_309] : memref<40x64xi32, #tpu.memory_space<vmem>> -> memref<1x64xi32, #tpu.memory_space<vmem>>
          %dma_wait3A_311 = tpu.memref_squeeze %dma_wait3A_310 : memref<1x64xi32, #tpu.memory_space<vmem>> -> memref<64xi32, #tpu.memory_space<vmem>>
          %dma_wait3A_312 = arith.constant 0 : i32
          %dma_wait3A_313 = arith.constant 0 : i32
          %dma_wait3A_314 = tpu.memref_slice %arg4[%dma_wait3A_312, %dma_wait3A_313] : memref<51200x32xf32, #tpu.memory_space<hbm>> -> memref<51200x32xf32, #tpu.memory_space<hbm>>
          %dma_wait3A_315 = tpu.memref_slice %arg19[%dma_wait3A_308] : memref<8x!tpu.dma_semaphore, #tpu.memory_space<semaphore_mem>> -> memref<1x!tpu.dma_semaphore, #tpu.memory_space<semaphore_mem>>
          %dma_wait3A_316 = tpu.memref_squeeze %dma_wait3A_315 : memref<1x!tpu.dma_semaphore, #tpu.memory_space<semaphore_mem>> -> memref<!tpu.dma_semaphore, #tpu.memory_space<semaphore_mem>>
          tpu.wait_indirect_dma semaphore(%dma_wait3A_316 : memref<!tpu.dma_semaphore, #tpu.memory_space<semaphore_mem>>) src(%dma_wait3A_314 : memref<51200x32xf32, #tpu.memory_space<hbm>>) dst(%arg13 : memref<64x32xf32, #tpu.memory_space<vmem>>)
          %add3A_317 = arith.constant 3 : i32
          %add3A_318 = arith.addi %mul3A_113, %add3A_317 : i32
          %dma_start3A_319 = arith.constant 3 : i32
          %dma_start3A_320 = arith.constant 0 : i32
          %dma_start3A_321 = tpu.memref_slice %arg9[%add3A_318, %dma_start3A_320] : memref<40x64xi32, #tpu.memory_space<vmem>> -> memref<1x64xi32, #tpu.memory_space<vmem>>
          %dma_start3A_322 = tpu.memref_squeeze %dma_start3A_321 : memref<1x64xi32, #tpu.memory_space<vmem>> -> memref<64xi32, #tpu.memory_space<vmem>>
          %dma_start3A_323 = arith.constant 0 : i32
          %dma_start3A_324 = arith.constant 0 : i32
          %dma_start3A_325 = tpu.memref_slice %arg18[%dma_start3A_323, %dma_start3A_324] : memref<51200x32xf32, #tpu.memory_space<vmem_shared>> -> memref<51200x32xf32, #tpu.memory_space<vmem_shared>>
          %dma_start3A_326 = tpu.memref_slice %arg20[%dma_start3A_319] : memref<8x!tpu.dma_semaphore, #tpu.memory_space<semaphore_mem>> -> memref<1x!tpu.dma_semaphore, #tpu.memory_space<semaphore_mem>>
          %dma_start3A_327 = tpu.memref_squeeze %dma_start3A_326 : memref<1x!tpu.dma_semaphore, #tpu.memory_space<semaphore_mem>> -> memref<!tpu.dma_semaphore, #tpu.memory_space<semaphore_mem>>
          tpu.enqueue_indirect_dma source(%arg13 : memref<64x32xf32, #tpu.memory_space<vmem>>) target(%dma_start3A_325 : memref<51200x32xf32, #tpu.memory_space<vmem_shared>>) offsets(%dma_start3A_322 : memref<64xi32, #tpu.memory_space<vmem>>) semaphore(%dma_start3A_327 : memref<!tpu.dma_semaphore, #tpu.memory_space<semaphore_mem>>) {add = true}
          %add3A_328 = arith.constant 4 : i32
          %add3A_329 = arith.addi %mul3A_113, %add3A_328 : i32
          %dma_wait3A_330 = arith.constant 4 : i32
          %dma_wait3A_331 = arith.constant 0 : i32
          %dma_wait3A_332 = tpu.memref_slice %arg8[%add3A_329, %dma_wait3A_331] : memref<40x64xi32, #tpu.memory_space<vmem>> -> memref<1x64xi32, #tpu.memory_space<vmem>>
          %dma_wait3A_333 = tpu.memref_squeeze %dma_wait3A_332 : memref<1x64xi32, #tpu.memory_space<vmem>> -> memref<64xi32, #tpu.memory_space<vmem>>
          %dma_wait3A_334 = arith.constant 0 : i32
          %dma_wait3A_335 = arith.constant 0 : i32
          %dma_wait3A_336 = tpu.memref_slice %arg4[%dma_wait3A_334, %dma_wait3A_335] : memref<51200x32xf32, #tpu.memory_space<hbm>> -> memref<51200x32xf32, #tpu.memory_space<hbm>>
          %dma_wait3A_337 = tpu.memref_slice %arg19[%dma_wait3A_330] : memref<8x!tpu.dma_semaphore, #tpu.memory_space<semaphore_mem>> -> memref<1x!tpu.dma_semaphore, #tpu.memory_space<semaphore_mem>>
          %dma_wait3A_338 = tpu.memref_squeeze %dma_wait3A_337 : memref<1x!tpu.dma_semaphore, #tpu.memory_space<semaphore_mem>> -> memref<!tpu.dma_semaphore, #tpu.memory_space<semaphore_mem>>
          tpu.wait_indirect_dma semaphore(%dma_wait3A_338 : memref<!tpu.dma_semaphore, #tpu.memory_space<semaphore_mem>>) src(%dma_wait3A_336 : memref<51200x32xf32, #tpu.memory_space<hbm>>) dst(%arg14 : memref<64x32xf32, #tpu.memory_space<vmem>>)
          %add3A_339 = arith.constant 4 : i32
          %add3A_340 = arith.addi %mul3A_113, %add3A_339 : i32
          %dma_start3A_341 = arith.constant 4 : i32
          %dma_start3A_342 = arith.constant 0 : i32
          %dma_start3A_343 = tpu.memref_slice %arg9[%add3A_340, %dma_start3A_342] : memref<40x64xi32, #tpu.memory_space<vmem>> -> memref<1x64xi32, #tpu.memory_space<vmem>>
          %dma_start3A_344 = tpu.memref_squeeze %dma_start3A_343 : memref<1x64xi32, #tpu.memory_space<vmem>> -> memref<64xi32, #tpu.memory_space<vmem>>
          %dma_start3A_345 = arith.constant 0 : i32
          %dma_start3A_346 = arith.constant 0 : i32
          %dma_start3A_347 = tpu.memref_slice %arg18[%dma_start3A_345, %dma_start3A_346] : memref<51200x32xf32, #tpu.memory_space<vmem_shared>> -> memref<51200x32xf32, #tpu.memory_space<vmem_shared>>
          %dma_start3A_348 = tpu.memref_slice %arg20[%dma_start3A_341] : memref<8x!tpu.dma_semaphore, #tpu.memory_space<semaphore_mem>> -> memref<1x!tpu.dma_semaphore, #tpu.memory_space<semaphore_mem>>
          %dma_start3A_349 = tpu.memref_squeeze %dma_start3A_348 : memref<1x!tpu.dma_semaphore, #tpu.memory_space<semaphore_mem>> -> memref<!tpu.dma_semaphore, #tpu.memory_space<semaphore_mem>>
          tpu.enqueue_indirect_dma source(%arg14 : memref<64x32xf32, #tpu.memory_space<vmem>>) target(%dma_start3A_347 : memref<51200x32xf32, #tpu.memory_space<vmem_shared>>) offsets(%dma_start3A_344 : memref<64xi32, #tpu.memory_space<vmem>>) semaphore(%dma_start3A_349 : memref<!tpu.dma_semaphore, #tpu.memory_space<semaphore_mem>>) {add = true}
          %add3A_350 = arith.constant 5 : i32
          %add3A_351 = arith.addi %mul3A_113, %add3A_350 : i32
          %dma_wait3A_352 = arith.constant 5 : i32
          %dma_wait3A_353 = arith.constant 0 : i32
          %dma_wait3A_354 = tpu.memref_slice %arg8[%add3A_351, %dma_wait3A_353] : memref<40x64xi32, #tpu.memory_space<vmem>> -> memref<1x64xi32, #tpu.memory_space<vmem>>
          %dma_wait3A_355 = tpu.memref_squeeze %dma_wait3A_354 : memref<1x64xi32, #tpu.memory_space<vmem>> -> memref<64xi32, #tpu.memory_space<vmem>>
          %dma_wait3A_356 = arith.constant 0 : i32
          %dma_wait3A_357 = arith.constant 0 : i32
          %dma_wait3A_358 = tpu.memref_slice %arg4[%dma_wait3A_356, %dma_wait3A_357] : memref<51200x32xf32, #tpu.memory_space<hbm>> -> memref<51200x32xf32, #tpu.memory_space<hbm>>
          %dma_wait3A_359 = tpu.memref_slice %arg19[%dma_wait3A_352] : memref<8x!tpu.dma_semaphore, #tpu.memory_space<semaphore_mem>> -> memref<1x!tpu.dma_semaphore, #tpu.memory_space<semaphore_mem>>
          %dma_wait3A_360 = tpu.memref_squeeze %dma_wait3A_359 : memref<1x!tpu.dma_semaphore, #tpu.memory_space<semaphore_mem>> -> memref<!tpu.dma_semaphore, #tpu.memory_space<semaphore_mem>>
          tpu.wait_indirect_dma semaphore(%dma_wait3A_360 : memref<!tpu.dma_semaphore, #tpu.memory_space<semaphore_mem>>) src(%dma_wait3A_358 : memref<51200x32xf32, #tpu.memory_space<hbm>>) dst(%arg15 : memref<64x32xf32, #tpu.memory_space<vmem>>)
          %add3A_361 = arith.constant 5 : i32
          %add3A_362 = arith.addi %mul3A_113, %add3A_361 : i32
          %dma_start3A_363 = arith.constant 5 : i32
          %dma_start3A_364 = arith.constant 0 : i32
          %dma_start3A_365 = tpu.memref_slice %arg9[%add3A_362, %dma_start3A_364] : memref<40x64xi32, #tpu.memory_space<vmem>> -> memref<1x64xi32, #tpu.memory_space<vmem>>
          %dma_start3A_366 = tpu.memref_squeeze %dma_start3A_365 : memref<1x64xi32, #tpu.memory_space<vmem>> -> memref<64xi32, #tpu.memory_space<vmem>>
          %dma_start3A_367 = arith.constant 0 : i32
          %dma_start3A_368 = arith.constant 0 : i32
          %dma_start3A_369 = tpu.memref_slice %arg18[%dma_start3A_367, %dma_start3A_368] : memref<51200x32xf32, #tpu.memory_space<vmem_shared>> -> memref<51200x32xf32, #tpu.memory_space<vmem_shared>>
          %dma_start3A_370 = tpu.memref_slice %arg20[%dma_start3A_363] : memref<8x!tpu.dma_semaphore, #tpu.memory_space<semaphore_mem>> -> memref<1x!tpu.dma_semaphore, #tpu.memory_space<semaphore_mem>>
          %dma_start3A_371 = tpu.memref_squeeze %dma_start3A_370 : memref<1x!tpu.dma_semaphore, #tpu.memory_space<semaphore_mem>> -> memref<!tpu.dma_semaphore, #tpu.memory_space<semaphore_mem>>
          tpu.enqueue_indirect_dma source(%arg15 : memref<64x32xf32, #tpu.memory_space<vmem>>) target(%dma_start3A_369 : memref<51200x32xf32, #tpu.memory_space<vmem_shared>>) offsets(%dma_start3A_366 : memref<64xi32, #tpu.memory_space<vmem>>) semaphore(%dma_start3A_371 : memref<!tpu.dma_semaphore, #tpu.memory_space<semaphore_mem>>) {add = true}
          %add3A_372 = arith.constant 6 : i32
          %add3A_373 = arith.addi %mul3A_113, %add3A_372 : i32
          %dma_wait3A_374 = arith.constant 6 : i32
          %dma_wait3A_375 = arith.constant 0 : i32
          %dma_wait3A_376 = tpu.memref_slice %arg8[%add3A_373, %dma_wait3A_375] : memref<40x64xi32, #tpu.memory_space<vmem>> -> memref<1x64xi32, #tpu.memory_space<vmem>>
          %dma_wait3A_377 = tpu.memref_squeeze %dma_wait3A_376 : memref<1x64xi32, #tpu.memory_space<vmem>> -> memref<64xi32, #tpu.memory_space<vmem>>
          %dma_wait3A_378 = arith.constant 0 : i32
          %dma_wait3A_379 = arith.constant 0 : i32
          %dma_wait3A_380 = tpu.memref_slice %arg4[%dma_wait3A_378, %dma_wait3A_379] : memref<51200x32xf32, #tpu.memory_space<hbm>> -> memref<51200x32xf32, #tpu.memory_space<hbm>>
          %dma_wait3A_381 = tpu.memref_slice %arg19[%dma_wait3A_374] : memref<8x!tpu.dma_semaphore, #tpu.memory_space<semaphore_mem>> -> memref<1x!tpu.dma_semaphore, #tpu.memory_space<semaphore_mem>>
          %dma_wait3A_382 = tpu.memref_squeeze %dma_wait3A_381 : memref<1x!tpu.dma_semaphore, #tpu.memory_space<semaphore_mem>> -> memref<!tpu.dma_semaphore, #tpu.memory_space<semaphore_mem>>
          tpu.wait_indirect_dma semaphore(%dma_wait3A_382 : memref<!tpu.dma_semaphore, #tpu.memory_space<semaphore_mem>>) src(%dma_wait3A_380 : memref<51200x32xf32, #tpu.memory_space<hbm>>) dst(%arg16 : memref<64x32xf32, #tpu.memory_space<vmem>>)
          %add3A_383 = arith.constant 6 : i32
          %add3A_384 = arith.addi %mul3A_113, %add3A_383 : i32
          %dma_start3A_385 = arith.constant 6 : i32
          %dma_start3A_386 = arith.constant 0 : i32
          %dma_start3A_387 = tpu.memref_slice %arg9[%add3A_384, %dma_start3A_386] : memref<40x64xi32, #tpu.memory_space<vmem>> -> memref<1x64xi32, #tpu.memory_space<vmem>>
          %dma_start3A_388 = tpu.memref_squeeze %dma_start3A_387 : memref<1x64xi32, #tpu.memory_space<vmem>> -> memref<64xi32, #tpu.memory_space<vmem>>
          %dma_start3A_389 = arith.constant 0 : i32
          %dma_start3A_390 = arith.constant 0 : i32
          %dma_start3A_391 = tpu.memref_slice %arg18[%dma_start3A_389, %dma_start3A_390] : memref<51200x32xf32, #tpu.memory_space<vmem_shared>> -> memref<51200x32xf32, #tpu.memory_space<vmem_shared>>
          %dma_start3A_392 = tpu.memref_slice %arg20[%dma_start3A_385] : memref<8x!tpu.dma_semaphore, #tpu.memory_space<semaphore_mem>> -> memref<1x!tpu.dma_semaphore, #tpu.memory_space<semaphore_mem>>
          %dma_start3A_393 = tpu.memref_squeeze %dma_start3A_392 : memref<1x!tpu.dma_semaphore, #tpu.memory_space<semaphore_mem>> -> memref<!tpu.dma_semaphore, #tpu.memory_space<semaphore_mem>>
          tpu.enqueue_indirect_dma source(%arg16 : memref<64x32xf32, #tpu.memory_space<vmem>>) target(%dma_start3A_391 : memref<51200x32xf32, #tpu.memory_space<vmem_shared>>) offsets(%dma_start3A_388 : memref<64xi32, #tpu.memory_space<vmem>>) semaphore(%dma_start3A_393 : memref<!tpu.dma_semaphore, #tpu.memory_space<semaphore_mem>>) {add = true}
          %add3A_394 = arith.constant 7 : i32
          %add3A_395 = arith.addi %mul3A_113, %add3A_394 : i32
          %dma_wait3A_396 = arith.constant 7 : i32
          %dma_wait3A_397 = arith.constant 0 : i32
          %dma_wait3A_398 = tpu.memref_slice %arg8[%add3A_395, %dma_wait3A_397] : memref<40x64xi32, #tpu.memory_space<vmem>> -> memref<1x64xi32, #tpu.memory_space<vmem>>
          %dma_wait3A_399 = tpu.memref_squeeze %dma_wait3A_398 : memref<1x64xi32, #tpu.memory_space<vmem>> -> memref<64xi32, #tpu.memory_space<vmem>>
          %dma_wait3A_400 = arith.constant 0 : i32
          %dma_wait3A_401 = arith.constant 0 : i32
          %dma_wait3A_402 = tpu.memref_slice %arg4[%dma_wait3A_400, %dma_wait3A_401] : memref<51200x32xf32, #tpu.memory_space<hbm>> -> memref<51200x32xf32, #tpu.memory_space<hbm>>
          %dma_wait3A_403 = tpu.memref_slice %arg19[%dma_wait3A_396] : memref<8x!tpu.dma_semaphore, #tpu.memory_space<semaphore_mem>> -> memref<1x!tpu.dma_semaphore, #tpu.memory_space<semaphore_mem>>
          %dma_wait3A_404 = tpu.memref_squeeze %dma_wait3A_403 : memref<1x!tpu.dma_semaphore, #tpu.memory_space<semaphore_mem>> -> memref<!tpu.dma_semaphore, #tpu.memory_space<semaphore_mem>>
          tpu.wait_indirect_dma semaphore(%dma_wait3A_404 : memref<!tpu.dma_semaphore, #tpu.memory_space<semaphore_mem>>) src(%dma_wait3A_402 : memref<51200x32xf32, #tpu.memory_space<hbm>>) dst(%arg17 : memref<64x32xf32, #tpu.memory_space<vmem>>)
          %add3A_405 = arith.constant 7 : i32
          %add3A_406 = arith.addi %mul3A_113, %add3A_405 : i32
          %dma_start3A_407 = arith.constant 7 : i32
          %dma_start3A_408 = arith.constant 0 : i32
          %dma_start3A_409 = tpu.memref_slice %arg9[%add3A_406, %dma_start3A_408] : memref<40x64xi32, #tpu.memory_space<vmem>> -> memref<1x64xi32, #tpu.memory_space<vmem>>
          %dma_start3A_410 = tpu.memref_squeeze %dma_start3A_409 : memref<1x64xi32, #tpu.memory_space<vmem>> -> memref<64xi32, #tpu.memory_space<vmem>>
          %dma_start3A_411 = arith.constant 0 : i32
          %dma_start3A_412 = arith.constant 0 : i32
          %dma_start3A_413 = tpu.memref_slice %arg18[%dma_start3A_411, %dma_start3A_412] : memref<51200x32xf32, #tpu.memory_space<vmem_shared>> -> memref<51200x32xf32, #tpu.memory_space<vmem_shared>>
          %dma_start3A_414 = tpu.memref_slice %arg20[%dma_start3A_407] : memref<8x!tpu.dma_semaphore, #tpu.memory_space<semaphore_mem>> -> memref<1x!tpu.dma_semaphore, #tpu.memory_space<semaphore_mem>>
          %dma_start3A_415 = tpu.memref_squeeze %dma_start3A_414 : memref<1x!tpu.dma_semaphore, #tpu.memory_space<semaphore_mem>> -> memref<!tpu.dma_semaphore, #tpu.memory_space<semaphore_mem>>
          tpu.enqueue_indirect_dma source(%arg17 : memref<64x32xf32, #tpu.memory_space<vmem>>) target(%dma_start3A_413 : memref<51200x32xf32, #tpu.memory_space<vmem_shared>>) offsets(%dma_start3A_410 : memref<64xi32, #tpu.memory_space<vmem>>) semaphore(%dma_start3A_415 : memref<!tpu.dma_semaphore, #tpu.memory_space<semaphore_mem>>) {add = true}
        }
        %scan3A_31 = arith.constant 5 : i32
        %dma_wait3A = arith.constant 0 : i32
        %dma_wait3A_32 = arith.constant 0 : i32
        %dma_wait3A_33 = arith.constant 0 : i32
        %dma_wait3A_34 = tpu.memref_slice %arg9[%dma_wait3A, %dma_wait3A_33] : memref<40x64xi32, #tpu.memory_space<vmem>> -> memref<1x64xi32, #tpu.memory_space<vmem>>
        %dma_wait3A_35 = tpu.memref_squeeze %dma_wait3A_34 : memref<1x64xi32, #tpu.memory_space<vmem>> -> memref<64xi32, #tpu.memory_space<vmem>>
        %dma_wait3A_36 = arith.constant 0 : i32
        %dma_wait3A_37 = arith.constant 0 : i32
        %dma_wait3A_38 = tpu.memref_slice %arg18[%dma_wait3A_36, %dma_wait3A_37] : memref<51200x32xf32, #tpu.memory_space<vmem_shared>> -> memref<51200x32xf32, #tpu.memory_space<vmem_shared>>
        %dma_wait3A_39 = tpu.memref_slice %arg20[%dma_wait3A_32] : memref<8x!tpu.dma_semaphore, #tpu.memory_space<semaphore_mem>> -> memref<1x!tpu.dma_semaphore, #tpu.memory_space<semaphore_mem>>
        %dma_wait3A_40 = tpu.memref_squeeze %dma_wait3A_39 : memref<1x!tpu.dma_semaphore, #tpu.memory_space<semaphore_mem>> -> memref<!tpu.dma_semaphore, #tpu.memory_space<semaphore_mem>>
        tpu.wait_indirect_dma semaphore(%dma_wait3A_40 : memref<!tpu.dma_semaphore, #tpu.memory_space<semaphore_mem>>) src(%arg10 : memref<64x32xf32, #tpu.memory_space<vmem>>) dst(%dma_wait3A_38 : memref<51200x32xf32, #tpu.memory_space<vmem_shared>>)
        %dma_wait3A_41 = arith.constant 1 : i32
        %dma_wait3A_42 = arith.constant 1 : i32
        %dma_wait3A_43 = arith.constant 0 : i32
        %dma_wait3A_44 = tpu.memref_slice %arg9[%dma_wait3A_41, %dma_wait3A_43] : memref<40x64xi32, #tpu.memory_space<vmem>> -> memref<1x64xi32, #tpu.memory_space<vmem>>
        %dma_wait3A_45 = tpu.memref_squeeze %dma_wait3A_44 : memref<1x64xi32, #tpu.memory_space<vmem>> -> memref<64xi32, #tpu.memory_space<vmem>>
        %dma_wait3A_46 = arith.constant 0 : i32
        %dma_wait3A_47 = arith.constant 0 : i32
        %dma_wait3A_48 = tpu.memref_slice %arg18[%dma_wait3A_46, %dma_wait3A_47] : memref<51200x32xf32, #tpu.memory_space<vmem_shared>> -> memref<51200x32xf32, #tpu.memory_space<vmem_shared>>
        %dma_wait3A_49 = tpu.memref_slice %arg20[%dma_wait3A_42] : memref<8x!tpu.dma_semaphore, #tpu.memory_space<semaphore_mem>> -> memref<1x!tpu.dma_semaphore, #tpu.memory_space<semaphore_mem>>
        %dma_wait3A_50 = tpu.memref_squeeze %dma_wait3A_49 : memref<1x!tpu.dma_semaphore, #tpu.memory_space<semaphore_mem>> -> memref<!tpu.dma_semaphore, #tpu.memory_space<semaphore_mem>>
        tpu.wait_indirect_dma semaphore(%dma_wait3A_50 : memref<!tpu.dma_semaphore, #tpu.memory_space<semaphore_mem>>) src(%arg11 : memref<64x32xf32, #tpu.memory_space<vmem>>) dst(%dma_wait3A_48 : memref<51200x32xf32, #tpu.memory_space<vmem_shared>>)
        %dma_wait3A_51 = arith.constant 2 : i32
        %dma_wait3A_52 = arith.constant 2 : i32
        %dma_wait3A_53 = arith.constant 0 : i32
        %dma_wait3A_54 = tpu.memref_slice %arg9[%dma_wait3A_51, %dma_wait3A_53] : memref<40x64xi32, #tpu.memory_space<vmem>> -> memref<1x64xi32, #tpu.memory_space<vmem>>
        %dma_wait3A_55 = tpu.memref_squeeze %dma_wait3A_54 : memref<1x64xi32, #tpu.memory_space<vmem>> -> memref<64xi32, #tpu.memory_space<vmem>>
        %dma_wait3A_56 = arith.constant 0 : i32
        %dma_wait3A_57 = arith.constant 0 : i32
        %dma_wait3A_58 = tpu.memref_slice %arg18[%dma_wait3A_56, %dma_wait3A_57] : memref<51200x32xf32, #tpu.memory_space<vmem_shared>> -> memref<51200x32xf32, #tpu.memory_space<vmem_shared>>
        %dma_wait3A_59 = tpu.memref_slice %arg20[%dma_wait3A_52] : memref<8x!tpu.dma_semaphore, #tpu.memory_space<semaphore_mem>> -> memref<1x!tpu.dma_semaphore, #tpu.memory_space<semaphore_mem>>
        %dma_wait3A_60 = tpu.memref_squeeze %dma_wait3A_59 : memref<1x!tpu.dma_semaphore, #tpu.memory_space<semaphore_mem>> -> memref<!tpu.dma_semaphore, #tpu.memory_space<semaphore_mem>>
        tpu.wait_indirect_dma semaphore(%dma_wait3A_60 : memref<!tpu.dma_semaphore, #tpu.memory_space<semaphore_mem>>) src(%arg12 : memref<64x32xf32, #tpu.memory_space<vmem>>) dst(%dma_wait3A_58 : memref<51200x32xf32, #tpu.memory_space<vmem_shared>>)
        %dma_wait3A_61 = arith.constant 3 : i32
        %dma_wait3A_62 = arith.constant 3 : i32
        %dma_wait3A_63 = arith.constant 0 : i32
        %dma_wait3A_64 = tpu.memref_slice %arg9[%dma_wait3A_61, %dma_wait3A_63] : memref<40x64xi32, #tpu.memory_space<vmem>> -> memref<1x64xi32, #tpu.memory_space<vmem>>
        %dma_wait3A_65 = tpu.memref_squeeze %dma_wait3A_64 : memref<1x64xi32, #tpu.memory_space<vmem>> -> memref<64xi32, #tpu.memory_space<vmem>>
        %dma_wait3A_66 = arith.constant 0 : i32
        %dma_wait3A_67 = arith.constant 0 : i32
        %dma_wait3A_68 = tpu.memref_slice %arg18[%dma_wait3A_66, %dma_wait3A_67] : memref<51200x32xf32, #tpu.memory_space<vmem_shared>> -> memref<51200x32xf32, #tpu.memory_space<vmem_shared>>
        %dma_wait3A_69 = tpu.memref_slice %arg20[%dma_wait3A_62] : memref<8x!tpu.dma_semaphore, #tpu.memory_space<semaphore_mem>> -> memref<1x!tpu.dma_semaphore, #tpu.memory_space<semaphore_mem>>
        %dma_wait3A_70 = tpu.memref_squeeze %dma_wait3A_69 : memref<1x!tpu.dma_semaphore, #tpu.memory_space<semaphore_mem>> -> memref<!tpu.dma_semaphore, #tpu.memory_space<semaphore_mem>>
        tpu.wait_indirect_dma semaphore(%dma_wait3A_70 : memref<!tpu.dma_semaphore, #tpu.memory_space<semaphore_mem>>) src(%arg13 : memref<64x32xf32, #tpu.memory_space<vmem>>) dst(%dma_wait3A_68 : memref<51200x32xf32, #tpu.memory_space<vmem_shared>>)
        %dma_wait3A_71 = arith.constant 4 : i32
        %dma_wait3A_72 = arith.constant 4 : i32
        %dma_wait3A_73 = arith.constant 0 : i32
        %dma_wait3A_74 = tpu.memref_slice %arg9[%dma_wait3A_71, %dma_wait3A_73] : memref<40x64xi32, #tpu.memory_space<vmem>> -> memref<1x64xi32, #tpu.memory_space<vmem>>
        %dma_wait3A_75 = tpu.memref_squeeze %dma_wait3A_74 : memref<1x64xi32, #tpu.memory_space<vmem>> -> memref<64xi32, #tpu.memory_space<vmem>>
        %dma_wait3A_76 = arith.constant 0 : i32
        %dma_wait3A_77 = arith.constant 0 : i32
        %dma_wait3A_78 = tpu.memref_slice %arg18[%dma_wait3A_76, %dma_wait3A_77] : memref<51200x32xf32, #tpu.memory_space<vmem_shared>> -> memref<51200x32xf32, #tpu.memory_space<vmem_shared>>
        %dma_wait3A_79 = tpu.memref_slice %arg20[%dma_wait3A_72] : memref<8x!tpu.dma_semaphore, #tpu.memory_space<semaphore_mem>> -> memref<1x!tpu.dma_semaphore, #tpu.memory_space<semaphore_mem>>
        %dma_wait3A_80 = tpu.memref_squeeze %dma_wait3A_79 : memref<1x!tpu.dma_semaphore, #tpu.memory_space<semaphore_mem>> -> memref<!tpu.dma_semaphore, #tpu.memory_space<semaphore_mem>>
        tpu.wait_indirect_dma semaphore(%dma_wait3A_80 : memref<!tpu.dma_semaphore, #tpu.memory_space<semaphore_mem>>) src(%arg14 : memref<64x32xf32, #tpu.memory_space<vmem>>) dst(%dma_wait3A_78 : memref<51200x32xf32, #tpu.memory_space<vmem_shared>>)
        %dma_wait3A_81 = arith.constant 5 : i32
        %dma_wait3A_82 = arith.constant 5 : i32
        %dma_wait3A_83 = arith.constant 0 : i32
        %dma_wait3A_84 = tpu.memref_slice %arg9[%dma_wait3A_81, %dma_wait3A_83] : memref<40x64xi32, #tpu.memory_space<vmem>> -> memref<1x64xi32, #tpu.memory_space<vmem>>
        %dma_wait3A_85 = tpu.memref_squeeze %dma_wait3A_84 : memref<1x64xi32, #tpu.memory_space<vmem>> -> memref<64xi32, #tpu.memory_space<vmem>>
        %dma_wait3A_86 = arith.constant 0 : i32
        %dma_wait3A_87 = arith.constant 0 : i32
        %dma_wait3A_88 = tpu.memref_slice %arg18[%dma_wait3A_86, %dma_wait3A_87] : memref<51200x32xf32, #tpu.memory_space<vmem_shared>> -> memref<51200x32xf32, #tpu.memory_space<vmem_shared>>
        %dma_wait3A_89 = tpu.memref_slice %arg20[%dma_wait3A_82] : memref<8x!tpu.dma_semaphore, #tpu.memory_space<semaphore_mem>> -> memref<1x!tpu.dma_semaphore, #tpu.memory_space<semaphore_mem>>
        %dma_wait3A_90 = tpu.memref_squeeze %dma_wait3A_89 : memref<1x!tpu.dma_semaphore, #tpu.memory_space<semaphore_mem>> -> memref<!tpu.dma_semaphore, #tpu.memory_space<semaphore_mem>>
        tpu.wait_indirect_dma semaphore(%dma_wait3A_90 : memref<!tpu.dma_semaphore, #tpu.memory_space<semaphore_mem>>) src(%arg15 : memref<64x32xf32, #tpu.memory_space<vmem>>) dst(%dma_wait3A_88 : memref<51200x32xf32, #tpu.memory_space<vmem_shared>>)
        %dma_wait3A_91 = arith.constant 6 : i32
        %dma_wait3A_92 = arith.constant 6 : i32
        %dma_wait3A_93 = arith.constant 0 : i32
        %dma_wait3A_94 = tpu.memref_slice %arg9[%dma_wait3A_91, %dma_wait3A_93] : memref<40x64xi32, #tpu.memory_space<vmem>> -> memref<1x64xi32, #tpu.memory_space<vmem>>
        %dma_wait3A_95 = tpu.memref_squeeze %dma_wait3A_94 : memref<1x64xi32, #tpu.memory_space<vmem>> -> memref<64xi32, #tpu.memory_space<vmem>>
        %dma_wait3A_96 = arith.constant 0 : i32
        %dma_wait3A_97 = arith.constant 0 : i32
        %dma_wait3A_98 = tpu.memref_slice %arg18[%dma_wait3A_96, %dma_wait3A_97] : memref<51200x32xf32, #tpu.memory_space<vmem_shared>> -> memref<51200x32xf32, #tpu.memory_space<vmem_shared>>
        %dma_wait3A_99 = tpu.memref_slice %arg20[%dma_wait3A_92] : memref<8x!tpu.dma_semaphore, #tpu.memory_space<semaphore_mem>> -> memref<1x!tpu.dma_semaphore, #tpu.memory_space<semaphore_mem>>
        %dma_wait3A_100 = tpu.memref_squeeze %dma_wait3A_99 : memref<1x!tpu.dma_semaphore, #tpu.memory_space<semaphore_mem>> -> memref<!tpu.dma_semaphore, #tpu.memory_space<semaphore_mem>>
        tpu.wait_indirect_dma semaphore(%dma_wait3A_100 : memref<!tpu.dma_semaphore, #tpu.memory_space<semaphore_mem>>) src(%arg16 : memref<64x32xf32, #tpu.memory_space<vmem>>) dst(%dma_wait3A_98 : memref<51200x32xf32, #tpu.memory_space<vmem_shared>>)
        %dma_wait3A_101 = arith.constant 7 : i32
        %dma_wait3A_102 = arith.constant 7 : i32
        %dma_wait3A_103 = arith.constant 0 : i32
        %dma_wait3A_104 = tpu.memref_slice %arg9[%dma_wait3A_101, %dma_wait3A_103] : memref<40x64xi32, #tpu.memory_space<vmem>> -> memref<1x64xi32, #tpu.memory_space<vmem>>
        %dma_wait3A_105 = tpu.memref_squeeze %dma_wait3A_104 : memref<1x64xi32, #tpu.memory_space<vmem>> -> memref<64xi32, #tpu.memory_space<vmem>>
        %dma_wait3A_106 = arith.constant 0 : i32
        %dma_wait3A_107 = arith.constant 0 : i32
        %dma_wait3A_108 = tpu.memref_slice %arg18[%dma_wait3A_106, %dma_wait3A_107] : memref<51200x32xf32, #tpu.memory_space<vmem_shared>> -> memref<51200x32xf32, #tpu.memory_space<vmem_shared>>
        %dma_wait3A_109 = tpu.memref_slice %arg20[%dma_wait3A_102] : memref<8x!tpu.dma_semaphore, #tpu.memory_space<semaphore_mem>> -> memref<1x!tpu.dma_semaphore, #tpu.memory_space<semaphore_mem>>
        %dma_wait3A_110 = tpu.memref_squeeze %dma_wait3A_109 : memref<1x!tpu.dma_semaphore, #tpu.memory_space<semaphore_mem>> -> memref<!tpu.dma_semaphore, #tpu.memory_space<semaphore_mem>>
        tpu.wait_indirect_dma semaphore(%dma_wait3A_110 : memref<!tpu.dma_semaphore, #tpu.memory_space<semaphore_mem>>) src(%arg17 : memref<64x32xf32, #tpu.memory_space<vmem>>) dst(%dma_wait3A_108 : memref<51200x32xf32, #tpu.memory_space<vmem_shared>>)
      }
      %scan3A_21 = arith.constant 20 : i32
    } else {
    }
    %eq3A_5 = arith.constant 1 : i32
    %eq3A_6 = arith.cmpi eq, %arg0, %eq3A_5 : i32
    %convert_element_type3A_7 = arith.extui %eq3A_6 : i1 to i32
    %cond3A_8 = arith.constant 0 : i32
    %cond3A_9 = arith.cmpi ne, %convert_element_type3A_7, %cond3A_8 : i32
    scf.if %cond3A_9 {
      %scan3A = arith.constant 0 : i32
      %scan3A_17 = arith.constant 0 : i32
      %scan3A_18 = arith.constant 20 : i32
      %scan3A_19 = arith.addi %scan3A_17, %scan3A_18 : i32
      %scan3A_20 = arith.constant 1 : i32
      scf.for %scan3A_22 = %scan3A_17 to %scan3A_19 step %scan3A_20  : i32 {
        %mul3A_23 = arith.constant 40 : i32
        %mul3A_24 = arith.muli %scan3A_22, %mul3A_23 : i32
        %add3A_25 = arith.addi %mul3A_2, %mul3A_24 : i32
        "tpu.region"() ({
          %run_scoped3A = tpu.sem_alloc : memref<!tpu.dma_semaphore, #tpu.memory_space<semaphore_mem>>
          %dma_start3A = arith.constant 0 : i32
          %dma_start3A_111 = tpu.memref_slice %arg2[%add3A_25, %dma_start3A] : memref<12800x64xi32, #tpu.memory_space<hbm>> -> memref<40x64xi32, #tpu.memory_space<hbm>>
          %dma_start3A_112 = arith.constant 0 : i32
          %dma_start3A_113 = tpu.memref_slice %arg2[%add3A_25, %dma_start3A_112] : memref<12800x64xi32, #tpu.memory_space<hbm>> -> memref<40x64xi32, #tpu.memory_space<hbm>>
          tpu.enqueue_dma source(%dma_start3A_113 : memref<40x64xi32, #tpu.memory_space<hbm>>) target(%arg8 : memref<40x64xi32, #tpu.memory_space<vmem>>) target_semaphore(%run_scoped3A : memref<!tpu.dma_semaphore, #tpu.memory_space<semaphore_mem>>)
          %dma_wait3A_114 = arith.constant 0 : i32
          %dma_wait3A_115 = tpu.memref_slice %arg2[%add3A_25, %dma_wait3A_114] : memref<12800x64xi32, #tpu.memory_space<hbm>> -> memref<40x64xi32, #tpu.memory_space<hbm>>
          %dma_wait3A_116 = arith.constant 0 : i32
          %dma_wait3A_117 = tpu.memref_slice %arg2[%add3A_25, %dma_wait3A_116] : memref<12800x64xi32, #tpu.memory_space<hbm>> -> memref<40x64xi32, #tpu.memory_space<hbm>>
          tpu.wait_dma2 semaphore(%run_scoped3A : memref<!tpu.dma_semaphore, #tpu.memory_space<semaphore_mem>>) src(%dma_wait3A_117 : memref<40x64xi32, #tpu.memory_space<hbm>>) dst(%arg8 : memref<40x64xi32, #tpu.memory_space<vmem>>)
          tpu.yield
        }) : () -> ()
        "tpu.region"() ({
          %run_scoped3A = tpu.sem_alloc : memref<!tpu.dma_semaphore, #tpu.memory_space<semaphore_mem>>
          %dma_start3A = arith.constant 0 : i32
          %dma_start3A_111 = tpu.memref_slice %arg3[%add3A_25, %dma_start3A] : memref<12800x64xi32, #tpu.memory_space<hbm>> -> memref<40x64xi32, #tpu.memory_space<hbm>>
          %dma_start3A_112 = arith.constant 0 : i32
          %dma_start3A_113 = tpu.memref_slice %arg3[%add3A_25, %dma_start3A_112] : memref<12800x64xi32, #tpu.memory_space<hbm>> -> memref<40x64xi32, #tpu.memory_space<hbm>>
          tpu.enqueue_dma source(%dma_start3A_113 : memref<40x64xi32, #tpu.memory_space<hbm>>) target(%arg9 : memref<40x64xi32, #tpu.memory_space<vmem>>) target_semaphore(%run_scoped3A : memref<!tpu.dma_semaphore, #tpu.memory_space<semaphore_mem>>)
          %dma_wait3A_114 = arith.constant 0 : i32
          %dma_wait3A_115 = tpu.memref_slice %arg3[%add3A_25, %dma_wait3A_114] : memref<12800x64xi32, #tpu.memory_space<hbm>> -> memref<40x64xi32, #tpu.memory_space<hbm>>
          %dma_wait3A_116 = arith.constant 0 : i32
          %dma_wait3A_117 = tpu.memref_slice %arg3[%add3A_25, %dma_wait3A_116] : memref<12800x64xi32, #tpu.memory_space<hbm>> -> memref<40x64xi32, #tpu.memory_space<hbm>>
          tpu.wait_dma2 semaphore(%run_scoped3A : memref<!tpu.dma_semaphore, #tpu.memory_space<semaphore_mem>>) src(%dma_wait3A_117 : memref<40x64xi32, #tpu.memory_space<hbm>>) dst(%arg9 : memref<40x64xi32, #tpu.memory_space<vmem>>)
          tpu.yield
        }) : () -> ()
        %scan3A_26 = arith.constant 0 : i32
        %scan3A_27 = arith.constant 0 : i32
        %scan3A_28 = arith.constant 5 : i32
        %scan3A_29 = arith.addi %scan3A_27, %scan3A_28 : i32
        %scan3A_30 = arith.constant 1 : i32
        scf.for %scan3A_111 = %scan3A_27 to %scan3A_29 step %scan3A_30  : i32 {
          %mul3A_112 = arith.constant 8 : i32
          %mul3A_113 = arith.muli %scan3A_111, %mul3A_112 : i32
          %gt3A = arith.constant 0 : i32
          %gt3A_114 = arith.cmpi sgt, %scan3A_111, %gt3A : i32
          %convert_element_type3A_115 = arith.extui %gt3A_114 : i1 to i32
          %cond3A_116 = arith.constant 0 : i32
          %cond3A_117 = arith.cmpi ne, %convert_element_type3A_115, %cond3A_116 : i32
          scf.if %cond3A_117 {
            %add3A_416 = arith.constant 0 : i32
            %add3A_417 = arith.addi %mul3A_113, %add3A_416 : i32
            %dma_wait3A_418 = arith.constant 0 : i32
            %dma_wait3A_419 = arith.constant 0 : i32
            %dma_wait3A_420 = tpu.memref_slice %arg9[%add3A_417, %dma_wait3A_419] : memref<40x64xi32, #tpu.memory_space<vmem>> -> memref<1x64xi32, #tpu.memory_space<vmem>>
            %dma_wait3A_421 = tpu.memref_squeeze %dma_wait3A_420 : memref<1x64xi32, #tpu.memory_space<vmem>> -> memref<64xi32, #tpu.memory_space<vmem>>
            %dma_wait3A_422 = arith.constant 0 : i32
            %dma_wait3A_423 = arith.constant 0 : i32
            %dma_wait3A_424 = tpu.memref_slice %arg18[%dma_wait3A_422, %dma_wait3A_423] : memref<51200x32xf32, #tpu.memory_space<vmem_shared>> -> memref<51200x32xf32, #tpu.memory_space<vmem_shared>>
            %dma_wait3A_425 = tpu.memref_slice %arg20[%dma_wait3A_418] : memref<8x!tpu.dma_semaphore, #tpu.memory_space<semaphore_mem>> -> memref<1x!tpu.dma_semaphore, #tpu.memory_space<semaphore_mem>>
            %dma_wait3A_426 = tpu.memref_squeeze %dma_wait3A_425 : memref<1x!tpu.dma_semaphore, #tpu.memory_space<semaphore_mem>> -> memref<!tpu.dma_semaphore, #tpu.memory_space<semaphore_mem>>
            tpu.wait_indirect_dma semaphore(%dma_wait3A_426 : memref<!tpu.dma_semaphore, #tpu.memory_space<semaphore_mem>>) src(%arg10 : memref<64x32xf32, #tpu.memory_space<vmem>>) dst(%dma_wait3A_424 : memref<51200x32xf32, #tpu.memory_space<vmem_shared>>)
          } else {
          }
          %add3A_118 = arith.constant 0 : i32
          %add3A_119 = arith.addi %mul3A_113, %add3A_118 : i32
          %dma_start3A = arith.constant 0 : i32
          %dma_start3A_120 = arith.constant 0 : i32
          %dma_start3A_121 = tpu.memref_slice %arg8[%add3A_119, %dma_start3A_120] : memref<40x64xi32, #tpu.memory_space<vmem>> -> memref<1x64xi32, #tpu.memory_space<vmem>>
          %dma_start3A_122 = tpu.memref_squeeze %dma_start3A_121 : memref<1x64xi32, #tpu.memory_space<vmem>> -> memref<64xi32, #tpu.memory_space<vmem>>
          %dma_start3A_123 = arith.constant 0 : i32
          %dma_start3A_124 = arith.constant 0 : i32
          %dma_start3A_125 = tpu.memref_slice %arg5[%dma_start3A_123, %dma_start3A_124] : memref<51200x32xf32, #tpu.memory_space<hbm>> -> memref<51200x32xf32, #tpu.memory_space<hbm>>
          %dma_start3A_126 = tpu.memref_slice %arg19[%dma_start3A] : memref<8x!tpu.dma_semaphore, #tpu.memory_space<semaphore_mem>> -> memref<1x!tpu.dma_semaphore, #tpu.memory_space<semaphore_mem>>
          %dma_start3A_127 = tpu.memref_squeeze %dma_start3A_126 : memref<1x!tpu.dma_semaphore, #tpu.memory_space<semaphore_mem>> -> memref<!tpu.dma_semaphore, #tpu.memory_space<semaphore_mem>>
          tpu.enqueue_indirect_dma source(%dma_start3A_125 : memref<51200x32xf32, #tpu.memory_space<hbm>>) target(%arg10 : memref<64x32xf32, #tpu.memory_space<vmem>>) offsets(%dma_start3A_122 : memref<64xi32, #tpu.memory_space<vmem>>) semaphore(%dma_start3A_127 : memref<!tpu.dma_semaphore, #tpu.memory_space<semaphore_mem>>)
          %gt3A_128 = arith.constant 0 : i32
          %gt3A_129 = arith.cmpi sgt, %scan3A_111, %gt3A_128 : i32
          %convert_element_type3A_130 = arith.extui %gt3A_129 : i1 to i32
          %cond3A_131 = arith.constant 0 : i32
          %cond3A_132 = arith.cmpi ne, %convert_element_type3A_130, %cond3A_131 : i32
          scf.if %cond3A_132 {
            %add3A_416 = arith.constant 1 : i32
            %add3A_417 = arith.addi %mul3A_113, %add3A_416 : i32
            %dma_wait3A_418 = arith.constant 1 : i32
            %dma_wait3A_419 = arith.constant 0 : i32
            %dma_wait3A_420 = tpu.memref_slice %arg9[%add3A_417, %dma_wait3A_419] : memref<40x64xi32, #tpu.memory_space<vmem>> -> memref<1x64xi32, #tpu.memory_space<vmem>>
            %dma_wait3A_421 = tpu.memref_squeeze %dma_wait3A_420 : memref<1x64xi32, #tpu.memory_space<vmem>> -> memref<64xi32, #tpu.memory_space<vmem>>
            %dma_wait3A_422 = arith.constant 0 : i32
            %dma_wait3A_423 = arith.constant 0 : i32
            %dma_wait3A_424 = tpu.memref_slice %arg18[%dma_wait3A_422, %dma_wait3A_423] : memref<51200x32xf32, #tpu.memory_space<vmem_shared>> -> memref<51200x32xf32, #tpu.memory_space<vmem_shared>>
            %dma_wait3A_425 = tpu.memref_slice %arg20[%dma_wait3A_418] : memref<8x!tpu.dma_semaphore, #tpu.memory_space<semaphore_mem>> -> memref<1x!tpu.dma_semaphore, #tpu.memory_space<semaphore_mem>>
            %dma_wait3A_426 = tpu.memref_squeeze %dma_wait3A_425 : memref<1x!tpu.dma_semaphore, #tpu.memory_space<semaphore_mem>> -> memref<!tpu.dma_semaphore, #tpu.memory_space<semaphore_mem>>
            tpu.wait_indirect_dma semaphore(%dma_wait3A_426 : memref<!tpu.dma_semaphore, #tpu.memory_space<semaphore_mem>>) src(%arg11 : memref<64x32xf32, #tpu.memory_space<vmem>>) dst(%dma_wait3A_424 : memref<51200x32xf32, #tpu.memory_space<vmem_shared>>)
          } else {
          }
          %add3A_133 = arith.constant 1 : i32
          %add3A_134 = arith.addi %mul3A_113, %add3A_133 : i32
          %dma_start3A_135 = arith.constant 1 : i32
          %dma_start3A_136 = arith.constant 0 : i32
          %dma_start3A_137 = tpu.memref_slice %arg8[%add3A_134, %dma_start3A_136] : memref<40x64xi32, #tpu.memory_space<vmem>> -> memref<1x64xi32, #tpu.memory_space<vmem>>
          %dma_start3A_138 = tpu.memref_squeeze %dma_start3A_137 : memref<1x64xi32, #tpu.memory_space<vmem>> -> memref<64xi32, #tpu.memory_space<vmem>>
          %dma_start3A_139 = arith.constant 0 : i32
          %dma_start3A_140 = arith.constant 0 : i32
          %dma_start3A_141 = tpu.memref_slice %arg5[%dma_start3A_139, %dma_start3A_140] : memref<51200x32xf32, #tpu.memory_space<hbm>> -> memref<51200x32xf32, #tpu.memory_space<hbm>>
          %dma_start3A_142 = tpu.memref_slice %arg19[%dma_start3A_135] : memref<8x!tpu.dma_semaphore, #tpu.memory_space<semaphore_mem>> -> memref<1x!tpu.dma_semaphore, #tpu.memory_space<semaphore_mem>>
          %dma_start3A_143 = tpu.memref_squeeze %dma_start3A_142 : memref<1x!tpu.dma_semaphore, #tpu.memory_space<semaphore_mem>> -> memref<!tpu.dma_semaphore, #tpu.memory_space<semaphore_mem>>
          tpu.enqueue_indirect_dma source(%dma_start3A_141 : memref<51200x32xf32, #tpu.memory_space<hbm>>) target(%arg11 : memref<64x32xf32, #tpu.memory_space<vmem>>) offsets(%dma_start3A_138 : memref<64xi32, #tpu.memory_space<vmem>>) semaphore(%dma_start3A_143 : memref<!tpu.dma_semaphore, #tpu.memory_space<semaphore_mem>>)
          %gt3A_144 = arith.constant 0 : i32
          %gt3A_145 = arith.cmpi sgt, %scan3A_111, %gt3A_144 : i32
          %convert_element_type3A_146 = arith.extui %gt3A_145 : i1 to i32
          %cond3A_147 = arith.constant 0 : i32
          %cond3A_148 = arith.cmpi ne, %convert_element_type3A_146, %cond3A_147 : i32
          scf.if %cond3A_148 {
            %add3A_416 = arith.constant 2 : i32
            %add3A_417 = arith.addi %mul3A_113, %add3A_416 : i32
            %dma_wait3A_418 = arith.constant 2 : i32
            %dma_wait3A_419 = arith.constant 0 : i32
            %dma_wait3A_420 = tpu.memref_slice %arg9[%add3A_417, %dma_wait3A_419] : memref<40x64xi32, #tpu.memory_space<vmem>> -> memref<1x64xi32, #tpu.memory_space<vmem>>
            %dma_wait3A_421 = tpu.memref_squeeze %dma_wait3A_420 : memref<1x64xi32, #tpu.memory_space<vmem>> -> memref<64xi32, #tpu.memory_space<vmem>>
            %dma_wait3A_422 = arith.constant 0 : i32
            %dma_wait3A_423 = arith.constant 0 : i32
            %dma_wait3A_424 = tpu.memref_slice %arg18[%dma_wait3A_422, %dma_wait3A_423] : memref<51200x32xf32, #tpu.memory_space<vmem_shared>> -> memref<51200x32xf32, #tpu.memory_space<vmem_shared>>
            %dma_wait3A_425 = tpu.memref_slice %arg20[%dma_wait3A_418] : memref<8x!tpu.dma_semaphore, #tpu.memory_space<semaphore_mem>> -> memref<1x!tpu.dma_semaphore, #tpu.memory_space<semaphore_mem>>
            %dma_wait3A_426 = tpu.memref_squeeze %dma_wait3A_425 : memref<1x!tpu.dma_semaphore, #tpu.memory_space<semaphore_mem>> -> memref<!tpu.dma_semaphore, #tpu.memory_space<semaphore_mem>>
            tpu.wait_indirect_dma semaphore(%dma_wait3A_426 : memref<!tpu.dma_semaphore, #tpu.memory_space<semaphore_mem>>) src(%arg12 : memref<64x32xf32, #tpu.memory_space<vmem>>) dst(%dma_wait3A_424 : memref<51200x32xf32, #tpu.memory_space<vmem_shared>>)
          } else {
          }
          %add3A_149 = arith.constant 2 : i32
          %add3A_150 = arith.addi %mul3A_113, %add3A_149 : i32
          %dma_start3A_151 = arith.constant 2 : i32
          %dma_start3A_152 = arith.constant 0 : i32
          %dma_start3A_153 = tpu.memref_slice %arg8[%add3A_150, %dma_start3A_152] : memref<40x64xi32, #tpu.memory_space<vmem>> -> memref<1x64xi32, #tpu.memory_space<vmem>>
          %dma_start3A_154 = tpu.memref_squeeze %dma_start3A_153 : memref<1x64xi32, #tpu.memory_space<vmem>> -> memref<64xi32, #tpu.memory_space<vmem>>
          %dma_start3A_155 = arith.constant 0 : i32
          %dma_start3A_156 = arith.constant 0 : i32
          %dma_start3A_157 = tpu.memref_slice %arg5[%dma_start3A_155, %dma_start3A_156] : memref<51200x32xf32, #tpu.memory_space<hbm>> -> memref<51200x32xf32, #tpu.memory_space<hbm>>
          %dma_start3A_158 = tpu.memref_slice %arg19[%dma_start3A_151] : memref<8x!tpu.dma_semaphore, #tpu.memory_space<semaphore_mem>> -> memref<1x!tpu.dma_semaphore, #tpu.memory_space<semaphore_mem>>
          %dma_start3A_159 = tpu.memref_squeeze %dma_start3A_158 : memref<1x!tpu.dma_semaphore, #tpu.memory_space<semaphore_mem>> -> memref<!tpu.dma_semaphore, #tpu.memory_space<semaphore_mem>>
          tpu.enqueue_indirect_dma source(%dma_start3A_157 : memref<51200x32xf32, #tpu.memory_space<hbm>>) target(%arg12 : memref<64x32xf32, #tpu.memory_space<vmem>>) offsets(%dma_start3A_154 : memref<64xi32, #tpu.memory_space<vmem>>) semaphore(%dma_start3A_159 : memref<!tpu.dma_semaphore, #tpu.memory_space<semaphore_mem>>)
          %gt3A_160 = arith.constant 0 : i32
          %gt3A_161 = arith.cmpi sgt, %scan3A_111, %gt3A_160 : i32
          %convert_element_type3A_162 = arith.extui %gt3A_161 : i1 to i32
          %cond3A_163 = arith.constant 0 : i32
          %cond3A_164 = arith.cmpi ne, %convert_element_type3A_162, %cond3A_163 : i32
          scf.if %cond3A_164 {
            %add3A_416 = arith.constant 3 : i32
            %add3A_417 = arith.addi %mul3A_113, %add3A_416 : i32
            %dma_wait3A_418 = arith.constant 3 : i32
            %dma_wait3A_419 = arith.constant 0 : i32
            %dma_wait3A_420 = tpu.memref_slice %arg9[%add3A_417, %dma_wait3A_419] : memref<40x64xi32, #tpu.memory_space<vmem>> -> memref<1x64xi32, #tpu.memory_space<vmem>>
            %dma_wait3A_421 = tpu.memref_squeeze %dma_wait3A_420 : memref<1x64xi32, #tpu.memory_space<vmem>> -> memref<64xi32, #tpu.memory_space<vmem>>
            %dma_wait3A_422 = arith.constant 0 : i32
            %dma_wait3A_423 = arith.constant 0 : i32
            %dma_wait3A_424 = tpu.memref_slice %arg18[%dma_wait3A_422, %dma_wait3A_423] : memref<51200x32xf32, #tpu.memory_space<vmem_shared>> -> memref<51200x32xf32, #tpu.memory_space<vmem_shared>>
            %dma_wait3A_425 = tpu.memref_slice %arg20[%dma_wait3A_418] : memref<8x!tpu.dma_semaphore, #tpu.memory_space<semaphore_mem>> -> memref<1x!tpu.dma_semaphore, #tpu.memory_space<semaphore_mem>>
            %dma_wait3A_426 = tpu.memref_squeeze %dma_wait3A_425 : memref<1x!tpu.dma_semaphore, #tpu.memory_space<semaphore_mem>> -> memref<!tpu.dma_semaphore, #tpu.memory_space<semaphore_mem>>
            tpu.wait_indirect_dma semaphore(%dma_wait3A_426 : memref<!tpu.dma_semaphore, #tpu.memory_space<semaphore_mem>>) src(%arg13 : memref<64x32xf32, #tpu.memory_space<vmem>>) dst(%dma_wait3A_424 : memref<51200x32xf32, #tpu.memory_space<vmem_shared>>)
          } else {
          }
          %add3A_165 = arith.constant 3 : i32
          %add3A_166 = arith.addi %mul3A_113, %add3A_165 : i32
          %dma_start3A_167 = arith.constant 3 : i32
          %dma_start3A_168 = arith.constant 0 : i32
          %dma_start3A_169 = tpu.memref_slice %arg8[%add3A_166, %dma_start3A_168] : memref<40x64xi32, #tpu.memory_space<vmem>> -> memref<1x64xi32, #tpu.memory_space<vmem>>
          %dma_start3A_170 = tpu.memref_squeeze %dma_start3A_169 : memref<1x64xi32, #tpu.memory_space<vmem>> -> memref<64xi32, #tpu.memory_space<vmem>>
          %dma_start3A_171 = arith.constant 0 : i32
          %dma_start3A_172 = arith.constant 0 : i32
          %dma_start3A_173 = tpu.memref_slice %arg5[%dma_start3A_171, %dma_start3A_172] : memref<51200x32xf32, #tpu.memory_space<hbm>> -> memref<51200x32xf32, #tpu.memory_space<hbm>>
          %dma_start3A_174 = tpu.memref_slice %arg19[%dma_start3A_167] : memref<8x!tpu.dma_semaphore, #tpu.memory_space<semaphore_mem>> -> memref<1x!tpu.dma_semaphore, #tpu.memory_space<semaphore_mem>>
          %dma_start3A_175 = tpu.memref_squeeze %dma_start3A_174 : memref<1x!tpu.dma_semaphore, #tpu.memory_space<semaphore_mem>> -> memref<!tpu.dma_semaphore, #tpu.memory_space<semaphore_mem>>
          tpu.enqueue_indirect_dma source(%dma_start3A_173 : memref<51200x32xf32, #tpu.memory_space<hbm>>) target(%arg13 : memref<64x32xf32, #tpu.memory_space<vmem>>) offsets(%dma_start3A_170 : memref<64xi32, #tpu.memory_space<vmem>>) semaphore(%dma_start3A_175 : memref<!tpu.dma_semaphore, #tpu.memory_space<semaphore_mem>>)
          %gt3A_176 = arith.constant 0 : i32
          %gt3A_177 = arith.cmpi sgt, %scan3A_111, %gt3A_176 : i32
          %convert_element_type3A_178 = arith.extui %gt3A_177 : i1 to i32
          %cond3A_179 = arith.constant 0 : i32
          %cond3A_180 = arith.cmpi ne, %convert_element_type3A_178, %cond3A_179 : i32
          scf.if %cond3A_180 {
            %add3A_416 = arith.constant 4 : i32
            %add3A_417 = arith.addi %mul3A_113, %add3A_416 : i32
            %dma_wait3A_418 = arith.constant 4 : i32
            %dma_wait3A_419 = arith.constant 0 : i32
            %dma_wait3A_420 = tpu.memref_slice %arg9[%add3A_417, %dma_wait3A_419] : memref<40x64xi32, #tpu.memory_space<vmem>> -> memref<1x64xi32, #tpu.memory_space<vmem>>
            %dma_wait3A_421 = tpu.memref_squeeze %dma_wait3A_420 : memref<1x64xi32, #tpu.memory_space<vmem>> -> memref<64xi32, #tpu.memory_space<vmem>>
            %dma_wait3A_422 = arith.constant 0 : i32
            %dma_wait3A_423 = arith.constant 0 : i32
            %dma_wait3A_424 = tpu.memref_slice %arg18[%dma_wait3A_422, %dma_wait3A_423] : memref<51200x32xf32, #tpu.memory_space<vmem_shared>> -> memref<51200x32xf32, #tpu.memory_space<vmem_shared>>
            %dma_wait3A_425 = tpu.memref_slice %arg20[%dma_wait3A_418] : memref<8x!tpu.dma_semaphore, #tpu.memory_space<semaphore_mem>> -> memref<1x!tpu.dma_semaphore, #tpu.memory_space<semaphore_mem>>
            %dma_wait3A_426 = tpu.memref_squeeze %dma_wait3A_425 : memref<1x!tpu.dma_semaphore, #tpu.memory_space<semaphore_mem>> -> memref<!tpu.dma_semaphore, #tpu.memory_space<semaphore_mem>>
            tpu.wait_indirect_dma semaphore(%dma_wait3A_426 : memref<!tpu.dma_semaphore, #tpu.memory_space<semaphore_mem>>) src(%arg14 : memref<64x32xf32, #tpu.memory_space<vmem>>) dst(%dma_wait3A_424 : memref<51200x32xf32, #tpu.memory_space<vmem_shared>>)
          } else {
          }
          %add3A_181 = arith.constant 4 : i32
          %add3A_182 = arith.addi %mul3A_113, %add3A_181 : i32
          %dma_start3A_183 = arith.constant 4 : i32
          %dma_start3A_184 = arith.constant 0 : i32
          %dma_start3A_185 = tpu.memref_slice %arg8[%add3A_182, %dma_start3A_184] : memref<40x64xi32, #tpu.memory_space<vmem>> -> memref<1x64xi32, #tpu.memory_space<vmem>>
          %dma_start3A_186 = tpu.memref_squeeze %dma_start3A_185 : memref<1x64xi32, #tpu.memory_space<vmem>> -> memref<64xi32, #tpu.memory_space<vmem>>
          %dma_start3A_187 = arith.constant 0 : i32
          %dma_start3A_188 = arith.constant 0 : i32
          %dma_start3A_189 = tpu.memref_slice %arg5[%dma_start3A_187, %dma_start3A_188] : memref<51200x32xf32, #tpu.memory_space<hbm>> -> memref<51200x32xf32, #tpu.memory_space<hbm>>
          %dma_start3A_190 = tpu.memref_slice %arg19[%dma_start3A_183] : memref<8x!tpu.dma_semaphore, #tpu.memory_space<semaphore_mem>> -> memref<1x!tpu.dma_semaphore, #tpu.memory_space<semaphore_mem>>
          %dma_start3A_191 = tpu.memref_squeeze %dma_start3A_190 : memref<1x!tpu.dma_semaphore, #tpu.memory_space<semaphore_mem>> -> memref<!tpu.dma_semaphore, #tpu.memory_space<semaphore_mem>>
          tpu.enqueue_indirect_dma source(%dma_start3A_189 : memref<51200x32xf32, #tpu.memory_space<hbm>>) target(%arg14 : memref<64x32xf32, #tpu.memory_space<vmem>>) offsets(%dma_start3A_186 : memref<64xi32, #tpu.memory_space<vmem>>) semaphore(%dma_start3A_191 : memref<!tpu.dma_semaphore, #tpu.memory_space<semaphore_mem>>)
          %gt3A_192 = arith.constant 0 : i32
          %gt3A_193 = arith.cmpi sgt, %scan3A_111, %gt3A_192 : i32
          %convert_element_type3A_194 = arith.extui %gt3A_193 : i1 to i32
          %cond3A_195 = arith.constant 0 : i32
          %cond3A_196 = arith.cmpi ne, %convert_element_type3A_194, %cond3A_195 : i32
          scf.if %cond3A_196 {
            %add3A_416 = arith.constant 5 : i32
            %add3A_417 = arith.addi %mul3A_113, %add3A_416 : i32
            %dma_wait3A_418 = arith.constant 5 : i32
            %dma_wait3A_419 = arith.constant 0 : i32
            %dma_wait3A_420 = tpu.memref_slice %arg9[%add3A_417, %dma_wait3A_419] : memref<40x64xi32, #tpu.memory_space<vmem>> -> memref<1x64xi32, #tpu.memory_space<vmem>>
            %dma_wait3A_421 = tpu.memref_squeeze %dma_wait3A_420 : memref<1x64xi32, #tpu.memory_space<vmem>> -> memref<64xi32, #tpu.memory_space<vmem>>
            %dma_wait3A_422 = arith.constant 0 : i32
            %dma_wait3A_423 = arith.constant 0 : i32
            %dma_wait3A_424 = tpu.memref_slice %arg18[%dma_wait3A_422, %dma_wait3A_423] : memref<51200x32xf32, #tpu.memory_space<vmem_shared>> -> memref<51200x32xf32, #tpu.memory_space<vmem_shared>>
            %dma_wait3A_425 = tpu.memref_slice %arg20[%dma_wait3A_418] : memref<8x!tpu.dma_semaphore, #tpu.memory_space<semaphore_mem>> -> memref<1x!tpu.dma_semaphore, #tpu.memory_space<semaphore_mem>>
            %dma_wait3A_426 = tpu.memref_squeeze %dma_wait3A_425 : memref<1x!tpu.dma_semaphore, #tpu.memory_space<semaphore_mem>> -> memref<!tpu.dma_semaphore, #tpu.memory_space<semaphore_mem>>
            tpu.wait_indirect_dma semaphore(%dma_wait3A_426 : memref<!tpu.dma_semaphore, #tpu.memory_space<semaphore_mem>>) src(%arg15 : memref<64x32xf32, #tpu.memory_space<vmem>>) dst(%dma_wait3A_424 : memref<51200x32xf32, #tpu.memory_space<vmem_shared>>)
          } else {
          }
          %add3A_197 = arith.constant 5 : i32
          %add3A_198 = arith.addi %mul3A_113, %add3A_197 : i32
          %dma_start3A_199 = arith.constant 5 : i32
          %dma_start3A_200 = arith.constant 0 : i32
          %dma_start3A_201 = tpu.memref_slice %arg8[%add3A_198, %dma_start3A_200] : memref<40x64xi32, #tpu.memory_space<vmem>> -> memref<1x64xi32, #tpu.memory_space<vmem>>
          %dma_start3A_202 = tpu.memref_squeeze %dma_start3A_201 : memref<1x64xi32, #tpu.memory_space<vmem>> -> memref<64xi32, #tpu.memory_space<vmem>>
          %dma_start3A_203 = arith.constant 0 : i32
          %dma_start3A_204 = arith.constant 0 : i32
          %dma_start3A_205 = tpu.memref_slice %arg5[%dma_start3A_203, %dma_start3A_204] : memref<51200x32xf32, #tpu.memory_space<hbm>> -> memref<51200x32xf32, #tpu.memory_space<hbm>>
          %dma_start3A_206 = tpu.memref_slice %arg19[%dma_start3A_199] : memref<8x!tpu.dma_semaphore, #tpu.memory_space<semaphore_mem>> -> memref<1x!tpu.dma_semaphore, #tpu.memory_space<semaphore_mem>>
          %dma_start3A_207 = tpu.memref_squeeze %dma_start3A_206 : memref<1x!tpu.dma_semaphore, #tpu.memory_space<semaphore_mem>> -> memref<!tpu.dma_semaphore, #tpu.memory_space<semaphore_mem>>
          tpu.enqueue_indirect_dma source(%dma_start3A_205 : memref<51200x32xf32, #tpu.memory_space<hbm>>) target(%arg15 : memref<64x32xf32, #tpu.memory_space<vmem>>) offsets(%dma_start3A_202 : memref<64xi32, #tpu.memory_space<vmem>>) semaphore(%dma_start3A_207 : memref<!tpu.dma_semaphore, #tpu.memory_space<semaphore_mem>>)
          %gt3A_208 = arith.constant 0 : i32
          %gt3A_209 = arith.cmpi sgt, %scan3A_111, %gt3A_208 : i32
          %convert_element_type3A_210 = arith.extui %gt3A_209 : i1 to i32
          %cond3A_211 = arith.constant 0 : i32
          %cond3A_212 = arith.cmpi ne, %convert_element_type3A_210, %cond3A_211 : i32
          scf.if %cond3A_212 {
            %add3A_416 = arith.constant 6 : i32
            %add3A_417 = arith.addi %mul3A_113, %add3A_416 : i32
            %dma_wait3A_418 = arith.constant 6 : i32
            %dma_wait3A_419 = arith.constant 0 : i32
            %dma_wait3A_420 = tpu.memref_slice %arg9[%add3A_417, %dma_wait3A_419] : memref<40x64xi32, #tpu.memory_space<vmem>> -> memref<1x64xi32, #tpu.memory_space<vmem>>
            %dma_wait3A_421 = tpu.memref_squeeze %dma_wait3A_420 : memref<1x64xi32, #tpu.memory_space<vmem>> -> memref<64xi32, #tpu.memory_space<vmem>>
            %dma_wait3A_422 = arith.constant 0 : i32
            %dma_wait3A_423 = arith.constant 0 : i32
            %dma_wait3A_424 = tpu.memref_slice %arg18[%dma_wait3A_422, %dma_wait3A_423] : memref<51200x32xf32, #tpu.memory_space<vmem_shared>> -> memref<51200x32xf32, #tpu.memory_space<vmem_shared>>
            %dma_wait3A_425 = tpu.memref_slice %arg20[%dma_wait3A_418] : memref<8x!tpu.dma_semaphore, #tpu.memory_space<semaphore_mem>> -> memref<1x!tpu.dma_semaphore, #tpu.memory_space<semaphore_mem>>
            %dma_wait3A_426 = tpu.memref_squeeze %dma_wait3A_425 : memref<1x!tpu.dma_semaphore, #tpu.memory_space<semaphore_mem>> -> memref<!tpu.dma_semaphore, #tpu.memory_space<semaphore_mem>>
            tpu.wait_indirect_dma semaphore(%dma_wait3A_426 : memref<!tpu.dma_semaphore, #tpu.memory_space<semaphore_mem>>) src(%arg16 : memref<64x32xf32, #tpu.memory_space<vmem>>) dst(%dma_wait3A_424 : memref<51200x32xf32, #tpu.memory_space<vmem_shared>>)
          } else {
          }
          %add3A_213 = arith.constant 6 : i32
          %add3A_214 = arith.addi %mul3A_113, %add3A_213 : i32
          %dma_start3A_215 = arith.constant 6 : i32
          %dma_start3A_216 = arith.constant 0 : i32
          %dma_start3A_217 = tpu.memref_slice %arg8[%add3A_214, %dma_start3A_216] : memref<40x64xi32, #tpu.memory_space<vmem>> -> memref<1x64xi32, #tpu.memory_space<vmem>>
          %dma_start3A_218 = tpu.memref_squeeze %dma_start3A_217 : memref<1x64xi32, #tpu.memory_space<vmem>> -> memref<64xi32, #tpu.memory_space<vmem>>
          %dma_start3A_219 = arith.constant 0 : i32
          %dma_start3A_220 = arith.constant 0 : i32
          %dma_start3A_221 = tpu.memref_slice %arg5[%dma_start3A_219, %dma_start3A_220] : memref<51200x32xf32, #tpu.memory_space<hbm>> -> memref<51200x32xf32, #tpu.memory_space<hbm>>
          %dma_start3A_222 = tpu.memref_slice %arg19[%dma_start3A_215] : memref<8x!tpu.dma_semaphore, #tpu.memory_space<semaphore_mem>> -> memref<1x!tpu.dma_semaphore, #tpu.memory_space<semaphore_mem>>
          %dma_start3A_223 = tpu.memref_squeeze %dma_start3A_222 : memref<1x!tpu.dma_semaphore, #tpu.memory_space<semaphore_mem>> -> memref<!tpu.dma_semaphore, #tpu.memory_space<semaphore_mem>>
          tpu.enqueue_indirect_dma source(%dma_start3A_221 : memref<51200x32xf32, #tpu.memory_space<hbm>>) target(%arg16 : memref<64x32xf32, #tpu.memory_space<vmem>>) offsets(%dma_start3A_218 : memref<64xi32, #tpu.memory_space<vmem>>) semaphore(%dma_start3A_223 : memref<!tpu.dma_semaphore, #tpu.memory_space<semaphore_mem>>)
          %gt3A_224 = arith.constant 0 : i32
          %gt3A_225 = arith.cmpi sgt, %scan3A_111, %gt3A_224 : i32
          %convert_element_type3A_226 = arith.extui %gt3A_225 : i1 to i32
          %cond3A_227 = arith.constant 0 : i32
          %cond3A_228 = arith.cmpi ne, %convert_element_type3A_226, %cond3A_227 : i32
          scf.if %cond3A_228 {
            %add3A_416 = arith.constant 7 : i32
            %add3A_417 = arith.addi %mul3A_113, %add3A_416 : i32
            %dma_wait3A_418 = arith.constant 7 : i32
            %dma_wait3A_419 = arith.constant 0 : i32
            %dma_wait3A_420 = tpu.memref_slice %arg9[%add3A_417, %dma_wait3A_419] : memref<40x64xi32, #tpu.memory_space<vmem>> -> memref<1x64xi32, #tpu.memory_space<vmem>>
            %dma_wait3A_421 = tpu.memref_squeeze %dma_wait3A_420 : memref<1x64xi32, #tpu.memory_space<vmem>> -> memref<64xi32, #tpu.memory_space<vmem>>
            %dma_wait3A_422 = arith.constant 0 : i32
            %dma_wait3A_423 = arith.constant 0 : i32
            %dma_wait3A_424 = tpu.memref_slice %arg18[%dma_wait3A_422, %dma_wait3A_423] : memref<51200x32xf32, #tpu.memory_space<vmem_shared>> -> memref<51200x32xf32, #tpu.memory_space<vmem_shared>>
            %dma_wait3A_425 = tpu.memref_slice %arg20[%dma_wait3A_418] : memref<8x!tpu.dma_semaphore, #tpu.memory_space<semaphore_mem>> -> memref<1x!tpu.dma_semaphore, #tpu.memory_space<semaphore_mem>>
            %dma_wait3A_426 = tpu.memref_squeeze %dma_wait3A_425 : memref<1x!tpu.dma_semaphore, #tpu.memory_space<semaphore_mem>> -> memref<!tpu.dma_semaphore, #tpu.memory_space<semaphore_mem>>
            tpu.wait_indirect_dma semaphore(%dma_wait3A_426 : memref<!tpu.dma_semaphore, #tpu.memory_space<semaphore_mem>>) src(%arg17 : memref<64x32xf32, #tpu.memory_space<vmem>>) dst(%dma_wait3A_424 : memref<51200x32xf32, #tpu.memory_space<vmem_shared>>)
          } else {
          }
          %add3A_229 = arith.constant 7 : i32
          %add3A_230 = arith.addi %mul3A_113, %add3A_229 : i32
          %dma_start3A_231 = arith.constant 7 : i32
          %dma_start3A_232 = arith.constant 0 : i32
          %dma_start3A_233 = tpu.memref_slice %arg8[%add3A_230, %dma_start3A_232] : memref<40x64xi32, #tpu.memory_space<vmem>> -> memref<1x64xi32, #tpu.memory_space<vmem>>
          %dma_start3A_234 = tpu.memref_squeeze %dma_start3A_233 : memref<1x64xi32, #tpu.memory_space<vmem>> -> memref<64xi32, #tpu.memory_space<vmem>>
          %dma_start3A_235 = arith.constant 0 : i32
          %dma_start3A_236 = arith.constant 0 : i32
          %dma_start3A_237 = tpu.memref_slice %arg5[%dma_start3A_235, %dma_start3A_236] : memref<51200x32xf32, #tpu.memory_space<hbm>> -> memref<51200x32xf32, #tpu.memory_space<hbm>>
          %dma_start3A_238 = tpu.memref_slice %arg19[%dma_start3A_231] : memref<8x!tpu.dma_semaphore, #tpu.memory_space<semaphore_mem>> -> memref<1x!tpu.dma_semaphore, #tpu.memory_space<semaphore_mem>>
          %dma_start3A_239 = tpu.memref_squeeze %dma_start3A_238 : memref<1x!tpu.dma_semaphore, #tpu.memory_space<semaphore_mem>> -> memref<!tpu.dma_semaphore, #tpu.memory_space<semaphore_mem>>
          tpu.enqueue_indirect_dma source(%dma_start3A_237 : memref<51200x32xf32, #tpu.memory_space<hbm>>) target(%arg17 : memref<64x32xf32, #tpu.memory_space<vmem>>) offsets(%dma_start3A_234 : memref<64xi32, #tpu.memory_space<vmem>>) semaphore(%dma_start3A_239 : memref<!tpu.dma_semaphore, #tpu.memory_space<semaphore_mem>>)
          %add3A_240 = arith.constant 0 : i32
          %add3A_241 = arith.addi %mul3A_113, %add3A_240 : i32
          %dma_wait3A_242 = arith.constant 0 : i32
          %dma_wait3A_243 = arith.constant 0 : i32
          %dma_wait3A_244 = tpu.memref_slice %arg8[%add3A_241, %dma_wait3A_243] : memref<40x64xi32, #tpu.memory_space<vmem>> -> memref<1x64xi32, #tpu.memory_space<vmem>>
          %dma_wait3A_245 = tpu.memref_squeeze %dma_wait3A_244 : memref<1x64xi32, #tpu.memory_space<vmem>> -> memref<64xi32, #tpu.memory_space<vmem>>
          %dma_wait3A_246 = arith.constant 0 : i32
          %dma_wait3A_247 = arith.constant 0 : i32
          %dma_wait3A_248 = tpu.memref_slice %arg5[%dma_wait3A_246, %dma_wait3A_247] : memref<51200x32xf32, #tpu.memory_space<hbm>> -> memref<51200x32xf32, #tpu.memory_space<hbm>>
          %dma_wait3A_249 = tpu.memref_slice %arg19[%dma_wait3A_242] : memref<8x!tpu.dma_semaphore, #tpu.memory_space<semaphore_mem>> -> memref<1x!tpu.dma_semaphore, #tpu.memory_space<semaphore_mem>>
          %dma_wait3A_250 = tpu.memref_squeeze %dma_wait3A_249 : memref<1x!tpu.dma_semaphore, #tpu.memory_space<semaphore_mem>> -> memref<!tpu.dma_semaphore, #tpu.memory_space<semaphore_mem>>
          tpu.wait_indirect_dma semaphore(%dma_wait3A_250 : memref<!tpu.dma_semaphore, #tpu.memory_space<semaphore_mem>>) src(%dma_wait3A_248 : memref<51200x32xf32, #tpu.memory_space<hbm>>) dst(%arg10 : memref<64x32xf32, #tpu.memory_space<vmem>>)
          %add3A_251 = arith.constant 0 : i32
          %add3A_252 = arith.addi %mul3A_113, %add3A_251 : i32
          %dma_start3A_253 = arith.constant 0 : i32
          %dma_start3A_254 = arith.constant 0 : i32
          %dma_start3A_255 = tpu.memref_slice %arg9[%add3A_252, %dma_start3A_254] : memref<40x64xi32, #tpu.memory_space<vmem>> -> memref<1x64xi32, #tpu.memory_space<vmem>>
          %dma_start3A_256 = tpu.memref_squeeze %dma_start3A_255 : memref<1x64xi32, #tpu.memory_space<vmem>> -> memref<64xi32, #tpu.memory_space<vmem>>
          %dma_start3A_257 = arith.constant 0 : i32
          %dma_start3A_258 = arith.constant 0 : i32
          %dma_start3A_259 = tpu.memref_slice %arg18[%dma_start3A_257, %dma_start3A_258] : memref<51200x32xf32, #tpu.memory_space<vmem_shared>> -> memref<51200x32xf32, #tpu.memory_space<vmem_shared>>
          %dma_start3A_260 = tpu.memref_slice %arg20[%dma_start3A_253] : memref<8x!tpu.dma_semaphore, #tpu.memory_space<semaphore_mem>> -> memref<1x!tpu.dma_semaphore, #tpu.memory_space<semaphore_mem>>
          %dma_start3A_261 = tpu.memref_squeeze %dma_start3A_260 : memref<1x!tpu.dma_semaphore, #tpu.memory_space<semaphore_mem>> -> memref<!tpu.dma_semaphore, #tpu.memory_space<semaphore_mem>>
          tpu.enqueue_indirect_dma source(%arg10 : memref<64x32xf32, #tpu.memory_space<vmem>>) target(%dma_start3A_259 : memref<51200x32xf32, #tpu.memory_space<vmem_shared>>) offsets(%dma_start3A_256 : memref<64xi32, #tpu.memory_space<vmem>>) semaphore(%dma_start3A_261 : memref<!tpu.dma_semaphore, #tpu.memory_space<semaphore_mem>>) {add = true}
          %add3A_262 = arith.constant 1 : i32
          %add3A_263 = arith.addi %mul3A_113, %add3A_262 : i32
          %dma_wait3A_264 = arith.constant 1 : i32
          %dma_wait3A_265 = arith.constant 0 : i32
          %dma_wait3A_266 = tpu.memref_slice %arg8[%add3A_263, %dma_wait3A_265] : memref<40x64xi32, #tpu.memory_space<vmem>> -> memref<1x64xi32, #tpu.memory_space<vmem>>
          %dma_wait3A_267 = tpu.memref_squeeze %dma_wait3A_266 : memref<1x64xi32, #tpu.memory_space<vmem>> -> memref<64xi32, #tpu.memory_space<vmem>>
          %dma_wait3A_268 = arith.constant 0 : i32
          %dma_wait3A_269 = arith.constant 0 : i32
          %dma_wait3A_270 = tpu.memref_slice %arg5[%dma_wait3A_268, %dma_wait3A_269] : memref<51200x32xf32, #tpu.memory_space<hbm>> -> memref<51200x32xf32, #tpu.memory_space<hbm>>
          %dma_wait3A_271 = tpu.memref_slice %arg19[%dma_wait3A_264] : memref<8x!tpu.dma_semaphore, #tpu.memory_space<semaphore_mem>> -> memref<1x!tpu.dma_semaphore, #tpu.memory_space<semaphore_mem>>
          %dma_wait3A_272 = tpu.memref_squeeze %dma_wait3A_271 : memref<1x!tpu.dma_semaphore, #tpu.memory_space<semaphore_mem>> -> memref<!tpu.dma_semaphore, #tpu.memory_space<semaphore_mem>>
          tpu.wait_indirect_dma semaphore(%dma_wait3A_272 : memref<!tpu.dma_semaphore, #tpu.memory_space<semaphore_mem>>) src(%dma_wait3A_270 : memref<51200x32xf32, #tpu.memory_space<hbm>>) dst(%arg11 : memref<64x32xf32, #tpu.memory_space<vmem>>)
          %add3A_273 = arith.constant 1 : i32
          %add3A_274 = arith.addi %mul3A_113, %add3A_273 : i32
          %dma_start3A_275 = arith.constant 1 : i32
          %dma_start3A_276 = arith.constant 0 : i32
          %dma_start3A_277 = tpu.memref_slice %arg9[%add3A_274, %dma_start3A_276] : memref<40x64xi32, #tpu.memory_space<vmem>> -> memref<1x64xi32, #tpu.memory_space<vmem>>
          %dma_start3A_278 = tpu.memref_squeeze %dma_start3A_277 : memref<1x64xi32, #tpu.memory_space<vmem>> -> memref<64xi32, #tpu.memory_space<vmem>>
          %dma_start3A_279 = arith.constant 0 : i32
          %dma_start3A_280 = arith.constant 0 : i32
          %dma_start3A_281 = tpu.memref_slice %arg18[%dma_start3A_279, %dma_start3A_280] : memref<51200x32xf32, #tpu.memory_space<vmem_shared>> -> memref<51200x32xf32, #tpu.memory_space<vmem_shared>>
          %dma_start3A_282 = tpu.memref_slice %arg20[%dma_start3A_275] : memref<8x!tpu.dma_semaphore, #tpu.memory_space<semaphore_mem>> -> memref<1x!tpu.dma_semaphore, #tpu.memory_space<semaphore_mem>>
          %dma_start3A_283 = tpu.memref_squeeze %dma_start3A_282 : memref<1x!tpu.dma_semaphore, #tpu.memory_space<semaphore_mem>> -> memref<!tpu.dma_semaphore, #tpu.memory_space<semaphore_mem>>
          tpu.enqueue_indirect_dma source(%arg11 : memref<64x32xf32, #tpu.memory_space<vmem>>) target(%dma_start3A_281 : memref<51200x32xf32, #tpu.memory_space<vmem_shared>>) offsets(%dma_start3A_278 : memref<64xi32, #tpu.memory_space<vmem>>) semaphore(%dma_start3A_283 : memref<!tpu.dma_semaphore, #tpu.memory_space<semaphore_mem>>) {add = true}
          %add3A_284 = arith.constant 2 : i32
          %add3A_285 = arith.addi %mul3A_113, %add3A_284 : i32
          %dma_wait3A_286 = arith.constant 2 : i32
          %dma_wait3A_287 = arith.constant 0 : i32
          %dma_wait3A_288 = tpu.memref_slice %arg8[%add3A_285, %dma_wait3A_287] : memref<40x64xi32, #tpu.memory_space<vmem>> -> memref<1x64xi32, #tpu.memory_space<vmem>>
          %dma_wait3A_289 = tpu.memref_squeeze %dma_wait3A_288 : memref<1x64xi32, #tpu.memory_space<vmem>> -> memref<64xi32, #tpu.memory_space<vmem>>
          %dma_wait3A_290 = arith.constant 0 : i32
          %dma_wait3A_291 = arith.constant 0 : i32
          %dma_wait3A_292 = tpu.memref_slice %arg5[%dma_wait3A_290, %dma_wait3A_291] : memref<51200x32xf32, #tpu.memory_space<hbm>> -> memref<51200x32xf32, #tpu.memory_space<hbm>>
          %dma_wait3A_293 = tpu.memref_slice %arg19[%dma_wait3A_286] : memref<8x!tpu.dma_semaphore, #tpu.memory_space<semaphore_mem>> -> memref<1x!tpu.dma_semaphore, #tpu.memory_space<semaphore_mem>>
          %dma_wait3A_294 = tpu.memref_squeeze %dma_wait3A_293 : memref<1x!tpu.dma_semaphore, #tpu.memory_space<semaphore_mem>> -> memref<!tpu.dma_semaphore, #tpu.memory_space<semaphore_mem>>
          tpu.wait_indirect_dma semaphore(%dma_wait3A_294 : memref<!tpu.dma_semaphore, #tpu.memory_space<semaphore_mem>>) src(%dma_wait3A_292 : memref<51200x32xf32, #tpu.memory_space<hbm>>) dst(%arg12 : memref<64x32xf32, #tpu.memory_space<vmem>>)
          %add3A_295 = arith.constant 2 : i32
          %add3A_296 = arith.addi %mul3A_113, %add3A_295 : i32
          %dma_start3A_297 = arith.constant 2 : i32
          %dma_start3A_298 = arith.constant 0 : i32
          %dma_start3A_299 = tpu.memref_slice %arg9[%add3A_296, %dma_start3A_298] : memref<40x64xi32, #tpu.memory_space<vmem>> -> memref<1x64xi32, #tpu.memory_space<vmem>>
          %dma_start3A_300 = tpu.memref_squeeze %dma_start3A_299 : memref<1x64xi32, #tpu.memory_space<vmem>> -> memref<64xi32, #tpu.memory_space<vmem>>
          %dma_start3A_301 = arith.constant 0 : i32
          %dma_start3A_302 = arith.constant 0 : i32
          %dma_start3A_303 = tpu.memref_slice %arg18[%dma_start3A_301, %dma_start3A_302] : memref<51200x32xf32, #tpu.memory_space<vmem_shared>> -> memref<51200x32xf32, #tpu.memory_space<vmem_shared>>
          %dma_start3A_304 = tpu.memref_slice %arg20[%dma_start3A_297] : memref<8x!tpu.dma_semaphore, #tpu.memory_space<semaphore_mem>> -> memref<1x!tpu.dma_semaphore, #tpu.memory_space<semaphore_mem>>
          %dma_start3A_305 = tpu.memref_squeeze %dma_start3A_304 : memref<1x!tpu.dma_semaphore, #tpu.memory_space<semaphore_mem>> -> memref<!tpu.dma_semaphore, #tpu.memory_space<semaphore_mem>>
          tpu.enqueue_indirect_dma source(%arg12 : memref<64x32xf32, #tpu.memory_space<vmem>>) target(%dma_start3A_303 : memref<51200x32xf32, #tpu.memory_space<vmem_shared>>) offsets(%dma_start3A_300 : memref<64xi32, #tpu.memory_space<vmem>>) semaphore(%dma_start3A_305 : memref<!tpu.dma_semaphore, #tpu.memory_space<semaphore_mem>>) {add = true}
          %add3A_306 = arith.constant 3 : i32
          %add3A_307 = arith.addi %mul3A_113, %add3A_306 : i32
          %dma_wait3A_308 = arith.constant 3 : i32
          %dma_wait3A_309 = arith.constant 0 : i32
          %dma_wait3A_310 = tpu.memref_slice %arg8[%add3A_307, %dma_wait3A_309] : memref<40x64xi32, #tpu.memory_space<vmem>> -> memref<1x64xi32, #tpu.memory_space<vmem>>
          %dma_wait3A_311 = tpu.memref_squeeze %dma_wait3A_310 : memref<1x64xi32, #tpu.memory_space<vmem>> -> memref<64xi32, #tpu.memory_space<vmem>>
          %dma_wait3A_312 = arith.constant 0 : i32
          %dma_wait3A_313 = arith.constant 0 : i32
          %dma_wait3A_314 = tpu.memref_slice %arg5[%dma_wait3A_312, %dma_wait3A_313] : memref<51200x32xf32, #tpu.memory_space<hbm>> -> memref<51200x32xf32, #tpu.memory_space<hbm>>
          %dma_wait3A_315 = tpu.memref_slice %arg19[%dma_wait3A_308] : memref<8x!tpu.dma_semaphore, #tpu.memory_space<semaphore_mem>> -> memref<1x!tpu.dma_semaphore, #tpu.memory_space<semaphore_mem>>
          %dma_wait3A_316 = tpu.memref_squeeze %dma_wait3A_315 : memref<1x!tpu.dma_semaphore, #tpu.memory_space<semaphore_mem>> -> memref<!tpu.dma_semaphore, #tpu.memory_space<semaphore_mem>>
          tpu.wait_indirect_dma semaphore(%dma_wait3A_316 : memref<!tpu.dma_semaphore, #tpu.memory_space<semaphore_mem>>) src(%dma_wait3A_314 : memref<51200x32xf32, #tpu.memory_space<hbm>>) dst(%arg13 : memref<64x32xf32, #tpu.memory_space<vmem>>)
          %add3A_317 = arith.constant 3 : i32
          %add3A_318 = arith.addi %mul3A_113, %add3A_317 : i32
          %dma_start3A_319 = arith.constant 3 : i32
          %dma_start3A_320 = arith.constant 0 : i32
          %dma_start3A_321 = tpu.memref_slice %arg9[%add3A_318, %dma_start3A_320] : memref<40x64xi32, #tpu.memory_space<vmem>> -> memref<1x64xi32, #tpu.memory_space<vmem>>
          %dma_start3A_322 = tpu.memref_squeeze %dma_start3A_321 : memref<1x64xi32, #tpu.memory_space<vmem>> -> memref<64xi32, #tpu.memory_space<vmem>>
          %dma_start3A_323 = arith.constant 0 : i32
          %dma_start3A_324 = arith.constant 0 : i32
          %dma_start3A_325 = tpu.memref_slice %arg18[%dma_start3A_323, %dma_start3A_324] : memref<51200x32xf32, #tpu.memory_space<vmem_shared>> -> memref<51200x32xf32, #tpu.memory_space<vmem_shared>>
          %dma_start3A_326 = tpu.memref_slice %arg20[%dma_start3A_319] : memref<8x!tpu.dma_semaphore, #tpu.memory_space<semaphore_mem>> -> memref<1x!tpu.dma_semaphore, #tpu.memory_space<semaphore_mem>>
          %dma_start3A_327 = tpu.memref_squeeze %dma_start3A_326 : memref<1x!tpu.dma_semaphore, #tpu.memory_space<semaphore_mem>> -> memref<!tpu.dma_semaphore, #tpu.memory_space<semaphore_mem>>
          tpu.enqueue_indirect_dma source(%arg13 : memref<64x32xf32, #tpu.memory_space<vmem>>) target(%dma_start3A_325 : memref<51200x32xf32, #tpu.memory_space<vmem_shared>>) offsets(%dma_start3A_322 : memref<64xi32, #tpu.memory_space<vmem>>) semaphore(%dma_start3A_327 : memref<!tpu.dma_semaphore, #tpu.memory_space<semaphore_mem>>) {add = true}
          %add3A_328 = arith.constant 4 : i32
          %add3A_329 = arith.addi %mul3A_113, %add3A_328 : i32
          %dma_wait3A_330 = arith.constant 4 : i32
          %dma_wait3A_331 = arith.constant 0 : i32
          %dma_wait3A_332 = tpu.memref_slice %arg8[%add3A_329, %dma_wait3A_331] : memref<40x64xi32, #tpu.memory_space<vmem>> -> memref<1x64xi32, #tpu.memory_space<vmem>>
          %dma_wait3A_333 = tpu.memref_squeeze %dma_wait3A_332 : memref<1x64xi32, #tpu.memory_space<vmem>> -> memref<64xi32, #tpu.memory_space<vmem>>
          %dma_wait3A_334 = arith.constant 0 : i32
          %dma_wait3A_335 = arith.constant 0 : i32
          %dma_wait3A_336 = tpu.memref_slice %arg5[%dma_wait3A_334, %dma_wait3A_335] : memref<51200x32xf32, #tpu.memory_space<hbm>> -> memref<51200x32xf32, #tpu.memory_space<hbm>>
          %dma_wait3A_337 = tpu.memref_slice %arg19[%dma_wait3A_330] : memref<8x!tpu.dma_semaphore, #tpu.memory_space<semaphore_mem>> -> memref<1x!tpu.dma_semaphore, #tpu.memory_space<semaphore_mem>>
          %dma_wait3A_338 = tpu.memref_squeeze %dma_wait3A_337 : memref<1x!tpu.dma_semaphore, #tpu.memory_space<semaphore_mem>> -> memref<!tpu.dma_semaphore, #tpu.memory_space<semaphore_mem>>
          tpu.wait_indirect_dma semaphore(%dma_wait3A_338 : memref<!tpu.dma_semaphore, #tpu.memory_space<semaphore_mem>>) src(%dma_wait3A_336 : memref<51200x32xf32, #tpu.memory_space<hbm>>) dst(%arg14 : memref<64x32xf32, #tpu.memory_space<vmem>>)
          %add3A_339 = arith.constant 4 : i32
          %add3A_340 = arith.addi %mul3A_113, %add3A_339 : i32
          %dma_start3A_341 = arith.constant 4 : i32
          %dma_start3A_342 = arith.constant 0 : i32
          %dma_start3A_343 = tpu.memref_slice %arg9[%add3A_340, %dma_start3A_342] : memref<40x64xi32, #tpu.memory_space<vmem>> -> memref<1x64xi32, #tpu.memory_space<vmem>>
          %dma_start3A_344 = tpu.memref_squeeze %dma_start3A_343 : memref<1x64xi32, #tpu.memory_space<vmem>> -> memref<64xi32, #tpu.memory_space<vmem>>
          %dma_start3A_345 = arith.constant 0 : i32
          %dma_start3A_346 = arith.constant 0 : i32
          %dma_start3A_347 = tpu.memref_slice %arg18[%dma_start3A_345, %dma_start3A_346] : memref<51200x32xf32, #tpu.memory_space<vmem_shared>> -> memref<51200x32xf32, #tpu.memory_space<vmem_shared>>
          %dma_start3A_348 = tpu.memref_slice %arg20[%dma_start3A_341] : memref<8x!tpu.dma_semaphore, #tpu.memory_space<semaphore_mem>> -> memref<1x!tpu.dma_semaphore, #tpu.memory_space<semaphore_mem>>
          %dma_start3A_349 = tpu.memref_squeeze %dma_start3A_348 : memref<1x!tpu.dma_semaphore, #tpu.memory_space<semaphore_mem>> -> memref<!tpu.dma_semaphore, #tpu.memory_space<semaphore_mem>>
          tpu.enqueue_indirect_dma source(%arg14 : memref<64x32xf32, #tpu.memory_space<vmem>>) target(%dma_start3A_347 : memref<51200x32xf32, #tpu.memory_space<vmem_shared>>) offsets(%dma_start3A_344 : memref<64xi32, #tpu.memory_space<vmem>>) semaphore(%dma_start3A_349 : memref<!tpu.dma_semaphore, #tpu.memory_space<semaphore_mem>>) {add = true}
          %add3A_350 = arith.constant 5 : i32
          %add3A_351 = arith.addi %mul3A_113, %add3A_350 : i32
          %dma_wait3A_352 = arith.constant 5 : i32
          %dma_wait3A_353 = arith.constant 0 : i32
          %dma_wait3A_354 = tpu.memref_slice %arg8[%add3A_351, %dma_wait3A_353] : memref<40x64xi32, #tpu.memory_space<vmem>> -> memref<1x64xi32, #tpu.memory_space<vmem>>
          %dma_wait3A_355 = tpu.memref_squeeze %dma_wait3A_354 : memref<1x64xi32, #tpu.memory_space<vmem>> -> memref<64xi32, #tpu.memory_space<vmem>>
          %dma_wait3A_356 = arith.constant 0 : i32
          %dma_wait3A_357 = arith.constant 0 : i32
          %dma_wait3A_358 = tpu.memref_slice %arg5[%dma_wait3A_356, %dma_wait3A_357] : memref<51200x32xf32, #tpu.memory_space<hbm>> -> memref<51200x32xf32, #tpu.memory_space<hbm>>
          %dma_wait3A_359 = tpu.memref_slice %arg19[%dma_wait3A_352] : memref<8x!tpu.dma_semaphore, #tpu.memory_space<semaphore_mem>> -> memref<1x!tpu.dma_semaphore, #tpu.memory_space<semaphore_mem>>
          %dma_wait3A_360 = tpu.memref_squeeze %dma_wait3A_359 : memref<1x!tpu.dma_semaphore, #tpu.memory_space<semaphore_mem>> -> memref<!tpu.dma_semaphore, #tpu.memory_space<semaphore_mem>>
          tpu.wait_indirect_dma semaphore(%dma_wait3A_360 : memref<!tpu.dma_semaphore, #tpu.memory_space<semaphore_mem>>) src(%dma_wait3A_358 : memref<51200x32xf32, #tpu.memory_space<hbm>>) dst(%arg15 : memref<64x32xf32, #tpu.memory_space<vmem>>)
          %add3A_361 = arith.constant 5 : i32
          %add3A_362 = arith.addi %mul3A_113, %add3A_361 : i32
          %dma_start3A_363 = arith.constant 5 : i32
          %dma_start3A_364 = arith.constant 0 : i32
          %dma_start3A_365 = tpu.memref_slice %arg9[%add3A_362, %dma_start3A_364] : memref<40x64xi32, #tpu.memory_space<vmem>> -> memref<1x64xi32, #tpu.memory_space<vmem>>
          %dma_start3A_366 = tpu.memref_squeeze %dma_start3A_365 : memref<1x64xi32, #tpu.memory_space<vmem>> -> memref<64xi32, #tpu.memory_space<vmem>>
          %dma_start3A_367 = arith.constant 0 : i32
          %dma_start3A_368 = arith.constant 0 : i32
          %dma_start3A_369 = tpu.memref_slice %arg18[%dma_start3A_367, %dma_start3A_368] : memref<51200x32xf32, #tpu.memory_space<vmem_shared>> -> memref<51200x32xf32, #tpu.memory_space<vmem_shared>>
          %dma_start3A_370 = tpu.memref_slice %arg20[%dma_start3A_363] : memref<8x!tpu.dma_semaphore, #tpu.memory_space<semaphore_mem>> -> memref<1x!tpu.dma_semaphore, #tpu.memory_space<semaphore_mem>>
          %dma_start3A_371 = tpu.memref_squeeze %dma_start3A_370 : memref<1x!tpu.dma_semaphore, #tpu.memory_space<semaphore_mem>> -> memref<!tpu.dma_semaphore, #tpu.memory_space<semaphore_mem>>
          tpu.enqueue_indirect_dma source(%arg15 : memref<64x32xf32, #tpu.memory_space<vmem>>) target(%dma_start3A_369 : memref<51200x32xf32, #tpu.memory_space<vmem_shared>>) offsets(%dma_start3A_366 : memref<64xi32, #tpu.memory_space<vmem>>) semaphore(%dma_start3A_371 : memref<!tpu.dma_semaphore, #tpu.memory_space<semaphore_mem>>) {add = true}
          %add3A_372 = arith.constant 6 : i32
          %add3A_373 = arith.addi %mul3A_113, %add3A_372 : i32
          %dma_wait3A_374 = arith.constant 6 : i32
          %dma_wait3A_375 = arith.constant 0 : i32
          %dma_wait3A_376 = tpu.memref_slice %arg8[%add3A_373, %dma_wait3A_375] : memref<40x64xi32, #tpu.memory_space<vmem>> -> memref<1x64xi32, #tpu.memory_space<vmem>>
          %dma_wait3A_377 = tpu.memref_squeeze %dma_wait3A_376 : memref<1x64xi32, #tpu.memory_space<vmem>> -> memref<64xi32, #tpu.memory_space<vmem>>
          %dma_wait3A_378 = arith.constant 0 : i32
          %dma_wait3A_379 = arith.constant 0 : i32
          %dma_wait3A_380 = tpu.memref_slice %arg5[%dma_wait3A_378, %dma_wait3A_379] : memref<51200x32xf32, #tpu.memory_space<hbm>> -> memref<51200x32xf32, #tpu.memory_space<hbm>>
          %dma_wait3A_381 = tpu.memref_slice %arg19[%dma_wait3A_374] : memref<8x!tpu.dma_semaphore, #tpu.memory_space<semaphore_mem>> -> memref<1x!tpu.dma_semaphore, #tpu.memory_space<semaphore_mem>>
          %dma_wait3A_382 = tpu.memref_squeeze %dma_wait3A_381 : memref<1x!tpu.dma_semaphore, #tpu.memory_space<semaphore_mem>> -> memref<!tpu.dma_semaphore, #tpu.memory_space<semaphore_mem>>
          tpu.wait_indirect_dma semaphore(%dma_wait3A_382 : memref<!tpu.dma_semaphore, #tpu.memory_space<semaphore_mem>>) src(%dma_wait3A_380 : memref<51200x32xf32, #tpu.memory_space<hbm>>) dst(%arg16 : memref<64x32xf32, #tpu.memory_space<vmem>>)
          %add3A_383 = arith.constant 6 : i32
          %add3A_384 = arith.addi %mul3A_113, %add3A_383 : i32
          %dma_start3A_385 = arith.constant 6 : i32
          %dma_start3A_386 = arith.constant 0 : i32
          %dma_start3A_387 = tpu.memref_slice %arg9[%add3A_384, %dma_start3A_386] : memref<40x64xi32, #tpu.memory_space<vmem>> -> memref<1x64xi32, #tpu.memory_space<vmem>>
          %dma_start3A_388 = tpu.memref_squeeze %dma_start3A_387 : memref<1x64xi32, #tpu.memory_space<vmem>> -> memref<64xi32, #tpu.memory_space<vmem>>
          %dma_start3A_389 = arith.constant 0 : i32
          %dma_start3A_390 = arith.constant 0 : i32
          %dma_start3A_391 = tpu.memref_slice %arg18[%dma_start3A_389, %dma_start3A_390] : memref<51200x32xf32, #tpu.memory_space<vmem_shared>> -> memref<51200x32xf32, #tpu.memory_space<vmem_shared>>
          %dma_start3A_392 = tpu.memref_slice %arg20[%dma_start3A_385] : memref<8x!tpu.dma_semaphore, #tpu.memory_space<semaphore_mem>> -> memref<1x!tpu.dma_semaphore, #tpu.memory_space<semaphore_mem>>
          %dma_start3A_393 = tpu.memref_squeeze %dma_start3A_392 : memref<1x!tpu.dma_semaphore, #tpu.memory_space<semaphore_mem>> -> memref<!tpu.dma_semaphore, #tpu.memory_space<semaphore_mem>>
          tpu.enqueue_indirect_dma source(%arg16 : memref<64x32xf32, #tpu.memory_space<vmem>>) target(%dma_start3A_391 : memref<51200x32xf32, #tpu.memory_space<vmem_shared>>) offsets(%dma_start3A_388 : memref<64xi32, #tpu.memory_space<vmem>>) semaphore(%dma_start3A_393 : memref<!tpu.dma_semaphore, #tpu.memory_space<semaphore_mem>>) {add = true}
          %add3A_394 = arith.constant 7 : i32
          %add3A_395 = arith.addi %mul3A_113, %add3A_394 : i32
          %dma_wait3A_396 = arith.constant 7 : i32
          %dma_wait3A_397 = arith.constant 0 : i32
          %dma_wait3A_398 = tpu.memref_slice %arg8[%add3A_395, %dma_wait3A_397] : memref<40x64xi32, #tpu.memory_space<vmem>> -> memref<1x64xi32, #tpu.memory_space<vmem>>
          %dma_wait3A_399 = tpu.memref_squeeze %dma_wait3A_398 : memref<1x64xi32, #tpu.memory_space<vmem>> -> memref<64xi32, #tpu.memory_space<vmem>>
          %dma_wait3A_400 = arith.constant 0 : i32
          %dma_wait3A_401 = arith.constant 0 : i32
          %dma_wait3A_402 = tpu.memref_slice %arg5[%dma_wait3A_400, %dma_wait3A_401] : memref<51200x32xf32, #tpu.memory_space<hbm>> -> memref<51200x32xf32, #tpu.memory_space<hbm>>
          %dma_wait3A_403 = tpu.memref_slice %arg19[%dma_wait3A_396] : memref<8x!tpu.dma_semaphore, #tpu.memory_space<semaphore_mem>> -> memref<1x!tpu.dma_semaphore, #tpu.memory_space<semaphore_mem>>
          %dma_wait3A_404 = tpu.memref_squeeze %dma_wait3A_403 : memref<1x!tpu.dma_semaphore, #tpu.memory_space<semaphore_mem>> -> memref<!tpu.dma_semaphore, #tpu.memory_space<semaphore_mem>>
          tpu.wait_indirect_dma semaphore(%dma_wait3A_404 : memref<!tpu.dma_semaphore, #tpu.memory_space<semaphore_mem>>) src(%dma_wait3A_402 : memref<51200x32xf32, #tpu.memory_space<hbm>>) dst(%arg17 : memref<64x32xf32, #tpu.memory_space<vmem>>)
          %add3A_405 = arith.constant 7 : i32
          %add3A_406 = arith.addi %mul3A_113, %add3A_405 : i32
          %dma_start3A_407 = arith.constant 7 : i32
          %dma_start3A_408 = arith.constant 0 : i32
          %dma_start3A_409 = tpu.memref_slice %arg9[%add3A_406, %dma_start3A_408] : memref<40x64xi32, #tpu.memory_space<vmem>> -> memref<1x64xi32, #tpu.memory_space<vmem>>
          %dma_start3A_410 = tpu.memref_squeeze %dma_start3A_409 : memref<1x64xi32, #tpu.memory_space<vmem>> -> memref<64xi32, #tpu.memory_space<vmem>>
          %dma_start3A_411 = arith.constant 0 : i32
          %dma_start3A_412 = arith.constant 0 : i32
          %dma_start3A_413 = tpu.memref_slice %arg18[%dma_start3A_411, %dma_start3A_412] : memref<51200x32xf32, #tpu.memory_space<vmem_shared>> -> memref<51200x32xf32, #tpu.memory_space<vmem_shared>>
          %dma_start3A_414 = tpu.memref_slice %arg20[%dma_start3A_407] : memref<8x!tpu.dma_semaphore, #tpu.memory_space<semaphore_mem>> -> memref<1x!tpu.dma_semaphore, #tpu.memory_space<semaphore_mem>>
          %dma_start3A_415 = tpu.memref_squeeze %dma_start3A_414 : memref<1x!tpu.dma_semaphore, #tpu.memory_space<semaphore_mem>> -> memref<!tpu.dma_semaphore, #tpu.memory_space<semaphore_mem>>
          tpu.enqueue_indirect_dma source(%arg17 : memref<64x32xf32, #tpu.memory_space<vmem>>) target(%dma_start3A_413 : memref<51200x32xf32, #tpu.memory_space<vmem_shared>>) offsets(%dma_start3A_410 : memref<64xi32, #tpu.memory_space<vmem>>) semaphore(%dma_start3A_415 : memref<!tpu.dma_semaphore, #tpu.memory_space<semaphore_mem>>) {add = true}
        }
        %scan3A_31 = arith.constant 5 : i32
        %dma_wait3A = arith.constant 0 : i32
        %dma_wait3A_32 = arith.constant 0 : i32
        %dma_wait3A_33 = arith.constant 0 : i32
        %dma_wait3A_34 = tpu.memref_slice %arg9[%dma_wait3A, %dma_wait3A_33] : memref<40x64xi32, #tpu.memory_space<vmem>> -> memref<1x64xi32, #tpu.memory_space<vmem>>
        %dma_wait3A_35 = tpu.memref_squeeze %dma_wait3A_34 : memref<1x64xi32, #tpu.memory_space<vmem>> -> memref<64xi32, #tpu.memory_space<vmem>>
        %dma_wait3A_36 = arith.constant 0 : i32
        %dma_wait3A_37 = arith.constant 0 : i32
        %dma_wait3A_38 = tpu.memref_slice %arg18[%dma_wait3A_36, %dma_wait3A_37] : memref<51200x32xf32, #tpu.memory_space<vmem_shared>> -> memref<51200x32xf32, #tpu.memory_space<vmem_shared>>
        %dma_wait3A_39 = tpu.memref_slice %arg20[%dma_wait3A_32] : memref<8x!tpu.dma_semaphore, #tpu.memory_space<semaphore_mem>> -> memref<1x!tpu.dma_semaphore, #tpu.memory_space<semaphore_mem>>
        %dma_wait3A_40 = tpu.memref_squeeze %dma_wait3A_39 : memref<1x!tpu.dma_semaphore, #tpu.memory_space<semaphore_mem>> -> memref<!tpu.dma_semaphore, #tpu.memory_space<semaphore_mem>>
        tpu.wait_indirect_dma semaphore(%dma_wait3A_40 : memref<!tpu.dma_semaphore, #tpu.memory_space<semaphore_mem>>) src(%arg10 : memref<64x32xf32, #tpu.memory_space<vmem>>) dst(%dma_wait3A_38 : memref<51200x32xf32, #tpu.memory_space<vmem_shared>>)
        %dma_wait3A_41 = arith.constant 1 : i32
        %dma_wait3A_42 = arith.constant 1 : i32
        %dma_wait3A_43 = arith.constant 0 : i32
        %dma_wait3A_44 = tpu.memref_slice %arg9[%dma_wait3A_41, %dma_wait3A_43] : memref<40x64xi32, #tpu.memory_space<vmem>> -> memref<1x64xi32, #tpu.memory_space<vmem>>
        %dma_wait3A_45 = tpu.memref_squeeze %dma_wait3A_44 : memref<1x64xi32, #tpu.memory_space<vmem>> -> memref<64xi32, #tpu.memory_space<vmem>>
        %dma_wait3A_46 = arith.constant 0 : i32
        %dma_wait3A_47 = arith.constant 0 : i32
        %dma_wait3A_48 = tpu.memref_slice %arg18[%dma_wait3A_46, %dma_wait3A_47] : memref<51200x32xf32, #tpu.memory_space<vmem_shared>> -> memref<51200x32xf32, #tpu.memory_space<vmem_shared>>
        %dma_wait3A_49 = tpu.memref_slice %arg20[%dma_wait3A_42] : memref<8x!tpu.dma_semaphore, #tpu.memory_space<semaphore_mem>> -> memref<1x!tpu.dma_semaphore, #tpu.memory_space<semaphore_mem>>
        %dma_wait3A_50 = tpu.memref_squeeze %dma_wait3A_49 : memref<1x!tpu.dma_semaphore, #tpu.memory_space<semaphore_mem>> -> memref<!tpu.dma_semaphore, #tpu.memory_space<semaphore_mem>>
        tpu.wait_indirect_dma semaphore(%dma_wait3A_50 : memref<!tpu.dma_semaphore, #tpu.memory_space<semaphore_mem>>) src(%arg11 : memref<64x32xf32, #tpu.memory_space<vmem>>) dst(%dma_wait3A_48 : memref<51200x32xf32, #tpu.memory_space<vmem_shared>>)
        %dma_wait3A_51 = arith.constant 2 : i32
        %dma_wait3A_52 = arith.constant 2 : i32
        %dma_wait3A_53 = arith.constant 0 : i32
        %dma_wait3A_54 = tpu.memref_slice %arg9[%dma_wait3A_51, %dma_wait3A_53] : memref<40x64xi32, #tpu.memory_space<vmem>> -> memref<1x64xi32, #tpu.memory_space<vmem>>
        %dma_wait3A_55 = tpu.memref_squeeze %dma_wait3A_54 : memref<1x64xi32, #tpu.memory_space<vmem>> -> memref<64xi32, #tpu.memory_space<vmem>>
        %dma_wait3A_56 = arith.constant 0 : i32
        %dma_wait3A_57 = arith.constant 0 : i32
        %dma_wait3A_58 = tpu.memref_slice %arg18[%dma_wait3A_56, %dma_wait3A_57] : memref<51200x32xf32, #tpu.memory_space<vmem_shared>> -> memref<51200x32xf32, #tpu.memory_space<vmem_shared>>
        %dma_wait3A_59 = tpu.memref_slice %arg20[%dma_wait3A_52] : memref<8x!tpu.dma_semaphore, #tpu.memory_space<semaphore_mem>> -> memref<1x!tpu.dma_semaphore, #tpu.memory_space<semaphore_mem>>
        %dma_wait3A_60 = tpu.memref_squeeze %dma_wait3A_59 : memref<1x!tpu.dma_semaphore, #tpu.memory_space<semaphore_mem>> -> memref<!tpu.dma_semaphore, #tpu.memory_space<semaphore_mem>>
        tpu.wait_indirect_dma semaphore(%dma_wait3A_60 : memref<!tpu.dma_semaphore, #tpu.memory_space<semaphore_mem>>) src(%arg12 : memref<64x32xf32, #tpu.memory_space<vmem>>) dst(%dma_wait3A_58 : memref<51200x32xf32, #tpu.memory_space<vmem_shared>>)
        %dma_wait3A_61 = arith.constant 3 : i32
        %dma_wait3A_62 = arith.constant 3 : i32
        %dma_wait3A_63 = arith.constant 0 : i32
        %dma_wait3A_64 = tpu.memref_slice %arg9[%dma_wait3A_61, %dma_wait3A_63] : memref<40x64xi32, #tpu.memory_space<vmem>> -> memref<1x64xi32, #tpu.memory_space<vmem>>
        %dma_wait3A_65 = tpu.memref_squeeze %dma_wait3A_64 : memref<1x64xi32, #tpu.memory_space<vmem>> -> memref<64xi32, #tpu.memory_space<vmem>>
        %dma_wait3A_66 = arith.constant 0 : i32
        %dma_wait3A_67 = arith.constant 0 : i32
        %dma_wait3A_68 = tpu.memref_slice %arg18[%dma_wait3A_66, %dma_wait3A_67] : memref<51200x32xf32, #tpu.memory_space<vmem_shared>> -> memref<51200x32xf32, #tpu.memory_space<vmem_shared>>
        %dma_wait3A_69 = tpu.memref_slice %arg20[%dma_wait3A_62] : memref<8x!tpu.dma_semaphore, #tpu.memory_space<semaphore_mem>> -> memref<1x!tpu.dma_semaphore, #tpu.memory_space<semaphore_mem>>
        %dma_wait3A_70 = tpu.memref_squeeze %dma_wait3A_69 : memref<1x!tpu.dma_semaphore, #tpu.memory_space<semaphore_mem>> -> memref<!tpu.dma_semaphore, #tpu.memory_space<semaphore_mem>>
        tpu.wait_indirect_dma semaphore(%dma_wait3A_70 : memref<!tpu.dma_semaphore, #tpu.memory_space<semaphore_mem>>) src(%arg13 : memref<64x32xf32, #tpu.memory_space<vmem>>) dst(%dma_wait3A_68 : memref<51200x32xf32, #tpu.memory_space<vmem_shared>>)
        %dma_wait3A_71 = arith.constant 4 : i32
        %dma_wait3A_72 = arith.constant 4 : i32
        %dma_wait3A_73 = arith.constant 0 : i32
        %dma_wait3A_74 = tpu.memref_slice %arg9[%dma_wait3A_71, %dma_wait3A_73] : memref<40x64xi32, #tpu.memory_space<vmem>> -> memref<1x64xi32, #tpu.memory_space<vmem>>
        %dma_wait3A_75 = tpu.memref_squeeze %dma_wait3A_74 : memref<1x64xi32, #tpu.memory_space<vmem>> -> memref<64xi32, #tpu.memory_space<vmem>>
        %dma_wait3A_76 = arith.constant 0 : i32
        %dma_wait3A_77 = arith.constant 0 : i32
        %dma_wait3A_78 = tpu.memref_slice %arg18[%dma_wait3A_76, %dma_wait3A_77] : memref<51200x32xf32, #tpu.memory_space<vmem_shared>> -> memref<51200x32xf32, #tpu.memory_space<vmem_shared>>
        %dma_wait3A_79 = tpu.memref_slice %arg20[%dma_wait3A_72] : memref<8x!tpu.dma_semaphore, #tpu.memory_space<semaphore_mem>> -> memref<1x!tpu.dma_semaphore, #tpu.memory_space<semaphore_mem>>
        %dma_wait3A_80 = tpu.memref_squeeze %dma_wait3A_79 : memref<1x!tpu.dma_semaphore, #tpu.memory_space<semaphore_mem>> -> memref<!tpu.dma_semaphore, #tpu.memory_space<semaphore_mem>>
        tpu.wait_indirect_dma semaphore(%dma_wait3A_80 : memref<!tpu.dma_semaphore, #tpu.memory_space<semaphore_mem>>) src(%arg14 : memref<64x32xf32, #tpu.memory_space<vmem>>) dst(%dma_wait3A_78 : memref<51200x32xf32, #tpu.memory_space<vmem_shared>>)
        %dma_wait3A_81 = arith.constant 5 : i32
        %dma_wait3A_82 = arith.constant 5 : i32
        %dma_wait3A_83 = arith.constant 0 : i32
        %dma_wait3A_84 = tpu.memref_slice %arg9[%dma_wait3A_81, %dma_wait3A_83] : memref<40x64xi32, #tpu.memory_space<vmem>> -> memref<1x64xi32, #tpu.memory_space<vmem>>
        %dma_wait3A_85 = tpu.memref_squeeze %dma_wait3A_84 : memref<1x64xi32, #tpu.memory_space<vmem>> -> memref<64xi32, #tpu.memory_space<vmem>>
        %dma_wait3A_86 = arith.constant 0 : i32
        %dma_wait3A_87 = arith.constant 0 : i32
        %dma_wait3A_88 = tpu.memref_slice %arg18[%dma_wait3A_86, %dma_wait3A_87] : memref<51200x32xf32, #tpu.memory_space<vmem_shared>> -> memref<51200x32xf32, #tpu.memory_space<vmem_shared>>
        %dma_wait3A_89 = tpu.memref_slice %arg20[%dma_wait3A_82] : memref<8x!tpu.dma_semaphore, #tpu.memory_space<semaphore_mem>> -> memref<1x!tpu.dma_semaphore, #tpu.memory_space<semaphore_mem>>
        %dma_wait3A_90 = tpu.memref_squeeze %dma_wait3A_89 : memref<1x!tpu.dma_semaphore, #tpu.memory_space<semaphore_mem>> -> memref<!tpu.dma_semaphore, #tpu.memory_space<semaphore_mem>>
        tpu.wait_indirect_dma semaphore(%dma_wait3A_90 : memref<!tpu.dma_semaphore, #tpu.memory_space<semaphore_mem>>) src(%arg15 : memref<64x32xf32, #tpu.memory_space<vmem>>) dst(%dma_wait3A_88 : memref<51200x32xf32, #tpu.memory_space<vmem_shared>>)
        %dma_wait3A_91 = arith.constant 6 : i32
        %dma_wait3A_92 = arith.constant 6 : i32
        %dma_wait3A_93 = arith.constant 0 : i32
        %dma_wait3A_94 = tpu.memref_slice %arg9[%dma_wait3A_91, %dma_wait3A_93] : memref<40x64xi32, #tpu.memory_space<vmem>> -> memref<1x64xi32, #tpu.memory_space<vmem>>
        %dma_wait3A_95 = tpu.memref_squeeze %dma_wait3A_94 : memref<1x64xi32, #tpu.memory_space<vmem>> -> memref<64xi32, #tpu.memory_space<vmem>>
        %dma_wait3A_96 = arith.constant 0 : i32
        %dma_wait3A_97 = arith.constant 0 : i32
        %dma_wait3A_98 = tpu.memref_slice %arg18[%dma_wait3A_96, %dma_wait3A_97] : memref<51200x32xf32, #tpu.memory_space<vmem_shared>> -> memref<51200x32xf32, #tpu.memory_space<vmem_shared>>
        %dma_wait3A_99 = tpu.memref_slice %arg20[%dma_wait3A_92] : memref<8x!tpu.dma_semaphore, #tpu.memory_space<semaphore_mem>> -> memref<1x!tpu.dma_semaphore, #tpu.memory_space<semaphore_mem>>
        %dma_wait3A_100 = tpu.memref_squeeze %dma_wait3A_99 : memref<1x!tpu.dma_semaphore, #tpu.memory_space<semaphore_mem>> -> memref<!tpu.dma_semaphore, #tpu.memory_space<semaphore_mem>>
        tpu.wait_indirect_dma semaphore(%dma_wait3A_100 : memref<!tpu.dma_semaphore, #tpu.memory_space<semaphore_mem>>) src(%arg16 : memref<64x32xf32, #tpu.memory_space<vmem>>) dst(%dma_wait3A_98 : memref<51200x32xf32, #tpu.memory_space<vmem_shared>>)
        %dma_wait3A_101 = arith.constant 7 : i32
        %dma_wait3A_102 = arith.constant 7 : i32
        %dma_wait3A_103 = arith.constant 0 : i32
        %dma_wait3A_104 = tpu.memref_slice %arg9[%dma_wait3A_101, %dma_wait3A_103] : memref<40x64xi32, #tpu.memory_space<vmem>> -> memref<1x64xi32, #tpu.memory_space<vmem>>
        %dma_wait3A_105 = tpu.memref_squeeze %dma_wait3A_104 : memref<1x64xi32, #tpu.memory_space<vmem>> -> memref<64xi32, #tpu.memory_space<vmem>>
        %dma_wait3A_106 = arith.constant 0 : i32
        %dma_wait3A_107 = arith.constant 0 : i32
        %dma_wait3A_108 = tpu.memref_slice %arg18[%dma_wait3A_106, %dma_wait3A_107] : memref<51200x32xf32, #tpu.memory_space<vmem_shared>> -> memref<51200x32xf32, #tpu.memory_space<vmem_shared>>
        %dma_wait3A_109 = tpu.memref_slice %arg20[%dma_wait3A_102] : memref<8x!tpu.dma_semaphore, #tpu.memory_space<semaphore_mem>> -> memref<1x!tpu.dma_semaphore, #tpu.memory_space<semaphore_mem>>
        %dma_wait3A_110 = tpu.memref_squeeze %dma_wait3A_109 : memref<1x!tpu.dma_semaphore, #tpu.memory_space<semaphore_mem>> -> memref<!tpu.dma_semaphore, #tpu.memory_space<semaphore_mem>>
        tpu.wait_indirect_dma semaphore(%dma_wait3A_110 : memref<!tpu.dma_semaphore, #tpu.memory_space<semaphore_mem>>) src(%arg17 : memref<64x32xf32, #tpu.memory_space<vmem>>) dst(%dma_wait3A_108 : memref<51200x32xf32, #tpu.memory_space<vmem_shared>>)
      }
      %scan3A_21 = arith.constant 20 : i32
    } else {
    }
    %barrier3A_10 = arith.constant 0 : index
    tpu.barrier barrier_id(%barrier3A_10)
    %mul3A_11 = arith.constant 3200 : i32
    %mul3A_12 = arith.muli %arg1, %mul3A_11 : i32
    %mul3A_13 = arith.constant 51200 : i32
    %mul3A_14 = arith.muli %arg0, %mul3A_13 : i32
    %mul3A_15 = arith.constant 3200 : i32
    %mul3A_16 = arith.muli %arg1, %mul3A_15 : i32
    %add3A = arith.addi %mul3A_14, %mul3A_16 : i32
    "tpu.region"() ({
      %run_scoped3A = tpu.sem_alloc : memref<!tpu.dma_semaphore, #tpu.memory_space<semaphore_mem>>
      %dma_start3A = arith.constant 0 : i32
      %dma_start3A_17 = tpu.memref_slice %arg7[%add3A, %dma_start3A] : memref<102400x32xf32, #tpu.memory_space<hbm>> -> memref<3200x32xf32, #tpu.memory_space<hbm>>
      %dma_start3A_18 = arith.constant 0 : i32
      %dma_start3A_19 = tpu.memref_slice %arg18[%mul3A_12, %dma_start3A_18] : memref<51200x32xf32, #tpu.memory_space<vmem_shared>> -> memref<3200x32xf32, #tpu.memory_space<vmem_shared>>
      tpu.enqueue_dma source(%dma_start3A_19 : memref<3200x32xf32, #tpu.memory_space<vmem_shared>>) target(%dma_start3A_17 : memref<3200x32xf32, #tpu.memory_space<hbm>>) target_semaphore(%run_scoped3A : memref<!tpu.dma_semaphore, #tpu.memory_space<semaphore_mem>>)
      %dma_wait3A = arith.constant 0 : i32
      %dma_wait3A_20 = tpu.memref_slice %arg7[%add3A, %dma_wait3A] : memref<102400x32xf32, #tpu.memory_space<hbm>> -> memref<3200x32xf32, #tpu.memory_space<hbm>>
      %dma_wait3A_21 = arith.constant 0 : i32
      %dma_wait3A_22 = tpu.memref_slice %arg18[%mul3A_12, %dma_wait3A_21] : memref<51200x32xf32, #tpu.memory_space<vmem_shared>> -> memref<3200x32xf32, #tpu.memory_space<vmem_shared>>
      tpu.wait_dma2 semaphore(%run_scoped3A : memref<!tpu.dma_semaphore, #tpu.memory_space<semaphore_mem>>) src(%dma_wait3A_22 : memref<3200x32xf32, #tpu.memory_space<vmem_shared>>) dst(%dma_wait3A_20 : memref<3200x32xf32, #tpu.memory_space<hbm>>)
      tpu.yield
    }) : () -> ()
    return
  }
}

module attributes {stable_mosaic.version = 14 : i64} {
  func.func @_h1_body(%arg0: i32, %arg1: memref<2x3200x16xf32, #tpu.memory_space<vmem>>, %arg2: memref<3200x16xf32, #tpu.memory_space<vmem>>, %arg3: memref<3200x16xf32, #tpu.memory_space<vmem>>, %arg4: memref<2x64xf32, #tpu.memory_space<vmem>>, %arg5: memref<1x64xf32, #tpu.memory_space<vmem>>, %arg6: memref<3200x32xf32, #tpu.memory_space<vmem>>, %arg7: memref<3200x32xf32, #tpu.memory_space<vmem>>) attributes {dimension_semantics = [#tpu.dimension_semantics<arbitrary>], iteration_bounds = array<i64: 16>, scalar_prefetch = 0 : i64, scratch_operands = 0 : i64, tpu.core_type = #tpu.core_type<tc>, window_params = [{transform_indices = @transform_0, window_bounds = array<i64: 2, 3200, 16>}, {transform_indices = @transform_1, window_bounds = array<i64: 3200, 16>}, {transform_indices = @transform_2, window_bounds = array<i64: 3200, 16>}, {pipeline_mode = #tpu.pipeline_mode<synchronous>, transform_indices = @transform_3, window_bounds = array<i64: 2, 64>}, {pipeline_mode = #tpu.pipeline_mode<synchronous>, transform_indices = @transform_4, window_bounds = array<i64: 1, 64>}, {transform_indices = @transform_5, window_bounds = array<i64: 3200, 32>}, {transform_indices = @transform_6, window_bounds = array<i64: 3200, 32>}]} {
    %mul3A = arith.constant 3200 : i32
    %mul3A_0 = arith.muli %arg0, %mul3A : i32
    %iota3A = tpu.iota {dimensions = array<i32: 0>} : vector<3200x1xi32>
    %add3A = vector.broadcast %mul3A_0 : i32 to vector<3200x1xi32>
    %add3A_1 = arith.addi %add3A, %iota3A : vector<3200x1xi32>
    %get3A = arith.constant 0 : index
    %get3A_2 = arith.constant 0 : index
    %get3A_3 = vector.load %arg3[%get3A, %get3A_2] : memref<3200x16xf32, #tpu.memory_space<vmem>>, vector<3200x1xf32>
    %add3A_4 = arith.constant 1.000000e+00 : f32
    %add3A_5 = vector.broadcast %add3A_4 : f32 to vector<3200x1xf32>
    %add3A_6 = arith.addf %get3A_3, %add3A_5 : vector<3200x1xf32>
    %rsqrt3A = math.rsqrt %add3A_6 : vector<3200x1xf32>
    %lt3A = arith.constant 50000 : i32
    %lt3A_7 = vector.broadcast %lt3A : i32 to vector<3200x1xi32>
    %lt3A_8 = arith.cmpi slt, %add3A_1, %lt3A_7 : vector<3200x1xi32>
    %convert_element_type3A = arith.extui %lt3A_8 : vector<3200x1xi1> to vector<3200x1xi32>
    %convert_element_type3A_9 = arith.sitofp %convert_element_type3A : vector<3200x1xi32> to vector<3200x1xf32>
    %mul3A_10 = arith.mulf %rsqrt3A, %convert_element_type3A_9 : vector<3200x1xf32>
    %get3A_11 = arith.constant 0 : index
    %get3A_12 = arith.constant 0 : index
    %get3A_13 = arith.constant 0 : index
    %get3A_14 = vector.load %arg1[%get3A_11, %get3A_12, %get3A_13] : memref<2x3200x16xf32, #tpu.memory_space<vmem>>, vector<1x3200x2xf32>
    %get3A_15 = vector.shape_cast %get3A_14 : vector<1x3200x2xf32> to vector<3200x2xf32>
    %get3A_16 = arith.constant 1 : index
    %get3A_17 = arith.constant 0 : index
    %get3A_18 = arith.constant 0 : index
    %get3A_19 = vector.load %arg1[%get3A_16, %get3A_17, %get3A_18] : memref<2x3200x16xf32, #tpu.memory_space<vmem>>, vector<1x3200x2xf32>
    %get3A_20 = vector.shape_cast %get3A_19 : vector<1x3200x2xf32> to vector<3200x2xf32>
    %add3A_21 = arith.addf %get3A_15, %get3A_20 : vector<3200x2xf32>
    %get3A_22 = arith.constant 0 : index
    %get3A_23 = arith.constant 0 : index
    %get3A_24 = vector.load %arg2[%get3A_22, %get3A_23] : memref<3200x16xf32, #tpu.memory_space<vmem>>, vector<3200x2xf32>
    %add3A_25 = arith.addf %add3A_21, %get3A_24 : vector<3200x2xf32>
    %mul3A_26 = vector.broadcast %mul3A_10 : vector<3200x1xf32> to vector<3200x2xf32>
    %mul3A_27 = arith.mulf %mul3A_26, %add3A_25 : vector<3200x2xf32>
    %slice3A = vector.extract_strided_slice %mul3A_27 {offsets = [0, 0], sizes = [3200, 1], strides = [1, 1]} : vector<3200x2xf32> to vector<3200x1xf32>
    %get3A_28 = arith.constant 0 : index
    %get3A_29 = arith.constant 0 : index
    %get3A_30 = vector.load %arg4[%get3A_28, %get3A_29] : memref<2x64xf32, #tpu.memory_space<vmem>>, vector<1x64xf32>
    %mul3A_31 = vector.broadcast %slice3A : vector<3200x1xf32> to vector<3200x64xf32>
    %mul3A_32 = vector.broadcast %get3A_30 : vector<1x64xf32> to vector<3200x64xf32>
    %mul3A_33 = arith.mulf %mul3A_31, %mul3A_32 : vector<3200x64xf32>
    %slice3A_34 = vector.extract_strided_slice %mul3A_27 {offsets = [0, 1], sizes = [3200, 1], strides = [1, 1]} : vector<3200x2xf32> to vector<3200x1xf32>
    %get3A_35 = arith.constant 1 : index
    %get3A_36 = arith.constant 0 : index
    %get3A_37 = vector.load %arg4[%get3A_35, %get3A_36] : memref<2x64xf32, #tpu.memory_space<vmem>>, vector<1x64xf32>
    %mul3A_38 = vector.broadcast %slice3A_34 : vector<3200x1xf32> to vector<3200x64xf32>
    %mul3A_39 = vector.broadcast %get3A_37 : vector<1x64xf32> to vector<3200x64xf32>
    %mul3A_40 = arith.mulf %mul3A_38, %mul3A_39 : vector<3200x64xf32>
    %add3A_41 = arith.addf %mul3A_33, %mul3A_40 : vector<3200x64xf32>
    %get3A_42 = arith.constant 0 : index
    %get3A_43 = arith.constant 0 : index
    %get3A_44 = vector.load %arg5[%get3A_42, %get3A_43] : memref<1x64xf32, #tpu.memory_space<vmem>>, vector<1x64xf32>
    %add3A_45 = vector.broadcast %get3A_44 : vector<1x64xf32> to vector<3200x64xf32>
    %add3A_46 = arith.addf %add3A_41, %add3A_45 : vector<3200x64xf32>
    %max3A = arith.constant 0.000000e+00 : f32
    %max3A_47 = vector.broadcast %max3A : f32 to vector<3200x64xf32>
    %max3A_48 = arith.maximumf %add3A_46, %max3A_47 : vector<3200x64xf32>
    %mul3A_49 = vector.broadcast %mul3A_10 : vector<3200x1xf32> to vector<3200x64xf32>
    %mul3A_50 = arith.mulf %mul3A_49, %max3A_48 : vector<3200x64xf32>
    %slice3A_51 = vector.extract_strided_slice %mul3A_50 {offsets = [0, 0], sizes = [3200, 32], strides = [1, 1]} : vector<3200x64xf32> to vector<3200x32xf32>
    %swap3A = arith.constant 0 : index
    %swap3A_52 = arith.constant 0 : index
    %swap3A_53 = vector.load %arg6[%swap3A, %swap3A_52] : memref<3200x32xf32, #tpu.memory_space<vmem>>, vector<3200x32xf32>
    tpu.vector_store %arg6[%swap3A, %swap3A_52], %slice3A_51 {strides = array<i32>} : memref<3200x32xf32, #tpu.memory_space<vmem>>, vector<3200x32xf32>,
    %slice3A_54 = vector.extract_strided_slice %mul3A_50 {offsets = [0, 32], sizes = [3200, 32], strides = [1, 1]} : vector<3200x64xf32> to vector<3200x32xf32>
    %swap3A_55 = arith.constant 0 : index
    %swap3A_56 = arith.constant 0 : index
    %swap3A_57 = vector.load %arg7[%swap3A_55, %swap3A_56] : memref<3200x32xf32, #tpu.memory_space<vmem>>, vector<3200x32xf32>
    tpu.vector_store %arg7[%swap3A_55, %swap3A_56], %slice3A_54 {strides = array<i32>} : memref<3200x32xf32, #tpu.memory_space<vmem>>, vector<3200x32xf32>,
    return
  }
  func.func @transform_0(%arg0: i32) -> (i32, i32, i32) {
    %c0_i32 = arith.constant 0 : i32
    %c0_i32_0 = arith.constant 0 : i32
    %c0_i32_1 = arith.constant 0 : i32
    return %c0_i32, %arg0, %c0_i32_0 : i32, i32, i32
  }
  func.func @transform_1(%arg0: i32) -> (i32, i32) {
    %c0_i32 = arith.constant 0 : i32
    %c0_i32_0 = arith.constant 0 : i32
    return %arg0, %c0_i32 : i32, i32
  }
  func.func @transform_2(%arg0: i32) -> (i32, i32) {
    %c0_i32 = arith.constant 0 : i32
    %c0_i32_0 = arith.constant 0 : i32
    return %arg0, %c0_i32 : i32, i32
  }
  func.func @transform_3(%arg0: i32) -> (i32, i32) {
    %c0_i32 = arith.constant 0 : i32
    %c0_i32_0 = arith.constant 0 : i32
    %c0_i32_1 = arith.constant 0 : i32
    return %c0_i32, %c0_i32_0 : i32, i32
  }
  func.func @transform_4(%arg0: i32) -> (i32, i32) {
    %c0_i32 = arith.constant 0 : i32
    %c0_i32_0 = arith.constant 0 : i32
    %c0_i32_1 = arith.constant 0 : i32
    return %c0_i32, %c0_i32_0 : i32, i32
  }
  func.func @transform_5(%arg0: i32) -> (i32, i32) {
    %c0_i32 = arith.constant 0 : i32
    %c0_i32_0 = arith.constant 0 : i32
    return %arg0, %c0_i32 : i32, i32
  }
  func.func @transform_6(%arg0: i32) -> (i32, i32) {
    %c0_i32 = arith.constant 0 : i32
    %c0_i32_0 = arith.constant 0 : i32
    return %arg0, %c0_i32 : i32, i32
  }
}

module attributes {stable_mosaic.version = 14 : i64} {
  func.func @_h2pool_body(%arg0: i32, %arg1: memref<2x3200x32xf32, #tpu.memory_space<vmem>>, %arg2: memref<3200x32xf32, #tpu.memory_space<vmem>>, %arg3: memref<3200x32xf32, #tpu.memory_space<vmem>>, %arg4: memref<3200x16xf32, #tpu.memory_space<vmem>>, %arg5: memref<3200x1xi32, #tpu.memory_space<vmem>>, %arg6: memref<64x64xf32, #tpu.memory_space<vmem>>, %arg7: memref<1x64xf32, #tpu.memory_space<vmem>>, %arg8: memref<64x64xf32, #tpu.memory_space<vmem>>, %arg9: memref<1x64xf32, #tpu.memory_space<vmem>>, %arg10: memref<64x64xf32, #tpu.memory_space<vmem>>, %arg11: memref<64x64xf32, #tpu.memory_space<vmem>>, %arg12: memref<64x1xf32, #tpu.memory_space<vmem>>) attributes {dimension_semantics = [#tpu.dimension_semantics<arbitrary>], iteration_bounds = array<i64: 16>, scalar_prefetch = 0 : i64, scratch_operands = 2 : i64, tpu.core_type = #tpu.core_type<tc>, window_params = [{transform_indices = @transform_0, window_bounds = array<i64: 2, 3200, 32>}, {transform_indices = @transform_1, window_bounds = array<i64: 3200, 32>}, {transform_indices = @transform_2, window_bounds = array<i64: 3200, 32>}, {transform_indices = @transform_3, window_bounds = array<i64: 3200, 16>}, {transform_indices = @transform_4, window_bounds = array<i64: 3200, 1>}, {pipeline_mode = #tpu.pipeline_mode<synchronous>, transform_indices = @transform_5, window_bounds = array<i64: 64, 64>}, {pipeline_mode = #tpu.pipeline_mode<synchronous>, transform_indices = @transform_6, window_bounds = array<i64: 1, 64>}, {pipeline_mode = #tpu.pipeline_mode<synchronous>, transform_indices = @transform_7, window_bounds = array<i64: 64, 64>}, {pipeline_mode = #tpu.pipeline_mode<synchronous>, transform_indices = @transform_8, window_bounds = array<i64: 1, 64>}, {pipeline_mode = #tpu.pipeline_mode<synchronous>, transform_indices = @transform_9, window_bounds = array<i64: 64, 64>}]} {
    %mul3A = arith.constant 3200 : i32
    %mul3A_0 = arith.muli %arg0, %mul3A : i32
    %iota3A = tpu.iota {dimensions = array<i32: 0>} : vector<3200x1xi32>
    %add3A = vector.broadcast %mul3A_0 : i32 to vector<3200x1xi32>
    %add3A_1 = arith.addi %add3A, %iota3A : vector<3200x1xi32>
    %get3A = arith.constant 0 : index
    %get3A_2 = arith.constant 0 : index
    %get3A_3 = vector.load %arg4[%get3A, %get3A_2] : memref<3200x16xf32, #tpu.memory_space<vmem>>, vector<3200x1xf32>
    %add3A_4 = arith.constant 1.000000e+00 : f32
    %add3A_5 = vector.broadcast %add3A_4 : f32 to vector<3200x1xf32>
    %add3A_6 = arith.addf %get3A_3, %add3A_5 : vector<3200x1xf32>
    %rsqrt3A = math.rsqrt %add3A_6 : vector<3200x1xf32>
    %lt3A = arith.constant 50000 : i32
    %lt3A_7 = vector.broadcast %lt3A : i32 to vector<3200x1xi32>
    %lt3A_8 = arith.cmpi slt, %add3A_1, %lt3A_7 : vector<3200x1xi32>
    %convert_element_type3A = arith.extui %lt3A_8 : vector<3200x1xi1> to vector<3200x1xi32>
    %convert_element_type3A_9 = arith.sitofp %convert_element_type3A : vector<3200x1xi32> to vector<3200x1xf32>
    %mul3A_10 = arith.mulf %rsqrt3A, %convert_element_type3A_9 : vector<3200x1xf32>
    %eq3A = arith.constant 0 : i32
    %eq3A_11 = arith.cmpi eq, %arg0, %eq3A : i32
    %convert_element_type3A_12 = arith.extui %eq3A_11 : i1 to i32
    %cond3A = arith.constant 0 : i32
    %cond3A_13 = arith.cmpi ne, %convert_element_type3A_12, %cond3A : i32
    scf.if %cond3A_13 {
      %broadcast_in_dim3A_77 = arith.constant 0.000000e+00 : f32
      %broadcast_in_dim3A_78 = vector.broadcast %broadcast_in_dim3A_77 : f32 to vector<64x64xf32>
      %swap3A_79 = arith.constant 0 : index
      %swap3A_80 = arith.constant 0 : index
      %swap3A_81 = vector.load %arg11[%swap3A_79, %swap3A_80] : memref<64x64xf32, #tpu.memory_space<vmem>>, vector<64x64xf32>
      tpu.vector_store %arg11[%swap3A_79, %swap3A_80], %broadcast_in_dim3A_78 {strides = array<i32>} : memref<64x64xf32, #tpu.memory_space<vmem>>, vector<64x64xf32>,
      %broadcast_in_dim3A_82 = arith.constant 0.000000e+00 : f32
      %broadcast_in_dim3A_83 = vector.broadcast %broadcast_in_dim3A_82 : f32 to vector<64x1xf32>
      %swap3A_84 = arith.constant 0 : index
      %swap3A_85 = arith.constant 0 : index
      %swap3A_86 = vector.load %arg12[%swap3A_84, %swap3A_85] : memref<64x1xf32, #tpu.memory_space<vmem>>, vector<64x1xf32>
      tpu.vector_store %arg12[%swap3A_84, %swap3A_85], %broadcast_in_dim3A_83 {strides = array<i32>} : memref<64x1xf32, #tpu.memory_space<vmem>>, vector<64x1xf32>,
    } else {
    }
    %get3A_14 = arith.constant 0 : index
    %get3A_15 = arith.constant 0 : index
    %get3A_16 = arith.constant 0 : index
    %get3A_17 = vector.load %arg1[%get3A_14, %get3A_15, %get3A_16] : memref<2x3200x32xf32, #tpu.memory_space<vmem>>, vector<1x3200x32xf32>
    %get3A_18 = vector.shape_cast %get3A_17 : vector<1x3200x32xf32> to vector<3200x32xf32>
    %get3A_19 = arith.constant 1 : index
    %get3A_20 = arith.constant 0 : index
    %get3A_21 = arith.constant 0 : index
    %get3A_22 = vector.load %arg1[%get3A_19, %get3A_20, %get3A_21] : memref<2x3200x32xf32, #tpu.memory_space<vmem>>, vector<1x3200x32xf32>
    %get3A_23 = vector.shape_cast %get3A_22 : vector<1x3200x32xf32> to vector<3200x32xf32>
    %concatenate3A = tpu.concatenate %get3A_18, %get3A_23 in 1 : vector<3200x32xf32>, vector<3200x32xf32> -> vector<3200x64xf32>
    %get3A_24 = arith.constant 0 : index
    %get3A_25 = arith.constant 0 : index
    %get3A_26 = vector.load %arg2[%get3A_24, %get3A_25] : memref<3200x32xf32, #tpu.memory_space<vmem>>, vector<3200x32xf32>
    %get3A_27 = arith.constant 0 : index
    %get3A_28 = arith.constant 0 : index
    %get3A_29 = vector.load %arg3[%get3A_27, %get3A_28] : memref<3200x32xf32, #tpu.memory_space<vmem>>, vector<3200x32xf32>
    %concatenate3A_30 = tpu.concatenate %get3A_26, %get3A_29 in 1 : vector<3200x32xf32>, vector<3200x32xf32> -> vector<3200x64xf32>
    %add3A_31 = arith.addf %concatenate3A, %concatenate3A_30 : vector<3200x64xf32>
    %mul3A_32 = vector.broadcast %mul3A_10 : vector<3200x1xf32> to vector<3200x64xf32>
    %mul3A_33 = arith.mulf %mul3A_32, %add3A_31 : vector<3200x64xf32>
    %get3A_34 = arith.constant 0 : index
    %get3A_35 = arith.constant 0 : index
    %get3A_36 = vector.load %arg6[%get3A_34, %get3A_35] : memref<64x64xf32, #tpu.memory_space<vmem>>, vector<64x64xf32>
    %dot_general3A = arith.constant dense<0.000000e+00> : vector<3200x64xf32>
    %dot_general3A_37 = tpu.matmul %mul3A_33, %get3A_36, %dot_general3A {dimension_numbers = #tpu.dot_dimension_numbers<[1], [0], [0], [1], [0, 0, 1, 1], [], []>, transpose_lhs_hint = false} : vector<3200x64xf32>, vector<64x64xf32>, vector<3200x64xf32> -> vector<3200x64xf32>
    %get3A_38 = arith.constant 0 : index
    %get3A_39 = arith.constant 0 : index
    %get3A_40 = vector.load %arg7[%get3A_38, %get3A_39] : memref<1x64xf32, #tpu.memory_space<vmem>>, vector<1x64xf32>
    %add3A_41 = vector.broadcast %get3A_40 : vector<1x64xf32> to vector<3200x64xf32>
    %add3A_42 = arith.addf %dot_general3A_37, %add3A_41 : vector<3200x64xf32>
    %max3A = arith.constant 0.000000e+00 : f32
    %max3A_43 = vector.broadcast %max3A : f32 to vector<3200x64xf32>
    %max3A_44 = arith.maximumf %add3A_42, %max3A_43 : vector<3200x64xf32>
    %iota3A_45 = tpu.iota {dimensions = array<i32: 1>} : vector<1x64xi32>
    %get3A_46 = arith.constant 0 : index
    %get3A_47 = arith.constant 0 : index
    %get3A_48 = vector.load %arg5[%get3A_46, %get3A_47] : memref<3200x1xi32, #tpu.memory_space<vmem>>, vector<3200x1xi32>
    %eq3A_49 = vector.broadcast %get3A_48 : vector<3200x1xi32> to vector<3200x64xi32>
    %eq3A_50 = vector.broadcast %iota3A_45 : vector<1x64xi32> to vector<3200x64xi32>
    %eq3A_51 = arith.cmpi eq, %eq3A_49, %eq3A_50 : vector<3200x64xi32>
    %convert_element_type3A_52 = arith.extui %eq3A_51 : vector<3200x64xi1> to vector<3200x64xi32>
    %convert_element_type3A_53 = arith.sitofp %convert_element_type3A_52 : vector<3200x64xi32> to vector<3200x64xf32>
    %get3A_54 = arith.constant 0 : index
    %get3A_55 = arith.constant 0 : index
    %get3A_56 = vector.load %arg11[%get3A_54, %get3A_55] : memref<64x64xf32, #tpu.memory_space<vmem>>, vector<64x64xf32>
    %dot_general3A_57 = arith.constant dense<0.000000e+00> : vector<64x64xf32>
    %dot_general3A_58 = tpu.matmul %convert_element_type3A_53, %max3A_44, %dot_general3A_57 {dimension_numbers = #tpu.dot_dimension_numbers<[0], [0], [1], [1], [0, 1, 1, 1], [], []>, transpose_lhs_hint = false} : vector<3200x64xf32>, vector<3200x64xf32>, vector<64x64xf32> -> vector<64x64xf32>
    %add3A_59 = arith.addf %get3A_56, %dot_general3A_58 : vector<64x64xf32>
    %swap3A = arith.constant 0 : index
    %swap3A_60 = arith.constant 0 : index
    %swap3A_61 = vector.load %arg11[%swap3A, %swap3A_60] : memref<64x64xf32, #tpu.memory_space<vmem>>, vector<64x64xf32>
    tpu.vector_store %arg11[%swap3A, %swap3A_60], %add3A_59 {strides = array<i32>} : memref<64x64xf32, #tpu.memory_space<vmem>>, vector<64x64xf32>,
    %get3A_62 = arith.constant 0 : index
    %get3A_63 = arith.constant 0 : index
    %get3A_64 = vector.load %arg12[%get3A_62, %get3A_63] : memref<64x1xf32, #tpu.memory_space<vmem>>, vector<64x1xf32>
    %broadcast_in_dim3A = arith.constant 1.000000e+00 : f32
    %broadcast_in_dim3A_65 = vector.broadcast %broadcast_in_dim3A : f32 to vector<3200x1xf32>
    %dot_general3A_66 = arith.constant dense<0.000000e+00> : vector<64x1xf32>
    %dot_general3A_67 = tpu.matmul %convert_element_type3A_53, %broadcast_in_dim3A_65, %dot_general3A_66 {dimension_numbers = #tpu.dot_dimension_numbers<[0], [0], [1], [1], [0, 1, 1, 1], [], []>, transpose_lhs_hint = false} : vector<3200x64xf32>, vector<3200x1xf32>, vector<64x1xf32> -> vector<64x1xf32>
    %add3A_68 = arith.addf %get3A_64, %dot_general3A_67 : vector<64x1xf32>
    %swap3A_69 = arith.constant 0 : index
    %swap3A_70 = arith.constant 0 : index
    %swap3A_71 = vector.load %arg12[%swap3A_69, %swap3A_70] : memref<64x1xf32, #tpu.memory_space<vmem>>, vector<64x1xf32>
    tpu.vector_store %arg12[%swap3A_69, %swap3A_70], %add3A_68 {strides = array<i32>} : memref<64x1xf32, #tpu.memory_space<vmem>>, vector<64x1xf32>,
    %eq3A_72 = arith.constant 15 : i32
    %eq3A_73 = arith.cmpi eq, %arg0, %eq3A_72 : i32
    %convert_element_type3A_74 = arith.extui %eq3A_73 : i1 to i32
    %cond3A_75 = arith.constant 0 : i32
    %cond3A_76 = arith.cmpi ne, %convert_element_type3A_74, %cond3A_75 : i32
    scf.if %cond3A_76 {
      %get3A_77 = arith.constant 0 : index
      %get3A_78 = arith.constant 0 : index
      %get3A_79 = vector.load %arg12[%get3A_77, %get3A_78] : memref<64x1xf32, #tpu.memory_space<vmem>>, vector<64x1xf32>
      %get3A_80 = arith.constant 0 : index
      %get3A_81 = arith.constant 0 : index
      %get3A_82 = vector.load %arg11[%get3A_80, %get3A_81] : memref<64x64xf32, #tpu.memory_space<vmem>>, vector<64x64xf32>
      %max3A_83 = arith.constant 1.000000e+00 : f32
      %max3A_84 = vector.broadcast %max3A_83 : f32 to vector<64x1xf32>
      %max3A_85 = arith.maximumf %get3A_79, %max3A_84 : vector<64x1xf32>
      %div3A = vector.broadcast %max3A_85 : vector<64x1xf32> to vector<64x64xf32>
      %div3A_86 = arith.divf %get3A_82, %div3A : vector<64x64xf32>
      %get3A_87 = arith.constant 0 : index
      %get3A_88 = arith.constant 0 : index
      %get3A_89 = vector.load %arg8[%get3A_87, %get3A_88] : memref<64x64xf32, #tpu.memory_space<vmem>>, vector<64x64xf32>
      %dot_general3A_90 = arith.constant dense<0.000000e+00> : vector<64x64xf32>
      %dot_general3A_91 = tpu.matmul %div3A_86, %get3A_89, %dot_general3A_90 {dimension_numbers = #tpu.dot_dimension_numbers<[1], [0], [0], [1], [0, 0, 1, 1], [], []>, transpose_lhs_hint = false} : vector<64x64xf32>, vector<64x64xf32>, vector<64x64xf32> -> vector<64x64xf32>
      %get3A_92 = arith.constant 0 : index
      %get3A_93 = arith.constant 0 : index
      %get3A_94 = vector.load %arg9[%get3A_92, %get3A_93] : memref<1x64xf32, #tpu.memory_space<vmem>>, vector<1x64xf32>
      %add3A_95 = vector.broadcast %get3A_94 : vector<1x64xf32> to vector<64x64xf32>
      %add3A_96 = arith.addf %dot_general3A_91, %add3A_95 : vector<64x64xf32>
      %gt3A = arith.constant 0.000000e+00 : f32
      %gt3A_97 = vector.broadcast %gt3A : f32 to vector<64x1xf32>
      %gt3A_98 = arith.cmpf ogt, %get3A_79, %gt3A_97 : vector<64x1xf32>
      %convert_element_type3A_99 = arith.extui %gt3A_98 : vector<64x1xi1> to vector<64x1xi32>
      %convert_element_type3A_100 = arith.sitofp %convert_element_type3A_99 : vector<64x1xi32> to vector<64x1xf32>
      %mul3A_101 = vector.broadcast %convert_element_type3A_100 : vector<64x1xf32> to vector<64x64xf32>
      %mul3A_102 = arith.mulf %add3A_96, %mul3A_101 : vector<64x64xf32>
      %swap3A_103 = arith.constant 0 : index
      %swap3A_104 = arith.constant 0 : index
      %swap3A_105 = vector.load %arg10[%swap3A_103, %swap3A_104] : memref<64x64xf32, #tpu.memory_space<vmem>>, vector<64x64xf32>
      tpu.vector_store %arg10[%swap3A_103, %swap3A_104], %mul3A_102 {strides = array<i32>} : memref<64x64xf32, #tpu.memory_space<vmem>>, vector<64x64xf32>,
    } else {
    }
    return
  }
  func.func @transform_0(%arg0: i32) -> (i32, i32, i32) {
    %c0_i32 = arith.constant 0 : i32
    %c0_i32_0 = arith.constant 0 : i32
    %c0_i32_1 = arith.constant 0 : i32
    return %c0_i32, %arg0, %c0_i32_0 : i32, i32, i32
  }
  func.func @transform_1(%arg0: i32) -> (i32, i32) {
    %c0_i32 = arith.constant 0 : i32
    %c0_i32_0 = arith.constant 0 : i32
    return %arg0, %c0_i32 : i32, i32
  }
  func.func @transform_2(%arg0: i32) -> (i32, i32) {
    %c0_i32 = arith.constant 0 : i32
    %c0_i32_0 = arith.constant 0 : i32
    return %arg0, %c0_i32 : i32, i32
  }
  func.func @transform_3(%arg0: i32) -> (i32, i32) {
    %c0_i32 = arith.constant 0 : i32
    %c0_i32_0 = arith.constant 0 : i32
    return %arg0, %c0_i32 : i32, i32
  }
  func.func @transform_4(%arg0: i32) -> (i32, i32) {
    %c0_i32 = arith.constant 0 : i32
    %c0_i32_0 = arith.constant 0 : i32
    return %arg0, %c0_i32 : i32, i32
  }
  func.func @transform_5(%arg0: i32) -> (i32, i32) {
    %c0_i32 = arith.constant 0 : i32
    %c0_i32_0 = arith.constant 0 : i32
    %c0_i32_1 = arith.constant 0 : i32
    return %c0_i32, %c0_i32_0 : i32, i32
  }
  func.func @transform_6(%arg0: i32) -> (i32, i32) {
    %c0_i32 = arith.constant 0 : i32
    %c0_i32_0 = arith.constant 0 : i32
    %c0_i32_1 = arith.constant 0 : i32
    return %c0_i32, %c0_i32_0 : i32, i32
  }
  func.func @transform_7(%arg0: i32) -> (i32, i32) {
    %c0_i32 = arith.constant 0 : i32
    %c0_i32_0 = arith.constant 0 : i32
    %c0_i32_1 = arith.constant 0 : i32
    return %c0_i32, %c0_i32_0 : i32, i32
  }
  func.func @transform_8(%arg0: i32) -> (i32, i32) {
    %c0_i32 = arith.constant 0 : i32
    %c0_i32_0 = arith.constant 0 : i32
    %c0_i32_1 = arith.constant 0 : i32
    return %c0_i32, %c0_i32_0 : i32, i32
  }
  func.func @transform_9(%arg0: i32) -> (i32, i32) {
    %c0_i32 = arith.constant 0 : i32
    %c0_i32_0 = arith.constant 0 : i32
    %c0_i32_1 = arith.constant 0 : i32
    return %c0_i32, %c0_i32_0 : i32, i32
  }
}

</mosaic_0001>

<sc_bundles>
// kernel: kernel.6.cloned.1.call-start
scs
__scs_entry_jumppad:
0x0: {  	(pc) =	sbr.rel $0x88, $3  }
0x1: {  	(tag) =	ssettag $0x0;
	lr =	simm.s32 $0x1  }
0x2: {  	[smem:$0x3F98] =	sst lr;
	_ =	strace $0xD0000000  }
0x3: {  	_ = 	snop  }
0x4: {  	_ = 	snop  }
0x5: {  	_ = 	snop  }
0x6: {  	_ = 	snop  }
0x7: {  	_ = 	snop  }
__scs_overlays_trampoline_lowered:
0x8: {  	[smem:$0x3FA7] =	sst s0  }
0x9: {  	[smem:$0x3FA8] =	sst s1  }
0xa: {  	[smem:$0x3FA9] =	sst s2  }
0xb: {  	[smem:$0x3FAA] =	sst s3  }
0xc: {  	[smem:$0x3FAB] =	sst s4  }
0xd: {  	[smem:$0x3FAC] =	sst s5  }
0xe: {  	[smem:$0x3FAD] =	sst s6  }
0xf: {  	[smem:$0x3FAE] =	sst s7  }
0x10: {  	[smem:$0x3FAF] =	sst s8  }
0x11: {  	[smem:$0x3FB0] =	sst s9;
	s0 =	simm.s32 @!p0 $0x0  }
0x12: {  	s1 =	sld [smem:$0x3F96];
	s0 =	simm.s32 @p0 $0x1  }
0x13: {  	[smem:$0x3FB1] =	sst s0;
	s0 =	simm.s32 @!p1 $0x0  }
0x14: {  	s2 =	sld [smem:$0x3F95];
	s0 =	simm.s32 @p1 $0x1  }
0x15: {  	[smem:$0x3FB2] =	sst s0;
	s0 =	simm.s32 @!p2 $0x0  }
0x16: {  	s3 =	sld [smem:$0x3FDB];
	s0 =	simm.s32 @p2 $0x1  }
0x17: {  	s4 =	simm.s32 $0x1BF5;
	[smem:$0x3FB4] =	sst s0  }
0x18: {  	s0 =	sld [smem:$0x3F97];
	_ =	swait.ge [sflag:s4], $0x0  }
0x19: {  	s7 =	sld [smem:$0x3F98]  }
0x1a: {  	s8 =	sadd.s32 $0xFFFFE003, lr  }
0x1b: {  	s9 =	sadd.s32 $0xFFFFFEF7, lr;
	s5 =	simm.s32 $0xFFFFFFFF;
	p2 =	slt.u32 s8, $0xFFFFF086  }
0x1c: {  	p1 =	slt.u32 s9, $0xF7A;
	s5 =	simm.s32 @!p2 $0x0  }
0x1d: {  	s5 =	simm.s32 @p1 $0x1;
	p0 =	seq.s32 s7, s2  }
0x1e: {  	s7 =	smul.u32 @!p0 $0xF7A, s2;
	p2 =	seq.s32 @!p0 s5, $0x0  }
0x1f: {  	s9 =	smul.u32 $0xF7A, s1;
	s8 =	simm.s32 @!p0 $0x1BF5;
	p2 =	por !p2, p0  }
0x20: {  	[sflag:s8] =	ssyncset.s32 @!p0 $0xFFFFF086;
	s6 =	sadd.s32 @!p0 s3, s7;
	s7 =	simm.s32 @!p0 $0x108  }
0x21: {  	s3 =	sadd.s32 s3, s9;
	s6 =	sadd.s32 @!p0 $0x88, s6;
	s7 =	simm.s32 @p2 $0x1082  }
0x22: {  	[simem:s7], [sflag:s8] =	dma.local @!p0 [hbm:s6], $0xF7A  }
0x23: {  	s9 =	sor.u32 $0xD0000000, s2;
	s6 =	simm.s32 $0x108;
	_ =	swait.ge @!p0 [sflag:s8], $0x0  }
0x24: {  	s3 =	sadd.s32 $0x88, s3;
	s6 =	simm.s32 @!p1 $0x1082;
	[sflag:s4] =	ssyncset.s32 $0xFFFFF086  }
0x25: {  	[simem:s6], [sflag:s4] =	dma.local [hbm:s3], $0xF7A  }
0x26: {  	[smem:$0x3F98] =	sst s1;
	(tag) =	ssettag s2;
	_ =	strace s9  }
0x27: {  	s1 =	sld [smem:$0x3FA8]  }
0x28: {  	s2 =	sld [smem:$0x3FA9]  }
0x29: {  	s4 =	sld [smem:$0x3FAB]  }
0x2a: {  	p0 =	seq.s32 s5, $0x0;
	s5 =	sld [smem:$0x3FAC]  }
0x2b: {  	s6 =	sld [smem:$0x3FAD]  }
0x2c: {  	s7 =	sld [smem:$0x3FAE]  }
0x2d: {  	s3 =	simm.s32 $0x108;
	s8 =	sld [smem:$0x3FAF]  }
0x2e: {  	s3 =	simm.s32 @!p0 $0x1082;
	s9 =	sld [smem:$0x3FB0]  }
0x2f: {  	lr =	sadd.s32 s0, s3;
	s0 =	sld [smem:$0x3FA7]  }
0x30: {  	s3 =	sld [smem:$0x3FAA]  }
0x31: {  	[smem:$0x3FB3] =	sst s10  }
0x32: {  	s10 =	sld [smem:$0x3FB1];
	_ =	sdelay $0x3  }
0x33: {  	p0 =	seq.s32 s10, $0x1;
	s10 =	sld [smem:$0x3FB3];
	_ =	sdelay $0x3  }
0x34: {  	[smem:$0x3FB3] =	sst s10  }
0x35: {  	s10 =	sld [smem:$0x3FB2];
	_ =	sdelay $0x3  }
0x36: {  	p1 =	seq.s32 s10, $0x1;
	s10 =	sld [smem:$0x3FB3];
	_ =	sdelay $0x3  }
0x37: {  	[smem:$0x3FB3] =	sst s10  }
0x38: {  	s10 =	sld [smem:$0x3FB4]  }
0x39: {  	_ = 	snop;
	(pc) =	sbr.ind lr, $3  }
0x3a: {  	_ = 	snop  }
0x3b: {  	_ = 	snop  }
0x3c: {  	p2 =	seq.s32 s10, $0x1;
	s10 =	sld [smem:$0x3FB3]  }
0x3d: {  	_ =	shalt  }
0x3e: {  	_ =	shalt  }
0x3f: {  	_ =	shalt  }
0x40: {  	_ =	shalt  }
0x41: {  	_ =	shalt  }
0x42: {  	_ =	shalt  }
0x43: {  	_ =	shalt  }
0x44: {  	_ =	shalt  }
0x45: {  	_ =	shalt  }
0x46: {  	_ =	shalt  }
0x47: {  	_ =	shalt  }
0x48: {  	_ =	shalt  }
0x49: {  	_ =	shalt  }
0x4a: {  	_ =	shalt  }
0x4b: {  	_ =	shalt  }
0x4c: {  	_ =	shalt  }
0x4d: {  	_ =	shalt  }
0x4e: {  	_ =	shalt  }
0x4f: {  	_ =	shalt  }
0x50: {  	_ =	shalt  }
0x51: {  	_ =	shalt  }
0x52: {  	_ =	shalt  }
0x53: {  	_ =	shalt  }
0x54: {  	_ =	shalt  }
0x55: {  	_ =	shalt  }
0x56: {  	_ =	shalt  }
0x57: {  	_ =	shalt  }
0x58: {  	_ =	shalt  }
0x59: {  	_ =	shalt  }
0x5a: {  	_ =	shalt  }
0x5b: {  	_ =	shalt  }
0x5c: {  	_ =	shalt  }
0x5d: {  	_ =	shalt  }
0x5e: {  	_ =	shalt  }
0x5f: {  	_ =	shalt  }
0x60: {  	_ =	shalt  }
0x61: {  	_ =	shalt  }
0x62: {  	_ =	shalt  }
0x63: {  	_ =	shalt  }
0x64: {  	_ =	shalt  }
0x65: {  	_ =	shalt  }
0x66: {  	_ =	shalt  }
0x67: {  	_ =	shalt  }
0x68: {  	_ =	shalt  }
0x69: {  	_ =	shalt  }
0x6a: {  	_ =	shalt  }
0x6b: {  	_ =	shalt  }
0x6c: {  	_ =	shalt  }
0x6d: {  	_ =	shalt  }
0x6e: {  	_ =	shalt  }
0x6f: {  	_ =	shalt  }
0x70: {  	_ =	shalt  }
0x71: {  	_ =	shalt  }
0x72: {  	_ =	shalt  }
0x73: {  	_ =	shalt  }
0x74: {  	_ =	shalt  }
0x75: {  	_ =	shalt  }
0x76: {  	_ =	shalt  }
0x77: {  	_ =	shalt  }
0x78: {  	_ =	shalt  }
0x79: {  	_ =	shalt  }
0x7a: {  	_ =	shalt  }
0x7b: {  	_ =	shalt  }
0x7c: {  	_ =	shalt  }
0x7d: {  	_ =	shalt  }
0x7e: {  	_ =	shalt  }
0x7f: {  	_ =	shalt  }
0x80: {  	_ =	shalt  }
0x81: {  	_ =	shalt  }
0x82: {  	_ =	shalt  }
0x83: {  	_ =	shalt  }
0x84: {  	_ =	shalt  }
0x85: {  	_ =	shalt  }
0x86: {  	_ =	shalt  }
0x87: {  	_ =	shalt  }
.Lfunc_end0:
.L_simem_size_0:
called_computation_lowered:
.L_overlay_start_0:
0x88: {  	s2 =	sld [smem:$0x3FD9]  }
0x89: {  	s3 =	sld [smem:$0x3FFE];
	_ =	sdelay $0x1  }
0x8a: {  	s1 =	srdreg.scid  }
0x8b: {  	s0 =	sand.u32 $0x1, s1  }
0x8c: {  	s17 =	sshll.u32 s0, $0xA;
	s2 =	sadd.s32 s3, s2  }
0x8d: {  	s2 =	sadd.s32 s2, s17  }
0x8e: {  	[smem:$0x3FBF] =	sst s2  }
0x8f: {  	_ = 	snop  }
0x90: {  	s2 =	sld [smem:$0x3FD0];
	(tm) =	ssettm $0x1  }
0x91: {  	s18 =	sld [smem:$0x3FFB];
	_ =	sdelay $0x3  }
0x92: {  	_ =	strace s18  }
0x93: {  	s3 =	sld [smem:$0x3FFC];
	_ =	sdelay $0x3  }
0x94: {  	_ =	strace s3  }
0x95: {  	s3 =	sld [smem:$0x3FFD];
	_ =	sdelay $0x3  }
0x96: {  	_ =	strace s3  }
0x97: {  	_ =	strace $0x8FFFFFFF  }
0x98: {  	s19 =	sld [smem:$0x3FDB];
	_ =	sdelay $0x1  }
0x99: {  	s4 =	simm.s32 $_scs_section_size  }
0x9a: {  	s5 =	simm.s32 $_size__tile_overlayer_lowered;
	s6 =	simm.s32 $_tile_overlayer_lowered  }
0x9b: {  	s22 =	simm.s32 $0x1BFF;
	s21 =	sshll.u32 s6, $0x1;
	s3 =	sadd.s32 s4, s19  }
0x9c: {  	s7 =	simm.s32 $0x0;
	s20 =	sshll.u32 s5, $0x1;
	s5 =	sadd.s32 s21, s3  }
0x9d: {  	[timem:s7], [sflag:s22] =	dma.local [hbm:s5], s20  }
0x9e: {  	_ =	swait.ge [sflag:s22], s20  }
0x9f: {  	s4 =	ssub.s32 $0x0, s20;
	[sflag:s22] =	ssyncset.done $0x0  }
0xa0: {  	[sflag:s22] =	ssyncadd.s32 s4;
	_ =	sdelay $0x1  }
0xa1: {  	s23 =	simm.s32 $0x1B8B  }
0xa2: {  	_ =	swait.ge [sflag:s23], $0x1  }
0xa3: {  	[sflag:s23] =	ssyncset.done $0x0  }
0xa4: {  	s25 =	simm.s32 $0x1B8E;
	s24 =	sld [smem:$0x3FFE];
	[sflag:s23] =	ssyncadd.s32 $0xFFFFFFFF  }
0xa5: {  	s26 =	simm.s32 $execute0_lowered;
	[smem:$0x3FD2] =	sst s25  }
0xa6: {  	s5 =	sshll.u32 s26, $0x1;
	_ =	strace $0x80000046;
	[dreg:$0x1] =	wrdreg $0xFFFFFFFF  }
0xa7: {  	s28 =	simm.s32 $_size_execute0_lowered;
	s3 =	sadd.s32 s3, s5;
	[dreg:$0x0] =	wrdreg $0x0  }
0xa8: {  	s5 =	sshll.u32 s28, $0x1;
	[dreg:$0x2] =	wrdreg s3  }
0xa9: {  	[dreg:$0x3] =	wrdreg s5  }
0xaa: {  	[dreg:$0x4] =	wrdreg $0xC0  }
0xab: {  	_ =	task [dreg:s7], $0x5FFFF  }
0xac: {  	[dreg:$0x1] =	wrdreg $0xFFFFFFFF  }
0xad: {  	[dreg:$0x0] =	wrdreg $0x60  }
0xae: {  	[dreg:$0x2] =	wrdreg s24  }
0xaf: {  	[dreg:$0x3] =	wrdreg s2  }
0xb0: {  	[dreg:$0x4] =	wrdreg $0xB4000  }
0xb1: {  	[dreg:$0x5] =	wrdreg $0x9  }
0xb2: {  	_ =	task.clear_ibuf [dreg:s7], $0x6FFFF;
	_ =	strace $0x90000046  }
0xb3: {  	s29 =	simm.s32 $0x9;
	_ =	strace $0x80000048  }
0xb4: {  	_ =	swait.ge [sflag:s29], $0x1  }
0xb5: {  	[sflag:s29] =	ssyncadd.s32 $0xFFFFFFFF  }
0xb6: {  	_ =	strace $0x90000048  }
0xb7: {  	_ =	sfence  }
0xb8: {  	s30 =	sld [smem:$0x0];
	_ =	sdelay $0x2  }
0xb9: {  	s31 =	sshll.u32 s1, $0xD;
	s1 =	sshrl.u32 s1, $0x2  }
0xba: {  	s3 =	sand.u32 $0x4000, s31;
	s1 =	sadd.s32 s1, s30  }
0xbb: {  	s0 =	sor.u32 s3, s0;
	s1 =	sshll.u32 s1, $0x11  }
0xbc: {  	s0 =	sor.u32 s1, s0  }
0xbd: {  	s0 =	sadd.s32 $0x8F2B, s0  }
0xbe: {  	[sflag:s0] =	ssyncadd.remote.s32 $0x1  }
0xbf: {  	_ =	sfence.sel $0xFFFF  }
0xc0: {  	[dreg:$0x0] =	wrdreg $0xFFFFFFFF;
	(pc) =	sbr.abs _section_cstart, $3  }
0xc1: {  	[dreg:$0x1] =	wrdreg $0xFFFFFFFF  }
0xc2: {  	_ =	task.clear_ibuf [dreg:s7], $0x2FFFF;
	_ =	strace $0x9FFFFFFF  }
0xc3: {  	(tm) =	ssettm $0x7FFFFFFF  }
tec
execute0_lowered:
.L_overlay_start_1:
0x0: {  	(tag) =	ssettag $0x1  }
0x1: {  	s0 =	rddreg [dreg:$0x0]  }
0x2: {  	s3 =	rddreg [dreg:$0x2];
	s24 =	simm.s32 $0x0;
	s9 =	stileid.u32  }
0x3: {  	s2 =	srdreg.scid;
	s28 =	simm.s32 $0x1580;
	s13 =	simm.s32 $0x5000  }
0x4: {  	s30 =	simm.s32 $0x3000;
	s31 =	simm.s32 $0x3800;
	s15 =	simm.s32 $0x4800  }
0x5: {  	s12 =	simm.s32 $0x3;
	s29 =	simm.s32 $0x4;
	[smem:$0x7FF] =	sst s24  }
0x6: {  	s1 =	smul.u32 $0xC800, s9;
	s4 =	sadd.s32 $0x1AC00, s0;
	s2 =	sand.u32 $0x1, s2  }
0x7: {  	s6 =	smul.u32 $0xC80, s9;
	s7 =	sadd.s32 $0x1C00, s0;
	s17 =	sadd.s32 $0x33C00, s0  }
0x8: {  	s5 =	sadd.s32 $0x4CC00, s0;
	s10 =	sadd.s32 $0xB2600, s0;
	s11 =	sadd.s32 $0x4E600, s0  }
0x9: {  	s16 =	smul.u32 $0x190, s9;
	_ =	strace $0x80000047;
	[dreg:$0x4] =	wrdreg s4  }
0xa: {  	s22 =	sshll.u32 s9, $0x6;
	[dreg:$0x6] =	wrdreg s17;
	s18 =	smul.u32 $0xC800, s2  }
0xb: {  	[dreg:$0x7] =	wrdreg s5;
	s20 =	ssub.s32 $0x2, s2;
	s14 =	sor.u32 $0x1C09, s22  }
0xc: {  	s25 =	sshll.u32 s2, $0x4;
	s22 =	simm.s32 $0x1400;
	p0 =	sne.s32 s2, $0x0  }
0xd: {  	p1 =	seq.s32 s2, $0x0;
	s2 =	simm.s32 $0x4000;
	s17 =	simm.s32 $0x1  }
0xe: {  	s19 =	sshrl.u32 s1, $0x3;
	[dreg:$0x5] =	wrdreg s6;
	s8 =	sshrl.u32 s20, $0x1  }
0xf: {  	s23 =	sadd.s32 s1, s3;
	s1 =	sor.u32 s9, s25;
	[dreg:$0x9] =	wrdreg s14  }
0x10: {  	s25 =	simm.s32 $0xA;
	s9 =	simm.s32 $0x5;
	[dreg:$0xa] =	wrdreg s16  }
0x11: {  	s4 =	sadd.s32 s6, s18;
	s5 =	sadd.s32 s19, s0;
	s21 =	ssub.s32 s20, s8  }
0x12: {  	s1 =	smul.u32 $0xC8, s1;
	[dreg:$0x8] =	wrdreg s23;
	s6 =	sshrl.u32 s23, $0x3  }
0x13: {  	s20 =	simm.s32 $0x9;
	s23 =	simm.s32 $0x80;
	s25 =	simm.s32 @!p1 $0x9  }
0x14: {  	s8 =	simm.s32 $0x1600;
	s19 =	simm.s32 $0xA;
	s18 =	simm.s32 $0x2  }
0x15: {  	s4 =	sshll.u32 s4, $0x1;
	s5 =	sadd.s32 $0x67600, s5;
	[dreg:$0xf] =	wrdreg s6  }
.Ltmp0:
0x16: {  	s26 =	smax.u32 s21, $0x1;
	[dreg:$0xb] =	wrdreg s5;
	(pc) =	sbr.rel .LBB2_1-.Ltmp0, $4  }
0x17: {  	s21 =	simm.s32 $0x2800;
	s0 =	sadd.s32 s4, s0;
	[dreg:$0xc] =	wrdreg s1  }
0x18: {  	[dreg:$0xe] =	wrdreg s26;
	s26 =	simm.s32 $0x1500;
	s4 =	simm.s32 $0x0  }
0x19: {  	s1 =	simm.s32 $0x7;
	s0 =	sadd.s32 $0x80600, s0;
	[dreg:$0x10] =	wrdreg s4  }
0x1a: {  	s5 =	simm.s32 $0x8;
	[dreg:$0xd] =	wrdreg s0;
	s0 =	simm.s32 $0x6  }
.LBB2_16:
0x1b: {  	[bflag:$0x0] =	sbarrier.arrive $0xFFFF  }
0x1c: {  	s14 =	rddreg [dreg:$0x9]  }
0x1d: {  	s4 =	rddreg [dreg:$0xd]  }
0x1e: {  	s6 =	rddreg [dreg:$0xf]  }
0x1f: {  	[hbm:s4], [sflag:s14] =	dma.local [spmem:s6], $0x1900  }
0x20: {  	_ =	swait.ge [sflag:s20], $0x1900  }
0x21: {  	s8 =	rddreg [dreg:$0x10]  }
0x22: {  	s16 =	rddreg [dreg:$0xe];
	s8 =	sadd.s32 $0x1, s8  }
0x23: {  	p1 =	sne.s32 s8, s16  }
.Ltmp1:
0x24: {  	_ = 	snop;
	(pc) =	sbr.rel @!p1 .LBB2_17-.Ltmp1, $3  }
0x25: {  	_ =	sdelay $0x1  }
0x26: {  	[sflag:s20] =	ssyncset.done $0x0;
	[dreg:$0x10] =	wrdreg s8  }
0x27: {  	[sflag:s20] =	ssyncadd.s32 $0xFFFFE700;
	s16 =	rddreg [dreg:$0xa];
	s8 =	simm.s32 $0x1600  }
.LBB2_1:
0x28: {  	s4 =	rddreg [dreg:$0x7]  }
0x29: {  	[spmem:s6], [sflag:s14] =	dma.local [hbm:s4], $0x1900  }
0x2a: {  	_ =	swait.ge [sflag:s20], $0x1900  }
0x2b: {  	[sflag:s20] =	ssyncset.done $0x0  }
0x2c: {  	[sflag:s20] =	ssyncadd.s32 $0xFFFFE700  }
0x2d: {  	s6 =	rddreg [dreg:$0x1]  }
0x2e: {  	[tilespmem:s21], [sflag:$0x9] =	stream.linear.gather [hbm4b:s6+s24], $0x800, $0x38;
	[tilespmem:$0x17C00] =	vst v63  }
0x2f: {  	_ =	swait.ge [sflag:s20], $0x800  }
0x30: {  	[sflag:s20] =	ssyncset.done $0x0  }
0x31: {  	[sflag:s20] =	ssyncadd.s32 $0xFFFFF800  }
0x32: {  	s4 =	simm.s32 $0x0;
	[bflag:$0x0] =	sbarrier.arrive $0xFFFF  }
.LBB2_2:
0x33: {  	s6 =	smul.u32 $0x28, s4;
	_ =	sdelay $0x1  }
0x34: {  	s6 =	sadd.s32 s16, s6  }
0x35: {  	s6 =	sshll.u32 s6, $0x4  }
0x36: {  	s6 =	sadd.s32 s7, s6  }
0x37: {  	[tilespmem:s22], [sflag:$0x9] =	stream.linear.gather [hbm4b:s6+s24], $0x1400, $0x38;
	[tilespmem:$0x17C00] =	vst v63  }
0x38: {  	_ =	swait.ge [sflag:s20], $0x1400  }
0x39: {  	[sflag:s20] =	ssyncset.done $0x0  }
0x3a: {  	[sflag:s20] =	ssyncadd.s32 $0xFFFFEC00  }
0x3b: {  	[spmem:s3] =	stream.indirect.scatter.add.f32 [tilespmem:s21], [sflag:$0x5], $0x10, s22, s23, $0xb8;
	[tilespmem:$0x17C00] =	vst v63  }
0x3c: {  	s6 =	simm.s32 $0x1480  }
0x3d: {  	[spmem:s3] =	stream.indirect.scatter.add.f32 [tilespmem:s21], [sflag:$0x5], $0x10, s6, s23, $0xb8;
	[tilespmem:$0x17C00] =	vst v63  }
0x3e: {  	_ = 	snop  }
0x3f: {  	[spmem:s3] =	stream.indirect.scatter.add.f32 [tilespmem:s21], [sflag:$0x5], $0x10, s26, s23, $0xb8;
	[tilespmem:$0x17C00] =	vst v63  }
0x40: {  	_ = 	snop  }
0x41: {  	[spmem:s3] =	stream.indirect.scatter.add.f32 [tilespmem:s21], [sflag:$0x5], $0x10, s28, s23, $0xb8;
	[tilespmem:$0x17C00] =	vst v63  }
0x42: {  	_ = 	snop  }
0x43: {  	[spmem:s3] =	stream.indirect.scatter.add.f32 [tilespmem:s21], [sflag:$0x5], $0x10, s8, s23, $0xb8;
	[tilespmem:$0x17C00] =	vst v63  }
0x44: {  	s6 =	simm.s32 $0x1680  }
0x45: {  	[spmem:s3] =	stream.indirect.scatter.add.f32 [tilespmem:s21], [sflag:$0x5], $0x10, s6, s23, $0xb8;
	[tilespmem:$0x17C00] =	vst v63  }
0x46: {  	s6 =	simm.s32 $0x1700  }
0x47: {  	[spmem:s3] =	stream.indirect.scatter.add.f32 [tilespmem:s21], [sflag:$0x5], $0x10, s6, s23, $0xb8;
	[tilespmem:$0x17C00] =	vst v63  }
0x48: {  	s6 =	simm.s32 $0x1780  }
0x49: {  	[spmem:s3] =	stream.indirect.scatter.add.f32 [tilespmem:s21], [sflag:$0x5], $0x10, s6, s23, $0xb8;
	[tilespmem:$0x17C00] =	vst v63  }
0x4a: {  	s6 =	simm.s32 $0x1800  }
0x4b: {  	[spmem:s3] =	stream.indirect.scatter.add.f32 [tilespmem:s21], [sflag:$0x5], $0x10, s6, s23, $0xb8;
	[tilespmem:$0x17C00] =	vst v63  }
0x4c: {  	s6 =	simm.s32 $0x1880  }
0x4d: {  	[spmem:s3] =	stream.indirect.scatter.add.f32 [tilespmem:s21], [sflag:$0x5], $0x10, s6, s23, $0xb8;
	[tilespmem:$0x17C00] =	vst v63  }
0x4e: {  	s6 =	simm.s32 $0x1900  }
0x4f: {  	[spmem:s3] =	stream.indirect.scatter.add.f32 [tilespmem:s21], [sflag:$0x5], $0x10, s6, s23, $0xb8;
	[tilespmem:$0x17C00] =	vst v63  }
0x50: {  	s6 =	simm.s32 $0x1980  }
0x51: {  	[spmem:s3] =	stream.indirect.scatter.add.f32 [tilespmem:s21], [sflag:$0x5], $0x10, s6, s23, $0xb8;
	[tilespmem:$0x17C00] =	vst v63  }
0x52: {  	s6 =	simm.s32 $0x1A00  }
0x53: {  	[spmem:s3] =	stream.indirect.scatter.add.f32 [tilespmem:s21], [sflag:$0x5], $0x10, s6, s23, $0xb8;
	[tilespmem:$0x17C00] =	vst v63  }
0x54: {  	s6 =	simm.s32 $0x1A80  }
0x55: {  	[spmem:s3] =	stream.indirect.scatter.add.f32 [tilespmem:s21], [sflag:$0x5], $0x10, s6, s23, $0xb8;
	[tilespmem:$0x17C00] =	vst v63  }
0x56: {  	s6 =	simm.s32 $0x1B00  }
0x57: {  	[spmem:s3] =	stream.indirect.scatter.add.f32 [tilespmem:s21], [sflag:$0x5], $0x10, s6, s23, $0xb8;
	[tilespmem:$0x17C00] =	vst v63  }
0x58: {  	s6 =	simm.s32 $0x1B80  }
0x59: {  	[spmem:s3] =	stream.indirect.scatter.add.f32 [tilespmem:s21], [sflag:$0x5], $0x10, s6, s23, $0xb8;
	[tilespmem:$0x17C00] =	vst v63  }
0x5a: {  	s6 =	simm.s32 $0x1C00  }
0x5b: {  	[spmem:s3] =	stream.indirect.scatter.add.f32 [tilespmem:s21], [sflag:$0x5], $0x10, s6, s23, $0xb8;
	[tilespmem:$0x17C00] =	vst v63  }
0x5c: {  	s6 =	simm.s32 $0x1C80  }
0x5d: {  	[spmem:s3] =	stream.indirect.scatter.add.f32 [tilespmem:s21], [sflag:$0x5], $0x10, s6, s23, $0xb8;
	[tilespmem:$0x17C00] =	vst v63  }
0x5e: {  	s6 =	simm.s32 $0x1D00  }
0x5f: {  	[spmem:s3] =	stream.indirect.scatter.add.f32 [tilespmem:s21], [sflag:$0x5], $0x10, s6, s23, $0xb8;
	[tilespmem:$0x17C00] =	vst v63  }
0x60: {  	s6 =	simm.s32 $0x1D80  }
0x61: {  	[spmem:s3] =	stream.indirect.scatter.add.f32 [tilespmem:s21], [sflag:$0x5], $0x10, s6, s23, $0xb8;
	[tilespmem:$0x17C00] =	vst v63  }
0x62: {  	s6 =	simm.s32 $0x1E00  }
0x63: {  	[spmem:s3] =	stream.indirect.scatter.add.f32 [tilespmem:s21], [sflag:$0x5], $0x10, s6, s23, $0xb8;
	[tilespmem:$0x17C00] =	vst v63  }
0x64: {  	s6 =	simm.s32 $0x1E80  }
0x65: {  	[spmem:s3] =	stream.indirect.scatter.add.f32 [tilespmem:s21], [sflag:$0x5], $0x10, s6, s23, $0xb8;
	[tilespmem:$0x17C00] =	vst v63  }
0x66: {  	s6 =	simm.s32 $0x1F00  }
0x67: {  	[spmem:s3] =	stream.indirect.scatter.add.f32 [tilespmem:s21], [sflag:$0x5], $0x10, s6, s23, $0xb8;
	[tilespmem:$0x17C00] =	vst v63  }
0x68: {  	s6 =	simm.s32 $0x1F80  }
0x69: {  	[spmem:s3] =	stream.indirect.scatter.add.f32 [tilespmem:s21], [sflag:$0x5], $0x10, s6, s23, $0xb8;
	[tilespmem:$0x17C00] =	vst v63  }
0x6a: {  	s6 =	simm.s32 $0x2000  }
0x6b: {  	[spmem:s3] =	stream.indirect.scatter.add.f32 [tilespmem:s21], [sflag:$0x5], $0x10, s6, s23, $0xb8;
	[tilespmem:$0x17C00] =	vst v63  }
0x6c: {  	s6 =	simm.s32 $0x2080  }
0x6d: {  	[spmem:s3] =	stream.indirect.scatter.add.f32 [tilespmem:s21], [sflag:$0x5], $0x10, s6, s23, $0xb8;
	[tilespmem:$0x17C00] =	vst v63  }
0x6e: {  	s6 =	simm.s32 $0x2100  }
0x6f: {  	[spmem:s3] =	stream.indirect.scatter.add.f32 [tilespmem:s21], [sflag:$0x5], $0x10, s6, s23, $0xb8;
	[tilespmem:$0x17C00] =	vst v63  }
0x70: {  	s6 =	simm.s32 $0x2180  }
0x71: {  	[spmem:s3] =	stream.indirect.scatter.add.f32 [tilespmem:s21], [sflag:$0x5], $0x10, s6, s23, $0xb8;
	[tilespmem:$0x17C00] =	vst v63  }
0x72: {  	s6 =	simm.s32 $0x2200  }
0x73: {  	[spmem:s3] =	stream.indirect.scatter.add.f32 [tilespmem:s21], [sflag:$0x5], $0x10, s6, s23, $0xb8;
	[tilespmem:$0x17C00] =	vst v63  }
0x74: {  	s6 =	simm.s32 $0x2280  }
0x75: {  	[spmem:s3] =	stream.indirect.scatter.add.f32 [tilespmem:s21], [sflag:$0x5], $0x10, s6, s23, $0xb8;
	[tilespmem:$0x17C00] =	vst v63  }
0x76: {  	s6 =	simm.s32 $0x2300  }
0x77: {  	[spmem:s3] =	stream.indirect.scatter.add.f32 [tilespmem:s21], [sflag:$0x5], $0x10, s6, s23, $0xb8;
	[tilespmem:$0x17C00] =	vst v63  }
0x78: {  	s6 =	simm.s32 $0x2380  }
0x79: {  	[spmem:s3] =	stream.indirect.scatter.add.f32 [tilespmem:s21], [sflag:$0x5], $0x10, s6, s23, $0xb8;
	[tilespmem:$0x17C00] =	vst v63  }
0x7a: {  	s6 =	simm.s32 $0x2400  }
0x7b: {  	[spmem:s3] =	stream.indirect.scatter.add.f32 [tilespmem:s21], [sflag:$0x5], $0x10, s6, s23, $0xb8;
	[tilespmem:$0x17C00] =	vst v63  }
0x7c: {  	s6 =	simm.s32 $0x2480  }
0x7d: {  	[spmem:s3] =	stream.indirect.scatter.add.f32 [tilespmem:s21], [sflag:$0x5], $0x10, s6, s23, $0xb8;
	[tilespmem:$0x17C00] =	vst v63  }
0x7e: {  	s6 =	simm.s32 $0x2500  }
0x7f: {  	[spmem:s3] =	stream.indirect.scatter.add.f32 [tilespmem:s21], [sflag:$0x5], $0x10, s6, s23, $0xb8;
	[tilespmem:$0x17C00] =	vst v63  }
0x80: {  	s6 =	simm.s32 $0x2580  }
0x81: {  	[spmem:s3] =	stream.indirect.scatter.add.f32 [tilespmem:s21], [sflag:$0x5], $0x10, s6, s23, $0xb8;
	[tilespmem:$0x17C00] =	vst v63  }
0x82: {  	s6 =	simm.s32 $0x2600  }
0x83: {  	[spmem:s3] =	stream.indirect.scatter.add.f32 [tilespmem:s21], [sflag:$0x5], $0x10, s6, s23, $0xb8;
	[tilespmem:$0x17C00] =	vst v63  }
0x84: {  	s6 =	simm.s32 $0x2680  }
0x85: {  	[spmem:s3] =	stream.indirect.scatter.add.f32 [tilespmem:s21], [sflag:$0x5], $0x10, s6, s23, $0xb8;
	[tilespmem:$0x17C00] =	vst v63  }
0x86: {  	s6 =	simm.s32 $0x2700  }
0x87: {  	[spmem:s3] =	stream.indirect.scatter.add.f32 [tilespmem:s21], [sflag:$0x5], $0x10, s6, s23, $0xb8;
	[tilespmem:$0x17C00] =	vst v63  }
0x88: {  	s6 =	simm.s32 $0x2780  }
0x89: {  	[spmem:s3] =	stream.indirect.scatter.add.f32 [tilespmem:s21], [sflag:$0x5], $0x10, s6, s23, $0xb8;
	[tilespmem:$0x17C00] =	vst v63  }
0x8a: {  	_ =	swait.ge [sflag:s9], $0x800  }
0x8b: {  	s6 =	simm.s32 $0x27;
	[sflag:s9] =	ssyncset.done $0x0  }
.LBB2_3:
0x8c: {  	p1 =	sne.s32 s6, $0x1;
	s6 =	sadd.s32 $0xFFFFFFFF, s6;
	[sflag:s9] =	ssyncadd.s32 $0xFFFFF800  }
.Ltmp2:
0x8d: {  	(pc) =	sbr.rel @p1 .LBB2_3-.Ltmp2, $3  }
0x8e: {  	_ =	sdelay $0x1  }
0x8f: {  	_ =	swait.ge [sflag:s9], $0x800  }
0x90: {  	[sflag:s9] =	ssyncset.done $0x0  }
0x91: {  	s4 =	sadd.s32 $0x1, s4  }
0x92: {  	p1 =	sne.s32 s4, $0xA  }
.Ltmp3:
0x93: {  	_ = 	snop;
	(pc) =	sbr.rel @p1 .LBB2_2-.Ltmp3, $2  }
0x94: {  	_ =	sdelay $0x2  }
0x95: {  	[sflag:s9] =	ssyncadd.s32 $0xFFFFF800  }
0x96: {  	[bflag:$0x0] =	sbarrier.arrive $0xFFFF  }
0x97: {  	s4 =	rddreg [dreg:$0x8]  }
0x98: {  	s6 =	rddreg [dreg:$0xb];
	s4 =	sshrl.u32 @!p0 s4, $0x3  }
0x99: {  	[hbm:s6], [sflag:s14] =	dma.local @!p0 [spmem:s4], $0x1900  }
0x9a: {  	s4 =	simm.s32 @!p0 $0x9  }
0x9b: {  	_ =	swait.ge @!p0 [sflag:s4], $0x1900  }
0x9c: {  	[sflag:s4] =	ssyncset.done @!p0 $0x0  }
0x9d: {  	[sflag:s4] =	ssyncadd.s32 @!p0 $0xFFFFE700;
	s4 =	smov.u32 s10  }
0x9e: {  	s8 =	simm.s32 $0x0;
	s6 =	simm.s32 $0x0;
	s4 =	smov.u32 @p0 s11  }
.LBB2_6:
0x9f: {  	s14 =	smul.u32 $0x320, s8  }
0xa0: {  	s16 =	rddreg [dreg:$0x5]  }
0xa1: {  	s14 =	sadd.s32 s16, s14  }
0xa2: {  	s16 =	sshll.u32 s14, $0x4  }
0xa3: {  	s16 =	sand.u32 $0x3FFFFFF0, s16  }
0xa4: {  	s16 =	sadd.s32 s16, s3  }
0xa5: {  	[tilespmem:s13], [sflag:$0xA] =	stream.linear.gather [spmem:s16], $0x3200, $0x38;
	[tilespmem:$0x17C00] =	vst v63  }
0xa6: {  	_ =	swait.ge [sflag:s19], $0x3200  }
0xa7: {  	s14 =	sshll.u32 s14, $0x1;
	[sflag:s19] =	ssyncset.done $0x0;
	s24 =	rddreg [dreg:$0x6]  }
0xa8: {  	[sflag:s19] =	ssyncadd.s32 $0xFFFFCE00;
	s16 =	sadd.s32 s24, s14;
	s24 =	simm.s32 $0x8200  }
0xa9: {  	[tilespmem:s24], [sflag:$0xA] =	stream.linear.gather [hbm4b:s16+s6], $0x3200, $0x38;
	[tilespmem:$0x17C00] =	vst v63  }
0xaa: {  	_ =	swait.ge [sflag:s19], $0x3200  }
0xab: {  	[sflag:s19] =	ssyncset.done $0x0  }
0xac: {  	s16 =	simm.s32 $0x0;
	s24 =	simm.s32 $0x40;
	[sflag:s19] =	ssyncadd.s32 $0xFFFFCE00  }
.LBB2_7:
0xad: {  	p1 =	sne.s32 s24, $0xC7C0;
	v0 =	vld [tilespmem:s16+$0x5000];
	_ =	sdelay $0x4  }
0xae: {  	v0 =	vadd.f32 $1.000000000e+00, v0;
	_ =	sdelay $0x1  }
0xaf: {  	v1 =	vshrl.u32 v0, $0x1;
	v0 =	vmul.f32 $5.000000000e-01, v0  }
0xb0: {  	v1 =	vsub.s32 $0x5F3759DF, v1  }
0xb1: {  	v2 =	vmul.f32 v1, v0;
	_ =	sdelay $0x1  }
0xb2: {  	v2 =	vmul.f32 v1, v2;
	_ =	sdelay $0x1  }
0xb3: {  	v2 =	vsub.f32 $1.500000000e+00, v2;
	_ =	sdelay $0x1  }
0xb4: {  	v1 =	vmul.f32 v1, v2;
	_ =	sdelay $0x1  }
0xb5: {  	v0 =	vmul.f32 v1, v0;
	_ =	sdelay $0x1  }
0xb6: {  	v0 =	vmul.f32 v0, v1  }
0xb7: {  	v2 =	vld [tilespmem:s16+$0x8200]  }
0xb8: {  	v0 =	vsub.f32 $1.500000000e+00, v0;
	_ =	sdelay $0x1  }
.Ltmp4:
0xb9: {  	v0 =	vmul.f32 v0, v1;
	(pc) =	sbr.rel @p1 .LBB2_7-.Ltmp4, $3  }
0xba: {  	_ = 	snop  }
0xbb: {  	v0 =	vmul.f32 v0, v2;
	_ =	sdelay $0x1  }
0xbc: {  	[tilespmem:s16+$0x5000] =	vst v0;
	s16 =	sshra.s32 s24, $0x2;
	s24 =	sadd.s32 $0x40, s24  }
0xbd: {  	v0 =	vld [tilespmem:s16+$0x5000];
	_ =	sdelay $0x4  }
0xbe: {  	v0 =	vadd.f32 $1.000000000e+00, v0;
	_ =	sdelay $0x1  }
0xbf: {  	v1 =	vshrl.u32 v0, $0x1;
	v0 =	vmul.f32 $5.000000000e-01, v0  }
0xc0: {  	v1 =	vsub.s32 $0x5F3759DF, v1  }
0xc1: {  	v2 =	vmul.f32 v1, v0;
	_ =	sdelay $0x1  }
0xc2: {  	v2 =	vmul.f32 v1, v2;
	_ =	sdelay $0x1  }
0xc3: {  	v2 =	vsub.f32 $1.500000000e+00, v2;
	_ =	sdelay $0x1  }
0xc4: {  	v1 =	vmul.f32 v1, v2;
	_ =	sdelay $0x1  }
0xc5: {  	v0 =	vmul.f32 v1, v0;
	_ =	sdelay $0x1  }
0xc6: {  	v0 =	vmul.f32 v0, v1  }
0xc7: {  	v63 =	vld [tilespmem:s16+$0x8200]  }
0xc8: {  	v0 =	vsub.f32 $1.500000000e+00, v0;
	_ =	sdelay $0x1  }
0xc9: {  	v0 =	vmul.f32 v0, v1;
	_ =	sdelay $0x1  }
0xca: {  	s8 =	sadd.s32 $0x1, s8;
	v0 =	vmul.f32 v0, v63  }
0xcb: {  	p1 =	sne.s32 s8, $0x4  }
.Ltmp5:
0xcc: {  	s14 =	sadd.s32 s4, s14;
	s24 =	simm.s32 $0x0;
	[tilespmem:s16+$0x5000] =	vst v0;
	(pc) =	sbr.rel @p1 .LBB2_6-.Ltmp5, $4  }
0xcd: {  	[hbm4b:s14+s24] =	stream.linear.scatter [tilespmem:s13], [sflag:s25], $0x3200, $0x38;
	[tilespmem:$0x17C00] =	vst v63  }
0xce: {  	_ =	swait.ge [sflag:s25], $0x3200  }
0xcf: {  	[sflag:s25] =	ssyncset.done $0x0  }
0xd0: {  	[sflag:s25] =	ssyncadd.s32 $0xFFFFCE00  }
0xd1: {  	s4 =	rddreg [dreg:$0x7]  }
0xd2: {  	s6 =	rddreg [dreg:$0x9]  }
0xd3: {  	s8 =	rddreg [dreg:$0xf]  }
0xd4: {  	[spmem:s8], [sflag:s6] =	dma.local [hbm:s4], $0x1900  }
.Ltmp6:
0xd5: {  	_ =	swait.ge [sflag:s20], $0x1900;
	(pc) =	sbr.rel @p0 .LBB2_13-.Ltmp6, $4  }
0xd6: {  	[sflag:s20] =	ssyncset.done $0x0  }
0xd7: {  	[sflag:s20] =	ssyncadd.s32 $0xFFFFE700  }
0xd8: {  	[bflag:$0x0] =	sbarrier.arrive $0xFFFF  }
0xd9: {  	s6 =	simm.s32 $0x0;
	s8 =	simm.s32 $0x0;
	s4 =	simm.s32 $0x0  }
.LBB2_10:
0xda: {  	s4 =	smul.u32 $0x28, s8  }
0xdb: {  	s14 =	rddreg [dreg:$0xc]  }
0xdc: {  	s4 =	sadd.s32 s14, s4  }
0xdd: {  	s16 =	rddreg [dreg:$0x4];
	s4 =	sshll.u32 s4, $0x4  }
0xde: {  	s14 =	sadd.s32 s16, s4  }
0xdf: {  	[tilespmem:s6], [sflag:$0x9] =	stream.linear.gather [hbm4b:s14+s6], $0x1400, $0x38;
	[tilespmem:$0x17C00] =	vst v63  }
0xe0: {  	_ =	swait.ge [sflag:s20], $0x1400  }
0xe1: {  	[sflag:s20] =	ssyncset.done $0x0  }
0xe2: {  	s4 =	sadd.s32 s7, s4;
	[sflag:s20] =	ssyncadd.s32 $0xFFFFEC00  }
0xe3: {  	[tilespmem:s22], [sflag:$0x9] =	stream.linear.gather [hbm4b:s4+s6], $0x1400, $0x38;
	[tilespmem:$0x17C00] =	vst v63  }
0xe4: {  	_ =	swait.ge [sflag:s20], $0x1400  }
0xe5: {  	[sflag:s20] =	ssyncset.done $0x0  }
0xe6: {  	[sflag:s20] =	ssyncadd.s32 $0xFFFFEC00  }
0xe7: {  	[tilespmem:s30], [sflag:$0x1] =	stream.indirect.gather [hbm4b:s10+s23], $0x10, s6, s23, $0xb8;
	[tilespmem:$0x17C00] =	vst v63  }
0xe8: {  	_ = 	snop  }
0xe9: {  	[tilespmem:s31], [sflag:$0x2] =	stream.indirect.gather [hbm4b:s10+s23], $0x10, s23, s23, $0xb8;
	[tilespmem:$0x17C00] =	vst v63  }
0xea: {  	s14 =	simm.s32 $0x100  }
0xeb: {  	[tilespmem:s2], [sflag:$0x3] =	stream.indirect.gather [hbm4b:s10+s23], $0x10, s14, s23, $0xb8;
	[tilespmem:$0x17C00] =	vst v63  }
0xec: {  	s16 =	simm.s32 $0x180  }
0xed: {  	[tilespmem:s15], [sflag:$0x4] =	stream.indirect.gather [hbm4b:s10+s23], $0x10, s16, s23, $0xb8;
	[tilespmem:$0x17C00] =	vst v63  }
0xee: {  	_ =	swait.ge [sflag:s17], $0x800  }
0xef: {  	[sflag:s17] =	ssyncset.done $0x0  }
0xf0: {  	[sflag:s17] =	ssyncadd.s32 $0xFFFFF800  }
0xf1: {  	[spmem:s3] =	stream.indirect.scatter.add.f32 [tilespmem:s30], [sflag:$0x5], $0x10, s22, s23, $0xb8;
	[tilespmem:$0x17C00] =	vst v63  }
0xf2: {  	_ =	swait.ge [sflag:s18], $0x800  }
0xf3: {  	[sflag:s18] =	ssyncset.done $0x0  }
0xf4: {  	s14 =	simm.s32 $0x1480;
	[sflag:s18] =	ssyncadd.s32 $0xFFFFF800  }
0xf5: {  	[spmem:s3] =	stream.indirect.scatter.add.f32 [tilespmem:s31], [sflag:$0x6], $0x10, s14, s23, $0xb8;
	[tilespmem:$0x17C00] =	vst v63  }
0xf6: {  	_ =	swait.ge [sflag:s12], $0x800  }
0xf7: {  	[sflag:s12] =	ssyncset.done $0x0  }
0xf8: {  	[sflag:s12] =	ssyncadd.s32 $0xFFFFF800  }
0xf9: {  	[spmem:s3] =	stream.indirect.scatter.add.f32 [tilespmem:s2], [sflag:$0x7], $0x10, s26, s23, $0xb8;
	[tilespmem:$0x17C00] =	vst v63  }
0xfa: {  	_ =	swait.ge [sflag:s29], $0x800  }
0xfb: {  	[sflag:s29] =	ssyncset.done $0x0  }
0xfc: {  	[sflag:s29] =	ssyncadd.s32 $0xFFFFF800  }
0xfd: {  	[spmem:s3] =	stream.indirect.scatter.add.f32 [tilespmem:s15], [sflag:$0x8], $0x10, s28, s23, $0xb8;
	[tilespmem:$0x17C00] =	vst v63  }
0xfe: {  	_ =	swait.ge [sflag:s9], $0x800  }
0xff: {  	[sflag:s9] =	ssyncset.done $0x0  }
0x100: {  	s16 =	simm.s32 $0x200;
	[sflag:s9] =	ssyncadd.s32 $0xFFFFF800  }
0x101: {  	[tilespmem:s30], [sflag:$0x1] =	stream.indirect.gather [hbm4b:s10+s23], $0x10, s16, s23, $0xb8;
	[tilespmem:$0x17C00] =	vst v63  }
0x102: {  	_ =	swait.ge [sflag:s0], $0x800  }
0x103: {  	[sflag:s0] =	ssyncset.done $0x0  }
0x104: {  	s14 =	simm.s32 $0x280;
	[sflag:s0] =	ssyncadd.s32 $0xFFFFF800  }
0x105: {  	[tilespmem:s31], [sflag:$0x2] =	stream.indirect.gather [hbm4b:s10+s23], $0x10, s14, s23, $0xb8;
	[tilespmem:$0x17C00] =	vst v63  }
0x106: {  	_ =	swait.ge [sflag:s1], $0x800  }
0x107: {  	[sflag:s1] =	ssyncset.done $0x0  }
0x108: {  	s16 =	simm.s32 $0x300;
	[sflag:s1] =	ssyncadd.s32 $0xFFFFF800  }
0x109: {  	[tilespmem:s2], [sflag:$0x3] =	stream.indirect.gather [hbm4b:s10+s23], $0x10, s16, s23, $0xb8;
	[tilespmem:$0x17C00] =	vst v63  }
0x10a: {  	_ =	swait.ge [sflag:s5], $0x800  }
0x10b: {  	[sflag:s5] =	ssyncset.done $0x0  }
0x10c: {  	s14 =	simm.s32 $0x380;
	[sflag:s5] =	ssyncadd.s32 $0xFFFFF800  }
0x10d: {  	[tilespmem:s15], [sflag:$0x4] =	stream.indirect.gather [hbm4b:s10+s23], $0x10, s14, s23, $0xb8;
	[tilespmem:$0x17C00] =	vst v63  }
0x10e: {  	_ =	swait.ge [sflag:s17], $0x800  }
0x10f: {  	[sflag:s17] =	ssyncset.done $0x0  }
0x110: {  	s16 =	simm.s32 $0x1600;
	[sflag:s17] =	ssyncadd.s32 $0xFFFFF800  }
0x111: {  	[spmem:s3] =	stream.indirect.scatter.add.f32 [tilespmem:s30], [sflag:$0x5], $0x10, s16, s23, $0xb8;
	[tilespmem:$0x17C00] =	vst v63  }
0x112: {  	_ =	swait.ge [sflag:s18], $0x800  }
0x113: {  	[sflag:s18] =	ssyncset.done $0x0  }
0x114: {  	s14 =	simm.s32 $0x1680;
	[sflag:s18] =	ssyncadd.s32 $0xFFFFF800  }
0x115: {  	[spmem:s3] =	stream.indirect.scatter.add.f32 [tilespmem:s31], [sflag:$0x6], $0x10, s14, s23, $0xb8;
	[tilespmem:$0x17C00] =	vst v63  }
0x116: {  	_ =	swait.ge [sflag:s12], $0x800  }
0x117: {  	[sflag:s12] =	ssyncset.done $0x0  }
0x118: {  	s16 =	simm.s32 $0x1700;
	[sflag:s12] =	ssyncadd.s32 $0xFFFFF800  }
0x119: {  	[spmem:s3] =	stream.indirect.scatter.add.f32 [tilespmem:s2], [sflag:$0x7], $0x10, s16, s23, $0xb8;
	[tilespmem:$0x17C00] =	vst v63  }
0x11a: {  	_ =	swait.ge [sflag:s29], $0x800  }
0x11b: {  	[sflag:s29] =	ssyncset.done $0x0  }
0x11c: {  	s4 =	simm.s32 $0x800;
	s14 =	simm.s32 $0x1780;
	[sflag:s29] =	ssyncadd.s32 $0xFFFFF800  }
.LBB2_11:
0x11d: {  	[spmem:s3] =	stream.indirect.scatter.add.f32 [tilespmem:s15], [sflag:$0x8], $0x10, s14, s23, $0xb8;
	[tilespmem:$0x17C00] =	vst v63  }
0x11e: {  	s14 =	smov.u32 s4  }
0x11f: {  	p1 =	sne.s32 s4, $0x4000;
	s4 =	sadd.s32 $0x800, s4;
	_ =	swait.ge [sflag:s9], $0x800  }
0x120: {  	s14 =	sshra.s32 s14, $0x2;
	[sflag:s9] =	ssyncset.done $0x0  }
0x121: {  	s16 =	sadd.s32 $0x200, s14;
	[sflag:s9] =	ssyncadd.s32 $0xFFFFF800  }
0x122: {  	[tilespmem:s30], [sflag:$0x1] =	stream.indirect.gather [hbm4b:s10+s23], $0x10, s16, s23, $0xb8;
	[tilespmem:$0x17C00] =	vst v63  }
0x123: {  	_ =	swait.ge [sflag:s0], $0x800  }
0x124: {  	[sflag:s0] =	ssyncset.done $0x0  }
0x125: {  	s16 =	sadd.s32 $0x280, s14;
	[sflag:s0] =	ssyncadd.s32 $0xFFFFF800  }
0x126: {  	[tilespmem:s31], [sflag:$0x2] =	stream.indirect.gather [hbm4b:s10+s23], $0x10, s16, s23, $0xb8;
	[tilespmem:$0x17C00] =	vst v63  }
0x127: {  	_ =	swait.ge [sflag:s1], $0x800  }
0x128: {  	[sflag:s1] =	ssyncset.done $0x0  }
0x129: {  	s16 =	sadd.s32 $0x300, s14;
	[sflag:s1] =	ssyncadd.s32 $0xFFFFF800  }
0x12a: {  	[tilespmem:s2], [sflag:$0x3] =	stream.indirect.gather [hbm4b:s10+s23], $0x10, s16, s23, $0xb8;
	[tilespmem:$0x17C00] =	vst v63  }
0x12b: {  	_ =	swait.ge [sflag:s5], $0x800  }
0x12c: {  	[sflag:s5] =	ssyncset.done $0x0  }
0x12d: {  	s16 =	sadd.s32 $0x380, s14;
	[sflag:s5] =	ssyncadd.s32 $0xFFFFF800  }
0x12e: {  	[tilespmem:s15], [sflag:$0x4] =	stream.indirect.gather [hbm4b:s10+s23], $0x10, s16, s23, $0xb8;
	[tilespmem:$0x17C00] =	vst v63  }
0x12f: {  	_ =	swait.ge [sflag:s17], $0x800  }
0x130: {  	[sflag:s17] =	ssyncset.done $0x0  }
0x131: {  	s16 =	sadd.s32 $0x1600, s14;
	[sflag:s17] =	ssyncadd.s32 $0xFFFFF800  }
0x132: {  	[spmem:s3] =	stream.indirect.scatter.add.f32 [tilespmem:s30], [sflag:$0x5], $0x10, s16, s23, $0xb8;
	[tilespmem:$0x17C00] =	vst v63  }
0x133: {  	_ =	swait.ge [sflag:s18], $0x800  }
0x134: {  	[sflag:s18] =	ssyncset.done $0x0  }
0x135: {  	s16 =	sadd.s32 $0x1680, s14;
	[sflag:s18] =	ssyncadd.s32 $0xFFFFF800  }
0x136: {  	[spmem:s3] =	stream.indirect.scatter.add.f32 [tilespmem:s31], [sflag:$0x6], $0x10, s16, s23, $0xb8;
	[tilespmem:$0x17C00] =	vst v63  }
0x137: {  	_ =	swait.ge [sflag:s12], $0x800  }
0x138: {  	[sflag:s12] =	ssyncset.done $0x0  }
.Ltmp7:
0x139: {  	s16 =	sadd.s32 $0x1700, s14;
	[sflag:s12] =	ssyncadd.s32 $0xFFFFF800;
	(pc) =	sbr.rel @p1 .LBB2_11-.Ltmp7, $4  }
0x13a: {  	[spmem:s3] =	stream.indirect.scatter.add.f32 [tilespmem:s2], [sflag:$0x7], $0x10, s16, s23, $0xb8;
	[tilespmem:$0x17C00] =	vst v63  }
0x13b: {  	_ =	swait.ge [sflag:s29], $0x800  }
0x13c: {  	[sflag:s29] =	ssyncset.done $0x0  }
0x13d: {  	s14 =	sadd.s32 $0x1780, s14;
	[sflag:s29] =	ssyncadd.s32 $0xFFFFF800  }
0x13e: {  	[spmem:s3] =	stream.indirect.scatter.add.f32 [tilespmem:s15], [sflag:$0x8], $0x10, s14, s23, $0xb8;
	[tilespmem:$0x17C00] =	vst v63  }
0x13f: {  	_ =	swait.ge [sflag:s9], $0x800  }
0x140: {  	[sflag:s9] =	ssyncset.done $0x0  }
0x141: {  	[sflag:s9] =	ssyncadd.s32 $0xFFFFF800  }
0x142: {  	_ =	swait.ge [sflag:s0], $0x800  }
0x143: {  	[sflag:s0] =	ssyncset.done $0x0  }
0x144: {  	s8 =	sadd.s32 $0x1, s8;
	[sflag:s0] =	ssyncadd.s32 $0xFFFFF800  }
0x145: {  	p1 =	seq.s32 s8, $0x5;
	_ =	swait.ge [sflag:s1], $0x800  }
.Ltmp8:
0x146: {  	[sflag:s1] =	ssyncset.done $0x0;
	(pc) =	sbr.rel @!p1 .LBB2_10-.Ltmp8, $4  }
.Ltmp9:
0x147: {  	[sflag:s1] =	ssyncadd.s32 $0xFFFFF800;
	(pc) =	sbr.rel @p1 .LBB2_16-.Ltmp9, $4  }
0x148: {  	_ =	swait.ge [sflag:s5], $0x800  }
0x149: {  	[sflag:s5] =	ssyncset.done $0x0  }
0x14a: {  	[sflag:s5] =	ssyncadd.s32 $0xFFFFF800  }
0x14b: {  	_ = 	snop  }
.LBB2_13:
0x14c: {  	s8 =	smul.u32 $0x28, s4  }
0x14d: {  	s14 =	rddreg [dreg:$0xc]  }
0x14e: {  	s8 =	sadd.s32 s14, s8  }
0x14f: {  	s16 =	rddreg [dreg:$0x4];
	s8 =	sshll.u32 s8, $0x4  }
0x150: {  	s14 =	sadd.s32 s16, s8  }
0x151: {  	[tilespmem:s6], [sflag:$0x9] =	stream.linear.gather [hbm4b:s14+s6], $0x1400, $0x38;
	[tilespmem:$0x17C00] =	vst v63  }
0x152: {  	_ =	swait.ge [sflag:s20], $0x1400  }
0x153: {  	[sflag:s20] =	ssyncset.done $0x0  }
0x154: {  	s8 =	sadd.s32 s7, s8;
	[sflag:s20] =	ssyncadd.s32 $0xFFFFEC00  }
0x155: {  	[tilespmem:s22], [sflag:$0x9] =	stream.linear.gather [hbm4b:s8+s6], $0x1400, $0x38;
	[tilespmem:$0x17C00] =	vst v63  }
0x156: {  	_ =	swait.ge [sflag:s20], $0x1400  }
0x157: {  	[sflag:s20] =	ssyncset.done $0x0  }
0x158: {  	[sflag:s20] =	ssyncadd.s32 $0xFFFFEC00  }
0x159: {  	[tilespmem:s30], [sflag:$0x1] =	stream.indirect.gather [hbm4b:s11+s23], $0x10, s6, s23, $0xb8;
	[tilespmem:$0x17C00] =	vst v63  }
0x15a: {  	_ = 	snop  }
0x15b: {  	[tilespmem:s31], [sflag:$0x2] =	stream.indirect.gather [hbm4b:s11+s23], $0x10, s23, s23, $0xb8;
	[tilespmem:$0x17C00] =	vst v63  }
0x15c: {  	s14 =	simm.s32 $0x100  }
0x15d: {  	[tilespmem:s2], [sflag:$0x3] =	stream.indirect.gather [hbm4b:s11+s23], $0x10, s14, s23, $0xb8;
	[tilespmem:$0x17C00] =	vst v63  }
0x15e: {  	s16 =	simm.s32 $0x180  }
0x15f: {  	[tilespmem:s15], [sflag:$0x4] =	stream.indirect.gather [hbm4b:s11+s23], $0x10, s16, s23, $0xb8;
	[tilespmem:$0x17C00] =	vst v63  }
0x160: {  	_ =	swait.ge [sflag:s17], $0x800  }
0x161: {  	[sflag:s17] =	ssyncset.done $0x0  }
0x162: {  	[sflag:s17] =	ssyncadd.s32 $0xFFFFF800  }
0x163: {  	[spmem:s3] =	stream.indirect.scatter.add.f32 [tilespmem:s30], [sflag:$0x5], $0x10, s22, s23, $0xb8;
	[tilespmem:$0x17C00] =	vst v63  }
0x164: {  	_ =	swait.ge [sflag:s18], $0x800  }
0x165: {  	[sflag:s18] =	ssyncset.done $0x0  }
0x166: {  	s14 =	simm.s32 $0x1480;
	[sflag:s18] =	ssyncadd.s32 $0xFFFFF800  }
0x167: {  	[spmem:s3] =	stream.indirect.scatter.add.f32 [tilespmem:s31], [sflag:$0x6], $0x10, s14, s23, $0xb8;
	[tilespmem:$0x17C00] =	vst v63  }
0x168: {  	_ =	swait.ge [sflag:s12], $0x800  }
0x169: {  	[sflag:s12] =	ssyncset.done $0x0  }
0x16a: {  	[sflag:s12] =	ssyncadd.s32 $0xFFFFF800  }
0x16b: {  	[spmem:s3] =	stream.indirect.scatter.add.f32 [tilespmem:s2], [sflag:$0x7], $0x10, s26, s23, $0xb8;
	[tilespmem:$0x17C00] =	vst v63  }
0x16c: {  	_ =	swait.ge [sflag:s29], $0x800  }
0x16d: {  	[sflag:s29] =	ssyncset.done $0x0  }
0x16e: {  	[sflag:s29] =	ssyncadd.s32 $0xFFFFF800  }
0x16f: {  	[spmem:s3] =	stream.indirect.scatter.add.f32 [tilespmem:s15], [sflag:$0x8], $0x10, s28, s23, $0xb8;
	[tilespmem:$0x17C00] =	vst v63  }
0x170: {  	_ =	swait.ge [sflag:s9], $0x800  }
0x171: {  	[sflag:s9] =	ssyncset.done $0x0  }
0x172: {  	s16 =	simm.s32 $0x200;
	[sflag:s9] =	ssyncadd.s32 $0xFFFFF800  }
0x173: {  	[tilespmem:s30], [sflag:$0x1] =	stream.indirect.gather [hbm4b:s11+s23], $0x10, s16, s23, $0xb8;
	[tilespmem:$0x17C00] =	vst v63  }
0x174: {  	_ =	swait.ge [sflag:s0], $0x800  }
0x175: {  	[sflag:s0] =	ssyncset.done $0x0  }
0x176: {  	s14 =	simm.s32 $0x280;
	[sflag:s0] =	ssyncadd.s32 $0xFFFFF800  }
0x177: {  	[tilespmem:s31], [sflag:$0x2] =	stream.indirect.gather [hbm4b:s11+s23], $0x10, s14, s23, $0xb8;
	[tilespmem:$0x17C00] =	vst v63  }
0x178: {  	_ =	swait.ge [sflag:s1], $0x800  }
0x179: {  	[sflag:s1] =	ssyncset.done $0x0  }
0x17a: {  	s16 =	simm.s32 $0x300;
	[sflag:s1] =	ssyncadd.s32 $0xFFFFF800  }
0x17b: {  	[tilespmem:s2], [sflag:$0x3] =	stream.indirect.gather [hbm4b:s11+s23], $0x10, s16, s23, $0xb8;
	[tilespmem:$0x17C00] =	vst v63  }
0x17c: {  	_ =	swait.ge [sflag:s5], $0x800  }
0x17d: {  	[sflag:s5] =	ssyncset.done $0x0  }
0x17e: {  	s14 =	simm.s32 $0x380;
	[sflag:s5] =	ssyncadd.s32 $0xFFFFF800  }
0x17f: {  	[tilespmem:s15], [sflag:$0x4] =	stream.indirect.gather [hbm4b:s11+s23], $0x10, s14, s23, $0xb8;
	[tilespmem:$0x17C00] =	vst v63  }
0x180: {  	_ =	swait.ge [sflag:s17], $0x800  }
0x181: {  	[sflag:s17] =	ssyncset.done $0x0  }
0x182: {  	s16 =	simm.s32 $0x1600;
	[sflag:s17] =	ssyncadd.s32 $0xFFFFF800  }
0x183: {  	[spmem:s3] =	stream.indirect.scatter.add.f32 [tilespmem:s30], [sflag:$0x5], $0x10, s16, s23, $0xb8;
	[tilespmem:$0x17C00] =	vst v63  }
0x184: {  	_ =	swait.ge [sflag:s18], $0x800  }
0x185: {  	[sflag:s18] =	ssyncset.done $0x0  }
0x186: {  	s14 =	simm.s32 $0x1680;
	[sflag:s18] =	ssyncadd.s32 $0xFFFFF800  }
0x187: {  	[spmem:s3] =	stream.indirect.scatter.add.f32 [tilespmem:s31], [sflag:$0x6], $0x10, s14, s23, $0xb8;
	[tilespmem:$0x17C00] =	vst v63  }
0x188: {  	_ =	swait.ge [sflag:s12], $0x800  }
0x189: {  	[sflag:s12] =	ssyncset.done $0x0  }
0x18a: {  	s16 =	simm.s32 $0x1700;
	[sflag:s12] =	ssyncadd.s32 $0xFFFFF800  }
0x18b: {  	[spmem:s3] =	stream.indirect.scatter.add.f32 [tilespmem:s2], [sflag:$0x7], $0x10, s16, s23, $0xb8;
	[tilespmem:$0x17C00] =	vst v63  }
0x18c: {  	_ =	swait.ge [sflag:s29], $0x800  }
0x18d: {  	[sflag:s29] =	ssyncset.done $0x0  }
0x18e: {  	s8 =	simm.s32 $0x800;
	s14 =	simm.s32 $0x1780;
	[sflag:s29] =	ssyncadd.s32 $0xFFFFF800  }
.LBB2_14:
0x18f: {  	[spmem:s3] =	stream.indirect.scatter.add.f32 [tilespmem:s15], [sflag:$0x8], $0x10, s14, s23, $0xb8;
	[tilespmem:$0x17C00] =	vst v63  }
0x190: {  	s14 =	smov.u32 s8  }
0x191: {  	p1 =	sne.s32 s8, $0x4000;
	s8 =	sadd.s32 $0x800, s8;
	_ =	swait.ge [sflag:s9], $0x800  }
0x192: {  	s14 =	sshra.s32 s14, $0x2;
	[sflag:s9] =	ssyncset.done $0x0  }
0x193: {  	s16 =	sadd.s32 $0x200, s14;
	[sflag:s9] =	ssyncadd.s32 $0xFFFFF800  }
0x194: {  	[tilespmem:s30], [sflag:$0x1] =	stream.indirect.gather [hbm4b:s11+s23], $0x10, s16, s23, $0xb8;
	[tilespmem:$0x17C00] =	vst v63  }
0x195: {  	_ =	swait.ge [sflag:s0], $0x800  }
0x196: {  	[sflag:s0] =	ssyncset.done $0x0  }
0x197: {  	s16 =	sadd.s32 $0x280, s14;
	[sflag:s0] =	ssyncadd.s32 $0xFFFFF800  }
0x198: {  	[tilespmem:s31], [sflag:$0x2] =	stream.indirect.gather [hbm4b:s11+s23], $0x10, s16, s23, $0xb8;
	[tilespmem:$0x17C00] =	vst v63  }
0x199: {  	_ =	swait.ge [sflag:s1], $0x800  }
0x19a: {  	[sflag:s1] =	ssyncset.done $0x0  }
0x19b: {  	s16 =	sadd.s32 $0x300, s14;
	[sflag:s1] =	ssyncadd.s32 $0xFFFFF800  }
0x19c: {  	[tilespmem:s2], [sflag:$0x3] =	stream.indirect.gather [hbm4b:s11+s23], $0x10, s16, s23, $0xb8;
	[tilespmem:$0x17C00] =	vst v63  }
0x19d: {  	_ =	swait.ge [sflag:s5], $0x800  }
0x19e: {  	[sflag:s5] =	ssyncset.done $0x0  }
0x19f: {  	s16 =	sadd.s32 $0x380, s14;
	[sflag:s5] =	ssyncadd.s32 $0xFFFFF800  }
0x1a0: {  	[tilespmem:s15], [sflag:$0x4] =	stream.indirect.gather [hbm4b:s11+s23], $0x10, s16, s23, $0xb8;
	[tilespmem:$0x17C00] =	vst v63  }
0x1a1: {  	_ =	swait.ge [sflag:s17], $0x800  }
0x1a2: {  	[sflag:s17] =	ssyncset.done $0x0  }
0x1a3: {  	s16 =	sadd.s32 $0x1600, s14;
	[sflag:s17] =	ssyncadd.s32 $0xFFFFF800  }
0x1a4: {  	[spmem:s3] =	stream.indirect.scatter.add.f32 [tilespmem:s30], [sflag:$0x5], $0x10, s16, s23, $0xb8;
	[tilespmem:$0x17C00] =	vst v63  }
0x1a5: {  	_ =	swait.ge [sflag:s18], $0x800  }
0x1a6: {  	[sflag:s18] =	ssyncset.done $0x0  }
0x1a7: {  	s16 =	sadd.s32 $0x1680, s14;
	[sflag:s18] =	ssyncadd.s32 $0xFFFFF800  }
0x1a8: {  	[spmem:s3] =	stream.indirect.scatter.add.f32 [tilespmem:s31], [sflag:$0x6], $0x10, s16, s23, $0xb8;
	[tilespmem:$0x17C00] =	vst v63  }
0x1a9: {  	_ =	swait.ge [sflag:s12], $0x800  }
0x1aa: {  	[sflag:s12] =	ssyncset.done $0x0  }
.Ltmp10:
0x1ab: {  	s16 =	sadd.s32 $0x1700, s14;
	[sflag:s12] =	ssyncadd.s32 $0xFFFFF800;
	(pc) =	sbr.rel @p1 .LBB2_14-.Ltmp10, $4  }
0x1ac: {  	[spmem:s3] =	stream.indirect.scatter.add.f32 [tilespmem:s2], [sflag:$0x7], $0x10, s16, s23, $0xb8;
	[tilespmem:$0x17C00] =	vst v63  }
0x1ad: {  	_ =	swait.ge [sflag:s29], $0x800  }
0x1ae: {  	[sflag:s29] =	ssyncset.done $0x0  }
0x1af: {  	s14 =	sadd.s32 $0x1780, s14;
	[sflag:s29] =	ssyncadd.s32 $0xFFFFF800  }
0x1b0: {  	[spmem:s3] =	stream.indirect.scatter.add.f32 [tilespmem:s15], [sflag:$0x8], $0x10, s14, s23, $0xb8;
	[tilespmem:$0x17C00] =	vst v63  }
0x1b1: {  	_ =	swait.ge [sflag:s9], $0x800  }
0x1b2: {  	[sflag:s9] =	ssyncset.done $0x0  }
0x1b3: {  	[sflag:s9] =	ssyncadd.s32 $0xFFFFF800  }
0x1b4: {  	_ =	swait.ge [sflag:s0], $0x800  }
0x1b5: {  	[sflag:s0] =	ssyncset.done $0x0  }
0x1b6: {  	s4 =	sadd.s32 $0x1, s4;
	[sflag:s0] =	ssyncadd.s32 $0xFFFFF800  }
0x1b7: {  	p1 =	sne.s32 s4, $0x5;
	_ =	swait.ge [sflag:s1], $0x800  }
.Ltmp11:
0x1b8: {  	[sflag:s1] =	ssyncset.done $0x0;
	(pc) =	sbr.rel @p1 .LBB2_13-.Ltmp11, $4  }
.Ltmp12:
0x1b9: {  	[sflag:s1] =	ssyncadd.s32 $0xFFFFF800;
	(pc) =	sbr.rel @!p1 .LBB2_16-.Ltmp12, $4  }
0x1ba: {  	_ =	swait.ge [sflag:s5], $0x800  }
0x1bb: {  	[sflag:s5] =	ssyncset.done $0x0  }
0x1bc: {  	[sflag:s5] =	ssyncadd.s32 $0xFFFFF800  }
0x1bd: {  	_ = 	snop  }
.LBB2_17:
0x1be: {  	_ =	sfence.sel $0x180000  }
0x1bf: {  	[bflag:$0x0] =	sbarrier.arrive $0xFFFF  }
0x1c0: {  	_ =	strace $0x90000047  }
0x1c1: {  	s0 =	stileid.u32;
	[bflag:$0x2] =	sbarrier.arrive $0xFFFF  }
0x1c2: {  	p0 =	sne.s32 s0, $0x0;
	s0 =	rddreg [dreg:$0x3]  }
0x1c3: {  	s0 =	sadd.s32 @!p0 $0x100000, s0  }
0x1c4: {  	[sflag:s0] =	ssyncadd.tile.s32 @!p0 $0x1;
	_ =	shalt  }
.Lfunc_end2:
_tile_overlayer_lowered:
.L_overlay_start_2:
0x1c5: {  	(tag) =	ssettag $0x2  }
0x1c6: {  	s0 =	rddreg [dreg:$0x0];
	s2 =	stileid.u32  }
0x1c7: {  	s1 =	rddreg [dreg:$0x1];
	p0 =	sne.s32 s2, $0x0  }
0x1c8: {  	s3 =	rddreg [dreg:$0x2];
	[bflag:$0x3] =	sbarrier.arrive $0xFFFF;
	s2 =	simm.s32 @!p0 $0x1C09  }
0x1c9: {  	[timem:s3], [sflag:s2] =	dma.local @!p0 [hbm:s0], s1  }
0x1ca: {  	s0 =	simm.s32 @!p0 $0x9  }
0x1cb: {  	_ =	swait.ge @!p0 [sflag:s0], s1  }
0x1cc: {  	s1 =	ssub.s32 @!p0 $0x0, s1;
	[sflag:s0] =	ssyncset.done @!p0 $0x0  }
0x1cd: {  	[sflag:s0] =	ssyncadd.s32 @!p0 s1  }
0x1ce: {  	[bflag:$0x3] =	sbarrier.arrive $0xFFFF  }
0x1cf: {  	_ =	shalt  }

// kernel: kernel.9.cloned.1.call-start
scs
__scs_entry_jumppad:
0x0: {  	(pc) =	sbr.rel $0x88, $3  }
0x1: {  	(tag) =	ssettag $0x0;
	lr =	simm.s32 $0x1  }
0x2: {  	[smem:$0x3F98] =	sst lr;
	_ =	strace $0xD0000000  }
0x3: {  	_ = 	snop  }
0x4: {  	_ = 	snop  }
0x5: {  	_ = 	snop  }
0x6: {  	_ = 	snop  }
0x7: {  	_ = 	snop  }
__scs_overlays_trampoline_lowered:
0x8: {  	[smem:$0x3FA7] =	sst s0  }
0x9: {  	[smem:$0x3FA8] =	sst s1  }
0xa: {  	[smem:$0x3FA9] =	sst s2  }
0xb: {  	[smem:$0x3FAA] =	sst s3  }
0xc: {  	[smem:$0x3FAB] =	sst s4  }
0xd: {  	[smem:$0x3FAC] =	sst s5  }
0xe: {  	[smem:$0x3FAD] =	sst s6  }
0xf: {  	[smem:$0x3FAE] =	sst s7  }
0x10: {  	[smem:$0x3FAF] =	sst s8  }
0x11: {  	[smem:$0x3FB0] =	sst s9;
	s0 =	simm.s32 @!p0 $0x0  }
0x12: {  	s1 =	sld [smem:$0x3F96];
	s0 =	simm.s32 @p0 $0x1  }
0x13: {  	[smem:$0x3FB1] =	sst s0;
	s0 =	simm.s32 @!p1 $0x0  }
0x14: {  	s2 =	sld [smem:$0x3F95];
	s0 =	simm.s32 @p1 $0x1  }
0x15: {  	[smem:$0x3FB2] =	sst s0;
	s0 =	simm.s32 @!p2 $0x0  }
0x16: {  	s3 =	sld [smem:$0x3FDB];
	s0 =	simm.s32 @p2 $0x1  }
0x17: {  	s4 =	simm.s32 $0x1BF5;
	[smem:$0x3FB4] =	sst s0  }
0x18: {  	s0 =	sld [smem:$0x3F97];
	_ =	swait.ge [sflag:s4], $0x0  }
0x19: {  	s7 =	sld [smem:$0x3F98]  }
0x1a: {  	s8 =	sadd.s32 $0xFFFFE003, lr  }
0x1b: {  	s9 =	sadd.s32 $0xFFFFFEF7, lr;
	s5 =	simm.s32 $0xFFFFFFFF;
	p2 =	slt.u32 s8, $0xFFFFF086  }
0x1c: {  	p1 =	slt.u32 s9, $0xF7A;
	s5 =	simm.s32 @!p2 $0x0  }
0x1d: {  	s5 =	simm.s32 @p1 $0x1;
	p0 =	seq.s32 s7, s2  }
0x1e: {  	s7 =	smul.u32 @!p0 $0xF7A, s2;
	p2 =	seq.s32 @!p0 s5, $0x0  }
0x1f: {  	s9 =	smul.u32 $0xF7A, s1;
	s8 =	simm.s32 @!p0 $0x1BF5;
	p2 =	por !p2, p0  }
0x20: {  	[sflag:s8] =	ssyncset.s32 @!p0 $0xFFFFF086;
	s6 =	sadd.s32 @!p0 s3, s7;
	s7 =	simm.s32 @!p0 $0x108  }
0x21: {  	s3 =	sadd.s32 s3, s9;
	s6 =	sadd.s32 @!p0 $0x88, s6;
	s7 =	simm.s32 @p2 $0x1082  }
0x22: {  	[simem:s7], [sflag:s8] =	dma.local @!p0 [hbm:s6], $0xF7A  }
0x23: {  	s9 =	sor.u32 $0xD0000000, s2;
	s6 =	simm.s32 $0x108;
	_ =	swait.ge @!p0 [sflag:s8], $0x0  }
0x24: {  	s3 =	sadd.s32 $0x88, s3;
	s6 =	simm.s32 @!p1 $0x1082;
	[sflag:s4] =	ssyncset.s32 $0xFFFFF086  }
0x25: {  	[simem:s6], [sflag:s4] =	dma.local [hbm:s3], $0xF7A  }
0x26: {  	[smem:$0x3F98] =	sst s1;
	(tag) =	ssettag s2;
	_ =	strace s9  }
0x27: {  	s1 =	sld [smem:$0x3FA8]  }
0x28: {  	s2 =	sld [smem:$0x3FA9]  }
0x29: {  	s4 =	sld [smem:$0x3FAB]  }
0x2a: {  	p0 =	seq.s32 s5, $0x0;
	s5 =	sld [smem:$0x3FAC]  }
0x2b: {  	s6 =	sld [smem:$0x3FAD]  }
0x2c: {  	s7 =	sld [smem:$0x3FAE]  }
0x2d: {  	s3 =	simm.s32 $0x108;
	s8 =	sld [smem:$0x3FAF]  }
0x2e: {  	s3 =	simm.s32 @!p0 $0x1082;
	s9 =	sld [smem:$0x3FB0]  }
0x2f: {  	lr =	sadd.s32 s0, s3;
	s0 =	sld [smem:$0x3FA7]  }
0x30: {  	s3 =	sld [smem:$0x3FAA]  }
0x31: {  	[smem:$0x3FB3] =	sst s10  }
0x32: {  	s10 =	sld [smem:$0x3FB1];
	_ =	sdelay $0x3  }
0x33: {  	p0 =	seq.s32 s10, $0x1;
	s10 =	sld [smem:$0x3FB3];
	_ =	sdelay $0x3  }
0x34: {  	[smem:$0x3FB3] =	sst s10  }
0x35: {  	s10 =	sld [smem:$0x3FB2];
	_ =	sdelay $0x3  }
0x36: {  	p1 =	seq.s32 s10, $0x1;
	s10 =	sld [smem:$0x3FB3];
	_ =	sdelay $0x3  }
0x37: {  	[smem:$0x3FB3] =	sst s10  }
0x38: {  	s10 =	sld [smem:$0x3FB4]  }
0x39: {  	_ = 	snop;
	(pc) =	sbr.ind lr, $3  }
0x3a: {  	_ = 	snop  }
0x3b: {  	_ = 	snop  }
0x3c: {  	p2 =	seq.s32 s10, $0x1;
	s10 =	sld [smem:$0x3FB3]  }
0x3d: {  	_ =	shalt  }
0x3e: {  	_ =	shalt  }
0x3f: {  	_ =	shalt  }
0x40: {  	_ =	shalt  }
0x41: {  	_ =	shalt  }
0x42: {  	_ =	shalt  }
0x43: {  	_ =	shalt  }
0x44: {  	_ =	shalt  }
0x45: {  	_ =	shalt  }
0x46: {  	_ =	shalt  }
0x47: {  	_ =	shalt  }
0x48: {  	_ =	shalt  }
0x49: {  	_ =	shalt  }
0x4a: {  	_ =	shalt  }
0x4b: {  	_ =	shalt  }
0x4c: {  	_ =	shalt  }
0x4d: {  	_ =	shalt  }
0x4e: {  	_ =	shalt  }
0x4f: {  	_ =	shalt  }
0x50: {  	_ =	shalt  }
0x51: {  	_ =	shalt  }
0x52: {  	_ =	shalt  }
0x53: {  	_ =	shalt  }
0x54: {  	_ =	shalt  }
0x55: {  	_ =	shalt  }
0x56: {  	_ =	shalt  }
0x57: {  	_ =	shalt  }
0x58: {  	_ =	shalt  }
0x59: {  	_ =	shalt  }
0x5a: {  	_ =	shalt  }
0x5b: {  	_ =	shalt  }
0x5c: {  	_ =	shalt  }
0x5d: {  	_ =	shalt  }
0x5e: {  	_ =	shalt  }
0x5f: {  	_ =	shalt  }
0x60: {  	_ =	shalt  }
0x61: {  	_ =	shalt  }
0x62: {  	_ =	shalt  }
0x63: {  	_ =	shalt  }
0x64: {  	_ =	shalt  }
0x65: {  	_ =	shalt  }
0x66: {  	_ =	shalt  }
0x67: {  	_ =	shalt  }
0x68: {  	_ =	shalt  }
0x69: {  	_ =	shalt  }
0x6a: {  	_ =	shalt  }
0x6b: {  	_ =	shalt  }
0x6c: {  	_ =	shalt  }
0x6d: {  	_ =	shalt  }
0x6e: {  	_ =	shalt  }
0x6f: {  	_ =	shalt  }
0x70: {  	_ =	shalt  }
0x71: {  	_ =	shalt  }
0x72: {  	_ =	shalt  }
0x73: {  	_ =	shalt  }
0x74: {  	_ =	shalt  }
0x75: {  	_ =	shalt  }
0x76: {  	_ =	shalt  }
0x77: {  	_ =	shalt  }
0x78: {  	_ =	shalt  }
0x79: {  	_ =	shalt  }
0x7a: {  	_ =	shalt  }
0x7b: {  	_ =	shalt  }
0x7c: {  	_ =	shalt  }
0x7d: {  	_ =	shalt  }
0x7e: {  	_ =	shalt  }
0x7f: {  	_ =	shalt  }
0x80: {  	_ =	shalt  }
0x81: {  	_ =	shalt  }
0x82: {  	_ =	shalt  }
0x83: {  	_ =	shalt  }
0x84: {  	_ =	shalt  }
0x85: {  	_ =	shalt  }
0x86: {  	_ =	shalt  }
0x87: {  	_ =	shalt  }
.Lfunc_end0:
.L_simem_size_0:
called_computation.1_lowered:
.L_overlay_start_0:
0x88: {  	s2 =	sld [smem:$0x3FD9]  }
0x89: {  	s3 =	sld [smem:$0x3FFE];
	_ =	sdelay $0x1  }
0x8a: {  	s1 =	srdreg.scid  }
0x8b: {  	s0 =	sand.u32 $0x1, s1  }
0x8c: {  	s16 =	sshll.u32 s0, $0xA;
	s2 =	sadd.s32 s3, s2  }
0x8d: {  	s2 =	sadd.s32 s2, s16  }
0x8e: {  	[smem:$0x3FBF] =	sst s2  }
0x8f: {  	_ = 	snop  }
0x90: {  	(tm) =	ssettm $0x1  }
0x91: {  	s17 =	sld [smem:$0x3FFB];
	_ =	sdelay $0x3  }
0x92: {  	_ =	strace s17  }
0x93: {  	s2 =	sld [smem:$0x3FFC];
	_ =	sdelay $0x3  }
0x94: {  	_ =	strace s2  }
0x95: {  	s2 =	sld [smem:$0x3FFD];
	_ =	sdelay $0x3  }
0x96: {  	_ =	strace s2  }
0x97: {  	_ =	strace $0x8FFFFFFF  }
0x98: {  	s18 =	sld [smem:$0x3FDB];
	_ =	sdelay $0x1  }
0x99: {  	s19 =	simm.s32 $_scs_section_size  }
0x9a: {  	s4 =	simm.s32 $_size__tile_overlayer_lowered;
	s5 =	simm.s32 $_tile_overlayer_lowered  }
0x9b: {  	s22 =	simm.s32 $0x1BFF;
	s21 =	sshll.u32 s5, $0x1;
	s2 =	sadd.s32 s19, s18  }
0x9c: {  	s6 =	simm.s32 $0x0;
	s20 =	sshll.u32 s4, $0x1;
	s4 =	sadd.s32 s21, s2  }
0x9d: {  	[timem:s6], [sflag:s22] =	dma.local [hbm:s4], s20  }
0x9e: {  	_ =	swait.ge [sflag:s22], s20  }
0x9f: {  	s3 =	ssub.s32 $0x0, s20;
	[sflag:s22] =	ssyncset.done $0x0  }
0xa0: {  	[sflag:s22] =	ssyncadd.s32 s3;
	_ =	sdelay $0x1  }
0xa1: {  	s23 =	simm.s32 $0x1B8B  }
0xa2: {  	_ =	swait.ge [sflag:s23], $0x1  }
0xa3: {  	[sflag:s23] =	ssyncset.done $0x0  }
0xa4: {  	s25 =	simm.s32 $0x1B8E;
	s24 =	sld [smem:$0x3FFE];
	[sflag:s23] =	ssyncadd.s32 $0xFFFFFFFF  }
0xa5: {  	s26 =	simm.s32 $execute0_lowered;
	[smem:$0x3FD2] =	sst s25  }
0xa6: {  	s4 =	sshll.u32 s26, $0x1;
	_ =	strace $0x80000049;
	[dreg:$0x1] =	wrdreg $0xFFFFFFFF  }
0xa7: {  	s28 =	simm.s32 $_size_execute0_lowered;
	s2 =	sadd.s32 s2, s4;
	[dreg:$0x0] =	wrdreg $0x0  }
0xa8: {  	s4 =	sshll.u32 s28, $0x1;
	[dreg:$0x2] =	wrdreg s2  }
0xa9: {  	[dreg:$0x3] =	wrdreg s4  }
0xaa: {  	[dreg:$0x4] =	wrdreg $0xC0  }
0xab: {  	_ =	task [dreg:s6], $0x5FFFF  }
0xac: {  	[dreg:$0x1] =	wrdreg $0xFFFFFFFF  }
0xad: {  	[dreg:$0x0] =	wrdreg $0x60  }
0xae: {  	[dreg:$0x2] =	wrdreg s24  }
0xaf: {  	[dreg:$0x3] =	wrdreg $0x54000  }
0xb0: {  	[dreg:$0x4] =	wrdreg $0x9  }
0xb1: {  	_ =	task.clear_ibuf [dreg:s6], $0x5FFFF;
	_ =	strace $0x90000049  }
0xb2: {  	s29 =	simm.s32 $0x9;
	_ =	strace $0x8000004B  }
0xb3: {  	_ =	swait.ge [sflag:s29], $0x1  }
0xb4: {  	[sflag:s29] =	ssyncadd.s32 $0xFFFFFFFF  }
0xb5: {  	_ =	strace $0x9000004B  }
0xb6: {  	_ =	sfence  }
0xb7: {  	s30 =	sld [smem:$0x0];
	_ =	sdelay $0x2  }
0xb8: {  	s31 =	sshll.u32 s1, $0xD;
	s1 =	sshrl.u32 s1, $0x2  }
0xb9: {  	s3 =	sand.u32 $0x4000, s31;
	s1 =	sadd.s32 s1, s30  }
0xba: {  	s0 =	sor.u32 s3, s0;
	s1 =	sshll.u32 s1, $0x11  }
0xbb: {  	s0 =	sor.u32 s1, s0  }
0xbc: {  	s0 =	sadd.s32 $0x8F2B, s0  }
0xbd: {  	[sflag:s0] =	ssyncadd.remote.s32 $0x1  }
0xbe: {  	_ =	sfence.sel $0xFFFF  }
0xbf: {  	[dreg:$0x0] =	wrdreg $0xFFFFFFFF;
	(pc) =	sbr.abs _section_cstart, $3  }
0xc0: {  	[dreg:$0x1] =	wrdreg $0xFFFFFFFF  }
0xc1: {  	_ =	task.clear_ibuf [dreg:s6], $0x2FFFF;
	_ =	strace $0x9FFFFFFF  }
0xc2: {  	(tm) =	ssettm $0x7FFFFFFF  }
0xc3: {  	_ =	shalt  }
tec
execute0_lowered:
.L_overlay_start_1:
0x0: {  	(tag) =	ssettag $0x1  }
0x1: {  	s0 =	rddreg [dreg:$0x0]  }
0x2: {  	s1 =	rddreg [dreg:$0x1];
	s9 =	simm.s32 $0x0  }
0x3: {  	s2 =	srdreg.scid;
	s8 =	stileid.u32;
	s11 =	simm.s32 $0x11  }
0x4: {  	s16 =	simm.s32 $0x40;
	s17 =	simm.s32 $0x4C00;
	s18 =	simm.s32 $0x1  }
0x5: {  	s12 =	simm.s32 $0x1400;
	s28 =	simm.s32 $0x3400;
	s29 =	simm.s32 $0x6  }
0x6: {  	s30 =	simm.s32 $0x3C00;
	s31 =	simm.s32 $0x7;
	[smem:$0x7FF] =	sst s9  }
0x7: {  	s2 =	sand.u32 $0x1, s2;
	s3 =	smul.u32 $0x3200, s8;
	s4 =	sadd.s32 $0x1AC00, s0  }
0x8: {  	s20 =	sadd.s32 $0x1C00, s0;
	s6 =	sadd.s32 $0x65C00, s0;
	s5 =	smul.u32 $0x64000, s8  }
0x9: {  	s10 =	sadd.s32 $0x97C00, s0;
	_ =	strace $0x8000004A;
	[dreg:$0x4] =	wrdreg s4  }
0xa: {  	s25 =	sshll.u32 s8, $0x6;
	s8 =	smul.u32 $0x320, s8;
	[dreg:$0x5] =	wrdreg s20  }
0xb: {  	s7 =	sadd.s32 $0x33C00, s0;
	s21 =	smul.u32 $0x32000, s2;
	[dreg:$0x6] =	wrdreg s10  }
0xc: {  	s22 =	ssub.s32 $0x2, s2;
	p0 =	seq.s32 s2, $0x1;
	s20 =	simm.s32 $0x2  }
0xd: {  	s2 =	simm.s32 $0x8;
	s23 =	sshrl.u32 s22, $0x1;
	s5 =	sshrl.u32 s5, $0x2  }
0xe: {  	[dreg:$0x8] =	wrdreg s8;
	s3 =	sadd.s32 s3, s21;
	s24 =	sadd.s32 s5, s1  }
0xf: {  	s5 =	sor.u32 $0x1C11, s25;
	s21 =	simm.s32 $0x1C00;
	s25 =	simm.s32 $0x2C00  }
.Ltmp0:
0x10: {  	s0 =	sadd.s32 s3, s0;
	s3 =	ssub.s32 s22, s23;
	(pc) =	sbr.rel .LBB2_1-.Ltmp0, $4  }
0x11: {  	s4 =	sshrl.u32 s24, $0x3;
	s22 =	simm.s32 $0x3;
	[dreg:$0x7] =	wrdreg s5  }
0x12: {  	s23 =	simm.s32 $0x2400;
	s0 =	sadd.s32 $0x193600, s0;
	[dreg:$0xb] =	wrdreg s4  }
0x13: {  	s24 =	simm.s32 $0x4;
	s26 =	smax.u32 s3, $0x1;
	[dreg:$0x9] =	wrdreg s0  }
0x14: {  	[dreg:$0xa] =	wrdreg s26;
	s26 =	simm.s32 $0x5;
	s0 =	simm.s32 $0x4400  }
.LBB2_8:
0x15: {  	[bflag:$0x0] =	sbarrier.arrive $0xFFFF  }
0x16: {  	s5 =	rddreg [dreg:$0x7]  }
0x17: {  	s3 =	rddreg [dreg:$0x9]  }
0x18: {  	s4 =	rddreg [dreg:$0xb]  }
0x19: {  	[hbm:s3], [sflag:s5] =	dma.local [spmem:s4], $0x3200  }
0x1a: {  	_ =	swait.ge [sflag:s11], $0x3200  }
0x1b: {  	s9 =	rddreg [dreg:$0x3]  }
0x1c: {  	s19 =	rddreg [dreg:$0xa];
	s9 =	sadd.s32 $0x1, s9  }
0x1d: {  	p1 =	sne.s32 s9, s19  }
.Ltmp1:
0x1e: {  	_ = 	snop;
	(pc) =	sbr.rel @!p1 .LBB2_9-.Ltmp1, $3  }
0x1f: {  	_ =	sdelay $0x1  }
0x20: {  	[sflag:s11] =	ssyncset.done $0x0  }
0x21: {  	[sflag:s11] =	ssyncadd.s32 $0xFFFFCE00  }
.LBB2_1:
0x22: {  	[dreg:$0x3] =	wrdreg s9  }
0x23: {  	s3 =	rddreg [dreg:$0x6]  }
0x24: {  	[spmem:s4], [sflag:s5] =	dma.local [hbm:s3], $0x3200  }
.Ltmp2:
0x25: {  	_ =	swait.ge [sflag:s11], $0x3200;
	(pc) =	sbr.rel @!p0 .LBB2_2-.Ltmp2, $4  }
0x26: {  	[sflag:s11] =	ssyncset.done $0x0  }
0x27: {  	[sflag:s11] =	ssyncadd.s32 $0xFFFFCE00  }
0x28: {  	[bflag:$0x0] =	sbarrier.arrive $0xFFFF  }
0x29: {  	s4 =	simm.s32 $0x0;
	s5 =	simm.s32 $0x0  }
.LBB2_5:
0x2a: {  	s3 =	smul.u32 $0x28, s5  }
0x2b: {  	s4 =	rddreg [dreg:$0x8]  }
0x2c: {  	s3 =	sadd.s32 s4, s3  }
0x2d: {  	s9 =	rddreg [dreg:$0x4];
	s3 =	sshll.u32 s3, $0x3  }
0x2e: {  	[dreg:$0xd] =	wrdreg s5;
	s10 =	simm.s32 $0x0;
	s4 =	sadd.s32 s9, s3  }
0x2f: {  	[tilespmem:s10], [sflag:$0x11] =	stream.linear.gather [hbm4b:s4+s10], $0xA00, $0x38;
	[tilespmem:$0x1E400] =	vst v63  }
0x30: {  	_ =	swait.ge [sflag:s11], $0xA00  }
0x31: {  	[sflag:s11] =	ssyncset.done $0x0;
	s13 =	rddreg [dreg:$0x5]  }
0x32: {  	s14 =	simm.s32 $0xA00;
	[sflag:s11] =	ssyncadd.s32 $0xFFFFF600;
	s3 =	sadd.s32 s13, s3  }
0x33: {  	[tilespmem:s14], [sflag:$0x11] =	stream.linear.gather [hbm4b:s3+s10], $0xA00, $0x38;
	[tilespmem:$0x1E400] =	vst v63  }
0x34: {  	_ =	swait.ge [sflag:s11], $0xA00  }
0x35: {  	p1 =	por $0x0, $0x0;
	[sflag:s11] =	ssyncset.done $0x0  }
0x36: {  	s3 =	simm.s32 @p1 $0x9;
	[sflag:s11] =	ssyncadd.s32 $0xFFFFF600  }
0x37: {  	_ =	swait.ge @p1 [sflag:s3], $0x800  }
0x38: {  	s5 =	simm.s32 @p1 $0xA;
	s8 =	simm.s32 @p1 $0x40;
	[sflag:s3] =	ssyncset.done @p1 $0x0  }
0x39: {  	s4 =	simm.s32 @p1 $0x1400;
	[sflag:s3] =	ssyncadd.s32 @p1 $0xFFFFF800;
	s3 =	simm.s32 @p1 $0x0  }
0x3a: {  	[tilespmem:s4], [sflag:$0x1] =	stream.indirect.gather @p1 [hbm4b:s7+s8], $0x20, s3, s8, $0xb8;
	[tilespmem:$0x1E400] =	vst v63  }
0x3b: {  	_ =	swait.ge @p1 [sflag:s5], $0x800  }
0x3c: {  	s3 =	simm.s32 @p1 $0x40;
	[sflag:s5] =	ssyncset.done @p1 $0x0  }
0x3d: {  	s4 =	simm.s32 @p1 $0x1C00;
	[sflag:s5] =	ssyncadd.s32 @p1 $0xFFFFF800;
	s5 =	simm.s32 @p1 $0xB  }
0x3e: {  	[tilespmem:s4], [sflag:$0x2] =	stream.indirect.gather @p1 [hbm4b:s7+s8], $0x20, s3, s8, $0xb8;
	[tilespmem:$0x1E400] =	vst v63  }
0x3f: {  	_ =	swait.ge @p1 [sflag:s5], $0x800  }
0x40: {  	s3 =	simm.s32 @p1 $0x80;
	[sflag:s5] =	ssyncset.done @p1 $0x0  }
0x41: {  	s4 =	simm.s32 @p1 $0x2400;
	[sflag:s5] =	ssyncadd.s32 @p1 $0xFFFFF800;
	s5 =	simm.s32 @p1 $0xC  }
0x42: {  	[tilespmem:s4], [sflag:$0x3] =	stream.indirect.gather @p1 [hbm4b:s7+s8], $0x20, s3, s8, $0xb8;
	[tilespmem:$0x1E400] =	vst v63  }
0x43: {  	_ =	swait.ge @p1 [sflag:s5], $0x800  }
0x44: {  	s3 =	simm.s32 @p1 $0xC0;
	[sflag:s5] =	ssyncset.done @p1 $0x0  }
0x45: {  	s4 =	simm.s32 @p1 $0x2C00;
	[sflag:s5] =	ssyncadd.s32 @p1 $0xFFFFF800;
	s5 =	simm.s32 @p1 $0xD  }
0x46: {  	[tilespmem:s4], [sflag:$0x4] =	stream.indirect.gather @p1 [hbm4b:s7+s8], $0x20, s3, s8, $0xb8;
	[tilespmem:$0x1E400] =	vst v63  }
0x47: {  	_ =	swait.ge @p1 [sflag:s5], $0x800  }
0x48: {  	s3 =	simm.s32 @p1 $0x100;
	[sflag:s5] =	ssyncset.done @p1 $0x0  }
0x49: {  	s4 =	simm.s32 @p1 $0x3400;
	[sflag:s5] =	ssyncadd.s32 @p1 $0xFFFFF800;
	s5 =	simm.s32 @p1 $0xE  }
0x4a: {  	[tilespmem:s4], [sflag:$0x5] =	stream.indirect.gather @p1 [hbm4b:s7+s8], $0x20, s3, s8, $0xb8;
	[tilespmem:$0x1E400] =	vst v63  }
0x4b: {  	_ =	swait.ge @p1 [sflag:s5], $0x800  }
0x4c: {  	s3 =	simm.s32 @p1 $0x140;
	[sflag:s5] =	ssyncset.done @p1 $0x0  }
0x4d: {  	s4 =	simm.s32 @p1 $0x3C00;
	[sflag:s5] =	ssyncadd.s32 @p1 $0xFFFFF800;
	s5 =	simm.s32 @p1 $0xF  }
0x4e: {  	[tilespmem:s4], [sflag:$0x6] =	stream.indirect.gather @p1 [hbm4b:s7+s8], $0x20, s3, s8, $0xb8;
	[tilespmem:$0x1E400] =	vst v63  }
0x4f: {  	_ =	swait.ge @p1 [sflag:s5], $0x800  }
0x50: {  	s3 =	simm.s32 @p1 $0x180;
	[sflag:s5] =	ssyncset.done @p1 $0x0  }
0x51: {  	s4 =	simm.s32 @p1 $0x4400;
	[sflag:s5] =	ssyncadd.s32 @p1 $0xFFFFF800;
	s5 =	simm.s32 @p1 $0x10  }
0x52: {  	[tilespmem:s4], [sflag:$0x7] =	stream.indirect.gather @p1 [hbm4b:s7+s8], $0x20, s3, s8, $0xb8;
	[tilespmem:$0x1E400] =	vst v63  }
0x53: {  	_ =	swait.ge @p1 [sflag:s5], $0x800  }
0x54: {  	s3 =	simm.s32 @!p1 $0x1400;
	[sflag:s5] =	ssyncset.done @p1 $0x0  }
0x55: {  	s4 =	simm.s32 @!p1 $0x0;
	[sflag:s5] =	ssyncadd.s32 @p1 $0xFFFFF800;
	s5 =	simm.s32 @!p1 $0x40  }
0x56: {  	[tilespmem:s3], [sflag:$0x1] =	stream.indirect.gather @!p1 [hbm4b:s7+s5], $0x20, s4, s5, $0xb8;
	[tilespmem:$0x1E400] =	vst v63  }
0x57: {  	s3 =	simm.s32 @!p1 $0x1C00  }
0x58: {  	[tilespmem:s3], [sflag:$0x2] =	stream.indirect.gather @!p1 [hbm4b:s7+s5], $0x20, s5, s5, $0xb8;
	[tilespmem:$0x1E400] =	vst v63  }
0x59: {  	s4 =	simm.s32 @!p1 $0x2400;
	s3 =	simm.s32 @!p1 $0x80  }
0x5a: {  	[tilespmem:s4], [sflag:$0x3] =	stream.indirect.gather @!p1 [hbm4b:s7+s5], $0x20, s3, s5, $0xb8;
	[tilespmem:$0x1E400] =	vst v63  }
0x5b: {  	s3 =	simm.s32 @!p1 $0xC0;
	s4 =	simm.s32 @!p1 $0x2C00  }
0x5c: {  	[tilespmem:s4], [sflag:$0x4] =	stream.indirect.gather @!p1 [hbm4b:s7+s5], $0x20, s3, s5, $0xb8;
	[tilespmem:$0x1E400] =	vst v63  }
0x5d: {  	s3 =	simm.s32 @!p1 $0x100;
	s4 =	simm.s32 @!p1 $0x3400  }
0x5e: {  	[tilespmem:s4], [sflag:$0x5] =	stream.indirect.gather @!p1 [hbm4b:s7+s5], $0x20, s3, s5, $0xb8;
	[tilespmem:$0x1E400] =	vst v63  }
0x5f: {  	s3 =	simm.s32 @!p1 $0x140;
	s4 =	simm.s32 @!p1 $0x3C00  }
0x60: {  	[tilespmem:s4], [sflag:$0x6] =	stream.indirect.gather @!p1 [hbm4b:s7+s5], $0x20, s3, s5, $0xb8;
	[tilespmem:$0x1E400] =	vst v63  }
0x61: {  	s3 =	simm.s32 @!p1 $0x180;
	s4 =	simm.s32 @!p1 $0x4400  }
0x62: {  	[tilespmem:s4], [sflag:$0x7] =	stream.indirect.gather @!p1 [hbm4b:s7+s5], $0x20, s3, s5, $0xb8;
	[tilespmem:$0x1E400] =	vst v63  }
0x63: {  	s15 =	simm.s32 $0x1C0  }
0x64: {  	[tilespmem:s17], [sflag:$0x8] =	stream.indirect.gather [hbm4b:s7+s16], $0x20, s15, s16, $0xb8;
	[tilespmem:$0x1E400] =	vst v63  }
0x65: {  	_ =	swait.ge [sflag:s18], $0x800  }
0x66: {  	[sflag:s18] =	ssyncset.done $0x0  }
0x67: {  	s19 =	simm.s32 $0xA00;
	[sflag:s18] =	ssyncadd.s32 $0xFFFFF800  }
0x68: {  	[spmem:s1] =	stream.indirect.scatter.add.f32 [tilespmem:s12], [sflag:$0x9], $0x20, s19, s16, $0xb8;
	[tilespmem:$0x1E400] =	vst v63  }
0x69: {  	s3 =	simm.s32 @p1 $0x40;
	_ =	swait.ge [sflag:s20], $0x800  }
0x6a: {  	s3 =	simm.s32 @!p1 $0x40;
	[sflag:s20] =	ssyncset.done $0x0  }
0x6b: {  	s3 =	sadd.s32 $0xA00, s3;
	[sflag:s20] =	ssyncadd.s32 $0xFFFFF800  }
0x6c: {  	[spmem:s1] =	stream.indirect.scatter.add.f32 [tilespmem:s21], [sflag:$0xA], $0x20, s3, s16, $0xb8;
	[tilespmem:$0x1E400] =	vst v63  }
0x6d: {  	s3 =	simm.s32 @p1 $0x80;
	_ =	swait.ge [sflag:s22], $0x800  }
0x6e: {  	s3 =	simm.s32 @!p1 $0x80;
	[sflag:s22] =	ssyncset.done $0x0  }
0x6f: {  	s3 =	sadd.s32 $0xA00, s3;
	[sflag:s22] =	ssyncadd.s32 $0xFFFFF800  }
0x70: {  	[spmem:s1] =	stream.indirect.scatter.add.f32 [tilespmem:s23], [sflag:$0xB], $0x20, s3, s16, $0xb8;
	[tilespmem:$0x1E400] =	vst v63  }
0x71: {  	s3 =	simm.s32 @p1 $0xC0;
	_ =	swait.ge [sflag:s24], $0x800  }
0x72: {  	s3 =	simm.s32 @!p1 $0xC0;
	[sflag:s24] =	ssyncset.done $0x0  }
0x73: {  	s3 =	sadd.s32 $0xA00, s3;
	[sflag:s24] =	ssyncadd.s32 $0xFFFFF800  }
0x74: {  	[spmem:s1] =	stream.indirect.scatter.add.f32 [tilespmem:s25], [sflag:$0xC], $0x20, s3, s16, $0xb8;
	[tilespmem:$0x1E400] =	vst v63  }
0x75: {  	s3 =	simm.s32 @p1 $0x100;
	_ =	swait.ge [sflag:s26], $0x800  }
0x76: {  	s3 =	simm.s32 @!p1 $0x100;
	[sflag:s26] =	ssyncset.done $0x0  }
0x77: {  	s3 =	sadd.s32 $0xA00, s3;
	[sflag:s26] =	ssyncadd.s32 $0xFFFFF800  }
0x78: {  	[spmem:s1] =	stream.indirect.scatter.add.f32 [tilespmem:s28], [sflag:$0xD], $0x20, s3, s16, $0xb8;
	[tilespmem:$0x1E400] =	vst v63  }
0x79: {  	s3 =	simm.s32 @p1 $0x140;
	_ =	swait.ge [sflag:s29], $0x800  }
0x7a: {  	s3 =	simm.s32 @!p1 $0x140;
	[sflag:s29] =	ssyncset.done $0x0  }
0x7b: {  	s3 =	sadd.s32 $0xA00, s3;
	[sflag:s29] =	ssyncadd.s32 $0xFFFFF800  }
0x7c: {  	[spmem:s1] =	stream.indirect.scatter.add.f32 [tilespmem:s30], [sflag:$0xE], $0x20, s3, s16, $0xb8;
	[tilespmem:$0x1E400] =	vst v63  }
0x7d: {  	s3 =	simm.s32 $0x180;
	_ =	swait.ge [sflag:s31], $0x800  }
0x7e: {  	s3 =	simm.s32 @!p1 $0x180;
	[sflag:s31] =	ssyncset.done $0x0  }
0x7f: {  	s9 =	simm.s32 $0xBC0;
	s3 =	sadd.s32 $0xA00, s3;
	[sflag:s31] =	ssyncadd.s32 $0xFFFFF800  }
0x80: {  	[spmem:s1] =	stream.indirect.scatter.add.f32 [tilespmem:s0], [sflag:$0xF], $0x20, s3, s16, $0xb8;
	[tilespmem:$0x1E400] =	vst v63  }
0x81: {  	s11 =	simm.s32 $0x1000;
	s8 =	simm.s32 $0x800;
	_ =	swait.ge [sflag:s2], $0x800  }
0x82: {  	s5 =	simm.s32 $0x380;
	p1 =	por $0x1, $0x1;
	[sflag:s2] =	ssyncset.done $0x0  }
.LBB2_6:
0x83: {  	s3 =	simm.s32 @p1 $0x9  }
0x84: {  	[sflag:s2] =	ssyncadd.s32 $0xFFFFF800;
	s12 =	smov.u32 s11;
	s11 =	sadd.s32 $0x800, s11  }
0x85: {  	[spmem:s1] =	stream.indirect.scatter.add.f32 [tilespmem:s17], [sflag:$0x10], $0x20, s9, s16, $0xb8;
	[tilespmem:$0x1E400] =	vst v63  }
0x86: {  	p2 =	sne.s32 s11, $0x2800;
	_ =	swait.ge @p1 [sflag:s3], $0x800  }
0x87: {  	s4 =	simm.s32 @p1 $0x1400;
	s13 =	simm.s32 @p1 $0xA;
	[sflag:s3] =	ssyncset.done @p1 $0x0  }
0x88: {  	s9 =	simm.s32 @p1 $0x40;
	[sflag:s3] =	ssyncadd.s32 @p1 $0xFFFFF800;
	s3 =	sshra.s32 @p1 s8, $0x2  }
0x89: {  	[tilespmem:s4], [sflag:$0x1] =	stream.indirect.gather @p1 [hbm4b:s7+s9], $0x20, s3, s9, $0xb8;
	[tilespmem:$0x1E400] =	vst v63  }
0x8a: {  	s4 =	sadd.s32 @p1 $0x40, s3;
	s14 =	sadd.s32 @p1 $0x80, s3;
	_ =	swait.ge @p1 [sflag:s13], $0x800  }
0x8b: {  	s15 =	sadd.s32 @p1 $0xC0, s3;
	s19 =	sadd.s32 @p1 $0x100, s3;
	[sflag:s13] =	ssyncset.done @p1 $0x0  }
0x8c: {  	s10 =	simm.s32 @p1 $0xB;
	[sflag:s13] =	ssyncadd.s32 @p1 $0xFFFFF800;
	s13 =	simm.s32 @p1 $0x1C00  }
0x8d: {  	[tilespmem:s13], [sflag:$0x2] =	stream.indirect.gather @p1 [hbm4b:s7+s9], $0x20, s4, s9, $0xb8;
	[tilespmem:$0x1E400] =	vst v63  }
0x8e: {  	s4 =	sadd.s32 @p1 $0x140, s3;
	s3 =	sadd.s32 @p1 $0x180, s3;
	_ =	swait.ge @p1 [sflag:s10], $0x800  }
0x8f: {  	[sflag:s10] =	ssyncset.done @p1 $0x0  }
0x90: {  	s13 =	simm.s32 @p1 $0xC;
	[sflag:s10] =	ssyncadd.s32 @p1 $0xFFFFF800;
	s10 =	simm.s32 @p1 $0x2400  }
0x91: {  	[tilespmem:s10], [sflag:$0x3] =	stream.indirect.gather @p1 [hbm4b:s7+s9], $0x20, s14, s9, $0xb8;
	[tilespmem:$0x1E400] =	vst v63  }
0x92: {  	_ =	swait.ge @p1 [sflag:s13], $0x800  }
0x93: {  	[sflag:s13] =	ssyncset.done @p1 $0x0  }
0x94: {  	s10 =	simm.s32 @p1 $0x2C00;
	[sflag:s13] =	ssyncadd.s32 @p1 $0xFFFFF800;
	s13 =	simm.s32 @p1 $0xD  }
0x95: {  	[tilespmem:s10], [sflag:$0x4] =	stream.indirect.gather @p1 [hbm4b:s7+s9], $0x20, s15, s9, $0xb8;
	[tilespmem:$0x1E400] =	vst v63  }
0x96: {  	_ =	swait.ge @p1 [sflag:s13], $0x800  }
0x97: {  	[sflag:s13] =	ssyncset.done @p1 $0x0  }
0x98: {  	s10 =	simm.s32 @p1 $0x3400;
	[sflag:s13] =	ssyncadd.s32 @p1 $0xFFFFF800;
	s13 =	simm.s32 @p1 $0xE  }
0x99: {  	[tilespmem:s10], [sflag:$0x5] =	stream.indirect.gather @p1 [hbm4b:s7+s9], $0x20, s19, s9, $0xb8;
	[tilespmem:$0x1E400] =	vst v63  }
0x9a: {  	_ =	swait.ge @p1 [sflag:s13], $0x800  }
0x9b: {  	[sflag:s13] =	ssyncset.done @p1 $0x0  }
0x9c: {  	s10 =	simm.s32 @p1 $0x3C00;
	[sflag:s13] =	ssyncadd.s32 @p1 $0xFFFFF800;
	s13 =	simm.s32 @p1 $0xF  }
0x9d: {  	[tilespmem:s10], [sflag:$0x6] =	stream.indirect.gather @p1 [hbm4b:s7+s9], $0x20, s4, s9, $0xb8;
	[tilespmem:$0x1E400] =	vst v63  }
0x9e: {  	_ =	swait.ge @p1 [sflag:s13], $0x800  }
0x9f: {  	[sflag:s13] =	ssyncset.done @p1 $0x0  }
0xa0: {  	s4 =	simm.s32 @p1 $0x4400;
	s10 =	simm.s32 @p1 $0x10;
	[sflag:s13] =	ssyncadd.s32 @p1 $0xFFFFF800  }
0xa1: {  	[tilespmem:s4], [sflag:$0x7] =	stream.indirect.gather @p1 [hbm4b:s7+s9], $0x20, s3, s9, $0xb8;
	[tilespmem:$0x1E400] =	vst v63  }
0xa2: {  	_ =	swait.ge @p1 [sflag:s10], $0x800  }
0xa3: {  	s3 =	simm.s32 @!p1 $0x1400;
	[sflag:s10] =	ssyncset.done @p1 $0x0  }
0xa4: {  	s4 =	sshra.s32 @!p1 s8, $0x2;
	[sflag:s10] =	ssyncadd.s32 @p1 $0xFFFFF800;
	s10 =	simm.s32 @!p1 $0x40  }
0xa5: {  	[tilespmem:s3], [sflag:$0x1] =	stream.indirect.gather @!p1 [hbm4b:s7+s10], $0x20, s4, s10, $0xb8;
	[tilespmem:$0x1E400] =	vst v63  }
0xa6: {  	s3 =	simm.s32 @!p1 $0x1C00  }
0xa7: {  	[tilespmem:s3], [sflag:$0x2] =	stream.indirect.gather @!p1 [hbm4b:s7+s10], $0x20, s10, s10, $0xb8;
	[tilespmem:$0x1E400] =	vst v63  }
0xa8: {  	s4 =	simm.s32 @!p1 $0x2400;
	s3 =	simm.s32 @!p1 $0x80  }
0xa9: {  	[tilespmem:s4], [sflag:$0x3] =	stream.indirect.gather @!p1 [hbm4b:s7+s10], $0x20, s3, s10, $0xb8;
	[tilespmem:$0x1E400] =	vst v63  }
0xaa: {  	s3 =	simm.s32 @!p1 $0xC0;
	s4 =	simm.s32 @!p1 $0x2C00  }
0xab: {  	[tilespmem:s4], [sflag:$0x4] =	stream.indirect.gather @!p1 [hbm4b:s7+s10], $0x20, s3, s10, $0xb8;
	[tilespmem:$0x1E400] =	vst v63  }
0xac: {  	s3 =	simm.s32 @!p1 $0x100;
	s4 =	simm.s32 @!p1 $0x3400  }
0xad: {  	[tilespmem:s4], [sflag:$0x5] =	stream.indirect.gather @!p1 [hbm4b:s7+s10], $0x20, s3, s10, $0xb8;
	[tilespmem:$0x1E400] =	vst v63  }
0xae: {  	s3 =	simm.s32 @!p1 $0x140;
	s4 =	simm.s32 @!p1 $0x3C00  }
0xaf: {  	[tilespmem:s4], [sflag:$0x6] =	stream.indirect.gather @!p1 [hbm4b:s7+s10], $0x20, s3, s10, $0xb8;
	[tilespmem:$0x1E400] =	vst v63  }
0xb0: {  	s9 =	sshra.s32 s8, $0x2;
	s3 =	simm.s32 @!p1 $0x180;
	s4 =	simm.s32 @!p1 $0x4400  }
0xb1: {  	[tilespmem:s4], [sflag:$0x7] =	stream.indirect.gather @!p1 [hbm4b:s7+s10], $0x20, s3, s10, $0xb8;
	[tilespmem:$0x1E400] =	vst v63  }
0xb2: {  	s8 =	smov.u32 s12;
	s12 =	simm.s32 $0x1400;
	s3 =	sadd.s32 $0x1C0, s9  }
0xb3: {  	[tilespmem:s17], [sflag:$0x8] =	stream.indirect.gather [hbm4b:s7+s16], $0x20, s3, s16, $0xb8;
	[tilespmem:$0x1E400] =	vst v63  }
0xb4: {  	_ =	swait.ge [sflag:s18], $0x800  }
0xb5: {  	[sflag:s18] =	ssyncset.done $0x0  }
0xb6: {  	s3 =	sadd.s32 $0xA00, s9;
	[sflag:s18] =	ssyncadd.s32 $0xFFFFF800  }
0xb7: {  	[spmem:s1] =	stream.indirect.scatter.add.f32 [tilespmem:s12], [sflag:$0x9], $0x20, s3, s16, $0xb8;
	[tilespmem:$0x1E400] =	vst v63  }
0xb8: {  	s3 =	sadd.s32 @p1 $0xFFFFFEC0, s5;
	_ =	swait.ge [sflag:s20], $0x800  }
0xb9: {  	s3 =	simm.s32 @!p1 $0x40;
	[sflag:s20] =	ssyncset.done $0x0  }
0xba: {  	s3 =	sadd.s32 $0xA00, s3;
	[sflag:s20] =	ssyncadd.s32 $0xFFFFF800  }
0xbb: {  	[spmem:s1] =	stream.indirect.scatter.add.f32 [tilespmem:s21], [sflag:$0xA], $0x20, s3, s16, $0xb8;
	[tilespmem:$0x1E400] =	vst v63  }
0xbc: {  	s3 =	sadd.s32 @p1 $0xFFFFFF00, s5;
	_ =	swait.ge [sflag:s22], $0x800  }
0xbd: {  	s3 =	simm.s32 @!p1 $0x80;
	[sflag:s22] =	ssyncset.done $0x0  }
0xbe: {  	s3 =	sadd.s32 $0xA00, s3;
	[sflag:s22] =	ssyncadd.s32 $0xFFFFF800  }
0xbf: {  	[spmem:s1] =	stream.indirect.scatter.add.f32 [tilespmem:s23], [sflag:$0xB], $0x20, s3, s16, $0xb8;
	[tilespmem:$0x1E400] =	vst v63  }
0xc0: {  	s3 =	sadd.s32 @p1 $0xFFFFFF40, s5;
	_ =	swait.ge [sflag:s24], $0x800  }
0xc1: {  	s3 =	simm.s32 @!p1 $0xC0;
	[sflag:s24] =	ssyncset.done $0x0  }
0xc2: {  	s3 =	sadd.s32 $0xA00, s3;
	[sflag:s24] =	ssyncadd.s32 $0xFFFFF800  }
0xc3: {  	[spmem:s1] =	stream.indirect.scatter.add.f32 [tilespmem:s25], [sflag:$0xC], $0x20, s3, s16, $0xb8;
	[tilespmem:$0x1E400] =	vst v63  }
0xc4: {  	s3 =	sadd.s32 @p1 $0xFFFFFF80, s5;
	_ =	swait.ge [sflag:s26], $0x800  }
0xc5: {  	s3 =	simm.s32 @!p1 $0x100;
	[sflag:s26] =	ssyncset.done $0x0  }
0xc6: {  	s3 =	sadd.s32 $0xA00, s3;
	[sflag:s26] =	ssyncadd.s32 $0xFFFFF800  }
0xc7: {  	[spmem:s1] =	stream.indirect.scatter.add.f32 [tilespmem:s28], [sflag:$0xD], $0x20, s3, s16, $0xb8;
	[tilespmem:$0x1E400] =	vst v63  }
0xc8: {  	s3 =	sadd.s32 @p1 $0xFFFFFFC0, s5;
	_ =	swait.ge [sflag:s29], $0x800  }
0xc9: {  	s3 =	simm.s32 @!p1 $0x140;
	[sflag:s29] =	ssyncset.done $0x0  }
0xca: {  	s3 =	sadd.s32 $0xA00, s3;
	[sflag:s29] =	ssyncadd.s32 $0xFFFFF800  }
0xcb: {  	[spmem:s1] =	stream.indirect.scatter.add.f32 [tilespmem:s30], [sflag:$0xE], $0x20, s3, s16, $0xb8;
	[tilespmem:$0x1E400] =	vst v63  }
0xcc: {  	s3 =	smov.u32 s5;
	_ =	swait.ge [sflag:s31], $0x800  }
.Ltmp3:
0xcd: {  	s3 =	simm.s32 @!p1 $0x180;
	[sflag:s31] =	ssyncset.done $0x0;
	(pc) =	sbr.rel @p2 .LBB2_6-.Ltmp3, $4  }
0xce: {  	s3 =	sadd.s32 $0xA00, s3;
	[sflag:s31] =	ssyncadd.s32 $0xFFFFF800  }
0xcf: {  	[spmem:s1] =	stream.indirect.scatter.add.f32 [tilespmem:s0], [sflag:$0xF], $0x20, s3, s16, $0xb8;
	[tilespmem:$0x1E400] =	vst v63  }
0xd0: {  	s5 =	sadd.s32 $0x200, s5;
	_ =	swait.ge [sflag:s2], $0x800  }
0xd1: {  	s9 =	sadd.s32 $0xBC0, s9;
	p1 =	sne.s32 s8, $0x0;
	[sflag:s2] =	ssyncset.done $0x0  }
0xd2: {  	s3 =	simm.s32 @p1 $0x9;
	[sflag:s2] =	ssyncadd.s32 $0xFFFFF800  }
0xd3: {  	[spmem:s1] =	stream.indirect.scatter.add.f32 [tilespmem:s17], [sflag:$0x10], $0x20, s9, s16, $0xb8;
	[tilespmem:$0x1E400] =	vst v63  }
0xd4: {  	_ =	swait.ge @p1 [sflag:s3], $0x800  }
0xd5: {  	s4 =	simm.s32 @p1 $0x1400;
	s10 =	simm.s32 @p1 $0x40;
	[sflag:s3] =	ssyncset.done @p1 $0x0  }
0xd6: {  	s9 =	simm.s32 @p1 $0xA;
	[sflag:s3] =	ssyncadd.s32 @p1 $0xFFFFF800;
	s3 =	sshra.s32 @p1 s8, $0x2  }
0xd7: {  	[tilespmem:s4], [sflag:$0x1] =	stream.indirect.gather @p1 [hbm4b:s7+s10], $0x20, s3, s10, $0xb8;
	[tilespmem:$0x1E400] =	vst v63  }
0xd8: {  	_ =	swait.ge @p1 [sflag:s9], $0x800  }
0xd9: {  	[sflag:s9] =	ssyncset.done @p1 $0x0  }
0xda: {  	s4 =	sadd.s32 @p1 $0x40, s3;
	[sflag:s9] =	ssyncadd.s32 @p1 $0xFFFFF800;
	s9 =	simm.s32 @p1 $0x1C00  }
0xdb: {  	[tilespmem:s9], [sflag:$0x2] =	stream.indirect.gather @p1 [hbm4b:s7+s10], $0x20, s4, s10, $0xb8;
	[tilespmem:$0x1E400] =	vst v63  }
0xdc: {  	s4 =	simm.s32 @p1 $0xB  }
0xdd: {  	_ =	swait.ge @p1 [sflag:s4], $0x800  }
0xde: {  	[sflag:s4] =	ssyncset.done @p1 $0x0  }
0xdf: {  	s9 =	sadd.s32 @p1 $0x80, s3;
	[sflag:s4] =	ssyncadd.s32 @p1 $0xFFFFF800;
	s4 =	simm.s32 @p1 $0x2400  }
0xe0: {  	[tilespmem:s4], [sflag:$0x3] =	stream.indirect.gather @p1 [hbm4b:s7+s10], $0x20, s9, s10, $0xb8;
	[tilespmem:$0x1E400] =	vst v63  }
0xe1: {  	s4 =	simm.s32 @p1 $0xC  }
0xe2: {  	_ =	swait.ge @p1 [sflag:s4], $0x800  }
0xe3: {  	[sflag:s4] =	ssyncset.done @p1 $0x0  }
0xe4: {  	s9 =	sadd.s32 @p1 $0xC0, s3;
	[sflag:s4] =	ssyncadd.s32 @p1 $0xFFFFF800;
	s4 =	simm.s32 @p1 $0x2C00  }
0xe5: {  	[tilespmem:s4], [sflag:$0x4] =	stream.indirect.gather @p1 [hbm4b:s7+s10], $0x20, s9, s10, $0xb8;
	[tilespmem:$0x1E400] =	vst v63  }
0xe6: {  	s4 =	simm.s32 @p1 $0xD  }
0xe7: {  	_ =	swait.ge @p1 [sflag:s4], $0x800  }
0xe8: {  	[sflag:s4] =	ssyncset.done @p1 $0x0  }
0xe9: {  	s9 =	sadd.s32 @p1 $0x100, s3;
	[sflag:s4] =	ssyncadd.s32 @p1 $0xFFFFF800;
	s4 =	simm.s32 @p1 $0x3400  }
0xea: {  	[tilespmem:s4], [sflag:$0x5] =	stream.indirect.gather @p1 [hbm4b:s7+s10], $0x20, s9, s10, $0xb8;
	[tilespmem:$0x1E400] =	vst v63  }
0xeb: {  	s4 =	simm.s32 @p1 $0xE  }
0xec: {  	_ =	swait.ge @p1 [sflag:s4], $0x800  }
0xed: {  	[sflag:s4] =	ssyncset.done @p1 $0x0  }
0xee: {  	s9 =	sadd.s32 @p1 $0x140, s3;
	[sflag:s4] =	ssyncadd.s32 @p1 $0xFFFFF800;
	s4 =	simm.s32 @p1 $0x3C00  }
0xef: {  	[tilespmem:s4], [sflag:$0x6] =	stream.indirect.gather @p1 [hbm4b:s7+s10], $0x20, s9, s10, $0xb8;
	[tilespmem:$0x1E400] =	vst v63  }
0xf0: {  	s4 =	simm.s32 @p1 $0xF  }
0xf1: {  	_ =	swait.ge @p1 [sflag:s4], $0x800  }
0xf2: {  	[sflag:s4] =	ssyncset.done @p1 $0x0  }
0xf3: {  	s3 =	sadd.s32 @p1 $0x180, s3;
	[sflag:s4] =	ssyncadd.s32 @p1 $0xFFFFF800;
	s4 =	simm.s32 @p1 $0x4400  }
0xf4: {  	[tilespmem:s4], [sflag:$0x7] =	stream.indirect.gather @p1 [hbm4b:s7+s10], $0x20, s3, s10, $0xb8;
	[tilespmem:$0x1E400] =	vst v63  }
0xf5: {  	s3 =	simm.s32 @p1 $0x10  }
0xf6: {  	_ =	swait.ge @p1 [sflag:s3], $0x800  }
0xf7: {  	s9 =	simm.s32 @!p1 $0x40;
	[sflag:s3] =	ssyncset.done @p1 $0x0  }
0xf8: {  	s4 =	simm.s32 @!p1 $0x1400;
	[sflag:s3] =	ssyncadd.s32 @p1 $0xFFFFF800;
	s3 =	sshra.s32 @!p1 s8, $0x2  }
0xf9: {  	[tilespmem:s4], [sflag:$0x1] =	stream.indirect.gather @!p1 [hbm4b:s7+s9], $0x20, s3, s9, $0xb8;
	[tilespmem:$0x1E400] =	vst v63  }
0xfa: {  	s3 =	simm.s32 @!p1 $0x1C00  }
0xfb: {  	[tilespmem:s3], [sflag:$0x2] =	stream.indirect.gather @!p1 [hbm4b:s7+s9], $0x20, s9, s9, $0xb8;
	[tilespmem:$0x1E400] =	vst v63  }
0xfc: {  	s4 =	simm.s32 @!p1 $0x2400;
	s3 =	simm.s32 @!p1 $0x80  }
0xfd: {  	[tilespmem:s4], [sflag:$0x3] =	stream.indirect.gather @!p1 [hbm4b:s7+s9], $0x20, s3, s9, $0xb8;
	[tilespmem:$0x1E400] =	vst v63  }
0xfe: {  	s3 =	simm.s32 @!p1 $0xC0;
	s4 =	simm.s32 @!p1 $0x2C00  }
0xff: {  	[tilespmem:s4], [sflag:$0x4] =	stream.indirect.gather @!p1 [hbm4b:s7+s9], $0x20, s3, s9, $0xb8;
	[tilespmem:$0x1E400] =	vst v63  }
0x100: {  	s3 =	simm.s32 @!p1 $0x100;
	s4 =	simm.s32 @!p1 $0x3400  }
0x101: {  	[tilespmem:s4], [sflag:$0x5] =	stream.indirect.gather @!p1 [hbm4b:s7+s9], $0x20, s3, s9, $0xb8;
	[tilespmem:$0x1E400] =	vst v63  }
0x102: {  	s3 =	simm.s32 @!p1 $0x140;
	s4 =	simm.s32 @!p1 $0x3C00  }
0x103: {  	[tilespmem:s4], [sflag:$0x6] =	stream.indirect.gather @!p1 [hbm4b:s7+s9], $0x20, s3, s9, $0xb8;
	[tilespmem:$0x1E400] =	vst v63  }
0x104: {  	s13 =	sshra.s32 s8, $0x2;
	s3 =	simm.s32 @!p1 $0x180;
	s4 =	simm.s32 @!p1 $0x4400  }
0x105: {  	[tilespmem:s4], [sflag:$0x7] =	stream.indirect.gather @!p1 [hbm4b:s7+s9], $0x20, s3, s9, $0xb8;
	[tilespmem:$0x1E400] =	vst v63  }
0x106: {  	s14 =	sadd.s32 $0x1C0, s13  }
0x107: {  	[tilespmem:s17], [sflag:$0x8] =	stream.indirect.gather [hbm4b:s7+s16], $0x20, s14, s16, $0xb8;
	[tilespmem:$0x1E400] =	vst v63  }
0x108: {  	_ =	swait.ge [sflag:s18], $0x800  }
0x109: {  	[sflag:s18] =	ssyncset.done $0x0  }
0x10a: {  	s15 =	sadd.s32 $0xA00, s13;
	[sflag:s18] =	ssyncadd.s32 $0xFFFFF800  }
0x10b: {  	[spmem:s1] =	stream.indirect.scatter.add.f32 [tilespmem:s12], [sflag:$0x9], $0x20, s15, s16, $0xb8;
	[tilespmem:$0x1E400] =	vst v63  }
0x10c: {  	s4 =	sadd.s32 @p1 $0xFFFFFEC0, s5;
	_ =	swait.ge [sflag:s20], $0x800  }
0x10d: {  	s4 =	simm.s32 @!p1 $0x40;
	[sflag:s20] =	ssyncset.done $0x0  }
0x10e: {  	s4 =	sadd.s32 $0xA00, s4;
	[sflag:s20] =	ssyncadd.s32 $0xFFFFF800  }
0x10f: {  	[spmem:s1] =	stream.indirect.scatter.add.f32 [tilespmem:s21], [sflag:$0xA], $0x20, s4, s16, $0xb8;
	[tilespmem:$0x1E400] =	vst v63  }
0x110: {  	s4 =	sadd.s32 @p1 $0xFFFFFF00, s5;
	_ =	swait.ge [sflag:s22], $0x800  }
0x111: {  	s4 =	simm.s32 @!p1 $0x80;
	[sflag:s22] =	ssyncset.done $0x0  }
0x112: {  	s4 =	sadd.s32 $0xA00, s4;
	[sflag:s22] =	ssyncadd.s32 $0xFFFFF800  }
0x113: {  	[spmem:s1] =	stream.indirect.scatter.add.f32 [tilespmem:s23], [sflag:$0xB], $0x20, s4, s16, $0xb8;
	[tilespmem:$0x1E400] =	vst v63  }
0x114: {  	s4 =	sadd.s32 @p1 $0xFFFFFF40, s5;
	_ =	swait.ge [sflag:s24], $0x800  }
0x115: {  	s4 =	simm.s32 @!p1 $0xC0;
	[sflag:s24] =	ssyncset.done $0x0  }
0x116: {  	s4 =	sadd.s32 $0xA00, s4;
	[sflag:s24] =	ssyncadd.s32 $0xFFFFF800  }
0x117: {  	[spmem:s1] =	stream.indirect.scatter.add.f32 [tilespmem:s25], [sflag:$0xC], $0x20, s4, s16, $0xb8;
	[tilespmem:$0x1E400] =	vst v63  }
0x118: {  	s4 =	sadd.s32 @p1 $0xFFFFFF80, s5;
	_ =	swait.ge [sflag:s26], $0x800  }
0x119: {  	s4 =	simm.s32 @!p1 $0x100;
	[sflag:s26] =	ssyncset.done $0x0  }
0x11a: {  	s4 =	sadd.s32 $0xA00, s4;
	[sflag:s26] =	ssyncadd.s32 $0xFFFFF800  }
0x11b: {  	[spmem:s1] =	stream.indirect.scatter.add.f32 [tilespmem:s28], [sflag:$0xD], $0x20, s4, s16, $0xb8;
	[tilespmem:$0x1E400] =	vst v63  }
0x11c: {  	s4 =	sadd.s32 @p1 $0xFFFFFFC0, s5;
	_ =	swait.ge [sflag:s29], $0x800  }
0x11d: {  	s4 =	simm.s32 @!p1 $0x140;
	[sflag:s29] =	ssyncset.done $0x0  }
0x11e: {  	s4 =	sadd.s32 $0xA00, s4;
	[sflag:s29] =	ssyncadd.s32 $0xFFFFF800  }
0x11f: {  	[spmem:s1] =	stream.indirect.scatter.add.f32 [tilespmem:s30], [sflag:$0xE], $0x20, s4, s16, $0xb8;
	[tilespmem:$0x1E400] =	vst v63  }
0x120: {  	_ =	swait.ge [sflag:s31], $0x800  }
0x121: {  	s5 =	simm.s32 @!p1 $0x180;
	[sflag:s31] =	ssyncset.done $0x0  }
0x122: {  	s19 =	sadd.s32 $0xA00, s5;
	[sflag:s31] =	ssyncadd.s32 $0xFFFFF800  }
0x123: {  	[spmem:s1] =	stream.indirect.scatter.add.f32 [tilespmem:s0], [sflag:$0xF], $0x20, s19, s16, $0xb8;
	[tilespmem:$0x1E400] =	vst v63  }
0x124: {  	_ =	swait.ge [sflag:s2], $0x800  }
0x125: {  	[sflag:s2] =	ssyncset.done $0x0  }
0x126: {  	s3 =	sadd.s32 $0xBC0, s13;
	s5 =	simm.s32 $0x9;
	[sflag:s2] =	ssyncadd.s32 $0xFFFFF800  }
0x127: {  	[spmem:s1] =	stream.indirect.scatter.add.f32 [tilespmem:s17], [sflag:$0x10], $0x20, s3, s16, $0xb8;
	[tilespmem:$0x1E400] =	vst v63  }
0x128: {  	_ =	swait.ge [sflag:s5], $0x800  }
0x129: {  	[sflag:s5] =	ssyncset.done $0x0  }
0x12a: {  	s8 =	simm.s32 $0xA;
	[sflag:s5] =	ssyncadd.s32 $0xFFFFF800  }
0x12b: {  	_ =	swait.ge [sflag:s8], $0x800  }
0x12c: {  	[sflag:s8] =	ssyncset.done $0x0  }
0x12d: {  	s9 =	simm.s32 $0xB;
	[sflag:s8] =	ssyncadd.s32 $0xFFFFF800  }
0x12e: {  	_ =	swait.ge [sflag:s9], $0x800  }
0x12f: {  	[sflag:s9] =	ssyncset.done $0x0  }
0x130: {  	s10 =	simm.s32 $0xC;
	[sflag:s9] =	ssyncadd.s32 $0xFFFFF800  }
0x131: {  	_ =	swait.ge [sflag:s10], $0x800  }
0x132: {  	[sflag:s10] =	ssyncset.done $0x0  }
0x133: {  	s11 =	simm.s32 $0xD;
	[sflag:s10] =	ssyncadd.s32 $0xFFFFF800  }
0x134: {  	_ =	swait.ge [sflag:s11], $0x800  }
0x135: {  	[sflag:s11] =	ssyncset.done $0x0  }
0x136: {  	s13 =	simm.s32 $0xE;
	[sflag:s11] =	ssyncadd.s32 $0xFFFFF800  }
0x137: {  	_ =	swait.ge [sflag:s13], $0x800  }
0x138: {  	[sflag:s13] =	ssyncset.done $0x0  }
0x139: {  	s14 =	simm.s32 $0xF;
	[sflag:s13] =	ssyncadd.s32 $0xFFFFF800  }
0x13a: {  	_ =	swait.ge [sflag:s14], $0x800  }
0x13b: {  	[sflag:s14] =	ssyncset.done $0x0  }
0x13c: {  	s15 =	simm.s32 $0x10;
	[sflag:s14] =	ssyncadd.s32 $0xFFFFF800  }
0x13d: {  	_ =	swait.ge [sflag:s15], $0x800  }
0x13e: {  	s19 =	rddreg [dreg:$0xd]  }
0x13f: {  	s5 =	sadd.s32 $0x1, s19  }
0x140: {  	p1 =	sne.s32 s5, $0x14  }
.Ltmp4:
0x141: {  	_ = 	snop;
	(pc) =	sbr.rel @p1 .LBB2_5-.Ltmp4, $4  }
.Ltmp5:
0x142: {  	_ = 	snop;
	(pc) =	sbr.rel @!p1 .LBB2_8-.Ltmp5, $4  }
0x143: {  	_ = 	snop  }
0x144: {  	[sflag:s15] =	ssyncset.done $0x0  }
0x145: {  	s11 =	simm.s32 $0x11;
	[sflag:s15] =	ssyncadd.s32 $0xFFFFF800  }
0x146: {  	_ = 	snop  }
.LBB2_2:
0x147: {  	s8 =	smul.u32 $0x28, s4  }
0x148: {  	s3 =	rddreg [dreg:$0x8]  }
0x149: {  	s8 =	sadd.s32 s3, s8  }
0x14a: {  	s10 =	rddreg [dreg:$0x4];
	s8 =	sshll.u32 s8, $0x3  }
0x14b: {  	[dreg:$0xc] =	wrdreg s4;
	s9 =	sadd.s32 s10, s8;
	s10 =	simm.s32 $0x0  }
0x14c: {  	[tilespmem:s10], [sflag:$0x11] =	stream.linear.gather [hbm4b:s9+s10], $0xA00, $0x38;
	[tilespmem:$0x1E400] =	vst v63  }
0x14d: {  	_ =	swait.ge [sflag:s11], $0xA00  }
0x14e: {  	[sflag:s11] =	ssyncset.done $0x0;
	s13 =	rddreg [dreg:$0x5]  }
0x14f: {  	s14 =	simm.s32 $0xA00;
	[sflag:s11] =	ssyncadd.s32 $0xFFFFF600;
	s8 =	sadd.s32 s13, s8  }
0x150: {  	[tilespmem:s14], [sflag:$0x11] =	stream.linear.gather [hbm4b:s8+s10], $0xA00, $0x38;
	[tilespmem:$0x1E400] =	vst v63  }
0x151: {  	_ =	swait.ge [sflag:s11], $0xA00  }
0x152: {  	p1 =	por $0x0, $0x0;
	[sflag:s11] =	ssyncset.done $0x0  }
0x153: {  	s8 =	simm.s32 @p1 $0x9;
	[sflag:s11] =	ssyncadd.s32 $0xFFFFF600  }
0x154: {  	_ =	swait.ge @p1 [sflag:s8], $0x800  }
0x155: {  	s9 =	simm.s32 @p1 $0x1400;
	s10 =	simm.s32 @p1 $0xA;
	[sflag:s8] =	ssyncset.done @p1 $0x0  }
0x156: {  	s11 =	simm.s32 @p1 $0x40;
	[sflag:s8] =	ssyncadd.s32 @p1 $0xFFFFF800;
	s8 =	simm.s32 @p1 $0x0  }
0x157: {  	[tilespmem:s9], [sflag:$0x1] =	stream.indirect.gather @p1 [hbm4b:s6+s11], $0x20, s8, s11, $0xb8;
	[tilespmem:$0x1E400] =	vst v63  }
0x158: {  	_ =	swait.ge @p1 [sflag:s10], $0x800  }
0x159: {  	s8 =	simm.s32 @p1 $0x40;
	[sflag:s10] =	ssyncset.done @p1 $0x0  }
0x15a: {  	s9 =	simm.s32 @p1 $0x1C00;
	[sflag:s10] =	ssyncadd.s32 @p1 $0xFFFFF800;
	s10 =	simm.s32 @p1 $0xB  }
0x15b: {  	[tilespmem:s9], [sflag:$0x2] =	stream.indirect.gather @p1 [hbm4b:s6+s11], $0x20, s8, s11, $0xb8;
	[tilespmem:$0x1E400] =	vst v63  }
0x15c: {  	_ =	swait.ge @p1 [sflag:s10], $0x800  }
0x15d: {  	s8 =	simm.s32 @p1 $0x80;
	[sflag:s10] =	ssyncset.done @p1 $0x0  }
0x15e: {  	s9 =	simm.s32 @p1 $0x2400;
	[sflag:s10] =	ssyncadd.s32 @p1 $0xFFFFF800;
	s10 =	simm.s32 @p1 $0xC  }
0x15f: {  	[tilespmem:s9], [sflag:$0x3] =	stream.indirect.gather @p1 [hbm4b:s6+s11], $0x20, s8, s11, $0xb8;
	[tilespmem:$0x1E400] =	vst v63  }
0x160: {  	_ =	swait.ge @p1 [sflag:s10], $0x800  }
0x161: {  	s8 =	simm.s32 @p1 $0xC0;
	[sflag:s10] =	ssyncset.done @p1 $0x0  }
0x162: {  	s9 =	simm.s32 @p1 $0x2C00;
	[sflag:s10] =	ssyncadd.s32 @p1 $0xFFFFF800;
	s10 =	simm.s32 @p1 $0xD  }
0x163: {  	[tilespmem:s9], [sflag:$0x4] =	stream.indirect.gather @p1 [hbm4b:s6+s11], $0x20, s8, s11, $0xb8;
	[tilespmem:$0x1E400] =	vst v63  }
0x164: {  	_ =	swait.ge @p1 [sflag:s10], $0x800  }
0x165: {  	s8 =	simm.s32 @p1 $0x100;
	[sflag:s10] =	ssyncset.done @p1 $0x0  }
0x166: {  	s9 =	simm.s32 @p1 $0x3400;
	[sflag:s10] =	ssyncadd.s32 @p1 $0xFFFFF800;
	s10 =	simm.s32 @p1 $0xE  }
0x167: {  	[tilespmem:s9], [sflag:$0x5] =	stream.indirect.gather @p1 [hbm4b:s6+s11], $0x20, s8, s11, $0xb8;
	[tilespmem:$0x1E400] =	vst v63  }
0x168: {  	_ =	swait.ge @p1 [sflag:s10], $0x800  }
0x169: {  	s8 =	simm.s32 @p1 $0x140;
	[sflag:s10] =	ssyncset.done @p1 $0x0  }
0x16a: {  	s9 =	simm.s32 @p1 $0x3C00;
	[sflag:s10] =	ssyncadd.s32 @p1 $0xFFFFF800;
	s10 =	simm.s32 @p1 $0xF  }
0x16b: {  	[tilespmem:s9], [sflag:$0x6] =	stream.indirect.gather @p1 [hbm4b:s6+s11], $0x20, s8, s11, $0xb8;
	[tilespmem:$0x1E400] =	vst v63  }
0x16c: {  	_ =	swait.ge @p1 [sflag:s10], $0x800  }
0x16d: {  	s8 =	simm.s32 @p1 $0x180;
	[sflag:s10] =	ssyncset.done @p1 $0x0  }
0x16e: {  	s9 =	simm.s32 @p1 $0x4400;
	[sflag:s10] =	ssyncadd.s32 @p1 $0xFFFFF800;
	s10 =	simm.s32 @p1 $0x10  }
0x16f: {  	[tilespmem:s9], [sflag:$0x7] =	stream.indirect.gather @p1 [hbm4b:s6+s11], $0x20, s8, s11, $0xb8;
	[tilespmem:$0x1E400] =	vst v63  }
0x170: {  	_ =	swait.ge @p1 [sflag:s10], $0x800  }
0x171: {  	s8 =	simm.s32 @!p1 $0x1400;
	[sflag:s10] =	ssyncset.done @p1 $0x0  }
0x172: {  	s9 =	simm.s32 @!p1 $0x0;
	[sflag:s10] =	ssyncadd.s32 @p1 $0xFFFFF800;
	s10 =	simm.s32 @!p1 $0x40  }
0x173: {  	[tilespmem:s8], [sflag:$0x1] =	stream.indirect.gather @!p1 [hbm4b:s6+s10], $0x20, s9, s10, $0xb8;
	[tilespmem:$0x1E400] =	vst v63  }
0x174: {  	s8 =	simm.s32 @!p1 $0x1C00  }
0x175: {  	[tilespmem:s8], [sflag:$0x2] =	stream.indirect.gather @!p1 [hbm4b:s6+s10], $0x20, s10, s10, $0xb8;
	[tilespmem:$0x1E400] =	vst v63  }
0x176: {  	s9 =	simm.s32 @!p1 $0x2400;
	s8 =	simm.s32 @!p1 $0x80  }
0x177: {  	[tilespmem:s9], [sflag:$0x3] =	stream.indirect.gather @!p1 [hbm4b:s6+s10], $0x20, s8, s10, $0xb8;
	[tilespmem:$0x1E400] =	vst v63  }
0x178: {  	s8 =	simm.s32 @!p1 $0xC0;
	s9 =	simm.s32 @!p1 $0x2C00  }
0x179: {  	[tilespmem:s9], [sflag:$0x4] =	stream.indirect.gather @!p1 [hbm4b:s6+s10], $0x20, s8, s10, $0xb8;
	[tilespmem:$0x1E400] =	vst v63  }
0x17a: {  	s8 =	simm.s32 @!p1 $0x100;
	s9 =	simm.s32 @!p1 $0x3400  }
0x17b: {  	[tilespmem:s9], [sflag:$0x5] =	stream.indirect.gather @!p1 [hbm4b:s6+s10], $0x20, s8, s10, $0xb8;
	[tilespmem:$0x1E400] =	vst v63  }
0x17c: {  	s8 =	simm.s32 @!p1 $0x140;
	s9 =	simm.s32 @!p1 $0x3C00  }
0x17d: {  	[tilespmem:s9], [sflag:$0x6] =	stream.indirect.gather @!p1 [hbm4b:s6+s10], $0x20, s8, s10, $0xb8;
	[tilespmem:$0x1E400] =	vst v63  }
0x17e: {  	s8 =	simm.s32 @!p1 $0x180;
	s9 =	simm.s32 @!p1 $0x4400  }
0x17f: {  	[tilespmem:s9], [sflag:$0x7] =	stream.indirect.gather @!p1 [hbm4b:s6+s10], $0x20, s8, s10, $0xb8;
	[tilespmem:$0x1E400] =	vst v63  }
0x180: {  	s15 =	simm.s32 $0x1C0  }
0x181: {  	[tilespmem:s17], [sflag:$0x8] =	stream.indirect.gather [hbm4b:s6+s16], $0x20, s15, s16, $0xb8;
	[tilespmem:$0x1E400] =	vst v63  }
0x182: {  	_ =	swait.ge [sflag:s18], $0x800  }
0x183: {  	[sflag:s18] =	ssyncset.done $0x0  }
0x184: {  	s19 =	simm.s32 $0xA00;
	[sflag:s18] =	ssyncadd.s32 $0xFFFFF800  }
0x185: {  	[spmem:s1] =	stream.indirect.scatter.add.f32 [tilespmem:s12], [sflag:$0x9], $0x20, s19, s16, $0xb8;
	[tilespmem:$0x1E400] =	vst v63  }
0x186: {  	s8 =	simm.s32 @p1 $0x40;
	_ =	swait.ge [sflag:s20], $0x800  }
0x187: {  	s8 =	simm.s32 @!p1 $0x40;
	[sflag:s20] =	ssyncset.done $0x0  }
0x188: {  	s8 =	sadd.s32 $0xA00, s8;
	[sflag:s20] =	ssyncadd.s32 $0xFFFFF800  }
0x189: {  	[spmem:s1] =	stream.indirect.scatter.add.f32 [tilespmem:s21], [sflag:$0xA], $0x20, s8, s16, $0xb8;
	[tilespmem:$0x1E400] =	vst v63  }
0x18a: {  	s8 =	simm.s32 @p1 $0x80;
	_ =	swait.ge [sflag:s22], $0x800  }
0x18b: {  	s8 =	simm.s32 @!p1 $0x80;
	[sflag:s22] =	ssyncset.done $0x0  }
0x18c: {  	s8 =	sadd.s32 $0xA00, s8;
	[sflag:s22] =	ssyncadd.s32 $0xFFFFF800  }
0x18d: {  	[spmem:s1] =	stream.indirect.scatter.add.f32 [tilespmem:s23], [sflag:$0xB], $0x20, s8, s16, $0xb8;
	[tilespmem:$0x1E400] =	vst v63  }
0x18e: {  	s8 =	simm.s32 @p1 $0xC0;
	_ =	swait.ge [sflag:s24], $0x800  }
0x18f: {  	s8 =	simm.s32 @!p1 $0xC0;
	[sflag:s24] =	ssyncset.done $0x0  }
0x190: {  	s8 =	sadd.s32 $0xA00, s8;
	[sflag:s24] =	ssyncadd.s32 $0xFFFFF800  }
0x191: {  	[spmem:s1] =	stream.indirect.scatter.add.f32 [tilespmem:s25], [sflag:$0xC], $0x20, s8, s16, $0xb8;
	[tilespmem:$0x1E400] =	vst v63  }
0x192: {  	s8 =	simm.s32 @p1 $0x100;
	_ =	swait.ge [sflag:s26], $0x800  }
0x193: {  	s8 =	simm.s32 @!p1 $0x100;
	[sflag:s26] =	ssyncset.done $0x0  }
0x194: {  	s8 =	sadd.s32 $0xA00, s8;
	[sflag:s26] =	ssyncadd.s32 $0xFFFFF800  }
0x195: {  	[spmem:s1] =	stream.indirect.scatter.add.f32 [tilespmem:s28], [sflag:$0xD], $0x20, s8, s16, $0xb8;
	[tilespmem:$0x1E400] =	vst v63  }
0x196: {  	s8 =	simm.s32 @p1 $0x140;
	_ =	swait.ge [sflag:s29], $0x800  }
0x197: {  	s8 =	simm.s32 @!p1 $0x140;
	[sflag:s29] =	ssyncset.done $0x0  }
0x198: {  	s8 =	sadd.s32 $0xA00, s8;
	[sflag:s29] =	ssyncadd.s32 $0xFFFFF800  }
0x199: {  	[spmem:s1] =	stream.indirect.scatter.add.f32 [tilespmem:s30], [sflag:$0xE], $0x20, s8, s16, $0xb8;
	[tilespmem:$0x1E400] =	vst v63  }
0x19a: {  	s9 =	simm.s32 $0x180;
	_ =	swait.ge [sflag:s31], $0x800  }
0x19b: {  	s9 =	simm.s32 @!p1 $0x180;
	[sflag:s31] =	ssyncset.done $0x0  }
0x19c: {  	s11 =	simm.s32 $0x1000;
	s9 =	sadd.s32 $0xA00, s9;
	[sflag:s31] =	ssyncadd.s32 $0xFFFFF800  }
0x19d: {  	[spmem:s1] =	stream.indirect.scatter.add.f32 [tilespmem:s0], [sflag:$0xF], $0x20, s9, s16, $0xb8;
	[tilespmem:$0x1E400] =	vst v63  }
0x19e: {  	s10 =	simm.s32 $0x380;
	p1 =	por $0x1, $0x1;
	_ =	swait.ge [sflag:s2], $0x800  }
0x19f: {  	s8 =	simm.s32 $0x800;
	s9 =	simm.s32 $0xBC0;
	[sflag:s2] =	ssyncset.done $0x0  }
.LBB2_3:
0x1a0: {  	s13 =	simm.s32 @p1 $0x9  }
0x1a1: {  	[sflag:s2] =	ssyncadd.s32 $0xFFFFF800;
	s12 =	smov.u32 s11;
	s11 =	sadd.s32 $0x800, s11  }
0x1a2: {  	[spmem:s1] =	stream.indirect.scatter.add.f32 [tilespmem:s17], [sflag:$0x10], $0x20, s9, s16, $0xb8;
	[tilespmem:$0x1E400] =	vst v63  }
0x1a3: {  	p2 =	sne.s32 s11, $0x2800;
	_ =	swait.ge @p1 [sflag:s13], $0x800  }
0x1a4: {  	s3 =	simm.s32 @p1 $0x1400;
	s15 =	simm.s32 @p1 $0xA;
	[sflag:s13] =	ssyncset.done @p1 $0x0  }
0x1a5: {  	s9 =	simm.s32 @p1 $0x40;
	[sflag:s13] =	ssyncadd.s32 @p1 $0xFFFFF800;
	s13 =	sshra.s32 @p1 s8, $0x2  }
0x1a6: {  	[tilespmem:s3], [sflag:$0x1] =	stream.indirect.gather @p1 [hbm4b:s6+s9], $0x20, s13, s9, $0xb8;
	[tilespmem:$0x1E400] =	vst v63  }
0x1a7: {  	s3 =	sadd.s32 @p1 $0x40, s13;
	s4 =	sadd.s32 @p1 $0x80, s13;
	_ =	swait.ge @p1 [sflag:s15], $0x800  }
0x1a8: {  	s14 =	sadd.s32 @p1 $0xC0, s13;
	s5 =	sadd.s32 @p1 $0x100, s13;
	[sflag:s15] =	ssyncset.done @p1 $0x0  }
0x1a9: {  	s19 =	simm.s32 @p1 $0xB;
	[sflag:s15] =	ssyncadd.s32 @p1 $0xFFFFF800;
	s15 =	simm.s32 @p1 $0x1C00  }
0x1aa: {  	[tilespmem:s15], [sflag:$0x2] =	stream.indirect.gather @p1 [hbm4b:s6+s9], $0x20, s3, s9, $0xb8;
	[tilespmem:$0x1E400] =	vst v63  }
0x1ab: {  	s3 =	sadd.s32 @p1 $0x140, s13;
	s13 =	sadd.s32 @p1 $0x180, s13;
	_ =	swait.ge @p1 [sflag:s19], $0x800  }
0x1ac: {  	[sflag:s19] =	ssyncset.done @p1 $0x0  }
0x1ad: {  	s15 =	simm.s32 @p1 $0x2400;
	[sflag:s19] =	ssyncadd.s32 @p1 $0xFFFFF800;
	s19 =	simm.s32 @p1 $0xC  }
0x1ae: {  	[tilespmem:s15], [sflag:$0x3] =	stream.indirect.gather @p1 [hbm4b:s6+s9], $0x20, s4, s9, $0xb8;
	[tilespmem:$0x1E400] =	vst v63  }
0x1af: {  	_ =	swait.ge @p1 [sflag:s19], $0x800  }
0x1b0: {  	[sflag:s19] =	ssyncset.done @p1 $0x0  }
0x1b1: {  	s4 =	simm.s32 @p1 $0x2C00;
	s15 =	simm.s32 @p1 $0xD;
	[sflag:s19] =	ssyncadd.s32 @p1 $0xFFFFF800  }
0x1b2: {  	[tilespmem:s4], [sflag:$0x4] =	stream.indirect.gather @p1 [hbm4b:s6+s9], $0x20, s14, s9, $0xb8;
	[tilespmem:$0x1E400] =	vst v63  }
0x1b3: {  	_ =	swait.ge @p1 [sflag:s15], $0x800  }
0x1b4: {  	[sflag:s15] =	ssyncset.done @p1 $0x0  }
0x1b5: {  	s4 =	simm.s32 @p1 $0x3400;
	s14 =	simm.s32 @p1 $0xE;
	[sflag:s15] =	ssyncadd.s32 @p1 $0xFFFFF800  }
0x1b6: {  	[tilespmem:s4], [sflag:$0x5] =	stream.indirect.gather @p1 [hbm4b:s6+s9], $0x20, s5, s9, $0xb8;
	[tilespmem:$0x1E400] =	vst v63  }
0x1b7: {  	_ =	swait.ge @p1 [sflag:s14], $0x800  }
0x1b8: {  	[sflag:s14] =	ssyncset.done @p1 $0x0  }
0x1b9: {  	s4 =	simm.s32 @p1 $0x3C00;
	s5 =	simm.s32 @p1 $0xF;
	[sflag:s14] =	ssyncadd.s32 @p1 $0xFFFFF800  }
0x1ba: {  	[tilespmem:s4], [sflag:$0x6] =	stream.indirect.gather @p1 [hbm4b:s6+s9], $0x20, s3, s9, $0xb8;
	[tilespmem:$0x1E400] =	vst v63  }
0x1bb: {  	_ =	swait.ge @p1 [sflag:s5], $0x800  }
0x1bc: {  	[sflag:s5] =	ssyncset.done @p1 $0x0  }
0x1bd: {  	s3 =	simm.s32 @p1 $0x4400;
	s4 =	simm.s32 @p1 $0x10;
	[sflag:s5] =	ssyncadd.s32 @p1 $0xFFFFF800  }
0x1be: {  	[tilespmem:s3], [sflag:$0x7] =	stream.indirect.gather @p1 [hbm4b:s6+s9], $0x20, s13, s9, $0xb8;
	[tilespmem:$0x1E400] =	vst v63  }
0x1bf: {  	_ =	swait.ge @p1 [sflag:s4], $0x800  }
0x1c0: {  	s3 =	simm.s32 @!p1 $0x1400;
	[sflag:s4] =	ssyncset.done @p1 $0x0  }
0x1c1: {  	s5 =	simm.s32 @!p1 $0x40;
	[sflag:s4] =	ssyncadd.s32 @p1 $0xFFFFF800;
	s4 =	sshra.s32 @!p1 s8, $0x2  }
0x1c2: {  	[tilespmem:s3], [sflag:$0x1] =	stream.indirect.gather @!p1 [hbm4b:s6+s5], $0x20, s4, s5, $0xb8;
	[tilespmem:$0x1E400] =	vst v63  }
0x1c3: {  	s3 =	simm.s32 @!p1 $0x1C00  }
0x1c4: {  	[tilespmem:s3], [sflag:$0x2] =	stream.indirect.gather @!p1 [hbm4b:s6+s5], $0x20, s5, s5, $0xb8;
	[tilespmem:$0x1E400] =	vst v63  }
0x1c5: {  	s4 =	simm.s32 @!p1 $0x2400;
	s3 =	simm.s32 @!p1 $0x80  }
0x1c6: {  	[tilespmem:s4], [sflag:$0x3] =	stream.indirect.gather @!p1 [hbm4b:s6+s5], $0x20, s3, s5, $0xb8;
	[tilespmem:$0x1E400] =	vst v63  }
0x1c7: {  	s3 =	simm.s32 @!p1 $0xC0;
	s4 =	simm.s32 @!p1 $0x2C00  }
0x1c8: {  	[tilespmem:s4], [sflag:$0x4] =	stream.indirect.gather @!p1 [hbm4b:s6+s5], $0x20, s3, s5, $0xb8;
	[tilespmem:$0x1E400] =	vst v63  }
0x1c9: {  	s3 =	simm.s32 @!p1 $0x100;
	s4 =	simm.s32 @!p1 $0x3400  }
0x1ca: {  	[tilespmem:s4], [sflag:$0x5] =	stream.indirect.gather @!p1 [hbm4b:s6+s5], $0x20, s3, s5, $0xb8;
	[tilespmem:$0x1E400] =	vst v63  }
0x1cb: {  	s3 =	simm.s32 @!p1 $0x140;
	s4 =	simm.s32 @!p1 $0x3C00  }
0x1cc: {  	[tilespmem:s4], [sflag:$0x6] =	stream.indirect.gather @!p1 [hbm4b:s6+s5], $0x20, s3, s5, $0xb8;
	[tilespmem:$0x1E400] =	vst v63  }
0x1cd: {  	s9 =	sshra.s32 s8, $0x2;
	s3 =	simm.s32 @!p1 $0x180;
	s4 =	simm.s32 @!p1 $0x4400  }
0x1ce: {  	[tilespmem:s4], [sflag:$0x7] =	stream.indirect.gather @!p1 [hbm4b:s6+s5], $0x20, s3, s5, $0xb8;
	[tilespmem:$0x1E400] =	vst v63  }
0x1cf: {  	s8 =	smov.u32 s12;
	s12 =	simm.s32 $0x1400;
	s3 =	sadd.s32 $0x1C0, s9  }
0x1d0: {  	[tilespmem:s17], [sflag:$0x8] =	stream.indirect.gather [hbm4b:s6+s16], $0x20, s3, s16, $0xb8;
	[tilespmem:$0x1E400] =	vst v63  }
0x1d1: {  	_ =	swait.ge [sflag:s18], $0x800  }
0x1d2: {  	[sflag:s18] =	ssyncset.done $0x0  }
0x1d3: {  	s3 =	sadd.s32 $0xA00, s9;
	[sflag:s18] =	ssyncadd.s32 $0xFFFFF800  }
0x1d4: {  	[spmem:s1] =	stream.indirect.scatter.add.f32 [tilespmem:s12], [sflag:$0x9], $0x20, s3, s16, $0xb8;
	[tilespmem:$0x1E400] =	vst v63  }
0x1d5: {  	s3 =	sadd.s32 @p1 $0xFFFFFEC0, s10;
	_ =	swait.ge [sflag:s20], $0x800  }
0x1d6: {  	s3 =	simm.s32 @!p1 $0x40;
	[sflag:s20] =	ssyncset.done $0x0  }
0x1d7: {  	s3 =	sadd.s32 $0xA00, s3;
	[sflag:s20] =	ssyncadd.s32 $0xFFFFF800  }
0x1d8: {  	[spmem:s1] =	stream.indirect.scatter.add.f32 [tilespmem:s21], [sflag:$0xA], $0x20, s3, s16, $0xb8;
	[tilespmem:$0x1E400] =	vst v63  }
0x1d9: {  	s3 =	sadd.s32 @p1 $0xFFFFFF00, s10;
	_ =	swait.ge [sflag:s22], $0x800  }
0x1da: {  	s3 =	simm.s32 @!p1 $0x80;
	[sflag:s22] =	ssyncset.done $0x0  }
0x1db: {  	s3 =	sadd.s32 $0xA00, s3;
	[sflag:s22] =	ssyncadd.s32 $0xFFFFF800  }
0x1dc: {  	[spmem:s1] =	stream.indirect.scatter.add.f32 [tilespmem:s23], [sflag:$0xB], $0x20, s3, s16, $0xb8;
	[tilespmem:$0x1E400] =	vst v63  }
0x1dd: {  	s3 =	sadd.s32 @p1 $0xFFFFFF40, s10;
	_ =	swait.ge [sflag:s24], $0x800  }
0x1de: {  	s3 =	simm.s32 @!p1 $0xC0;
	[sflag:s24] =	ssyncset.done $0x0  }
0x1df: {  	s3 =	sadd.s32 $0xA00, s3;
	[sflag:s24] =	ssyncadd.s32 $0xFFFFF800  }
0x1e0: {  	[spmem:s1] =	stream.indirect.scatter.add.f32 [tilespmem:s25], [sflag:$0xC], $0x20, s3, s16, $0xb8;
	[tilespmem:$0x1E400] =	vst v63  }
0x1e1: {  	s3 =	sadd.s32 @p1 $0xFFFFFF80, s10;
	_ =	swait.ge [sflag:s26], $0x800  }
0x1e2: {  	s3 =	simm.s32 @!p1 $0x100;
	[sflag:s26] =	ssyncset.done $0x0  }
0x1e3: {  	s3 =	sadd.s32 $0xA00, s3;
	[sflag:s26] =	ssyncadd.s32 $0xFFFFF800  }
0x1e4: {  	[spmem:s1] =	stream.indirect.scatter.add.f32 [tilespmem:s28], [sflag:$0xD], $0x20, s3, s16, $0xb8;
	[tilespmem:$0x1E400] =	vst v63  }
0x1e5: {  	s3 =	sadd.s32 @p1 $0xFFFFFFC0, s10;
	_ =	swait.ge [sflag:s29], $0x800  }
0x1e6: {  	s3 =	simm.s32 @!p1 $0x140;
	[sflag:s29] =	ssyncset.done $0x0  }
0x1e7: {  	s3 =	sadd.s32 $0xA00, s3;
	[sflag:s29] =	ssyncadd.s32 $0xFFFFF800  }
0x1e8: {  	[spmem:s1] =	stream.indirect.scatter.add.f32 [tilespmem:s30], [sflag:$0xE], $0x20, s3, s16, $0xb8;
	[tilespmem:$0x1E400] =	vst v63  }
0x1e9: {  	s3 =	smov.u32 s10;
	_ =	swait.ge [sflag:s31], $0x800  }
.Ltmp6:
0x1ea: {  	s3 =	simm.s32 @!p1 $0x180;
	[sflag:s31] =	ssyncset.done $0x0;
	(pc) =	sbr.rel @p2 .LBB2_3-.Ltmp6, $4  }
0x1eb: {  	s3 =	sadd.s32 $0xA00, s3;
	[sflag:s31] =	ssyncadd.s32 $0xFFFFF800  }
0x1ec: {  	[spmem:s1] =	stream.indirect.scatter.add.f32 [tilespmem:s0], [sflag:$0xF], $0x20, s3, s16, $0xb8;
	[tilespmem:$0x1E400] =	vst v63  }
0x1ed: {  	s10 =	sadd.s32 $0x200, s10;
	_ =	swait.ge [sflag:s2], $0x800  }
0x1ee: {  	s9 =	sadd.s32 $0xBC0, s9;
	p1 =	sne.s32 s8, $0x0;
	[sflag:s2] =	ssyncset.done $0x0  }
0x1ef: {  	s3 =	simm.s32 @p1 $0x9;
	[sflag:s2] =	ssyncadd.s32 $0xFFFFF800  }
0x1f0: {  	[spmem:s1] =	stream.indirect.scatter.add.f32 [tilespmem:s17], [sflag:$0x10], $0x20, s9, s16, $0xb8;
	[tilespmem:$0x1E400] =	vst v63  }
0x1f1: {  	_ =	swait.ge @p1 [sflag:s3], $0x800  }
0x1f2: {  	s4 =	simm.s32 @p1 $0x1400;
	s5 =	simm.s32 @p1 $0xA;
	[sflag:s3] =	ssyncset.done @p1 $0x0  }
0x1f3: {  	s9 =	simm.s32 @p1 $0x40;
	[sflag:s3] =	ssyncadd.s32 @p1 $0xFFFFF800;
	s3 =	sshra.s32 @p1 s8, $0x2  }
0x1f4: {  	[tilespmem:s4], [sflag:$0x1] =	stream.indirect.gather @p1 [hbm4b:s6+s9], $0x20, s3, s9, $0xb8;
	[tilespmem:$0x1E400] =	vst v63  }
0x1f5: {  	_ =	swait.ge @p1 [sflag:s5], $0x800  }
0x1f6: {  	[sflag:s5] =	ssyncset.done @p1 $0x0  }
0x1f7: {  	s4 =	sadd.s32 @p1 $0x40, s3;
	[sflag:s5] =	ssyncadd.s32 @p1 $0xFFFFF800;
	s5 =	simm.s32 @p1 $0x1C00  }
0x1f8: {  	[tilespmem:s5], [sflag:$0x2] =	stream.indirect.gather @p1 [hbm4b:s6+s9], $0x20, s4, s9, $0xb8;
	[tilespmem:$0x1E400] =	vst v63  }
0x1f9: {  	s4 =	simm.s32 @p1 $0xB  }
0x1fa: {  	_ =	swait.ge @p1 [sflag:s4], $0x800  }
0x1fb: {  	[sflag:s4] =	ssyncset.done @p1 $0x0  }
0x1fc: {  	s5 =	sadd.s32 @p1 $0x80, s3;
	[sflag:s4] =	ssyncadd.s32 @p1 $0xFFFFF800;
	s4 =	simm.s32 @p1 $0x2400  }
0x1fd: {  	[tilespmem:s4], [sflag:$0x3] =	stream.indirect.gather @p1 [hbm4b:s6+s9], $0x20, s5, s9, $0xb8;
	[tilespmem:$0x1E400] =	vst v63  }
0x1fe: {  	s4 =	simm.s32 @p1 $0xC  }
0x1ff: {  	_ =	swait.ge @p1 [sflag:s4], $0x800  }
0x200: {  	[sflag:s4] =	ssyncset.done @p1 $0x0  }
0x201: {  	s5 =	sadd.s32 @p1 $0xC0, s3;
	[sflag:s4] =	ssyncadd.s32 @p1 $0xFFFFF800;
	s4 =	simm.s32 @p1 $0x2C00  }
0x202: {  	[tilespmem:s4], [sflag:$0x4] =	stream.indirect.gather @p1 [hbm4b:s6+s9], $0x20, s5, s9, $0xb8;
	[tilespmem:$0x1E400] =	vst v63  }
0x203: {  	s4 =	simm.s32 @p1 $0xD  }
0x204: {  	_ =	swait.ge @p1 [sflag:s4], $0x800  }
0x205: {  	[sflag:s4] =	ssyncset.done @p1 $0x0  }
0x206: {  	s5 =	sadd.s32 @p1 $0x100, s3;
	[sflag:s4] =	ssyncadd.s32 @p1 $0xFFFFF800;
	s4 =	simm.s32 @p1 $0x3400  }
0x207: {  	[tilespmem:s4], [sflag:$0x5] =	stream.indirect.gather @p1 [hbm4b:s6+s9], $0x20, s5, s9, $0xb8;
	[tilespmem:$0x1E400] =	vst v63  }
0x208: {  	s4 =	simm.s32 @p1 $0xE  }
0x209: {  	_ =	swait.ge @p1 [sflag:s4], $0x800  }
0x20a: {  	[sflag:s4] =	ssyncset.done @p1 $0x0  }
0x20b: {  	s5 =	sadd.s32 @p1 $0x140, s3;
	[sflag:s4] =	ssyncadd.s32 @p1 $0xFFFFF800;
	s4 =	simm.s32 @p1 $0x3C00  }
0x20c: {  	[tilespmem:s4], [sflag:$0x6] =	stream.indirect.gather @p1 [hbm4b:s6+s9], $0x20, s5, s9, $0xb8;
	[tilespmem:$0x1E400] =	vst v63  }
0x20d: {  	s4 =	simm.s32 @p1 $0xF  }
0x20e: {  	_ =	swait.ge @p1 [sflag:s4], $0x800  }
0x20f: {  	[sflag:s4] =	ssyncset.done @p1 $0x0  }
0x210: {  	s3 =	sadd.s32 @p1 $0x180, s3;
	[sflag:s4] =	ssyncadd.s32 @p1 $0xFFFFF800;
	s4 =	simm.s32 @p1 $0x4400  }
0x211: {  	[tilespmem:s4], [sflag:$0x7] =	stream.indirect.gather @p1 [hbm4b:s6+s9], $0x20, s3, s9, $0xb8;
	[tilespmem:$0x1E400] =	vst v63  }
0x212: {  	s3 =	simm.s32 @p1 $0x10  }
0x213: {  	_ =	swait.ge @p1 [sflag:s3], $0x800  }
0x214: {  	s5 =	simm.s32 @!p1 $0x40;
	[sflag:s3] =	ssyncset.done @p1 $0x0  }
0x215: {  	s4 =	simm.s32 @!p1 $0x1400;
	[sflag:s3] =	ssyncadd.s32 @p1 $0xFFFFF800;
	s3 =	sshra.s32 @!p1 s8, $0x2  }
0x216: {  	[tilespmem:s4], [sflag:$0x1] =	stream.indirect.gather @!p1 [hbm4b:s6+s5], $0x20, s3, s5, $0xb8;
	[tilespmem:$0x1E400] =	vst v63  }
0x217: {  	s3 =	simm.s32 @!p1 $0x1C00  }
0x218: {  	[tilespmem:s3], [sflag:$0x2] =	stream.indirect.gather @!p1 [hbm4b:s6+s5], $0x20, s5, s5, $0xb8;
	[tilespmem:$0x1E400] =	vst v63  }
0x219: {  	s4 =	simm.s32 @!p1 $0x2400;
	s3 =	simm.s32 @!p1 $0x80  }
0x21a: {  	[tilespmem:s4], [sflag:$0x3] =	stream.indirect.gather @!p1 [hbm4b:s6+s5], $0x20, s3, s5, $0xb8;
	[tilespmem:$0x1E400] =	vst v63  }
0x21b: {  	s3 =	simm.s32 @!p1 $0xC0;
	s4 =	simm.s32 @!p1 $0x2C00  }
0x21c: {  	[tilespmem:s4], [sflag:$0x4] =	stream.indirect.gather @!p1 [hbm4b:s6+s5], $0x20, s3, s5, $0xb8;
	[tilespmem:$0x1E400] =	vst v63  }
0x21d: {  	s3 =	simm.s32 @!p1 $0x100;
	s4 =	simm.s32 @!p1 $0x3400  }
0x21e: {  	[tilespmem:s4], [sflag:$0x5] =	stream.indirect.gather @!p1 [hbm4b:s6+s5], $0x20, s3, s5, $0xb8;
	[tilespmem:$0x1E400] =	vst v63  }
0x21f: {  	s3 =	simm.s32 @!p1 $0x140;
	s4 =	simm.s32 @!p1 $0x3C00  }
0x220: {  	[tilespmem:s4], [sflag:$0x6] =	stream.indirect.gather @!p1 [hbm4b:s6+s5], $0x20, s3, s5, $0xb8;
	[tilespmem:$0x1E400] =	vst v63  }
0x221: {  	s13 =	sshra.s32 s8, $0x2;
	s3 =	simm.s32 @!p1 $0x180;
	s4 =	simm.s32 @!p1 $0x4400  }
0x222: {  	[tilespmem:s4], [sflag:$0x7] =	stream.indirect.gather @!p1 [hbm4b:s6+s5], $0x20, s3, s5, $0xb8;
	[tilespmem:$0x1E400] =	vst v63  }
0x223: {  	s14 =	sadd.s32 $0x1C0, s13  }
0x224: {  	[tilespmem:s17], [sflag:$0x8] =	stream.indirect.gather [hbm4b:s6+s16], $0x20, s14, s16, $0xb8;
	[tilespmem:$0x1E400] =	vst v63  }
0x225: {  	_ =	swait.ge [sflag:s18], $0x800  }
0x226: {  	[sflag:s18] =	ssyncset.done $0x0  }
0x227: {  	s15 =	sadd.s32 $0xA00, s13;
	[sflag:s18] =	ssyncadd.s32 $0xFFFFF800  }
0x228: {  	[spmem:s1] =	stream.indirect.scatter.add.f32 [tilespmem:s12], [sflag:$0x9], $0x20, s15, s16, $0xb8;
	[tilespmem:$0x1E400] =	vst v63  }
0x229: {  	s4 =	sadd.s32 @p1 $0xFFFFFEC0, s10;
	_ =	swait.ge [sflag:s20], $0x800  }
0x22a: {  	s4 =	simm.s32 @!p1 $0x40;
	[sflag:s20] =	ssyncset.done $0x0  }
0x22b: {  	s4 =	sadd.s32 $0xA00, s4;
	[sflag:s20] =	ssyncadd.s32 $0xFFFFF800  }
0x22c: {  	[spmem:s1] =	stream.indirect.scatter.add.f32 [tilespmem:s21], [sflag:$0xA], $0x20, s4, s16, $0xb8;
	[tilespmem:$0x1E400] =	vst v63  }
0x22d: {  	s4 =	sadd.s32 @p1 $0xFFFFFF00, s10;
	_ =	swait.ge [sflag:s22], $0x800  }
0x22e: {  	s4 =	simm.s32 @!p1 $0x80;
	[sflag:s22] =	ssyncset.done $0x0  }
0x22f: {  	s4 =	sadd.s32 $0xA00, s4;
	[sflag:s22] =	ssyncadd.s32 $0xFFFFF800  }
0x230: {  	[spmem:s1] =	stream.indirect.scatter.add.f32 [tilespmem:s23], [sflag:$0xB], $0x20, s4, s16, $0xb8;
	[tilespmem:$0x1E400] =	vst v63  }
0x231: {  	s4 =	sadd.s32 @p1 $0xFFFFFF40, s10;
	_ =	swait.ge [sflag:s24], $0x800  }
0x232: {  	s4 =	simm.s32 @!p1 $0xC0;
	[sflag:s24] =	ssyncset.done $0x0  }
0x233: {  	s4 =	sadd.s32 $0xA00, s4;
	[sflag:s24] =	ssyncadd.s32 $0xFFFFF800  }
0x234: {  	[spmem:s1] =	stream.indirect.scatter.add.f32 [tilespmem:s25], [sflag:$0xC], $0x20, s4, s16, $0xb8;
	[tilespmem:$0x1E400] =	vst v63  }
0x235: {  	s4 =	sadd.s32 @p1 $0xFFFFFF80, s10;
	_ =	swait.ge [sflag:s26], $0x800  }
0x236: {  	s4 =	simm.s32 @!p1 $0x100;
	[sflag:s26] =	ssyncset.done $0x0  }
0x237: {  	s4 =	sadd.s32 $0xA00, s4;
	[sflag:s26] =	ssyncadd.s32 $0xFFFFF800  }
0x238: {  	[spmem:s1] =	stream.indirect.scatter.add.f32 [tilespmem:s28], [sflag:$0xD], $0x20, s4, s16, $0xb8;
	[tilespmem:$0x1E400] =	vst v63  }
0x239: {  	s4 =	sadd.s32 @p1 $0xFFFFFFC0, s10;
	_ =	swait.ge [sflag:s29], $0x800  }
0x23a: {  	s4 =	simm.s32 @!p1 $0x140;
	[sflag:s29] =	ssyncset.done $0x0  }
0x23b: {  	s4 =	sadd.s32 $0xA00, s4;
	[sflag:s29] =	ssyncadd.s32 $0xFFFFF800  }
0x23c: {  	[spmem:s1] =	stream.indirect.scatter.add.f32 [tilespmem:s30], [sflag:$0xE], $0x20, s4, s16, $0xb8;
	[tilespmem:$0x1E400] =	vst v63  }
0x23d: {  	_ =	swait.ge [sflag:s31], $0x800  }
0x23e: {  	s10 =	simm.s32 @!p1 $0x180;
	[sflag:s31] =	ssyncset.done $0x0  }
0x23f: {  	s19 =	sadd.s32 $0xA00, s10;
	[sflag:s31] =	ssyncadd.s32 $0xFFFFF800  }
0x240: {  	[spmem:s1] =	stream.indirect.scatter.add.f32 [tilespmem:s0], [sflag:$0xF], $0x20, s19, s16, $0xb8;
	[tilespmem:$0x1E400] =	vst v63  }
0x241: {  	_ =	swait.ge [sflag:s2], $0x800  }
0x242: {  	[sflag:s2] =	ssyncset.done $0x0  }
0x243: {  	s3 =	sadd.s32 $0xBC0, s13;
	s5 =	simm.s32 $0x9;
	[sflag:s2] =	ssyncadd.s32 $0xFFFFF800  }
0x244: {  	[spmem:s1] =	stream.indirect.scatter.add.f32 [tilespmem:s17], [sflag:$0x10], $0x20, s3, s16, $0xb8;
	[tilespmem:$0x1E400] =	vst v63  }
0x245: {  	_ =	swait.ge [sflag:s5], $0x800  }
0x246: {  	[sflag:s5] =	ssyncset.done $0x0  }
0x247: {  	s8 =	simm.s32 $0xA;
	[sflag:s5] =	ssyncadd.s32 $0xFFFFF800  }
0x248: {  	_ =	swait.ge [sflag:s8], $0x800  }
0x249: {  	[sflag:s8] =	ssyncset.done $0x0  }
0x24a: {  	s9 =	simm.s32 $0xB;
	[sflag:s8] =	ssyncadd.s32 $0xFFFFF800  }
0x24b: {  	_ =	swait.ge [sflag:s9], $0x800  }
0x24c: {  	[sflag:s9] =	ssyncset.done $0x0  }
0x24d: {  	s10 =	simm.s32 $0xC;
	[sflag:s9] =	ssyncadd.s32 $0xFFFFF800  }
0x24e: {  	_ =	swait.ge [sflag:s10], $0x800  }
0x24f: {  	[sflag:s10] =	ssyncset.done $0x0  }
0x250: {  	s11 =	simm.s32 $0xD;
	[sflag:s10] =	ssyncadd.s32 $0xFFFFF800  }
0x251: {  	_ =	swait.ge [sflag:s11], $0x800  }
0x252: {  	[sflag:s11] =	ssyncset.done $0x0  }
0x253: {  	s13 =	simm.s32 $0xE;
	[sflag:s11] =	ssyncadd.s32 $0xFFFFF800  }
0x254: {  	_ =	swait.ge [sflag:s13], $0x800  }
0x255: {  	[sflag:s13] =	ssyncset.done $0x0  }
0x256: {  	s14 =	simm.s32 $0xF;
	[sflag:s13] =	ssyncadd.s32 $0xFFFFF800  }
0x257: {  	_ =	swait.ge [sflag:s14], $0x800  }
0x258: {  	[sflag:s14] =	ssyncset.done $0x0  }
0x259: {  	s15 =	simm.s32 $0x10;
	[sflag:s14] =	ssyncadd.s32 $0xFFFFF800  }
0x25a: {  	_ =	swait.ge [sflag:s15], $0x800  }
0x25b: {  	s19 =	rddreg [dreg:$0xc]  }
0x25c: {  	s4 =	sadd.s32 $0x1, s19  }
0x25d: {  	p1 =	seq.s32 s4, $0x14  }
.Ltmp7:
0x25e: {  	_ = 	snop;
	(pc) =	sbr.rel @!p1 .LBB2_2-.Ltmp7, $4  }
.Ltmp8:
0x25f: {  	_ = 	snop;
	(pc) =	sbr.rel @p1 .LBB2_8-.Ltmp8, $4  }
0x260: {  	_ = 	snop  }
0x261: {  	[sflag:s15] =	ssyncset.done $0x0  }
0x262: {  	s11 =	simm.s32 $0x11;
	[sflag:s15] =	ssyncadd.s32 $0xFFFFF800  }
0x263: {  	_ = 	snop  }
.LBB2_9:
0x264: {  	_ =	sfence.sel $0x180000  }
0x265: {  	[bflag:$0x0] =	sbarrier.arrive $0xFFFF  }
0x266: {  	_ =	strace $0x9000004A  }
0x267: {  	s0 =	stileid.u32;
	[bflag:$0x2] =	sbarrier.arrive $0xFFFF  }
0x268: {  	p0 =	sne.s32 s0, $0x0;
	s0 =	rddreg [dreg:$0x2]  }
0x269: {  	s0 =	sadd.s32 @!p0 $0x100000, s0  }
0x26a: {  	[sflag:s0] =	ssyncadd.tile.s32 @!p0 $0x1;
	_ =	shalt  }
.Lfunc_end2:
_tile_overlayer_lowered:
.L_overlay_start_2:
0x26b: {  	(tag) =	ssettag $0x2  }
0x26c: {  	s0 =	rddreg [dreg:$0x0];
	s2 =	stileid.u32  }
0x26d: {  	s1 =	rddreg [dreg:$0x1];
	p0 =	sne.s32 s2, $0x0  }
0x26e: {  	s3 =	rddreg [dreg:$0x2];
	[bflag:$0x3] =	sbarrier.arrive $0xFFFF;
	s2 =	simm.s32 @!p0 $0x1C11  }
0x26f: {  	[timem:s3], [sflag:s2] =	dma.local @!p0 [hbm:s0], s1  }
0x270: {  	s0 =	simm.s32 @!p0 $0x11  }
0x271: {  	_ =	swait.ge @!p0 [sflag:s0], s1  }
0x272: {  	s1 =	ssub.s32 @!p0 $0x0, s1;
	[sflag:s0] =	ssyncset.done @!p0 $0x0  }
0x273: {  	[sflag:s0] =	ssyncadd.s32 @!p0 s1  }
0x274: {  	[bflag:$0x3] =	sbarrier.arrive $0xFFFF  }
0x275: {  	_ =	shalt  }

</sc_bundles>
